<compile_context>
chip_gen: v7x
topology: tpu7x:2x2x1
jax: 0.10.2.dev20260603
libtpu: 0.0.44.dev20260713+nightly
codegen_flags: <defaults>
</compile_context>

<pallas_src>
import functools

import jax
import jax.numpy as jnp
import numpy as np
from jax import lax
from jax.experimental import pallas as pl
from jax.experimental.pallas import tpu as pltpu
from jax.experimental.pallas import tpu_sc as plsc

ROWS = 128
COLS = 32768
KTOP = 64
NC = 2
NS = 16
L = 16
NW = NC * NS
RPW = ROWS // NW
NV = COLS // L

NB = 2048
HALLOC = NB + L

SAT2 = np.uint32(1 << 21)
SAT3 = np.uint32(1 << 10)
MININT = np.int32(-2147483648)
BIG = np.int32(2147483647)


def _bcast_last(x):
    idx = jnp.full((L, 1), L - 1, jnp.int32)
    dn = lax.GatherDimensionNumbers(offset_dims=(), collapsed_slice_dims=(0,),
                                    start_index_map=(0,))
    return lax.gather(x, idx, dn, (1,),
                      mode=lax.GatherScatterMode.PROMISE_IN_BOUNDS)


def _key_of(vf):
    v = plsc.bitcast(vf, jnp.int32)
    s = v >> 31
    return plsc.bitcast(v ^ (s | MININT), jnp.uint32)


def _topk_body(x_hbm, vals_hbm, idx_hbm, vbuf, kcand, icand, hist, wkey,
               widx, ovals, oidxb, dmasem, outsem):
    lane = lax.iota(jnp.int32, L)
    ones = jnp.ones((L,), jnp.int32)
    zeros = jnp.zeros((L,), jnp.int32)
    wid = lax.axis_index("s") * NC + lax.axis_index("c")

    def _zero_hist():
        @plsc.parallel_loop(0, HALLOC // L, 1, unroll=4)
        def _z(i):
            hist[pl.ds(i * L, L)] = zeros

    def _walk(n_chunks):
        def cond(st):
            j, found = st[0], st[1]
            return jnp.logical_and(j >= 0, jnp.logical_not(found))

        def body(st):
            j, found, b, a, cum = st
            t = hist[pl.ds(j * L, L)]
            trev = lax.rev(t, (0,))
            c = plsc.cumsum(trev)
            ok = (cum + c) >= KTOP
            hits = jnp.sum(ok.astype(jnp.int32))
            found_here = hits > 0

            def on_found(_):
                i = L - hits
                ci = jnp.sum(jnp.where(lane == i, c, 0))
                ti = jnp.sum(jnp.where(lane == i, trev, 0))
                return (j * L + (L - 1) - i, cum + ci - ti, cum)

            def on_missed(_):
                return (b, a, cum + jnp.sum(t))

            b_new, a_new, cum_new = lax.cond(found_here, on_found, on_missed,
                                             0)
            return (j - 1, jnp.logical_or(found, found_here), b_new, a_new,
                    cum_new)

        st = lax.while_loop(cond, body, (jnp.int32(n_chunks - 1),
                                         jnp.bool_(False), jnp.int32(0),
                                         jnp.int32(0), jnp.int32(0)))
        return st[2], st[3]

    def _row(r, row, cp, prev_out):

        cp.wait()

        @plsc.parallel_loop(0, NV, 1, unroll=8)
        def _p1(i):
            v = vbuf[pl.ds(i * L, L)]
            ku = _key_of(v)
            bkt = plsc.bitcast(ku >> 21, jnp.int32)
            plsc.addupdate_scatter(hist, [bkt], ones)

        b1, _a1 = _walk(NB // L)
        base1u = b1.astype(jnp.uint32) << 21
        _zero_hist()

        @plsc.parallel_loop(0, NV, 1, unroll=8, carry=zeros)
        def _p2(i, off):
            v = vbuf[pl.ds(i * L, L)]
            ku = _key_of(v)
            sel = ku >= base1u
            csum = plsc.cumsum(sel.astype(jnp.int32))
            dst = off + csum - 1
            plsc.store_scatter(kcand, [dst], plsc.bitcast(ku, jnp.int32),
                               mask=sel)
            plsc.store_scatter(icand, [dst], lane + i * L, mask=sel)
            return off + plsc.all_reduce_population_count(sel)
        n2 = jnp.max(_p2)
        nv2 = (n2 + (L - 1)) // L
        cp_next = (pltpu.async_copy(x_hbm.at[row + 1], vbuf, dmasem)
                   if r + 1 < RPW else None)

        def l2h(i, c):
            ku = plsc.bitcast(kcand[pl.ds(i * L, L)], jnp.uint32)
            valid = (i * L + lane) < n2
            key2 = jnp.minimum(ku - base1u, SAT2)
            bkt = plsc.bitcast(jnp.minimum(key2 >> 10, np.uint32(NB - 1)),
                               jnp.int32)
            plsc.addupdate_scatter(hist, [bkt], ones, mask=valid)
            return c
        lax.fori_loop(0, nv2, l2h, 0)

        b2, _a2 = _walk(NB // L)
        base2u = (b2.astype(jnp.uint32)) << 10
        _zero_hist()

        def l2c(i, off2):
            k = kcand[pl.ds(i * L, L)]
            ku = plsc.bitcast(k, jnp.uint32)
            valid = (i * L + lane) < n2
            key2 = jnp.minimum(ku - base1u, SAT2)
            sel = jnp.logical_and(valid, key2 >= base2u)
            csum = plsc.cumsum(sel.astype(jnp.int32))
            dst = off2 + csum - 1
            plsc.store_scatter(kcand, [dst], k, mask=sel)
            idx = icand[pl.ds(i * L, L)]
            plsc.store_scatter(icand, [dst], idx, mask=sel)
            return off2 + plsc.all_reduce_population_count(sel)
        off2 = lax.fori_loop(0, nv2, l2c, zeros)
        n3 = jnp.max(off2)
        nv3 = (n3 + (L - 1)) // L

        def l3h(i, c):
            ku = plsc.bitcast(kcand[pl.ds(i * L, L)], jnp.uint32)
            valid = (i * L + lane) < n3
            key2 = jnp.minimum(ku - base1u, SAT2)
            key3 = jnp.minimum(key2 - base2u, SAT3)
            bkt = plsc.bitcast(key3, jnp.int32)
            plsc.addupdate_scatter(hist, [bkt], ones, mask=valid)
            return c
        lax.fori_loop(0, nv3, l3h, 0)

        b3, a3 = _walk((1024 + L) // L + 1)
        b3u = b3.astype(jnp.uint32)
        need = KTOP - a3
        _zero_hist()

        def l3c(i, carry3):
            off3, eqc = carry3
            k = kcand[pl.ds(i * L, L)]
            ku = plsc.bitcast(k, jnp.uint32)
            valid = (i * L + lane) < n3
            key2 = jnp.minimum(ku - base1u, SAT2)
            key3 = jnp.minimum(key2 - base2u, SAT3)
            gt = jnp.logical_and(valid, key3 > b3u)
            eq = jnp.logical_and(valid, key3 == b3u)
            ceq = plsc.cumsum(eq.astype(jnp.int32)) + eqc
            sel = jnp.logical_or(gt, jnp.logical_and(eq, ceq <= need))
            csum = plsc.cumsum(sel.astype(jnp.int32))
            dst = off3 + csum - 1
            plsc.store_scatter(wkey, [dst], k, mask=sel)
            idx = icand[pl.ds(i * L, L)]
            plsc.store_scatter(widx, [dst], idx, mask=sel)
            return (off3 + plsc.all_reduce_population_count(sel),
                    eqc + plsc.all_reduce_population_count(eq))
        lax.fori_loop(0, nv3, l3c, (zeros, zeros))

        if prev_out is not None:
            prev_out[0].wait()
            prev_out[1].wait()
        lane0 = lane == 0
        kk = tuple(plsc.bitcast(wkey[pl.ds(t * L, L)], jnp.uint32)
                   for t in range(KTOP // L))
        ii = tuple(widx[pl.ds(t * L, L)] for t in range(KTOP // L))

        def srt(j, st):
            k0, k1, k2, k3, i0, i1, i2, i3 = st
            m = jnp.maximum(jnp.maximum(k0, k1), jnp.maximum(k2, k3))
            mv = _bcast_last(plsc.cummax(m))
            c0 = jnp.where(k0 == mv, i0, BIG)
            c1 = jnp.where(k1 == mv, i1, BIG)
            c2 = jnp.where(k2 == mv, i2, BIG)
            c3 = jnp.minimum(jnp.minimum(c0, c1),
                             jnp.minimum(c2, jnp.where(k3 == mv, i3, BIG)))
            iminv = -_bcast_last(plsc.cummax(-c3))
            ki = plsc.bitcast(mv, jnp.int32)
            u = ki ^ (jnp.invert(ki >> 31) | MININT)
            jv = jnp.full((L,), j, jnp.int32)
            plsc.store_scatter(ovals, [jv], plsc.bitcast(u, jnp.float32),
                               mask=lane0)
            plsc.store_scatter(oidxb, [jv], iminv, mask=lane0)
            h0 = i0 == iminv
            h1 = i1 == iminv
            h2 = i2 == iminv
            h3 = i3 == iminv
            return (jnp.where(h0, np.uint32(0), k0),
                    jnp.where(h1, np.uint32(0), k1),
                    jnp.where(h2, np.uint32(0), k2),
                    jnp.where(h3, np.uint32(0), k3),
                    jnp.where(h0, BIG, i0), jnp.where(h1, BIG, i1),
                    jnp.where(h2, BIG, i2), jnp.where(h3, BIG, i3))
        lax.fori_loop(0, KTOP, srt, kk + ii)

        out_cp = (pltpu.async_copy(ovals, vals_hbm.at[row], outsem),
                  pltpu.async_copy(oidxb, idx_hbm.at[row], outsem))
        return cp_next, out_cp

    _zero_hist()
    cp = pltpu.async_copy(x_hbm.at[wid * RPW], vbuf, dmasem)
    prev = None
    for r in range(RPW):
        cp, prev = _row(r, wid * RPW + r, cp, prev)
    prev[0].wait()
    prev[1].wait()


def _make_topk_sc():
    return functools.partial(
        pl.kernel,
        out_type=(jax.ShapeDtypeStruct((ROWS, KTOP), jnp.float32),
                  jax.ShapeDtypeStruct((ROWS, KTOP), jnp.int32)),
        mesh=plsc.VectorSubcoreMesh(core_axis_name="c", subcore_axis_name="s",
                                    num_cores=NC, num_subcores=NS),
        compiler_params=pltpu.CompilerParams(needs_layout_passes=False,
                                             use_tc_tiling_on_sc=True),
        scratch_types=[
            pltpu.VMEM((COLS,), jnp.float32),
            pltpu.VMEM((COLS,), jnp.int32),
            pltpu.VMEM((COLS,), jnp.int32),
            pltpu.VMEM((HALLOC,), jnp.int32),
            pltpu.VMEM((KTOP,), jnp.int32),
            pltpu.VMEM((KTOP,), jnp.int32),
            pltpu.VMEM((KTOP,), jnp.float32),
            pltpu.VMEM((KTOP,), jnp.int32),
            pltpu.SemaphoreType.DMA,
            pltpu.SemaphoreType.DMA,
        ],
    )(_topk_body)


_topk_sc_cache = []


def kernel(x):
    if not _topk_sc_cache:
        _topk_sc_cache.append(_make_topk_sc())
    return _topk_sc_cache[0](x)

# --- scband reference (transcript-rebuilt; emitter-appended) ---
"""Pipeline reference for scband-top-kboth-67619965108881 (READ-ONLY COPY).

The authoritative reference and input builder live on the scoring server;
editing this copy changes nothing except your own understanding.
"""

import jax, jax.numpy as jnp
import numpy as np

K = 64

def setup_inputs(seed: int = 0) -> dict:
    key = jax.random.key(seed)
    x = jax.random.normal(key, (128, 32768), dtype=jnp.float32)
    return {"x": x}

def reference(x):
    values, indices = jax.lax.top_k(x, K)
    return (values, indices)

if __name__ == "__main__":
    import jax
    _d = setup_inputs()
    print(jax.jit(kernel)(*tuple(_d.values())))

</pallas_src>

<mosaic_0001>
#map = affine_map<(d0, d1) -> (0, 0)>
module attributes {stable_mosaic.version = 14 : i64} {
  func.func @_topk_body(%arg0: i32, %arg1: i32, %arg2: memref<128x32768xf32, #tpu.memory_space<hbm>>, %arg3: memref<128x64xf32, #tpu.memory_space<hbm>>, %arg4: memref<128x64xi32, #tpu.memory_space<hbm>>, %arg5: memref<32768xf32, #tpu.memory_space<vmem>>, %arg6: memref<32768xi32, #tpu.memory_space<vmem>>, %arg7: memref<32768xi32, #tpu.memory_space<vmem>>, %arg8: memref<2064xi32, #tpu.memory_space<vmem>>, %arg9: memref<64xi32, #tpu.memory_space<vmem>>, %arg10: memref<64xi32, #tpu.memory_space<vmem>>, %arg11: memref<64xf32, #tpu.memory_space<vmem>>, %arg12: memref<64xi32, #tpu.memory_space<vmem>>, %arg13: memref<!tpu.dma_semaphore, #tpu.memory_space<semaphore_mem>>, %arg14: memref<!tpu.dma_semaphore, #tpu.memory_space<semaphore_mem>>) attributes {dimension_semantics = [#tpu.dimension_semantics<core_parallel>, #tpu.dimension_semantics<subcore_parallel>], iteration_bounds = array<i64: 2, 16>, scalar_prefetch = 0 : i64, scratch_operands = 10 : i64, tpu.core_type = #tpu.core_type<sc_vector_subcore>, window_params = [{transform_indices = #map}, {transform_indices = #map}, {transform_indices = #map}]} {
    %iota3A = tpu.iota {dimensions = array<i32: 0>} : vector<16xi32>
    %broadcast_in_dim3A = arith.constant 1 : i32
    %broadcast_in_dim3A_0 = vector.broadcast %broadcast_in_dim3A : i32 to vector<16xi32>
    %broadcast_in_dim3A_1 = arith.constant 0 : i32
    %broadcast_in_dim3A_2 = vector.broadcast %broadcast_in_dim3A_1 : i32 to vector<16xi32>
    %mul3A = arith.constant 2 : i32
    %mul3A_3 = arith.muli %arg1, %mul3A : i32
    %add3A = arith.addi %mul3A_3, %arg0 : i32
    %parallel_loop3A = arith.constant 0 : i32
    %parallel_loop3A_4 = arith.constant 129 : i32
    %parallel_loop3A_5 = arith.constant 1 : i32
    scf.for %parallel_loop3A_873 = %parallel_loop3A to %parallel_loop3A_4 step %parallel_loop3A_5  : i32 {
      %parallel_loop3A_874 = arith.constant 16 : i32
      %parallel_loop3A_875 = arith.muli %parallel_loop3A_873, %parallel_loop3A_874 : i32
      %parallel_loop3A_876 = arith.index_cast %parallel_loop3A_875 : i32 to index
      %parallel_loop3A_877 = tpu.vector_load %arg8[%parallel_loop3A_876] {strides = array<i32>} : memref<2064xi32, #tpu.memory_space<vmem>>, vector<16xi32>,
      tpu.vector_store %arg8[%parallel_loop3A_876], %broadcast_in_dim3A_2 {strides = array<i32>} : memref<2064xi32, #tpu.memory_space<vmem>>, vector<16xi32>,
    } {sc.loop_unroll_factor = 4 : i64, sc.parallel_access}
    %mul3A_6 = arith.constant 4 : i32
    %mul3A_7 = arith.muli %add3A, %mul3A_6 : i32
    %dma_start3A = arith.constant 0 : i32
    %dma_start3A_8 = tpu.memref_slice %arg2[%mul3A_7, %dma_start3A] : memref<128x32768xf32, #tpu.memory_space<hbm>> -> memref<1x32768xf32, #tpu.memory_space<hbm>>
    %dma_start3A_9 = tpu.memref_squeeze %dma_start3A_8 : memref<1x32768xf32, #tpu.memory_space<hbm>> -> memref<32768xf32, #tpu.memory_space<hbm>>
    %dma_start3A_10 = arith.constant 0 : i32
    %dma_start3A_11 = tpu.memref_slice %arg2[%mul3A_7, %dma_start3A_10] : memref<128x32768xf32, #tpu.memory_space<hbm>> -> memref<1x32768xf32, #tpu.memory_space<hbm>>
    %dma_start3A_12 = tpu.memref_squeeze %dma_start3A_11 : memref<1x32768xf32, #tpu.memory_space<hbm>> -> memref<32768xf32, #tpu.memory_space<hbm>>
    tpu.enqueue_dma source(%dma_start3A_12 : memref<32768xf32, #tpu.memory_space<hbm>>) target(%arg5 : memref<32768xf32, #tpu.memory_space<vmem>>) target_semaphore(%arg13 : memref<!tpu.dma_semaphore, #tpu.memory_space<semaphore_mem>>)
    %mul3A_13 = arith.constant 4 : i32
    %mul3A_14 = arith.muli %add3A, %mul3A_13 : i32
    %add3A_15 = arith.constant 0 : i32
    %add3A_16 = arith.addi %mul3A_14, %add3A_15 : i32
    %dma_wait3A = arith.constant 0 : i32
    %dma_wait3A_17 = tpu.memref_slice %arg2[%mul3A_7, %dma_wait3A] : memref<128x32768xf32, #tpu.memory_space<hbm>> -> memref<1x32768xf32, #tpu.memory_space<hbm>>
    %dma_wait3A_18 = tpu.memref_squeeze %dma_wait3A_17 : memref<1x32768xf32, #tpu.memory_space<hbm>> -> memref<32768xf32, #tpu.memory_space<hbm>>
    %dma_wait3A_19 = arith.constant 0 : i32
    %dma_wait3A_20 = tpu.memref_slice %arg2[%mul3A_7, %dma_wait3A_19] : memref<128x32768xf32, #tpu.memory_space<hbm>> -> memref<1x32768xf32, #tpu.memory_space<hbm>>
    %dma_wait3A_21 = tpu.memref_squeeze %dma_wait3A_20 : memref<1x32768xf32, #tpu.memory_space<hbm>> -> memref<32768xf32, #tpu.memory_space<hbm>>
    tpu.wait_dma2 semaphore(%arg13 : memref<!tpu.dma_semaphore, #tpu.memory_space<semaphore_mem>>) src(%dma_wait3A_21 : memref<32768xf32, #tpu.memory_space<hbm>>) dst(%arg5 : memref<32768xf32, #tpu.memory_space<vmem>>)
    %parallel_loop3A_22 = arith.constant 0 : i32
    %parallel_loop3A_23 = arith.constant 2048 : i32
    %parallel_loop3A_24 = arith.constant 1 : i32
    scf.for %parallel_loop3A_873 = %parallel_loop3A_22 to %parallel_loop3A_23 step %parallel_loop3A_24  : i32 {
      %parallel_loop3A_874 = arith.constant 16 : i32
      %parallel_loop3A_875 = arith.muli %parallel_loop3A_873, %parallel_loop3A_874 : i32
      %parallel_loop3A_876 = arith.index_cast %parallel_loop3A_875 : i32 to index
      %parallel_loop3A_877 = tpu.vector_load %arg5[%parallel_loop3A_876] {strides = array<i32>} : memref<32768xf32, #tpu.memory_space<vmem>>, vector<16xf32>,
      %parallel_loop3A_878 = vector.bitcast %parallel_loop3A_877 : vector<16xf32> to vector<16xi32>
      %parallel_loop3A_879 = arith.constant 31 : i32
      %parallel_loop3A_880 = vector.broadcast %parallel_loop3A_879 : i32 to vector<16xi32>
      %parallel_loop3A_881 = arith.shrsi %parallel_loop3A_878, %parallel_loop3A_880 : vector<16xi32>
      %parallel_loop3A_882 = arith.constant -2147483648 : i32
      %parallel_loop3A_883 = vector.broadcast %parallel_loop3A_882 : i32 to vector<16xi32>
      %parallel_loop3A_884 = arith.ori %parallel_loop3A_881, %parallel_loop3A_883 : vector<16xi32>
      %parallel_loop3A_885 = arith.xori %parallel_loop3A_878, %parallel_loop3A_884 : vector<16xi32>
      %parallel_loop3A_886 = vector.bitcast %parallel_loop3A_885 : vector<16xi32> to vector<16xi32>
      %parallel_loop3A_887 = arith.constant 21 : i32
      %parallel_loop3A_888 = vector.broadcast %parallel_loop3A_887 : i32 to vector<16xi32>
      %parallel_loop3A_889 = arith.shrui %parallel_loop3A_886, %parallel_loop3A_888 : vector<16xi32>
      %parallel_loop3A_890 = vector.bitcast %parallel_loop3A_889 : vector<16xi32> to vector<16xi32>
      tpu.vector_store_idx %arg8[%parallel_loop3A_890], %broadcast_in_dim3A_0 {add = true} : memref<2064xi32, #tpu.memory_space<vmem>>[vector<16xi32>], vector<16xi32>,
    } {sc.loop_unroll_factor = 8 : i64, sc.parallel_access}
    %while3A = arith.constant 127 : i32
    %while3A_25 = arith.constant false
    %while3A_26 = arith.constant 0 : i32
    %while3A_27 = arith.constant 0 : i32
    %while3A_28 = arith.constant 0 : i32
    %while3A_29:5 = scf.while (%while3A_873 = %while3A, %while3A_874 = %while3A_25, %while3A_875 = %while3A_26, %while3A_876 = %while3A_27, %while3A_877 = %while3A_28) : (i32, i1, i32, i32, i32) -> (i32, i1, i32, i32, i32) {
      %ge3A = arith.constant 0 : i32
      %ge3A_878 = arith.cmpi sge, %while3A_873, %ge3A : i32
      %not3A = arith.constant true
      %not3A_879 = arith.xori %while3A_874, %not3A : i1
      %and3A_880 = arith.andi %ge3A_878, %not3A_879 : i1
      scf.condition(%and3A_880) %while3A_873, %while3A_874, %while3A_875, %while3A_876, %while3A_877 : i32, i1, i32, i32, i32
    } do {
    ^bb0(%while3A_873: i32, %while3A_874: i1, %while3A_875: i32, %while3A_876: i32, %while3A_877: i32):
      %mul3A_878 = arith.constant 16 : i32
      %mul3A_879 = arith.muli %while3A_873, %mul3A_878 : i32
      %get3A_880 = arith.index_cast %mul3A_879 : i32 to index
      %get3A_881 = tpu.vector_load %arg8[%get3A_880] {strides = array<i32>} : memref<2064xi32, #tpu.memory_space<vmem>>, vector<16xi32>,
      %rev3A = arith.constant 15 : i32
      %rev3A_882 = vector.broadcast %rev3A : i32 to vector<16xi32>
      %rev3A_883 = tpu.iota {dimensions = array<i32: 0>} : vector<16xi32>
      %rev3A_884 = arith.subi %rev3A_882, %rev3A_883 : vector<16xi32>
      %rev3A_885 = tpu.dynamic_gather %get3A_881[%rev3A_884] in [0] : vector<16xi32>, vector<16xi32> -> vector<16xi32>
      %broadcast_in_dim3A_886 = arith.constant true
      %broadcast_in_dim3A_887 = vector.broadcast %broadcast_in_dim3A_886 : i1 to vector<16xi1>
      %masked_cumsum3A = tpu.scan <sum>, %rev3A_885 masked %broadcast_in_dim3A_887 : vector<16xi32>, vector<16xi1> -> vector<16xi32>
      %add3A_888 = vector.broadcast %while3A_877 : i32 to vector<16xi32>
      %add3A_889 = arith.addi %add3A_888, %masked_cumsum3A : vector<16xi32>
      %ge3A = arith.constant 64 : i32
      %ge3A_890 = vector.broadcast %ge3A : i32 to vector<16xi32>
      %ge3A_891 = arith.cmpi sge, %add3A_889, %ge3A_890 : vector<16xi32>
      %convert_element_type3A = arith.extui %ge3A_891 : vector<16xi1> to vector<16xi32>
      %reduce_sum3A = arith.constant true
      %reduce_sum3A_892 = vector.broadcast %reduce_sum3A : i1 to vector<16xi1>
      %reduce_sum3A_893 = tpu.scan <sum>, %convert_element_type3A masked %reduce_sum3A_892 : vector<16xi32>, vector<16xi1> -> vector<16xi32>
      %reduce_sum3A_894 = vector.extract %reduce_sum3A_893[15] : i32 from vector<16xi32>
      %gt3A = arith.constant 0 : i32
      %gt3A_895 = arith.cmpi sgt, %reduce_sum3A_894, %gt3A : i32
      %convert_element_type3A_896 = arith.extui %gt3A_895 : i1 to i32
      %cond3A = arith.constant 0 : i32
      %cond3A_897 = arith.constant 0 : i32
      %cond3A_898 = arith.cmpi ne, %convert_element_type3A_896, %cond3A_897 : i32
      %cond3A_899:3 = scf.if %cond3A_898 -> (i32, i32, i32) {
        %sub3A_902 = arith.constant 16 : i32
        %sub3A_903 = arith.subi %sub3A_902, %reduce_sum3A_894 : i32
        %eq3A_904 = vector.broadcast %sub3A_903 : i32 to vector<16xi32>
        %eq3A_905 = arith.cmpi eq, %iota3A, %eq3A_904 : vector<16xi32>
        %jit3A_906 = arith.constant 0 : i32
        %broadcast_in_dim3A_907 = vector.broadcast %jit3A_906 : i32 to vector<16xi32>
        %select_n3A_908 = arith.select %eq3A_905, %masked_cumsum3A, %broadcast_in_dim3A_907 : vector<16xi1>, vector<16xi32>
        %reduce_sum3A_909 = arith.constant true
        %reduce_sum3A_910 = vector.broadcast %reduce_sum3A_909 : i1 to vector<16xi1>
        %reduce_sum3A_911 = tpu.scan <sum>, %select_n3A_908 masked %reduce_sum3A_910 : vector<16xi32>, vector<16xi1> -> vector<16xi32>
        %reduce_sum3A_912 = vector.extract %reduce_sum3A_911[15] : i32 from vector<16xi32>
        %eq3A_913 = vector.broadcast %sub3A_903 : i32 to vector<16xi32>
        %eq3A_914 = arith.cmpi eq, %iota3A, %eq3A_913 : vector<16xi32>
        %jit3A_915 = arith.constant 0 : i32
        %broadcast_in_dim3A_916 = vector.broadcast %jit3A_915 : i32 to vector<16xi32>
        %select_n3A_917 = arith.select %eq3A_914, %rev3A_885, %broadcast_in_dim3A_916 : vector<16xi1>, vector<16xi32>
        %reduce_sum3A_918 = arith.constant true
        %reduce_sum3A_919 = vector.broadcast %reduce_sum3A_918 : i1 to vector<16xi1>
        %reduce_sum3A_920 = tpu.scan <sum>, %select_n3A_917 masked %reduce_sum3A_919 : vector<16xi32>, vector<16xi1> -> vector<16xi32>
        %reduce_sum3A_921 = vector.extract %reduce_sum3A_920[15] : i32 from vector<16xi32>
        %mul3A_922 = arith.constant 16 : i32
        %mul3A_923 = arith.muli %while3A_873, %mul3A_922 : i32
        %add3A_924 = arith.constant 15 : i32
        %add3A_925 = arith.addi %mul3A_923, %add3A_924 : i32
        %sub3A_926 = arith.subi %add3A_925, %sub3A_903 : i32
        %add3A_927 = arith.addi %while3A_877, %reduce_sum3A_912 : i32
        %sub3A_928 = arith.subi %add3A_927, %reduce_sum3A_921 : i32
        scf.yield %sub3A_926, %sub3A_928, %while3A_877 : i32, i32, i32
      } else {
        %reduce_sum3A_902 = arith.constant true
        %reduce_sum3A_903 = vector.broadcast %reduce_sum3A_902 : i1 to vector<16xi1>
        %reduce_sum3A_904 = tpu.scan <sum>, %get3A_881 masked %reduce_sum3A_903 : vector<16xi32>, vector<16xi1> -> vector<16xi32>
        %reduce_sum3A_905 = vector.extract %reduce_sum3A_904[15] : i32 from vector<16xi32>
        %add3A_906 = arith.addi %while3A_877, %reduce_sum3A_905 : i32
        scf.yield %while3A_875, %while3A_876, %add3A_906 : i32, i32, i32
      }
      %sub3A_900 = arith.constant 1 : i32
      %sub3A_901 = arith.subi %while3A_873, %sub3A_900 : i32
      %or3A = arith.ori %while3A_874, %gt3A_895 : i1
      scf.yield %sub3A_901, %or3A, %cond3A_899#0, %cond3A_899#1, %cond3A_899#2 : i32, i1, i32, i32, i32
    }
    %shift_left3A = arith.constant 21 : i32
    %shift_left3A_30 = arith.shli %while3A_29#2, %shift_left3A : i32
    %parallel_loop3A_31 = arith.constant 0 : i32
    %parallel_loop3A_32 = arith.constant 129 : i32
    %parallel_loop3A_33 = arith.constant 1 : i32
    scf.for %parallel_loop3A_873 = %parallel_loop3A_31 to %parallel_loop3A_32 step %parallel_loop3A_33  : i32 {
      %parallel_loop3A_874 = arith.constant 16 : i32
      %parallel_loop3A_875 = arith.muli %parallel_loop3A_873, %parallel_loop3A_874 : i32
      %parallel_loop3A_876 = arith.index_cast %parallel_loop3A_875 : i32 to index
      %parallel_loop3A_877 = tpu.vector_load %arg8[%parallel_loop3A_876] {strides = array<i32>} : memref<2064xi32, #tpu.memory_space<vmem>>, vector<16xi32>,
      tpu.vector_store %arg8[%parallel_loop3A_876], %broadcast_in_dim3A_2 {strides = array<i32>} : memref<2064xi32, #tpu.memory_space<vmem>>, vector<16xi32>,
    } {sc.loop_unroll_factor = 4 : i64, sc.parallel_access}
    %parallel_loop3A_34 = arith.constant 0 : i32
    %parallel_loop3A_35 = arith.constant 2048 : i32
    %parallel_loop3A_36 = arith.constant 1 : i32
    %parallel_loop3A_37 = scf.for %parallel_loop3A_873 = %parallel_loop3A_34 to %parallel_loop3A_35 step %parallel_loop3A_36 iter_args(%parallel_loop3A_874 = %broadcast_in_dim3A_2) -> (vector<16xi32>)  : i32 {
      %parallel_loop3A_875 = arith.constant 16 : i32
      %parallel_loop3A_876 = arith.muli %parallel_loop3A_873, %parallel_loop3A_875 : i32
      %parallel_loop3A_877 = arith.index_cast %parallel_loop3A_876 : i32 to index
      %parallel_loop3A_878 = tpu.vector_load %arg5[%parallel_loop3A_877] {strides = array<i32>} : memref<32768xf32, #tpu.memory_space<vmem>>, vector<16xf32>,
      %parallel_loop3A_879 = vector.bitcast %parallel_loop3A_878 : vector<16xf32> to vector<16xi32>
      %parallel_loop3A_880 = arith.constant 31 : i32
      %parallel_loop3A_881 = vector.broadcast %parallel_loop3A_880 : i32 to vector<16xi32>
      %parallel_loop3A_882 = arith.shrsi %parallel_loop3A_879, %parallel_loop3A_881 : vector<16xi32>
      %parallel_loop3A_883 = arith.constant -2147483648 : i32
      %parallel_loop3A_884 = vector.broadcast %parallel_loop3A_883 : i32 to vector<16xi32>
      %parallel_loop3A_885 = arith.ori %parallel_loop3A_882, %parallel_loop3A_884 : vector<16xi32>
      %parallel_loop3A_886 = arith.xori %parallel_loop3A_879, %parallel_loop3A_885 : vector<16xi32>
      %parallel_loop3A_887 = vector.bitcast %parallel_loop3A_886 : vector<16xi32> to vector<16xi32>
      %parallel_loop3A_888 = vector.broadcast %shift_left3A_30 : i32 to vector<16xi32>
      %parallel_loop3A_889 = arith.cmpi uge, %parallel_loop3A_887, %parallel_loop3A_888 : vector<16xi32>
      %parallel_loop3A_890 = arith.extui %parallel_loop3A_889 : vector<16xi1> to vector<16xi32>
      %parallel_loop3A_891 = arith.constant true
      %parallel_loop3A_892 = vector.broadcast %parallel_loop3A_891 : i1 to vector<16xi1>
      %parallel_loop3A_893 = tpu.scan <sum>, %parallel_loop3A_890 masked %parallel_loop3A_892 : vector<16xi32>, vector<16xi1> -> vector<16xi32>
      %parallel_loop3A_894 = arith.addi %parallel_loop3A_874, %parallel_loop3A_893 : vector<16xi32>
      %parallel_loop3A_895 = arith.constant 1 : i32
      %parallel_loop3A_896 = vector.broadcast %parallel_loop3A_895 : i32 to vector<16xi32>
      %parallel_loop3A_897 = arith.subi %parallel_loop3A_894, %parallel_loop3A_896 : vector<16xi32>
      %parallel_loop3A_898 = vector.bitcast %parallel_loop3A_887 : vector<16xi32> to vector<16xi32>
      tpu.vector_store_idx %arg6[%parallel_loop3A_897], %parallel_loop3A_898 masked %parallel_loop3A_889 : memref<32768xi32, #tpu.memory_space<vmem>>[vector<16xi32>], vector<16xi32>, vector<16xi1>
      %parallel_loop3A_899 = arith.constant 16 : i32
      %parallel_loop3A_900 = arith.muli %parallel_loop3A_873, %parallel_loop3A_899 : i32
      %parallel_loop3A_901 = vector.broadcast %parallel_loop3A_900 : i32 to vector<16xi32>
      %parallel_loop3A_902 = arith.addi %iota3A, %parallel_loop3A_901 : vector<16xi32>
      tpu.vector_store_idx %arg7[%parallel_loop3A_897], %parallel_loop3A_902 masked %parallel_loop3A_889 : memref<32768xi32, #tpu.memory_space<vmem>>[vector<16xi32>], vector<16xi32>, vector<16xi1>
      %parallel_loop3A_903 = tpu.all_reduce %parallel_loop3A_889 {dim = 0 : i64, kind = #tpu.reduction_kind<sum>} : vector<16xi1> -> vector<16xi32>
      %parallel_loop3A_904 = arith.addi %parallel_loop3A_874, %parallel_loop3A_903 : vector<16xi32>
      scf.yield %parallel_loop3A_904 : vector<16xi32>
    } {sc.loop_unroll_factor = 8 : i64, sc.parallel_access}
    %reduce_max3A = arith.constant true
    %reduce_max3A_38 = vector.broadcast %reduce_max3A : i1 to vector<16xi1>
    %reduce_max3A_39 = arith.constant -2147483648 : i32
    %reduce_max3A_40 = vector.broadcast %reduce_max3A_39 : i32 to vector<16xi32>
    %reduce_max3A_41 = arith.xori %parallel_loop3A_37, %reduce_max3A_40 : vector<16xi32>
    %reduce_max3A_42 = tpu.scan <max>, %reduce_max3A_41 masked %reduce_max3A_38 : vector<16xi32>, vector<16xi1> -> vector<16xi32>
    %reduce_max3A_43 = arith.xori %reduce_max3A_42, %reduce_max3A_40 : vector<16xi32>
    %reduce_max3A_44 = vector.extract %reduce_max3A_43[15] : i32 from vector<16xi32>
    %add3A_45 = arith.constant 15 : i32
    %add3A_46 = arith.addi %reduce_max3A_44, %add3A_45 : i32
    %jit3A = arith.constant 16 : i32
    %div3A = arith.divsi %add3A_46, %jit3A : i32
    %sign3A = arith.constant 0 : i32
    %sign3A_47 = arith.cmpi sgt, %add3A_46, %sign3A : i32
    %sign3A_48 = arith.extui %sign3A_47 : i1 to i32
    %sign3A_49 = arith.constant 0 : i32
    %sign3A_50 = arith.cmpi slt, %add3A_46, %sign3A_49 : i32
    %sign3A_51 = arith.extui %sign3A_50 : i1 to i32
    %sign3A_52 = arith.subi %sign3A_48, %sign3A_51 : i32
    %sign3A_53 = arith.constant 0 : i32
    %sign3A_54 = arith.cmpi sgt, %jit3A, %sign3A_53 : i32
    %sign3A_55 = arith.extui %sign3A_54 : i1 to i32
    %sign3A_56 = arith.constant 0 : i32
    %sign3A_57 = arith.cmpi slt, %jit3A, %sign3A_56 : i32
    %sign3A_58 = arith.extui %sign3A_57 : i1 to i32
    %sign3A_59 = arith.subi %sign3A_55, %sign3A_58 : i32
    %ne3A = arith.cmpi ne, %sign3A_52, %sign3A_59 : i32
    %rem3A = arith.remsi %add3A_46, %jit3A : i32
    %ne3A_60 = arith.constant 0 : i32
    %ne3A_61 = arith.cmpi ne, %rem3A, %ne3A_60 : i32
    %and3A = arith.andi %ne3A, %ne3A_61 : i1
    %sub3A = arith.constant 1 : i32
    %sub3A_62 = arith.subi %div3A, %sub3A : i32
    %select_n3A = arith.select %and3A, %sub3A_62, %div3A : i32
    %add3A_63 = arith.constant 1 : i32
    %add3A_64 = arith.addi %add3A_16, %add3A_63 : i32
    %dma_start3A_65 = arith.constant 0 : i32
    %dma_start3A_66 = tpu.memref_slice %arg2[%add3A_64, %dma_start3A_65] : memref<128x32768xf32, #tpu.memory_space<hbm>> -> memref<1x32768xf32, #tpu.memory_space<hbm>>
    %dma_start3A_67 = tpu.memref_squeeze %dma_start3A_66 : memref<1x32768xf32, #tpu.memory_space<hbm>> -> memref<32768xf32, #tpu.memory_space<hbm>>
    %dma_start3A_68 = arith.constant 0 : i32
    %dma_start3A_69 = tpu.memref_slice %arg2[%add3A_64, %dma_start3A_68] : memref<128x32768xf32, #tpu.memory_space<hbm>> -> memref<1x32768xf32, #tpu.memory_space<hbm>>
    %dma_start3A_70 = tpu.memref_squeeze %dma_start3A_69 : memref<1x32768xf32, #tpu.memory_space<hbm>> -> memref<32768xf32, #tpu.memory_space<hbm>>
    tpu.enqueue_dma source(%dma_start3A_70 : memref<32768xf32, #tpu.memory_space<hbm>>) target(%arg5 : memref<32768xf32, #tpu.memory_space<vmem>>) target_semaphore(%arg13 : memref<!tpu.dma_semaphore, #tpu.memory_space<semaphore_mem>>)
    %while3A_71 = arith.constant 0 : i32
    %while3A_72 = arith.constant 0 : i32
    %while3A_73 = arith.subi %select_n3A, %while3A_72 : i32
    %while3A_74 = arith.addi %while3A_72, %while3A_73 : i32
    %while3A_75 = arith.constant 1 : i32
    %while3A_76 = arith.divsi %while3A_73, %while3A_75 : i32
    %while3A_77 = arith.muli %while3A_76, %while3A_75 : i32
    %while3A_78 = arith.addi %while3A_72, %while3A_77 : i32
    %while3A_79 = arith.constant 1 : i32
    scf.for %while3A_873 = %while3A_72 to %while3A_78 step %while3A_79  : i32 {
      %mul3A_874 = arith.constant 16 : i32
      %mul3A_875 = arith.muli %while3A_873, %mul3A_874 : i32
      %get3A_876 = arith.index_cast %mul3A_875 : i32 to index
      %get3A_877 = tpu.vector_load %arg6[%get3A_876] {strides = array<i32>} : memref<32768xi32, #tpu.memory_space<vmem>>, vector<16xi32>,
      %bitcast3A_878 = vector.bitcast %get3A_877 : vector<16xi32> to vector<16xi32>
      %mul3A_879 = arith.constant 16 : i32
      %mul3A_880 = arith.muli %while3A_873, %mul3A_879 : i32
      %add3A_881 = vector.broadcast %mul3A_880 : i32 to vector<16xi32>
      %add3A_882 = arith.addi %add3A_881, %iota3A : vector<16xi32>
      %lt3A = vector.broadcast %reduce_max3A_44 : i32 to vector<16xi32>
      %lt3A_883 = arith.cmpi slt, %add3A_882, %lt3A : vector<16xi32>
      %sub3A_884 = vector.broadcast %shift_left3A_30 : i32 to vector<16xi32>
      %sub3A_885 = arith.subi %bitcast3A_878, %sub3A_884 : vector<16xi32>
      %min3A = arith.constant 2097152 : i32
      %min3A_886 = vector.broadcast %min3A : i32 to vector<16xi32>
      %min3A_887 = arith.minui %sub3A_885, %min3A_886 : vector<16xi32>
      %shift_right_logical3A = arith.constant 10 : i32
      %shift_right_logical3A_888 = vector.broadcast %shift_right_logical3A : i32 to vector<16xi32>
      %shift_right_logical3A_889 = arith.shrui %min3A_887, %shift_right_logical3A_888 : vector<16xi32>
      %min3A_890 = arith.constant 2047 : i32
      %min3A_891 = vector.broadcast %min3A_890 : i32 to vector<16xi32>
      %min3A_892 = arith.minui %shift_right_logical3A_889, %min3A_891 : vector<16xi32>
      %bitcast3A_893 = vector.bitcast %min3A_892 : vector<16xi32> to vector<16xi32>
      tpu.vector_store_idx %arg8[%bitcast3A_893], %broadcast_in_dim3A_0 masked %lt3A_883 {add = true} : memref<2064xi32, #tpu.memory_space<vmem>>[vector<16xi32>], vector<16xi32>, vector<16xi1>
    }
    %while3A_80 = arith.constant 1 : i32
    scf.for %while3A_873 = %while3A_78 to %while3A_74 step %while3A_80  : i32 {
      %mul3A_874 = arith.constant 16 : i32
      %mul3A_875 = arith.muli %while3A_873, %mul3A_874 : i32
      %get3A_876 = arith.index_cast %mul3A_875 : i32 to index
      %get3A_877 = tpu.vector_load %arg6[%get3A_876] {strides = array<i32>} : memref<32768xi32, #tpu.memory_space<vmem>>, vector<16xi32>,
      %bitcast3A_878 = vector.bitcast %get3A_877 : vector<16xi32> to vector<16xi32>
      %mul3A_879 = arith.constant 16 : i32
      %mul3A_880 = arith.muli %while3A_873, %mul3A_879 : i32
      %add3A_881 = vector.broadcast %mul3A_880 : i32 to vector<16xi32>
      %add3A_882 = arith.addi %add3A_881, %iota3A : vector<16xi32>
      %lt3A = vector.broadcast %reduce_max3A_44 : i32 to vector<16xi32>
      %lt3A_883 = arith.cmpi slt, %add3A_882, %lt3A : vector<16xi32>
      %sub3A_884 = vector.broadcast %shift_left3A_30 : i32 to vector<16xi32>
      %sub3A_885 = arith.subi %bitcast3A_878, %sub3A_884 : vector<16xi32>
      %min3A = arith.constant 2097152 : i32
      %min3A_886 = vector.broadcast %min3A : i32 to vector<16xi32>
      %min3A_887 = arith.minui %sub3A_885, %min3A_886 : vector<16xi32>
      %shift_right_logical3A = arith.constant 10 : i32
      %shift_right_logical3A_888 = vector.broadcast %shift_right_logical3A : i32 to vector<16xi32>
      %shift_right_logical3A_889 = arith.shrui %min3A_887, %shift_right_logical3A_888 : vector<16xi32>
      %min3A_890 = arith.constant 2047 : i32
      %min3A_891 = vector.broadcast %min3A_890 : i32 to vector<16xi32>
      %min3A_892 = arith.minui %shift_right_logical3A_889, %min3A_891 : vector<16xi32>
      %bitcast3A_893 = vector.bitcast %min3A_892 : vector<16xi32> to vector<16xi32>
      tpu.vector_store_idx %arg8[%bitcast3A_893], %broadcast_in_dim3A_0 masked %lt3A_883 {add = true} : memref<2064xi32, #tpu.memory_space<vmem>>[vector<16xi32>], vector<16xi32>, vector<16xi1>
    }
    %while3A_81 = arith.constant 127 : i32
    %while3A_82 = arith.constant false
    %while3A_83 = arith.constant 0 : i32
    %while3A_84 = arith.constant 0 : i32
    %while3A_85 = arith.constant 0 : i32
    %while3A_86:5 = scf.while (%while3A_873 = %while3A_81, %while3A_874 = %while3A_82, %while3A_875 = %while3A_83, %while3A_876 = %while3A_84, %while3A_877 = %while3A_85) : (i32, i1, i32, i32, i32) -> (i32, i1, i32, i32, i32) {
      %ge3A = arith.constant 0 : i32
      %ge3A_878 = arith.cmpi sge, %while3A_873, %ge3A : i32
      %not3A = arith.constant true
      %not3A_879 = arith.xori %while3A_874, %not3A : i1
      %and3A_880 = arith.andi %ge3A_878, %not3A_879 : i1
      scf.condition(%and3A_880) %while3A_873, %while3A_874, %while3A_875, %while3A_876, %while3A_877 : i32, i1, i32, i32, i32
    } do {
    ^bb0(%while3A_873: i32, %while3A_874: i1, %while3A_875: i32, %while3A_876: i32, %while3A_877: i32):
      %mul3A_878 = arith.constant 16 : i32
      %mul3A_879 = arith.muli %while3A_873, %mul3A_878 : i32
      %get3A_880 = arith.index_cast %mul3A_879 : i32 to index
      %get3A_881 = tpu.vector_load %arg8[%get3A_880] {strides = array<i32>} : memref<2064xi32, #tpu.memory_space<vmem>>, vector<16xi32>,
      %rev3A = arith.constant 15 : i32
      %rev3A_882 = vector.broadcast %rev3A : i32 to vector<16xi32>
      %rev3A_883 = tpu.iota {dimensions = array<i32: 0>} : vector<16xi32>
      %rev3A_884 = arith.subi %rev3A_882, %rev3A_883 : vector<16xi32>
      %rev3A_885 = tpu.dynamic_gather %get3A_881[%rev3A_884] in [0] : vector<16xi32>, vector<16xi32> -> vector<16xi32>
      %broadcast_in_dim3A_886 = arith.constant true
      %broadcast_in_dim3A_887 = vector.broadcast %broadcast_in_dim3A_886 : i1 to vector<16xi1>
      %masked_cumsum3A = tpu.scan <sum>, %rev3A_885 masked %broadcast_in_dim3A_887 : vector<16xi32>, vector<16xi1> -> vector<16xi32>
      %add3A_888 = vector.broadcast %while3A_877 : i32 to vector<16xi32>
      %add3A_889 = arith.addi %add3A_888, %masked_cumsum3A : vector<16xi32>
      %ge3A = arith.constant 64 : i32
      %ge3A_890 = vector.broadcast %ge3A : i32 to vector<16xi32>
      %ge3A_891 = arith.cmpi sge, %add3A_889, %ge3A_890 : vector<16xi32>
      %convert_element_type3A = arith.extui %ge3A_891 : vector<16xi1> to vector<16xi32>
      %reduce_sum3A = arith.constant true
      %reduce_sum3A_892 = vector.broadcast %reduce_sum3A : i1 to vector<16xi1>
      %reduce_sum3A_893 = tpu.scan <sum>, %convert_element_type3A masked %reduce_sum3A_892 : vector<16xi32>, vector<16xi1> -> vector<16xi32>
      %reduce_sum3A_894 = vector.extract %reduce_sum3A_893[15] : i32 from vector<16xi32>
      %gt3A = arith.constant 0 : i32
      %gt3A_895 = arith.cmpi sgt, %reduce_sum3A_894, %gt3A : i32
      %convert_element_type3A_896 = arith.extui %gt3A_895 : i1 to i32
      %cond3A = arith.constant 0 : i32
      %cond3A_897 = arith.constant 0 : i32
      %cond3A_898 = arith.cmpi ne, %convert_element_type3A_896, %cond3A_897 : i32
      %cond3A_899:3 = scf.if %cond3A_898 -> (i32, i32, i32) {
        %sub3A_902 = arith.constant 16 : i32
        %sub3A_903 = arith.subi %sub3A_902, %reduce_sum3A_894 : i32
        %eq3A_904 = vector.broadcast %sub3A_903 : i32 to vector<16xi32>
        %eq3A_905 = arith.cmpi eq, %iota3A, %eq3A_904 : vector<16xi32>
        %jit3A_906 = arith.constant 0 : i32
        %broadcast_in_dim3A_907 = vector.broadcast %jit3A_906 : i32 to vector<16xi32>
        %select_n3A_908 = arith.select %eq3A_905, %masked_cumsum3A, %broadcast_in_dim3A_907 : vector<16xi1>, vector<16xi32>
        %reduce_sum3A_909 = arith.constant true
        %reduce_sum3A_910 = vector.broadcast %reduce_sum3A_909 : i1 to vector<16xi1>
        %reduce_sum3A_911 = tpu.scan <sum>, %select_n3A_908 masked %reduce_sum3A_910 : vector<16xi32>, vector<16xi1> -> vector<16xi32>
        %reduce_sum3A_912 = vector.extract %reduce_sum3A_911[15] : i32 from vector<16xi32>
        %eq3A_913 = vector.broadcast %sub3A_903 : i32 to vector<16xi32>
        %eq3A_914 = arith.cmpi eq, %iota3A, %eq3A_913 : vector<16xi32>
        %jit3A_915 = arith.constant 0 : i32
        %broadcast_in_dim3A_916 = vector.broadcast %jit3A_915 : i32 to vector<16xi32>
        %select_n3A_917 = arith.select %eq3A_914, %rev3A_885, %broadcast_in_dim3A_916 : vector<16xi1>, vector<16xi32>
        %reduce_sum3A_918 = arith.constant true
        %reduce_sum3A_919 = vector.broadcast %reduce_sum3A_918 : i1 to vector<16xi1>
        %reduce_sum3A_920 = tpu.scan <sum>, %select_n3A_917 masked %reduce_sum3A_919 : vector<16xi32>, vector<16xi1> -> vector<16xi32>
        %reduce_sum3A_921 = vector.extract %reduce_sum3A_920[15] : i32 from vector<16xi32>
        %mul3A_922 = arith.constant 16 : i32
        %mul3A_923 = arith.muli %while3A_873, %mul3A_922 : i32
        %add3A_924 = arith.constant 15 : i32
        %add3A_925 = arith.addi %mul3A_923, %add3A_924 : i32
        %sub3A_926 = arith.subi %add3A_925, %sub3A_903 : i32
        %add3A_927 = arith.addi %while3A_877, %reduce_sum3A_912 : i32
        %sub3A_928 = arith.subi %add3A_927, %reduce_sum3A_921 : i32
        scf.yield %sub3A_926, %sub3A_928, %while3A_877 : i32, i32, i32
      } else {
        %reduce_sum3A_902 = arith.constant true
        %reduce_sum3A_903 = vector.broadcast %reduce_sum3A_902 : i1 to vector<16xi1>
        %reduce_sum3A_904 = tpu.scan <sum>, %get3A_881 masked %reduce_sum3A_903 : vector<16xi32>, vector<16xi1> -> vector<16xi32>
        %reduce_sum3A_905 = vector.extract %reduce_sum3A_904[15] : i32 from vector<16xi32>
        %add3A_906 = arith.addi %while3A_877, %reduce_sum3A_905 : i32
        scf.yield %while3A_875, %while3A_876, %add3A_906 : i32, i32, i32
      }
      %sub3A_900 = arith.constant 1 : i32
      %sub3A_901 = arith.subi %while3A_873, %sub3A_900 : i32
      %or3A = arith.ori %while3A_874, %gt3A_895 : i1
      scf.yield %sub3A_901, %or3A, %cond3A_899#0, %cond3A_899#1, %cond3A_899#2 : i32, i1, i32, i32, i32
    }
    %shift_left3A_87 = arith.constant 10 : i32
    %shift_left3A_88 = arith.shli %while3A_86#2, %shift_left3A_87 : i32
    %parallel_loop3A_89 = arith.constant 0 : i32
    %parallel_loop3A_90 = arith.constant 129 : i32
    %parallel_loop3A_91 = arith.constant 1 : i32
    scf.for %parallel_loop3A_873 = %parallel_loop3A_89 to %parallel_loop3A_90 step %parallel_loop3A_91  : i32 {
      %parallel_loop3A_874 = arith.constant 16 : i32
      %parallel_loop3A_875 = arith.muli %parallel_loop3A_873, %parallel_loop3A_874 : i32
      %parallel_loop3A_876 = arith.index_cast %parallel_loop3A_875 : i32 to index
      %parallel_loop3A_877 = tpu.vector_load %arg8[%parallel_loop3A_876] {strides = array<i32>} : memref<2064xi32, #tpu.memory_space<vmem>>, vector<16xi32>,
      tpu.vector_store %arg8[%parallel_loop3A_876], %broadcast_in_dim3A_2 {strides = array<i32>} : memref<2064xi32, #tpu.memory_space<vmem>>, vector<16xi32>,
    } {sc.loop_unroll_factor = 4 : i64, sc.parallel_access}
    %while3A_92 = arith.constant 0 : i32
    %while3A_93 = arith.subi %select_n3A, %while3A_92 : i32
    %while3A_94 = arith.addi %while3A_92, %while3A_93 : i32
    %while3A_95 = arith.constant 1 : i32
    %while3A_96 = arith.divsi %while3A_93, %while3A_95 : i32
    %while3A_97 = arith.muli %while3A_96, %while3A_95 : i32
    %while3A_98 = arith.addi %while3A_92, %while3A_97 : i32
    %while3A_99 = arith.constant 1 : i32
    %while3A_100 = scf.for %while3A_873 = %while3A_92 to %while3A_98 step %while3A_99 iter_args(%while3A_874 = %broadcast_in_dim3A_2) -> (vector<16xi32>)  : i32 {
      %mul3A_875 = arith.constant 16 : i32
      %mul3A_876 = arith.muli %while3A_873, %mul3A_875 : i32
      %get3A_877 = arith.index_cast %mul3A_876 : i32 to index
      %get3A_878 = tpu.vector_load %arg6[%get3A_877] {strides = array<i32>} : memref<32768xi32, #tpu.memory_space<vmem>>, vector<16xi32>,
      %bitcast3A_879 = vector.bitcast %get3A_878 : vector<16xi32> to vector<16xi32>
      %mul3A_880 = arith.constant 16 : i32
      %mul3A_881 = arith.muli %while3A_873, %mul3A_880 : i32
      %add3A_882 = vector.broadcast %mul3A_881 : i32 to vector<16xi32>
      %add3A_883 = arith.addi %add3A_882, %iota3A : vector<16xi32>
      %lt3A = vector.broadcast %reduce_max3A_44 : i32 to vector<16xi32>
      %lt3A_884 = arith.cmpi slt, %add3A_883, %lt3A : vector<16xi32>
      %sub3A_885 = vector.broadcast %shift_left3A_30 : i32 to vector<16xi32>
      %sub3A_886 = arith.subi %bitcast3A_879, %sub3A_885 : vector<16xi32>
      %min3A = arith.constant 2097152 : i32
      %min3A_887 = vector.broadcast %min3A : i32 to vector<16xi32>
      %min3A_888 = arith.minui %sub3A_886, %min3A_887 : vector<16xi32>
      %ge3A = vector.broadcast %shift_left3A_88 : i32 to vector<16xi32>
      %ge3A_889 = arith.cmpi uge, %min3A_888, %ge3A : vector<16xi32>
      %and3A_890 = arith.andi %lt3A_884, %ge3A_889 : vector<16xi1>
      %convert_element_type3A = arith.extui %and3A_890 : vector<16xi1> to vector<16xi32>
      %broadcast_in_dim3A_891 = arith.constant true
      %broadcast_in_dim3A_892 = vector.broadcast %broadcast_in_dim3A_891 : i1 to vector<16xi1>
      %masked_cumsum3A = tpu.scan <sum>, %convert_element_type3A masked %broadcast_in_dim3A_892 : vector<16xi32>, vector<16xi1> -> vector<16xi32>
      %add3A_893 = arith.addi %while3A_874, %masked_cumsum3A : vector<16xi32>
      %sub3A_894 = arith.constant 1 : i32
      %sub3A_895 = vector.broadcast %sub3A_894 : i32 to vector<16xi32>
      %sub3A_896 = arith.subi %add3A_893, %sub3A_895 : vector<16xi32>
      tpu.vector_store_idx %arg6[%sub3A_896], %get3A_878 masked %and3A_890 : memref<32768xi32, #tpu.memory_space<vmem>>[vector<16xi32>], vector<16xi32>, vector<16xi1>
      %mul3A_897 = arith.constant 16 : i32
      %mul3A_898 = arith.muli %while3A_873, %mul3A_897 : i32
      %get3A_899 = arith.index_cast %mul3A_898 : i32 to index
      %get3A_900 = tpu.vector_load %arg7[%get3A_899] {strides = array<i32>} : memref<32768xi32, #tpu.memory_space<vmem>>, vector<16xi32>,
      tpu.vector_store_idx %arg7[%sub3A_896], %get3A_900 masked %and3A_890 : memref<32768xi32, #tpu.memory_space<vmem>>[vector<16xi32>], vector<16xi32>, vector<16xi1>
      %all_reduce_population_count3A = tpu.all_reduce %and3A_890 {dim = 0 : i64, kind = #tpu.reduction_kind<sum>} : vector<16xi1> -> vector<16xi32>
      %add3A_901 = arith.addi %while3A_874, %all_reduce_population_count3A : vector<16xi32>
      scf.yield %add3A_901 : vector<16xi32>
    }
    %while3A_101 = arith.constant 1 : i32
    %while3A_102 = scf.for %while3A_873 = %while3A_98 to %while3A_94 step %while3A_101 iter_args(%while3A_874 = %while3A_100) -> (vector<16xi32>)  : i32 {
      %mul3A_875 = arith.constant 16 : i32
      %mul3A_876 = arith.muli %while3A_873, %mul3A_875 : i32
      %get3A_877 = arith.index_cast %mul3A_876 : i32 to index
      %get3A_878 = tpu.vector_load %arg6[%get3A_877] {strides = array<i32>} : memref<32768xi32, #tpu.memory_space<vmem>>, vector<16xi32>,
      %bitcast3A_879 = vector.bitcast %get3A_878 : vector<16xi32> to vector<16xi32>
      %mul3A_880 = arith.constant 16 : i32
      %mul3A_881 = arith.muli %while3A_873, %mul3A_880 : i32
      %add3A_882 = vector.broadcast %mul3A_881 : i32 to vector<16xi32>
      %add3A_883 = arith.addi %add3A_882, %iota3A : vector<16xi32>
      %lt3A = vector.broadcast %reduce_max3A_44 : i32 to vector<16xi32>
      %lt3A_884 = arith.cmpi slt, %add3A_883, %lt3A : vector<16xi32>
      %sub3A_885 = vector.broadcast %shift_left3A_30 : i32 to vector<16xi32>
      %sub3A_886 = arith.subi %bitcast3A_879, %sub3A_885 : vector<16xi32>
      %min3A = arith.constant 2097152 : i32
      %min3A_887 = vector.broadcast %min3A : i32 to vector<16xi32>
      %min3A_888 = arith.minui %sub3A_886, %min3A_887 : vector<16xi32>
      %ge3A = vector.broadcast %shift_left3A_88 : i32 to vector<16xi32>
      %ge3A_889 = arith.cmpi uge, %min3A_888, %ge3A : vector<16xi32>
      %and3A_890 = arith.andi %lt3A_884, %ge3A_889 : vector<16xi1>
      %convert_element_type3A = arith.extui %and3A_890 : vector<16xi1> to vector<16xi32>
      %broadcast_in_dim3A_891 = arith.constant true
      %broadcast_in_dim3A_892 = vector.broadcast %broadcast_in_dim3A_891 : i1 to vector<16xi1>
      %masked_cumsum3A = tpu.scan <sum>, %convert_element_type3A masked %broadcast_in_dim3A_892 : vector<16xi32>, vector<16xi1> -> vector<16xi32>
      %add3A_893 = arith.addi %while3A_874, %masked_cumsum3A : vector<16xi32>
      %sub3A_894 = arith.constant 1 : i32
      %sub3A_895 = vector.broadcast %sub3A_894 : i32 to vector<16xi32>
      %sub3A_896 = arith.subi %add3A_893, %sub3A_895 : vector<16xi32>
      tpu.vector_store_idx %arg6[%sub3A_896], %get3A_878 masked %and3A_890 : memref<32768xi32, #tpu.memory_space<vmem>>[vector<16xi32>], vector<16xi32>, vector<16xi1>
      %mul3A_897 = arith.constant 16 : i32
      %mul3A_898 = arith.muli %while3A_873, %mul3A_897 : i32
      %get3A_899 = arith.index_cast %mul3A_898 : i32 to index
      %get3A_900 = tpu.vector_load %arg7[%get3A_899] {strides = array<i32>} : memref<32768xi32, #tpu.memory_space<vmem>>, vector<16xi32>,
      tpu.vector_store_idx %arg7[%sub3A_896], %get3A_900 masked %and3A_890 : memref<32768xi32, #tpu.memory_space<vmem>>[vector<16xi32>], vector<16xi32>, vector<16xi1>
      %all_reduce_population_count3A = tpu.all_reduce %and3A_890 {dim = 0 : i64, kind = #tpu.reduction_kind<sum>} : vector<16xi1> -> vector<16xi32>
      %add3A_901 = arith.addi %while3A_874, %all_reduce_population_count3A : vector<16xi32>
      scf.yield %add3A_901 : vector<16xi32>
    }
    %reduce_max3A_103 = arith.constant true
    %reduce_max3A_104 = vector.broadcast %reduce_max3A_103 : i1 to vector<16xi1>
    %reduce_max3A_105 = arith.constant -2147483648 : i32
    %reduce_max3A_106 = vector.broadcast %reduce_max3A_105 : i32 to vector<16xi32>
    %reduce_max3A_107 = arith.xori %while3A_102, %reduce_max3A_106 : vector<16xi32>
    %reduce_max3A_108 = tpu.scan <max>, %reduce_max3A_107 masked %reduce_max3A_104 : vector<16xi32>, vector<16xi1> -> vector<16xi32>
    %reduce_max3A_109 = arith.xori %reduce_max3A_108, %reduce_max3A_106 : vector<16xi32>
    %reduce_max3A_110 = vector.extract %reduce_max3A_109[15] : i32 from vector<16xi32>
    %add3A_111 = arith.constant 15 : i32
    %add3A_112 = arith.addi %reduce_max3A_110, %add3A_111 : i32
    %jit3A_113 = arith.constant 16 : i32
    %div3A_114 = arith.divsi %add3A_112, %jit3A_113 : i32
    %sign3A_115 = arith.constant 0 : i32
    %sign3A_116 = arith.cmpi sgt, %add3A_112, %sign3A_115 : i32
    %sign3A_117 = arith.extui %sign3A_116 : i1 to i32
    %sign3A_118 = arith.constant 0 : i32
    %sign3A_119 = arith.cmpi slt, %add3A_112, %sign3A_118 : i32
    %sign3A_120 = arith.extui %sign3A_119 : i1 to i32
    %sign3A_121 = arith.subi %sign3A_117, %sign3A_120 : i32
    %sign3A_122 = arith.constant 0 : i32
    %sign3A_123 = arith.cmpi sgt, %jit3A_113, %sign3A_122 : i32
    %sign3A_124 = arith.extui %sign3A_123 : i1 to i32
    %sign3A_125 = arith.constant 0 : i32
    %sign3A_126 = arith.cmpi slt, %jit3A_113, %sign3A_125 : i32
    %sign3A_127 = arith.extui %sign3A_126 : i1 to i32
    %sign3A_128 = arith.subi %sign3A_124, %sign3A_127 : i32
    %ne3A_129 = arith.cmpi ne, %sign3A_121, %sign3A_128 : i32
    %rem3A_130 = arith.remsi %add3A_112, %jit3A_113 : i32
    %ne3A_131 = arith.constant 0 : i32
    %ne3A_132 = arith.cmpi ne, %rem3A_130, %ne3A_131 : i32
    %and3A_133 = arith.andi %ne3A_129, %ne3A_132 : i1
    %sub3A_134 = arith.constant 1 : i32
    %sub3A_135 = arith.subi %div3A_114, %sub3A_134 : i32
    %select_n3A_136 = arith.select %and3A_133, %sub3A_135, %div3A_114 : i32
    %while3A_137 = arith.constant 0 : i32
    %while3A_138 = arith.constant 0 : i32
    %while3A_139 = arith.subi %select_n3A_136, %while3A_138 : i32
    %while3A_140 = arith.addi %while3A_138, %while3A_139 : i32
    %while3A_141 = arith.constant 1 : i32
    %while3A_142 = arith.divsi %while3A_139, %while3A_141 : i32
    %while3A_143 = arith.muli %while3A_142, %while3A_141 : i32
    %while3A_144 = arith.addi %while3A_138, %while3A_143 : i32
    %while3A_145 = arith.constant 1 : i32
    scf.for %while3A_873 = %while3A_138 to %while3A_144 step %while3A_145  : i32 {
      %mul3A_874 = arith.constant 16 : i32
      %mul3A_875 = arith.muli %while3A_873, %mul3A_874 : i32
      %get3A_876 = arith.index_cast %mul3A_875 : i32 to index
      %get3A_877 = tpu.vector_load %arg6[%get3A_876] {strides = array<i32>} : memref<32768xi32, #tpu.memory_space<vmem>>, vector<16xi32>,
      %bitcast3A_878 = vector.bitcast %get3A_877 : vector<16xi32> to vector<16xi32>
      %mul3A_879 = arith.constant 16 : i32
      %mul3A_880 = arith.muli %while3A_873, %mul3A_879 : i32
      %add3A_881 = vector.broadcast %mul3A_880 : i32 to vector<16xi32>
      %add3A_882 = arith.addi %add3A_881, %iota3A : vector<16xi32>
      %lt3A = vector.broadcast %reduce_max3A_110 : i32 to vector<16xi32>
      %lt3A_883 = arith.cmpi slt, %add3A_882, %lt3A : vector<16xi32>
      %sub3A_884 = vector.broadcast %shift_left3A_30 : i32 to vector<16xi32>
      %sub3A_885 = arith.subi %bitcast3A_878, %sub3A_884 : vector<16xi32>
      %min3A = arith.constant 2097152 : i32
      %min3A_886 = vector.broadcast %min3A : i32 to vector<16xi32>
      %min3A_887 = arith.minui %sub3A_885, %min3A_886 : vector<16xi32>
      %sub3A_888 = vector.broadcast %shift_left3A_88 : i32 to vector<16xi32>
      %sub3A_889 = arith.subi %min3A_887, %sub3A_888 : vector<16xi32>
      %min3A_890 = arith.constant 1024 : i32
      %min3A_891 = vector.broadcast %min3A_890 : i32 to vector<16xi32>
      %min3A_892 = arith.minui %sub3A_889, %min3A_891 : vector<16xi32>
      %bitcast3A_893 = vector.bitcast %min3A_892 : vector<16xi32> to vector<16xi32>
      tpu.vector_store_idx %arg8[%bitcast3A_893], %broadcast_in_dim3A_0 masked %lt3A_883 {add = true} : memref<2064xi32, #tpu.memory_space<vmem>>[vector<16xi32>], vector<16xi32>, vector<16xi1>
    }
    %while3A_146 = arith.constant 1 : i32
    scf.for %while3A_873 = %while3A_144 to %while3A_140 step %while3A_146  : i32 {
      %mul3A_874 = arith.constant 16 : i32
      %mul3A_875 = arith.muli %while3A_873, %mul3A_874 : i32
      %get3A_876 = arith.index_cast %mul3A_875 : i32 to index
      %get3A_877 = tpu.vector_load %arg6[%get3A_876] {strides = array<i32>} : memref<32768xi32, #tpu.memory_space<vmem>>, vector<16xi32>,
      %bitcast3A_878 = vector.bitcast %get3A_877 : vector<16xi32> to vector<16xi32>
      %mul3A_879 = arith.constant 16 : i32
      %mul3A_880 = arith.muli %while3A_873, %mul3A_879 : i32
      %add3A_881 = vector.broadcast %mul3A_880 : i32 to vector<16xi32>
      %add3A_882 = arith.addi %add3A_881, %iota3A : vector<16xi32>
      %lt3A = vector.broadcast %reduce_max3A_110 : i32 to vector<16xi32>
      %lt3A_883 = arith.cmpi slt, %add3A_882, %lt3A : vector<16xi32>
      %sub3A_884 = vector.broadcast %shift_left3A_30 : i32 to vector<16xi32>
      %sub3A_885 = arith.subi %bitcast3A_878, %sub3A_884 : vector<16xi32>
      %min3A = arith.constant 2097152 : i32
      %min3A_886 = vector.broadcast %min3A : i32 to vector<16xi32>
      %min3A_887 = arith.minui %sub3A_885, %min3A_886 : vector<16xi32>
      %sub3A_888 = vector.broadcast %shift_left3A_88 : i32 to vector<16xi32>
      %sub3A_889 = arith.subi %min3A_887, %sub3A_888 : vector<16xi32>
      %min3A_890 = arith.constant 1024 : i32
      %min3A_891 = vector.broadcast %min3A_890 : i32 to vector<16xi32>
      %min3A_892 = arith.minui %sub3A_889, %min3A_891 : vector<16xi32>
      %bitcast3A_893 = vector.bitcast %min3A_892 : vector<16xi32> to vector<16xi32>
      tpu.vector_store_idx %arg8[%bitcast3A_893], %broadcast_in_dim3A_0 masked %lt3A_883 {add = true} : memref<2064xi32, #tpu.memory_space<vmem>>[vector<16xi32>], vector<16xi32>, vector<16xi1>
    }
    %while3A_147 = arith.constant 65 : i32
    %while3A_148 = arith.constant false
    %while3A_149 = arith.constant 0 : i32
    %while3A_150 = arith.constant 0 : i32
    %while3A_151 = arith.constant 0 : i32
    %while3A_152:5 = scf.while (%while3A_873 = %while3A_147, %while3A_874 = %while3A_148, %while3A_875 = %while3A_149, %while3A_876 = %while3A_150, %while3A_877 = %while3A_151) : (i32, i1, i32, i32, i32) -> (i32, i1, i32, i32, i32) {
      %ge3A = arith.constant 0 : i32
      %ge3A_878 = arith.cmpi sge, %while3A_873, %ge3A : i32
      %not3A = arith.constant true
      %not3A_879 = arith.xori %while3A_874, %not3A : i1
      %and3A_880 = arith.andi %ge3A_878, %not3A_879 : i1
      scf.condition(%and3A_880) %while3A_873, %while3A_874, %while3A_875, %while3A_876, %while3A_877 : i32, i1, i32, i32, i32
    } do {
    ^bb0(%while3A_873: i32, %while3A_874: i1, %while3A_875: i32, %while3A_876: i32, %while3A_877: i32):
      %mul3A_878 = arith.constant 16 : i32
      %mul3A_879 = arith.muli %while3A_873, %mul3A_878 : i32
      %get3A_880 = arith.index_cast %mul3A_879 : i32 to index
      %get3A_881 = tpu.vector_load %arg8[%get3A_880] {strides = array<i32>} : memref<2064xi32, #tpu.memory_space<vmem>>, vector<16xi32>,
      %rev3A = arith.constant 15 : i32
      %rev3A_882 = vector.broadcast %rev3A : i32 to vector<16xi32>
      %rev3A_883 = tpu.iota {dimensions = array<i32: 0>} : vector<16xi32>
      %rev3A_884 = arith.subi %rev3A_882, %rev3A_883 : vector<16xi32>
      %rev3A_885 = tpu.dynamic_gather %get3A_881[%rev3A_884] in [0] : vector<16xi32>, vector<16xi32> -> vector<16xi32>
      %broadcast_in_dim3A_886 = arith.constant true
      %broadcast_in_dim3A_887 = vector.broadcast %broadcast_in_dim3A_886 : i1 to vector<16xi1>
      %masked_cumsum3A = tpu.scan <sum>, %rev3A_885 masked %broadcast_in_dim3A_887 : vector<16xi32>, vector<16xi1> -> vector<16xi32>
      %add3A_888 = vector.broadcast %while3A_877 : i32 to vector<16xi32>
      %add3A_889 = arith.addi %add3A_888, %masked_cumsum3A : vector<16xi32>
      %ge3A = arith.constant 64 : i32
      %ge3A_890 = vector.broadcast %ge3A : i32 to vector<16xi32>
      %ge3A_891 = arith.cmpi sge, %add3A_889, %ge3A_890 : vector<16xi32>
      %convert_element_type3A = arith.extui %ge3A_891 : vector<16xi1> to vector<16xi32>
      %reduce_sum3A = arith.constant true
      %reduce_sum3A_892 = vector.broadcast %reduce_sum3A : i1 to vector<16xi1>
      %reduce_sum3A_893 = tpu.scan <sum>, %convert_element_type3A masked %reduce_sum3A_892 : vector<16xi32>, vector<16xi1> -> vector<16xi32>
      %reduce_sum3A_894 = vector.extract %reduce_sum3A_893[15] : i32 from vector<16xi32>
      %gt3A = arith.constant 0 : i32
      %gt3A_895 = arith.cmpi sgt, %reduce_sum3A_894, %gt3A : i32
      %convert_element_type3A_896 = arith.extui %gt3A_895 : i1 to i32
      %cond3A = arith.constant 0 : i32
      %cond3A_897 = arith.constant 0 : i32
      %cond3A_898 = arith.cmpi ne, %convert_element_type3A_896, %cond3A_897 : i32
      %cond3A_899:3 = scf.if %cond3A_898 -> (i32, i32, i32) {
        %sub3A_902 = arith.constant 16 : i32
        %sub3A_903 = arith.subi %sub3A_902, %reduce_sum3A_894 : i32
        %eq3A_904 = vector.broadcast %sub3A_903 : i32 to vector<16xi32>
        %eq3A_905 = arith.cmpi eq, %iota3A, %eq3A_904 : vector<16xi32>
        %jit3A_906 = arith.constant 0 : i32
        %broadcast_in_dim3A_907 = vector.broadcast %jit3A_906 : i32 to vector<16xi32>
        %select_n3A_908 = arith.select %eq3A_905, %masked_cumsum3A, %broadcast_in_dim3A_907 : vector<16xi1>, vector<16xi32>
        %reduce_sum3A_909 = arith.constant true
        %reduce_sum3A_910 = vector.broadcast %reduce_sum3A_909 : i1 to vector<16xi1>
        %reduce_sum3A_911 = tpu.scan <sum>, %select_n3A_908 masked %reduce_sum3A_910 : vector<16xi32>, vector<16xi1> -> vector<16xi32>
        %reduce_sum3A_912 = vector.extract %reduce_sum3A_911[15] : i32 from vector<16xi32>
        %eq3A_913 = vector.broadcast %sub3A_903 : i32 to vector<16xi32>
        %eq3A_914 = arith.cmpi eq, %iota3A, %eq3A_913 : vector<16xi32>
        %jit3A_915 = arith.constant 0 : i32
        %broadcast_in_dim3A_916 = vector.broadcast %jit3A_915 : i32 to vector<16xi32>
        %select_n3A_917 = arith.select %eq3A_914, %rev3A_885, %broadcast_in_dim3A_916 : vector<16xi1>, vector<16xi32>
        %reduce_sum3A_918 = arith.constant true
        %reduce_sum3A_919 = vector.broadcast %reduce_sum3A_918 : i1 to vector<16xi1>
        %reduce_sum3A_920 = tpu.scan <sum>, %select_n3A_917 masked %reduce_sum3A_919 : vector<16xi32>, vector<16xi1> -> vector<16xi32>
        %reduce_sum3A_921 = vector.extract %reduce_sum3A_920[15] : i32 from vector<16xi32>
        %mul3A_922 = arith.constant 16 : i32
        %mul3A_923 = arith.muli %while3A_873, %mul3A_922 : i32
        %add3A_924 = arith.constant 15 : i32
        %add3A_925 = arith.addi %mul3A_923, %add3A_924 : i32
        %sub3A_926 = arith.subi %add3A_925, %sub3A_903 : i32
        %add3A_927 = arith.addi %while3A_877, %reduce_sum3A_912 : i32
        %sub3A_928 = arith.subi %add3A_927, %reduce_sum3A_921 : i32
        scf.yield %sub3A_926, %sub3A_928, %while3A_877 : i32, i32, i32
      } else {
        %reduce_sum3A_902 = arith.constant true
        %reduce_sum3A_903 = vector.broadcast %reduce_sum3A_902 : i1 to vector<16xi1>
        %reduce_sum3A_904 = tpu.scan <sum>, %get3A_881 masked %reduce_sum3A_903 : vector<16xi32>, vector<16xi1> -> vector<16xi32>
        %reduce_sum3A_905 = vector.extract %reduce_sum3A_904[15] : i32 from vector<16xi32>
        %add3A_906 = arith.addi %while3A_877, %reduce_sum3A_905 : i32
        scf.yield %while3A_875, %while3A_876, %add3A_906 : i32, i32, i32
      }
      %sub3A_900 = arith.constant 1 : i32
      %sub3A_901 = arith.subi %while3A_873, %sub3A_900 : i32
      %or3A = arith.ori %while3A_874, %gt3A_895 : i1
      scf.yield %sub3A_901, %or3A, %cond3A_899#0, %cond3A_899#1, %cond3A_899#2 : i32, i1, i32, i32, i32
    }
    %sub3A_153 = arith.constant 64 : i32
    %sub3A_154 = arith.subi %sub3A_153, %while3A_152#3 : i32
    %parallel_loop3A_155 = arith.constant 0 : i32
    %parallel_loop3A_156 = arith.constant 129 : i32
    %parallel_loop3A_157 = arith.constant 1 : i32
    scf.for %parallel_loop3A_873 = %parallel_loop3A_155 to %parallel_loop3A_156 step %parallel_loop3A_157  : i32 {
      %parallel_loop3A_874 = arith.constant 16 : i32
      %parallel_loop3A_875 = arith.muli %parallel_loop3A_873, %parallel_loop3A_874 : i32
      %parallel_loop3A_876 = arith.index_cast %parallel_loop3A_875 : i32 to index
      %parallel_loop3A_877 = tpu.vector_load %arg8[%parallel_loop3A_876] {strides = array<i32>} : memref<2064xi32, #tpu.memory_space<vmem>>, vector<16xi32>,
      tpu.vector_store %arg8[%parallel_loop3A_876], %broadcast_in_dim3A_2 {strides = array<i32>} : memref<2064xi32, #tpu.memory_space<vmem>>, vector<16xi32>,
    } {sc.loop_unroll_factor = 4 : i64, sc.parallel_access}
    %while3A_158 = arith.constant 0 : i32
    %while3A_159 = arith.subi %select_n3A_136, %while3A_158 : i32
    %while3A_160 = arith.addi %while3A_158, %while3A_159 : i32
    %while3A_161 = arith.constant 1 : i32
    %while3A_162 = arith.divsi %while3A_159, %while3A_161 : i32
    %while3A_163 = arith.muli %while3A_162, %while3A_161 : i32
    %while3A_164 = arith.addi %while3A_158, %while3A_163 : i32
    %while3A_165 = arith.constant 1 : i32
    %while3A_166:2 = scf.for %while3A_873 = %while3A_158 to %while3A_164 step %while3A_165 iter_args(%while3A_874 = %broadcast_in_dim3A_2, %while3A_875 = %broadcast_in_dim3A_2) -> (vector<16xi32>, vector<16xi32>)  : i32 {
      %mul3A_876 = arith.constant 16 : i32
      %mul3A_877 = arith.muli %while3A_873, %mul3A_876 : i32
      %get3A_878 = arith.index_cast %mul3A_877 : i32 to index
      %get3A_879 = tpu.vector_load %arg6[%get3A_878] {strides = array<i32>} : memref<32768xi32, #tpu.memory_space<vmem>>, vector<16xi32>,
      %bitcast3A_880 = vector.bitcast %get3A_879 : vector<16xi32> to vector<16xi32>
      %mul3A_881 = arith.constant 16 : i32
      %mul3A_882 = arith.muli %while3A_873, %mul3A_881 : i32
      %add3A_883 = vector.broadcast %mul3A_882 : i32 to vector<16xi32>
      %add3A_884 = arith.addi %add3A_883, %iota3A : vector<16xi32>
      %lt3A = vector.broadcast %reduce_max3A_110 : i32 to vector<16xi32>
      %lt3A_885 = arith.cmpi slt, %add3A_884, %lt3A : vector<16xi32>
      %sub3A_886 = vector.broadcast %shift_left3A_30 : i32 to vector<16xi32>
      %sub3A_887 = arith.subi %bitcast3A_880, %sub3A_886 : vector<16xi32>
      %min3A = arith.constant 2097152 : i32
      %min3A_888 = vector.broadcast %min3A : i32 to vector<16xi32>
      %min3A_889 = arith.minui %sub3A_887, %min3A_888 : vector<16xi32>
      %sub3A_890 = vector.broadcast %shift_left3A_88 : i32 to vector<16xi32>
      %sub3A_891 = arith.subi %min3A_889, %sub3A_890 : vector<16xi32>
      %min3A_892 = arith.constant 1024 : i32
      %min3A_893 = vector.broadcast %min3A_892 : i32 to vector<16xi32>
      %min3A_894 = arith.minui %sub3A_891, %min3A_893 : vector<16xi32>
      %gt3A = vector.broadcast %while3A_152#2 : i32 to vector<16xi32>
      %gt3A_895 = arith.cmpi ugt, %min3A_894, %gt3A : vector<16xi32>
      %and3A_896 = arith.andi %lt3A_885, %gt3A_895 : vector<16xi1>
      %eq3A_897 = vector.broadcast %while3A_152#2 : i32 to vector<16xi32>
      %eq3A_898 = arith.cmpi eq, %min3A_894, %eq3A_897 : vector<16xi32>
      %and3A_899 = arith.andi %lt3A_885, %eq3A_898 : vector<16xi1>
      %convert_element_type3A = arith.extui %and3A_899 : vector<16xi1> to vector<16xi32>
      %broadcast_in_dim3A_900 = arith.constant true
      %broadcast_in_dim3A_901 = vector.broadcast %broadcast_in_dim3A_900 : i1 to vector<16xi1>
      %masked_cumsum3A = tpu.scan <sum>, %convert_element_type3A masked %broadcast_in_dim3A_901 : vector<16xi32>, vector<16xi1> -> vector<16xi32>
      %add3A_902 = arith.addi %masked_cumsum3A, %while3A_875 : vector<16xi32>
      %le3A = vector.broadcast %sub3A_154 : i32 to vector<16xi32>
      %le3A_903 = arith.cmpi sle, %add3A_902, %le3A : vector<16xi32>
      %and3A_904 = arith.andi %and3A_899, %le3A_903 : vector<16xi1>
      %or3A = arith.ori %and3A_896, %and3A_904 : vector<16xi1>
      %convert_element_type3A_905 = arith.extui %or3A : vector<16xi1> to vector<16xi32>
      %broadcast_in_dim3A_906 = arith.constant true
      %broadcast_in_dim3A_907 = vector.broadcast %broadcast_in_dim3A_906 : i1 to vector<16xi1>
      %masked_cumsum3A_908 = tpu.scan <sum>, %convert_element_type3A_905 masked %broadcast_in_dim3A_907 : vector<16xi32>, vector<16xi1> -> vector<16xi32>
      %add3A_909 = arith.addi %while3A_874, %masked_cumsum3A_908 : vector<16xi32>
      %sub3A_910 = arith.constant 1 : i32
      %sub3A_911 = vector.broadcast %sub3A_910 : i32 to vector<16xi32>
      %sub3A_912 = arith.subi %add3A_909, %sub3A_911 : vector<16xi32>
      tpu.vector_store_idx %arg9[%sub3A_912], %get3A_879 masked %or3A : memref<64xi32, #tpu.memory_space<vmem>>[vector<16xi32>], vector<16xi32>, vector<16xi1>
      %mul3A_913 = arith.constant 16 : i32
      %mul3A_914 = arith.muli %while3A_873, %mul3A_913 : i32
      %get3A_915 = arith.index_cast %mul3A_914 : i32 to index
      %get3A_916 = tpu.vector_load %arg7[%get3A_915] {strides = array<i32>} : memref<32768xi32, #tpu.memory_space<vmem>>, vector<16xi32>,
      tpu.vector_store_idx %arg10[%sub3A_912], %get3A_916 masked %or3A : memref<64xi32, #tpu.memory_space<vmem>>[vector<16xi32>], vector<16xi32>, vector<16xi1>
      %all_reduce_population_count3A = tpu.all_reduce %or3A {dim = 0 : i64, kind = #tpu.reduction_kind<sum>} : vector<16xi1> -> vector<16xi32>
      %add3A_917 = arith.addi %while3A_874, %all_reduce_population_count3A : vector<16xi32>
      %all_reduce_population_count3A_918 = tpu.all_reduce %and3A_899 {dim = 0 : i64, kind = #tpu.reduction_kind<sum>} : vector<16xi1> -> vector<16xi32>
      %add3A_919 = arith.addi %while3A_875, %all_reduce_population_count3A_918 : vector<16xi32>
      scf.yield %add3A_917, %add3A_919 : vector<16xi32>, vector<16xi32>
    }
    %while3A_167 = arith.constant 1 : i32
    %while3A_168:2 = scf.for %while3A_873 = %while3A_164 to %while3A_160 step %while3A_167 iter_args(%while3A_874 = %while3A_166#0, %while3A_875 = %while3A_166#1) -> (vector<16xi32>, vector<16xi32>)  : i32 {
      %mul3A_876 = arith.constant 16 : i32
      %mul3A_877 = arith.muli %while3A_873, %mul3A_876 : i32
      %get3A_878 = arith.index_cast %mul3A_877 : i32 to index
      %get3A_879 = tpu.vector_load %arg6[%get3A_878] {strides = array<i32>} : memref<32768xi32, #tpu.memory_space<vmem>>, vector<16xi32>,
      %bitcast3A_880 = vector.bitcast %get3A_879 : vector<16xi32> to vector<16xi32>
      %mul3A_881 = arith.constant 16 : i32
      %mul3A_882 = arith.muli %while3A_873, %mul3A_881 : i32
      %add3A_883 = vector.broadcast %mul3A_882 : i32 to vector<16xi32>
      %add3A_884 = arith.addi %add3A_883, %iota3A : vector<16xi32>
      %lt3A = vector.broadcast %reduce_max3A_110 : i32 to vector<16xi32>
      %lt3A_885 = arith.cmpi slt, %add3A_884, %lt3A : vector<16xi32>
      %sub3A_886 = vector.broadcast %shift_left3A_30 : i32 to vector<16xi32>
      %sub3A_887 = arith.subi %bitcast3A_880, %sub3A_886 : vector<16xi32>
      %min3A = arith.constant 2097152 : i32
      %min3A_888 = vector.broadcast %min3A : i32 to vector<16xi32>
      %min3A_889 = arith.minui %sub3A_887, %min3A_888 : vector<16xi32>
      %sub3A_890 = vector.broadcast %shift_left3A_88 : i32 to vector<16xi32>
      %sub3A_891 = arith.subi %min3A_889, %sub3A_890 : vector<16xi32>
      %min3A_892 = arith.constant 1024 : i32
      %min3A_893 = vector.broadcast %min3A_892 : i32 to vector<16xi32>
      %min3A_894 = arith.minui %sub3A_891, %min3A_893 : vector<16xi32>
      %gt3A = vector.broadcast %while3A_152#2 : i32 to vector<16xi32>
      %gt3A_895 = arith.cmpi ugt, %min3A_894, %gt3A : vector<16xi32>
      %and3A_896 = arith.andi %lt3A_885, %gt3A_895 : vector<16xi1>
      %eq3A_897 = vector.broadcast %while3A_152#2 : i32 to vector<16xi32>
      %eq3A_898 = arith.cmpi eq, %min3A_894, %eq3A_897 : vector<16xi32>
      %and3A_899 = arith.andi %lt3A_885, %eq3A_898 : vector<16xi1>
      %convert_element_type3A = arith.extui %and3A_899 : vector<16xi1> to vector<16xi32>
      %broadcast_in_dim3A_900 = arith.constant true
      %broadcast_in_dim3A_901 = vector.broadcast %broadcast_in_dim3A_900 : i1 to vector<16xi1>
      %masked_cumsum3A = tpu.scan <sum>, %convert_element_type3A masked %broadcast_in_dim3A_901 : vector<16xi32>, vector<16xi1> -> vector<16xi32>
      %add3A_902 = arith.addi %masked_cumsum3A, %while3A_875 : vector<16xi32>
      %le3A = vector.broadcast %sub3A_154 : i32 to vector<16xi32>
      %le3A_903 = arith.cmpi sle, %add3A_902, %le3A : vector<16xi32>
      %and3A_904 = arith.andi %and3A_899, %le3A_903 : vector<16xi1>
      %or3A = arith.ori %and3A_896, %and3A_904 : vector<16xi1>
      %convert_element_type3A_905 = arith.extui %or3A : vector<16xi1> to vector<16xi32>
      %broadcast_in_dim3A_906 = arith.constant true
      %broadcast_in_dim3A_907 = vector.broadcast %broadcast_in_dim3A_906 : i1 to vector<16xi1>
      %masked_cumsum3A_908 = tpu.scan <sum>, %convert_element_type3A_905 masked %broadcast_in_dim3A_907 : vector<16xi32>, vector<16xi1> -> vector<16xi32>
      %add3A_909 = arith.addi %while3A_874, %masked_cumsum3A_908 : vector<16xi32>
      %sub3A_910 = arith.constant 1 : i32
      %sub3A_911 = vector.broadcast %sub3A_910 : i32 to vector<16xi32>
      %sub3A_912 = arith.subi %add3A_909, %sub3A_911 : vector<16xi32>
      tpu.vector_store_idx %arg9[%sub3A_912], %get3A_879 masked %or3A : memref<64xi32, #tpu.memory_space<vmem>>[vector<16xi32>], vector<16xi32>, vector<16xi1>
      %mul3A_913 = arith.constant 16 : i32
      %mul3A_914 = arith.muli %while3A_873, %mul3A_913 : i32
      %get3A_915 = arith.index_cast %mul3A_914 : i32 to index
      %get3A_916 = tpu.vector_load %arg7[%get3A_915] {strides = array<i32>} : memref<32768xi32, #tpu.memory_space<vmem>>, vector<16xi32>,
      tpu.vector_store_idx %arg10[%sub3A_912], %get3A_916 masked %or3A : memref<64xi32, #tpu.memory_space<vmem>>[vector<16xi32>], vector<16xi32>, vector<16xi1>
      %all_reduce_population_count3A = tpu.all_reduce %or3A {dim = 0 : i64, kind = #tpu.reduction_kind<sum>} : vector<16xi1> -> vector<16xi32>
      %add3A_917 = arith.addi %while3A_874, %all_reduce_population_count3A : vector<16xi32>
      %all_reduce_population_count3A_918 = tpu.all_reduce %and3A_899 {dim = 0 : i64, kind = #tpu.reduction_kind<sum>} : vector<16xi1> -> vector<16xi32>
      %add3A_919 = arith.addi %while3A_875, %all_reduce_population_count3A_918 : vector<16xi32>
      scf.yield %add3A_917, %add3A_919 : vector<16xi32>, vector<16xi32>
    }
    %eq3A = arith.constant 0 : i32
    %eq3A_169 = vector.broadcast %eq3A : i32 to vector<16xi32>
    %eq3A_170 = arith.cmpi eq, %iota3A, %eq3A_169 : vector<16xi32>
    %get3A = arith.constant 0 : index
    %get3A_171 = tpu.vector_load %arg9[%get3A] {strides = array<i32>} : memref<64xi32, #tpu.memory_space<vmem>>, vector<16xi32>,
    %bitcast3A = vector.bitcast %get3A_171 : vector<16xi32> to vector<16xi32>
    %get3A_172 = arith.constant 16 : index
    %get3A_173 = tpu.vector_load %arg9[%get3A_172] {strides = array<i32>} : memref<64xi32, #tpu.memory_space<vmem>>, vector<16xi32>,
    %bitcast3A_174 = vector.bitcast %get3A_173 : vector<16xi32> to vector<16xi32>
    %get3A_175 = arith.constant 32 : index
    %get3A_176 = tpu.vector_load %arg9[%get3A_175] {strides = array<i32>} : memref<64xi32, #tpu.memory_space<vmem>>, vector<16xi32>,
    %bitcast3A_177 = vector.bitcast %get3A_176 : vector<16xi32> to vector<16xi32>
    %get3A_178 = arith.constant 48 : index
    %get3A_179 = tpu.vector_load %arg9[%get3A_178] {strides = array<i32>} : memref<64xi32, #tpu.memory_space<vmem>>, vector<16xi32>,
    %bitcast3A_180 = vector.bitcast %get3A_179 : vector<16xi32> to vector<16xi32>
    %get3A_181 = arith.constant 0 : index
    %get3A_182 = tpu.vector_load %arg10[%get3A_181] {strides = array<i32>} : memref<64xi32, #tpu.memory_space<vmem>>, vector<16xi32>,
    %get3A_183 = arith.constant 16 : index
    %get3A_184 = tpu.vector_load %arg10[%get3A_183] {strides = array<i32>} : memref<64xi32, #tpu.memory_space<vmem>>, vector<16xi32>,
    %get3A_185 = arith.constant 32 : index
    %get3A_186 = tpu.vector_load %arg10[%get3A_185] {strides = array<i32>} : memref<64xi32, #tpu.memory_space<vmem>>, vector<16xi32>,
    %get3A_187 = arith.constant 48 : index
    %get3A_188 = tpu.vector_load %arg10[%get3A_187] {strides = array<i32>} : memref<64xi32, #tpu.memory_space<vmem>>, vector<16xi32>,
    %scan3A = arith.constant 0 : i32
    %scan3A_189 = arith.constant 64 : i32
    %scan3A_190 = arith.addi %scan3A, %scan3A_189 : i32
    %scan3A_191 = arith.constant 1 : i32
    %scan3A_192:8 = scf.for %scan3A_873 = %scan3A to %scan3A_190 step %scan3A_191 iter_args(%scan3A_874 = %bitcast3A, %scan3A_875 = %bitcast3A_174, %scan3A_876 = %bitcast3A_177, %scan3A_877 = %bitcast3A_180, %scan3A_878 = %get3A_182, %scan3A_879 = %get3A_184, %scan3A_880 = %get3A_186, %scan3A_881 = %get3A_188) -> (vector<16xi32>, vector<16xi32>, vector<16xi32>, vector<16xi32>, vector<16xi32>, vector<16xi32>, vector<16xi32>, vector<16xi32>)  : i32 {
      %max3A = arith.maxui %scan3A_874, %scan3A_875 : vector<16xi32>
      %max3A_882 = arith.maxui %scan3A_876, %scan3A_877 : vector<16xi32>
      %max3A_883 = arith.maxui %max3A, %max3A_882 : vector<16xi32>
      %broadcast_in_dim3A_884 = arith.constant true
      %broadcast_in_dim3A_885 = vector.broadcast %broadcast_in_dim3A_884 : i1 to vector<16xi1>
      %masked_cummax3A = tpu.scan <max>, %max3A_883 masked %broadcast_in_dim3A_885 : vector<16xi32>, vector<16xi1> -> vector<16xi32>
      %broadcast_in_dim3A_886 = arith.constant 15 : i32
      %broadcast_in_dim3A_887 = vector.broadcast %broadcast_in_dim3A_886 : i32 to vector<16x1xi32>
      %gather3A = vector.shape_cast %broadcast_in_dim3A_887 : vector<16x1xi32> to vector<16xi32>
      %gather3A_888 = tpu.dynamic_gather %masked_cummax3A[%gather3A] in [0] : vector<16xi32>, vector<16xi32> -> vector<16xi32>
      %eq3A_889 = arith.cmpi eq, %scan3A_874, %gather3A_888 : vector<16xi32>
      %jit3A_890 = arith.constant 2147483647 : i32
      %broadcast_in_dim3A_891 = vector.broadcast %jit3A_890 : i32 to vector<16xi32>
      %select_n3A_892 = arith.select %eq3A_889, %scan3A_878, %broadcast_in_dim3A_891 : vector<16xi1>, vector<16xi32>
      %eq3A_893 = arith.cmpi eq, %scan3A_875, %gather3A_888 : vector<16xi32>
      %jit3A_894 = arith.constant 2147483647 : i32
      %broadcast_in_dim3A_895 = vector.broadcast %jit3A_894 : i32 to vector<16xi32>
      %select_n3A_896 = arith.select %eq3A_893, %scan3A_879, %broadcast_in_dim3A_895 : vector<16xi1>, vector<16xi32>
      %eq3A_897 = arith.cmpi eq, %scan3A_876, %gather3A_888 : vector<16xi32>
      %jit3A_898 = arith.constant 2147483647 : i32
      %broadcast_in_dim3A_899 = vector.broadcast %jit3A_898 : i32 to vector<16xi32>
      %select_n3A_900 = arith.select %eq3A_897, %scan3A_880, %broadcast_in_dim3A_899 : vector<16xi1>, vector<16xi32>
      %min3A = arith.minsi %select_n3A_892, %select_n3A_896 : vector<16xi32>
      %eq3A_901 = arith.cmpi eq, %scan3A_877, %gather3A_888 : vector<16xi32>
      %jit3A_902 = arith.constant 2147483647 : i32
      %broadcast_in_dim3A_903 = vector.broadcast %jit3A_902 : i32 to vector<16xi32>
      %select_n3A_904 = arith.select %eq3A_901, %scan3A_881, %broadcast_in_dim3A_903 : vector<16xi1>, vector<16xi32>
      %min3A_905 = arith.minsi %select_n3A_900, %select_n3A_904 : vector<16xi32>
      %min3A_906 = arith.minsi %min3A, %min3A_905 : vector<16xi32>
      %neg3A = arith.constant 0 : i32
      %neg3A_907 = vector.broadcast %neg3A : i32 to vector<16xi32>
      %neg3A_908 = arith.subi %neg3A_907, %min3A_906 : vector<16xi32>
      %broadcast_in_dim3A_909 = arith.constant true
      %broadcast_in_dim3A_910 = vector.broadcast %broadcast_in_dim3A_909 : i1 to vector<16xi1>
      %masked_cummax3A_911 = arith.constant -2147483648 : i32
      %masked_cummax3A_912 = vector.broadcast %masked_cummax3A_911 : i32 to vector<16xi32>
      %masked_cummax3A_913 = arith.xori %neg3A_908, %masked_cummax3A_912 : vector<16xi32>
      %masked_cummax3A_914 = tpu.scan <max>, %masked_cummax3A_913 masked %broadcast_in_dim3A_910 : vector<16xi32>, vector<16xi1> -> vector<16xi32>
      %masked_cummax3A_915 = arith.xori %masked_cummax3A_914, %masked_cummax3A_912 : vector<16xi32>
      %broadcast_in_dim3A_916 = arith.constant 15 : i32
      %broadcast_in_dim3A_917 = vector.broadcast %broadcast_in_dim3A_916 : i32 to vector<16x1xi32>
      %gather3A_918 = vector.shape_cast %broadcast_in_dim3A_917 : vector<16x1xi32> to vector<16xi32>
      %gather3A_919 = tpu.dynamic_gather %masked_cummax3A_915[%gather3A_918] in [0] : vector<16xi32>, vector<16xi32> -> vector<16xi32>
      %neg3A_920 = arith.constant 0 : i32
      %neg3A_921 = vector.broadcast %neg3A_920 : i32 to vector<16xi32>
      %neg3A_922 = arith.subi %neg3A_921, %gather3A_919 : vector<16xi32>
      %bitcast3A_923 = vector.bitcast %gather3A_888 : vector<16xi32> to vector<16xi32>
      %shift_right_arithmetic3A = arith.constant 31 : i32
      %shift_right_arithmetic3A_924 = vector.broadcast %shift_right_arithmetic3A : i32 to vector<16xi32>
      %shift_right_arithmetic3A_925 = arith.shrsi %bitcast3A_923, %shift_right_arithmetic3A_924 : vector<16xi32>
      %not3A = arith.constant dense<-1> : vector<16xi32>
      %not3A_926 = arith.xori %shift_right_arithmetic3A_925, %not3A : vector<16xi32>
      %or3A = arith.constant -2147483648 : i32
      %or3A_927 = vector.broadcast %or3A : i32 to vector<16xi32>
      %or3A_928 = arith.ori %not3A_926, %or3A_927 : vector<16xi32>
      %xor3A = arith.xori %bitcast3A_923, %or3A_928 : vector<16xi32>
      %broadcast_in_dim3A_929 = vector.broadcast %scan3A_873 : i32 to vector<16xi32>
      %bitcast3A_930 = vector.bitcast %xor3A : vector<16xi32> to vector<16xf32>
      tpu.vector_store_idx %arg11[%broadcast_in_dim3A_929], %bitcast3A_930 masked %eq3A_170 : memref<64xf32, #tpu.memory_space<vmem>>[vector<16xi32>], vector<16xf32>, vector<16xi1>
      tpu.vector_store_idx %arg12[%broadcast_in_dim3A_929], %neg3A_922 masked %eq3A_170 : memref<64xi32, #tpu.memory_space<vmem>>[vector<16xi32>], vector<16xi32>, vector<16xi1>
      %eq3A_931 = arith.cmpi eq, %scan3A_878, %neg3A_922 : vector<16xi32>
      %eq3A_932 = arith.cmpi eq, %scan3A_879, %neg3A_922 : vector<16xi32>
      %eq3A_933 = arith.cmpi eq, %scan3A_880, %neg3A_922 : vector<16xi32>
      %eq3A_934 = arith.cmpi eq, %scan3A_881, %neg3A_922 : vector<16xi32>
      %jit3A_935 = arith.constant 0 : i32
      %broadcast_in_dim3A_936 = vector.broadcast %jit3A_935 : i32 to vector<16xi32>
      %select_n3A_937 = arith.select %eq3A_931, %broadcast_in_dim3A_936, %scan3A_874 : vector<16xi1>, vector<16xi32>
      %jit3A_938 = arith.constant 0 : i32
      %broadcast_in_dim3A_939 = vector.broadcast %jit3A_938 : i32 to vector<16xi32>
      %select_n3A_940 = arith.select %eq3A_932, %broadcast_in_dim3A_939, %scan3A_875 : vector<16xi1>, vector<16xi32>
      %jit3A_941 = arith.constant 0 : i32
      %broadcast_in_dim3A_942 = vector.broadcast %jit3A_941 : i32 to vector<16xi32>
      %select_n3A_943 = arith.select %eq3A_933, %broadcast_in_dim3A_942, %scan3A_876 : vector<16xi1>, vector<16xi32>
      %jit3A_944 = arith.constant 0 : i32
      %broadcast_in_dim3A_945 = vector.broadcast %jit3A_944 : i32 to vector<16xi32>
      %select_n3A_946 = arith.select %eq3A_934, %broadcast_in_dim3A_945, %scan3A_877 : vector<16xi1>, vector<16xi32>
      %jit3A_947 = arith.constant 2147483647 : i32
      %broadcast_in_dim3A_948 = vector.broadcast %jit3A_947 : i32 to vector<16xi32>
      %select_n3A_949 = arith.select %eq3A_931, %broadcast_in_dim3A_948, %scan3A_878 : vector<16xi1>, vector<16xi32>
      %jit3A_950 = arith.constant 2147483647 : i32
      %broadcast_in_dim3A_951 = vector.broadcast %jit3A_950 : i32 to vector<16xi32>
      %select_n3A_952 = arith.select %eq3A_932, %broadcast_in_dim3A_951, %scan3A_879 : vector<16xi1>, vector<16xi32>
      %jit3A_953 = arith.constant 2147483647 : i32
      %broadcast_in_dim3A_954 = vector.broadcast %jit3A_953 : i32 to vector<16xi32>
      %select_n3A_955 = arith.select %eq3A_933, %broadcast_in_dim3A_954, %scan3A_880 : vector<16xi1>, vector<16xi32>
      %jit3A_956 = arith.constant 2147483647 : i32
      %broadcast_in_dim3A_957 = vector.broadcast %jit3A_956 : i32 to vector<16xi32>
      %select_n3A_958 = arith.select %eq3A_934, %broadcast_in_dim3A_957, %scan3A_881 : vector<16xi1>, vector<16xi32>
      scf.yield %select_n3A_937, %select_n3A_940, %select_n3A_943, %select_n3A_946, %select_n3A_949, %select_n3A_952, %select_n3A_955, %select_n3A_958 : vector<16xi32>, vector<16xi32>, vector<16xi32>, vector<16xi32>, vector<16xi32>, vector<16xi32>, vector<16xi32>, vector<16xi32>
    }
    %scan3A_193 = arith.constant 64 : i32
    %dma_start3A_194 = arith.constant 0 : i32
    %dma_start3A_195 = tpu.memref_slice %arg3[%add3A_16, %dma_start3A_194] : memref<128x64xf32, #tpu.memory_space<hbm>> -> memref<1x64xf32, #tpu.memory_space<hbm>>
    %dma_start3A_196 = tpu.memref_squeeze %dma_start3A_195 : memref<1x64xf32, #tpu.memory_space<hbm>> -> memref<64xf32, #tpu.memory_space<hbm>>
    %dma_start3A_197 = arith.constant 0 : i32
    %dma_start3A_198 = tpu.memref_slice %arg3[%add3A_16, %dma_start3A_197] : memref<128x64xf32, #tpu.memory_space<hbm>> -> memref<1x64xf32, #tpu.memory_space<hbm>>
    %dma_start3A_199 = tpu.memref_squeeze %dma_start3A_198 : memref<1x64xf32, #tpu.memory_space<hbm>> -> memref<64xf32, #tpu.memory_space<hbm>>
    tpu.enqueue_dma source(%arg11 : memref<64xf32, #tpu.memory_space<vmem>>) target(%dma_start3A_199 : memref<64xf32, #tpu.memory_space<hbm>>) target_semaphore(%arg14 : memref<!tpu.dma_semaphore, #tpu.memory_space<semaphore_mem>>)
    %dma_start3A_200 = arith.constant 0 : i32
    %dma_start3A_201 = tpu.memref_slice %arg4[%add3A_16, %dma_start3A_200] : memref<128x64xi32, #tpu.memory_space<hbm>> -> memref<1x64xi32, #tpu.memory_space<hbm>>
    %dma_start3A_202 = tpu.memref_squeeze %dma_start3A_201 : memref<1x64xi32, #tpu.memory_space<hbm>> -> memref<64xi32, #tpu.memory_space<hbm>>
    %dma_start3A_203 = arith.constant 0 : i32
    %dma_start3A_204 = tpu.memref_slice %arg4[%add3A_16, %dma_start3A_203] : memref<128x64xi32, #tpu.memory_space<hbm>> -> memref<1x64xi32, #tpu.memory_space<hbm>>
    %dma_start3A_205 = tpu.memref_squeeze %dma_start3A_204 : memref<1x64xi32, #tpu.memory_space<hbm>> -> memref<64xi32, #tpu.memory_space<hbm>>
    tpu.enqueue_dma source(%arg12 : memref<64xi32, #tpu.memory_space<vmem>>) target(%dma_start3A_205 : memref<64xi32, #tpu.memory_space<hbm>>) target_semaphore(%arg14 : memref<!tpu.dma_semaphore, #tpu.memory_space<semaphore_mem>>)
    %mul3A_206 = arith.constant 4 : i32
    %mul3A_207 = arith.muli %add3A, %mul3A_206 : i32
    %add3A_208 = arith.constant 1 : i32
    %add3A_209 = arith.addi %mul3A_207, %add3A_208 : i32
    %dma_wait3A_210 = arith.constant 0 : i32
    %dma_wait3A_211 = tpu.memref_slice %arg2[%add3A_64, %dma_wait3A_210] : memref<128x32768xf32, #tpu.memory_space<hbm>> -> memref<1x32768xf32, #tpu.memory_space<hbm>>
    %dma_wait3A_212 = tpu.memref_squeeze %dma_wait3A_211 : memref<1x32768xf32, #tpu.memory_space<hbm>> -> memref<32768xf32, #tpu.memory_space<hbm>>
    %dma_wait3A_213 = arith.constant 0 : i32
    %dma_wait3A_214 = tpu.memref_slice %arg2[%add3A_64, %dma_wait3A_213] : memref<128x32768xf32, #tpu.memory_space<hbm>> -> memref<1x32768xf32, #tpu.memory_space<hbm>>
    %dma_wait3A_215 = tpu.memref_squeeze %dma_wait3A_214 : memref<1x32768xf32, #tpu.memory_space<hbm>> -> memref<32768xf32, #tpu.memory_space<hbm>>
    tpu.wait_dma2 semaphore(%arg13 : memref<!tpu.dma_semaphore, #tpu.memory_space<semaphore_mem>>) src(%dma_wait3A_215 : memref<32768xf32, #tpu.memory_space<hbm>>) dst(%arg5 : memref<32768xf32, #tpu.memory_space<vmem>>)
    %parallel_loop3A_216 = arith.constant 0 : i32
    %parallel_loop3A_217 = arith.constant 2048 : i32
    %parallel_loop3A_218 = arith.constant 1 : i32
    scf.for %parallel_loop3A_873 = %parallel_loop3A_216 to %parallel_loop3A_217 step %parallel_loop3A_218  : i32 {
      %parallel_loop3A_874 = arith.constant 16 : i32
      %parallel_loop3A_875 = arith.muli %parallel_loop3A_873, %parallel_loop3A_874 : i32
      %parallel_loop3A_876 = arith.index_cast %parallel_loop3A_875 : i32 to index
      %parallel_loop3A_877 = tpu.vector_load %arg5[%parallel_loop3A_876] {strides = array<i32>} : memref<32768xf32, #tpu.memory_space<vmem>>, vector<16xf32>,
      %parallel_loop3A_878 = vector.bitcast %parallel_loop3A_877 : vector<16xf32> to vector<16xi32>
      %parallel_loop3A_879 = arith.constant 31 : i32
      %parallel_loop3A_880 = vector.broadcast %parallel_loop3A_879 : i32 to vector<16xi32>
      %parallel_loop3A_881 = arith.shrsi %parallel_loop3A_878, %parallel_loop3A_880 : vector<16xi32>
      %parallel_loop3A_882 = arith.constant -2147483648 : i32
      %parallel_loop3A_883 = vector.broadcast %parallel_loop3A_882 : i32 to vector<16xi32>
      %parallel_loop3A_884 = arith.ori %parallel_loop3A_881, %parallel_loop3A_883 : vector<16xi32>
      %parallel_loop3A_885 = arith.xori %parallel_loop3A_878, %parallel_loop3A_884 : vector<16xi32>
      %parallel_loop3A_886 = vector.bitcast %parallel_loop3A_885 : vector<16xi32> to vector<16xi32>
      %parallel_loop3A_887 = arith.constant 21 : i32
      %parallel_loop3A_888 = vector.broadcast %parallel_loop3A_887 : i32 to vector<16xi32>
      %parallel_loop3A_889 = arith.shrui %parallel_loop3A_886, %parallel_loop3A_888 : vector<16xi32>
      %parallel_loop3A_890 = vector.bitcast %parallel_loop3A_889 : vector<16xi32> to vector<16xi32>
      tpu.vector_store_idx %arg8[%parallel_loop3A_890], %broadcast_in_dim3A_0 {add = true} : memref<2064xi32, #tpu.memory_space<vmem>>[vector<16xi32>], vector<16xi32>,
    } {sc.loop_unroll_factor = 8 : i64, sc.parallel_access}
    %while3A_219 = arith.constant 127 : i32
    %while3A_220 = arith.constant false
    %while3A_221 = arith.constant 0 : i32
    %while3A_222 = arith.constant 0 : i32
    %while3A_223 = arith.constant 0 : i32
    %while3A_224:5 = scf.while (%while3A_873 = %while3A_219, %while3A_874 = %while3A_220, %while3A_875 = %while3A_221, %while3A_876 = %while3A_222, %while3A_877 = %while3A_223) : (i32, i1, i32, i32, i32) -> (i32, i1, i32, i32, i32) {
      %ge3A = arith.constant 0 : i32
      %ge3A_878 = arith.cmpi sge, %while3A_873, %ge3A : i32
      %not3A = arith.constant true
      %not3A_879 = arith.xori %while3A_874, %not3A : i1
      %and3A_880 = arith.andi %ge3A_878, %not3A_879 : i1
      scf.condition(%and3A_880) %while3A_873, %while3A_874, %while3A_875, %while3A_876, %while3A_877 : i32, i1, i32, i32, i32
    } do {
    ^bb0(%while3A_873: i32, %while3A_874: i1, %while3A_875: i32, %while3A_876: i32, %while3A_877: i32):
      %mul3A_878 = arith.constant 16 : i32
      %mul3A_879 = arith.muli %while3A_873, %mul3A_878 : i32
      %get3A_880 = arith.index_cast %mul3A_879 : i32 to index
      %get3A_881 = tpu.vector_load %arg8[%get3A_880] {strides = array<i32>} : memref<2064xi32, #tpu.memory_space<vmem>>, vector<16xi32>,
      %rev3A = arith.constant 15 : i32
      %rev3A_882 = vector.broadcast %rev3A : i32 to vector<16xi32>
      %rev3A_883 = tpu.iota {dimensions = array<i32: 0>} : vector<16xi32>
      %rev3A_884 = arith.subi %rev3A_882, %rev3A_883 : vector<16xi32>
      %rev3A_885 = tpu.dynamic_gather %get3A_881[%rev3A_884] in [0] : vector<16xi32>, vector<16xi32> -> vector<16xi32>
      %broadcast_in_dim3A_886 = arith.constant true
      %broadcast_in_dim3A_887 = vector.broadcast %broadcast_in_dim3A_886 : i1 to vector<16xi1>
      %masked_cumsum3A = tpu.scan <sum>, %rev3A_885 masked %broadcast_in_dim3A_887 : vector<16xi32>, vector<16xi1> -> vector<16xi32>
      %add3A_888 = vector.broadcast %while3A_877 : i32 to vector<16xi32>
      %add3A_889 = arith.addi %add3A_888, %masked_cumsum3A : vector<16xi32>
      %ge3A = arith.constant 64 : i32
      %ge3A_890 = vector.broadcast %ge3A : i32 to vector<16xi32>
      %ge3A_891 = arith.cmpi sge, %add3A_889, %ge3A_890 : vector<16xi32>
      %convert_element_type3A = arith.extui %ge3A_891 : vector<16xi1> to vector<16xi32>
      %reduce_sum3A = arith.constant true
      %reduce_sum3A_892 = vector.broadcast %reduce_sum3A : i1 to vector<16xi1>
      %reduce_sum3A_893 = tpu.scan <sum>, %convert_element_type3A masked %reduce_sum3A_892 : vector<16xi32>, vector<16xi1> -> vector<16xi32>
      %reduce_sum3A_894 = vector.extract %reduce_sum3A_893[15] : i32 from vector<16xi32>
      %gt3A = arith.constant 0 : i32
      %gt3A_895 = arith.cmpi sgt, %reduce_sum3A_894, %gt3A : i32
      %convert_element_type3A_896 = arith.extui %gt3A_895 : i1 to i32
      %cond3A = arith.constant 0 : i32
      %cond3A_897 = arith.constant 0 : i32
      %cond3A_898 = arith.cmpi ne, %convert_element_type3A_896, %cond3A_897 : i32
      %cond3A_899:3 = scf.if %cond3A_898 -> (i32, i32, i32) {
        %sub3A_902 = arith.constant 16 : i32
        %sub3A_903 = arith.subi %sub3A_902, %reduce_sum3A_894 : i32
        %eq3A_904 = vector.broadcast %sub3A_903 : i32 to vector<16xi32>
        %eq3A_905 = arith.cmpi eq, %iota3A, %eq3A_904 : vector<16xi32>
        %jit3A_906 = arith.constant 0 : i32
        %broadcast_in_dim3A_907 = vector.broadcast %jit3A_906 : i32 to vector<16xi32>
        %select_n3A_908 = arith.select %eq3A_905, %masked_cumsum3A, %broadcast_in_dim3A_907 : vector<16xi1>, vector<16xi32>
        %reduce_sum3A_909 = arith.constant true
        %reduce_sum3A_910 = vector.broadcast %reduce_sum3A_909 : i1 to vector<16xi1>
        %reduce_sum3A_911 = tpu.scan <sum>, %select_n3A_908 masked %reduce_sum3A_910 : vector<16xi32>, vector<16xi1> -> vector<16xi32>
        %reduce_sum3A_912 = vector.extract %reduce_sum3A_911[15] : i32 from vector<16xi32>
        %eq3A_913 = vector.broadcast %sub3A_903 : i32 to vector<16xi32>
        %eq3A_914 = arith.cmpi eq, %iota3A, %eq3A_913 : vector<16xi32>
        %jit3A_915 = arith.constant 0 : i32
        %broadcast_in_dim3A_916 = vector.broadcast %jit3A_915 : i32 to vector<16xi32>
        %select_n3A_917 = arith.select %eq3A_914, %rev3A_885, %broadcast_in_dim3A_916 : vector<16xi1>, vector<16xi32>
        %reduce_sum3A_918 = arith.constant true
        %reduce_sum3A_919 = vector.broadcast %reduce_sum3A_918 : i1 to vector<16xi1>
        %reduce_sum3A_920 = tpu.scan <sum>, %select_n3A_917 masked %reduce_sum3A_919 : vector<16xi32>, vector<16xi1> -> vector<16xi32>
        %reduce_sum3A_921 = vector.extract %reduce_sum3A_920[15] : i32 from vector<16xi32>
        %mul3A_922 = arith.constant 16 : i32
        %mul3A_923 = arith.muli %while3A_873, %mul3A_922 : i32
        %add3A_924 = arith.constant 15 : i32
        %add3A_925 = arith.addi %mul3A_923, %add3A_924 : i32
        %sub3A_926 = arith.subi %add3A_925, %sub3A_903 : i32
        %add3A_927 = arith.addi %while3A_877, %reduce_sum3A_912 : i32
        %sub3A_928 = arith.subi %add3A_927, %reduce_sum3A_921 : i32
        scf.yield %sub3A_926, %sub3A_928, %while3A_877 : i32, i32, i32
      } else {
        %reduce_sum3A_902 = arith.constant true
        %reduce_sum3A_903 = vector.broadcast %reduce_sum3A_902 : i1 to vector<16xi1>
        %reduce_sum3A_904 = tpu.scan <sum>, %get3A_881 masked %reduce_sum3A_903 : vector<16xi32>, vector<16xi1> -> vector<16xi32>
        %reduce_sum3A_905 = vector.extract %reduce_sum3A_904[15] : i32 from vector<16xi32>
        %add3A_906 = arith.addi %while3A_877, %reduce_sum3A_905 : i32
        scf.yield %while3A_875, %while3A_876, %add3A_906 : i32, i32, i32
      }
      %sub3A_900 = arith.constant 1 : i32
      %sub3A_901 = arith.subi %while3A_873, %sub3A_900 : i32
      %or3A = arith.ori %while3A_874, %gt3A_895 : i1
      scf.yield %sub3A_901, %or3A, %cond3A_899#0, %cond3A_899#1, %cond3A_899#2 : i32, i1, i32, i32, i32
    }
    %shift_left3A_225 = arith.constant 21 : i32
    %shift_left3A_226 = arith.shli %while3A_224#2, %shift_left3A_225 : i32
    %parallel_loop3A_227 = arith.constant 0 : i32
    %parallel_loop3A_228 = arith.constant 129 : i32
    %parallel_loop3A_229 = arith.constant 1 : i32
    scf.for %parallel_loop3A_873 = %parallel_loop3A_227 to %parallel_loop3A_228 step %parallel_loop3A_229  : i32 {
      %parallel_loop3A_874 = arith.constant 16 : i32
      %parallel_loop3A_875 = arith.muli %parallel_loop3A_873, %parallel_loop3A_874 : i32
      %parallel_loop3A_876 = arith.index_cast %parallel_loop3A_875 : i32 to index
      %parallel_loop3A_877 = tpu.vector_load %arg8[%parallel_loop3A_876] {strides = array<i32>} : memref<2064xi32, #tpu.memory_space<vmem>>, vector<16xi32>,
      tpu.vector_store %arg8[%parallel_loop3A_876], %broadcast_in_dim3A_2 {strides = array<i32>} : memref<2064xi32, #tpu.memory_space<vmem>>, vector<16xi32>,
    } {sc.loop_unroll_factor = 4 : i64, sc.parallel_access}
    %parallel_loop3A_230 = arith.constant 0 : i32
    %parallel_loop3A_231 = arith.constant 2048 : i32
    %parallel_loop3A_232 = arith.constant 1 : i32
    %parallel_loop3A_233 = scf.for %parallel_loop3A_873 = %parallel_loop3A_230 to %parallel_loop3A_231 step %parallel_loop3A_232 iter_args(%parallel_loop3A_874 = %broadcast_in_dim3A_2) -> (vector<16xi32>)  : i32 {
      %parallel_loop3A_875 = arith.constant 16 : i32
      %parallel_loop3A_876 = arith.muli %parallel_loop3A_873, %parallel_loop3A_875 : i32
      %parallel_loop3A_877 = arith.index_cast %parallel_loop3A_876 : i32 to index
      %parallel_loop3A_878 = tpu.vector_load %arg5[%parallel_loop3A_877] {strides = array<i32>} : memref<32768xf32, #tpu.memory_space<vmem>>, vector<16xf32>,
      %parallel_loop3A_879 = vector.bitcast %parallel_loop3A_878 : vector<16xf32> to vector<16xi32>
      %parallel_loop3A_880 = arith.constant 31 : i32
      %parallel_loop3A_881 = vector.broadcast %parallel_loop3A_880 : i32 to vector<16xi32>
      %parallel_loop3A_882 = arith.shrsi %parallel_loop3A_879, %parallel_loop3A_881 : vector<16xi32>
      %parallel_loop3A_883 = arith.constant -2147483648 : i32
      %parallel_loop3A_884 = vector.broadcast %parallel_loop3A_883 : i32 to vector<16xi32>
      %parallel_loop3A_885 = arith.ori %parallel_loop3A_882, %parallel_loop3A_884 : vector<16xi32>
      %parallel_loop3A_886 = arith.xori %parallel_loop3A_879, %parallel_loop3A_885 : vector<16xi32>
      %parallel_loop3A_887 = vector.bitcast %parallel_loop3A_886 : vector<16xi32> to vector<16xi32>
      %parallel_loop3A_888 = vector.broadcast %shift_left3A_226 : i32 to vector<16xi32>
      %parallel_loop3A_889 = arith.cmpi uge, %parallel_loop3A_887, %parallel_loop3A_888 : vector<16xi32>
      %parallel_loop3A_890 = arith.extui %parallel_loop3A_889 : vector<16xi1> to vector<16xi32>
      %parallel_loop3A_891 = arith.constant true
      %parallel_loop3A_892 = vector.broadcast %parallel_loop3A_891 : i1 to vector<16xi1>
      %parallel_loop3A_893 = tpu.scan <sum>, %parallel_loop3A_890 masked %parallel_loop3A_892 : vector<16xi32>, vector<16xi1> -> vector<16xi32>
      %parallel_loop3A_894 = arith.addi %parallel_loop3A_874, %parallel_loop3A_893 : vector<16xi32>
      %parallel_loop3A_895 = arith.constant 1 : i32
      %parallel_loop3A_896 = vector.broadcast %parallel_loop3A_895 : i32 to vector<16xi32>
      %parallel_loop3A_897 = arith.subi %parallel_loop3A_894, %parallel_loop3A_896 : vector<16xi32>
      %parallel_loop3A_898 = vector.bitcast %parallel_loop3A_887 : vector<16xi32> to vector<16xi32>
      tpu.vector_store_idx %arg6[%parallel_loop3A_897], %parallel_loop3A_898 masked %parallel_loop3A_889 : memref<32768xi32, #tpu.memory_space<vmem>>[vector<16xi32>], vector<16xi32>, vector<16xi1>
      %parallel_loop3A_899 = arith.constant 16 : i32
      %parallel_loop3A_900 = arith.muli %parallel_loop3A_873, %parallel_loop3A_899 : i32
      %parallel_loop3A_901 = vector.broadcast %parallel_loop3A_900 : i32 to vector<16xi32>
      %parallel_loop3A_902 = arith.addi %iota3A, %parallel_loop3A_901 : vector<16xi32>
      tpu.vector_store_idx %arg7[%parallel_loop3A_897], %parallel_loop3A_902 masked %parallel_loop3A_889 : memref<32768xi32, #tpu.memory_space<vmem>>[vector<16xi32>], vector<16xi32>, vector<16xi1>
      %parallel_loop3A_903 = tpu.all_reduce %parallel_loop3A_889 {dim = 0 : i64, kind = #tpu.reduction_kind<sum>} : vector<16xi1> -> vector<16xi32>
      %parallel_loop3A_904 = arith.addi %parallel_loop3A_874, %parallel_loop3A_903 : vector<16xi32>
      scf.yield %parallel_loop3A_904 : vector<16xi32>
    } {sc.loop_unroll_factor = 8 : i64, sc.parallel_access}
    %reduce_max3A_234 = arith.constant true
    %reduce_max3A_235 = vector.broadcast %reduce_max3A_234 : i1 to vector<16xi1>
    %reduce_max3A_236 = arith.constant -2147483648 : i32
    %reduce_max3A_237 = vector.broadcast %reduce_max3A_236 : i32 to vector<16xi32>
    %reduce_max3A_238 = arith.xori %parallel_loop3A_233, %reduce_max3A_237 : vector<16xi32>
    %reduce_max3A_239 = tpu.scan <max>, %reduce_max3A_238 masked %reduce_max3A_235 : vector<16xi32>, vector<16xi1> -> vector<16xi32>
    %reduce_max3A_240 = arith.xori %reduce_max3A_239, %reduce_max3A_237 : vector<16xi32>
    %reduce_max3A_241 = vector.extract %reduce_max3A_240[15] : i32 from vector<16xi32>
    %add3A_242 = arith.constant 15 : i32
    %add3A_243 = arith.addi %reduce_max3A_241, %add3A_242 : i32
    %jit3A_244 = arith.constant 16 : i32
    %div3A_245 = arith.divsi %add3A_243, %jit3A_244 : i32
    %sign3A_246 = arith.constant 0 : i32
    %sign3A_247 = arith.cmpi sgt, %add3A_243, %sign3A_246 : i32
    %sign3A_248 = arith.extui %sign3A_247 : i1 to i32
    %sign3A_249 = arith.constant 0 : i32
    %sign3A_250 = arith.cmpi slt, %add3A_243, %sign3A_249 : i32
    %sign3A_251 = arith.extui %sign3A_250 : i1 to i32
    %sign3A_252 = arith.subi %sign3A_248, %sign3A_251 : i32
    %sign3A_253 = arith.constant 0 : i32
    %sign3A_254 = arith.cmpi sgt, %jit3A_244, %sign3A_253 : i32
    %sign3A_255 = arith.extui %sign3A_254 : i1 to i32
    %sign3A_256 = arith.constant 0 : i32
    %sign3A_257 = arith.cmpi slt, %jit3A_244, %sign3A_256 : i32
    %sign3A_258 = arith.extui %sign3A_257 : i1 to i32
    %sign3A_259 = arith.subi %sign3A_255, %sign3A_258 : i32
    %ne3A_260 = arith.cmpi ne, %sign3A_252, %sign3A_259 : i32
    %rem3A_261 = arith.remsi %add3A_243, %jit3A_244 : i32
    %ne3A_262 = arith.constant 0 : i32
    %ne3A_263 = arith.cmpi ne, %rem3A_261, %ne3A_262 : i32
    %and3A_264 = arith.andi %ne3A_260, %ne3A_263 : i1
    %sub3A_265 = arith.constant 1 : i32
    %sub3A_266 = arith.subi %div3A_245, %sub3A_265 : i32
    %select_n3A_267 = arith.select %and3A_264, %sub3A_266, %div3A_245 : i32
    %add3A_268 = arith.constant 1 : i32
    %add3A_269 = arith.addi %add3A_209, %add3A_268 : i32
    %dma_start3A_270 = arith.constant 0 : i32
    %dma_start3A_271 = tpu.memref_slice %arg2[%add3A_269, %dma_start3A_270] : memref<128x32768xf32, #tpu.memory_space<hbm>> -> memref<1x32768xf32, #tpu.memory_space<hbm>>
    %dma_start3A_272 = tpu.memref_squeeze %dma_start3A_271 : memref<1x32768xf32, #tpu.memory_space<hbm>> -> memref<32768xf32, #tpu.memory_space<hbm>>
    %dma_start3A_273 = arith.constant 0 : i32
    %dma_start3A_274 = tpu.memref_slice %arg2[%add3A_269, %dma_start3A_273] : memref<128x32768xf32, #tpu.memory_space<hbm>> -> memref<1x32768xf32, #tpu.memory_space<hbm>>
    %dma_start3A_275 = tpu.memref_squeeze %dma_start3A_274 : memref<1x32768xf32, #tpu.memory_space<hbm>> -> memref<32768xf32, #tpu.memory_space<hbm>>
    tpu.enqueue_dma source(%dma_start3A_275 : memref<32768xf32, #tpu.memory_space<hbm>>) target(%arg5 : memref<32768xf32, #tpu.memory_space<vmem>>) target_semaphore(%arg13 : memref<!tpu.dma_semaphore, #tpu.memory_space<semaphore_mem>>)
    %while3A_276 = arith.constant 0 : i32
    %while3A_277 = arith.constant 0 : i32
    %while3A_278 = arith.subi %select_n3A_267, %while3A_277 : i32
    %while3A_279 = arith.addi %while3A_277, %while3A_278 : i32
    %while3A_280 = arith.constant 1 : i32
    %while3A_281 = arith.divsi %while3A_278, %while3A_280 : i32
    %while3A_282 = arith.muli %while3A_281, %while3A_280 : i32
    %while3A_283 = arith.addi %while3A_277, %while3A_282 : i32
    %while3A_284 = arith.constant 1 : i32
    scf.for %while3A_873 = %while3A_277 to %while3A_283 step %while3A_284  : i32 {
      %mul3A_874 = arith.constant 16 : i32
      %mul3A_875 = arith.muli %while3A_873, %mul3A_874 : i32
      %get3A_876 = arith.index_cast %mul3A_875 : i32 to index
      %get3A_877 = tpu.vector_load %arg6[%get3A_876] {strides = array<i32>} : memref<32768xi32, #tpu.memory_space<vmem>>, vector<16xi32>,
      %bitcast3A_878 = vector.bitcast %get3A_877 : vector<16xi32> to vector<16xi32>
      %mul3A_879 = arith.constant 16 : i32
      %mul3A_880 = arith.muli %while3A_873, %mul3A_879 : i32
      %add3A_881 = vector.broadcast %mul3A_880 : i32 to vector<16xi32>
      %add3A_882 = arith.addi %add3A_881, %iota3A : vector<16xi32>
      %lt3A = vector.broadcast %reduce_max3A_241 : i32 to vector<16xi32>
      %lt3A_883 = arith.cmpi slt, %add3A_882, %lt3A : vector<16xi32>
      %sub3A_884 = vector.broadcast %shift_left3A_226 : i32 to vector<16xi32>
      %sub3A_885 = arith.subi %bitcast3A_878, %sub3A_884 : vector<16xi32>
      %min3A = arith.constant 2097152 : i32
      %min3A_886 = vector.broadcast %min3A : i32 to vector<16xi32>
      %min3A_887 = arith.minui %sub3A_885, %min3A_886 : vector<16xi32>
      %shift_right_logical3A = arith.constant 10 : i32
      %shift_right_logical3A_888 = vector.broadcast %shift_right_logical3A : i32 to vector<16xi32>
      %shift_right_logical3A_889 = arith.shrui %min3A_887, %shift_right_logical3A_888 : vector<16xi32>
      %min3A_890 = arith.constant 2047 : i32
      %min3A_891 = vector.broadcast %min3A_890 : i32 to vector<16xi32>
      %min3A_892 = arith.minui %shift_right_logical3A_889, %min3A_891 : vector<16xi32>
      %bitcast3A_893 = vector.bitcast %min3A_892 : vector<16xi32> to vector<16xi32>
      tpu.vector_store_idx %arg8[%bitcast3A_893], %broadcast_in_dim3A_0 masked %lt3A_883 {add = true} : memref<2064xi32, #tpu.memory_space<vmem>>[vector<16xi32>], vector<16xi32>, vector<16xi1>
    }
    %while3A_285 = arith.constant 1 : i32
    scf.for %while3A_873 = %while3A_283 to %while3A_279 step %while3A_285  : i32 {
      %mul3A_874 = arith.constant 16 : i32
      %mul3A_875 = arith.muli %while3A_873, %mul3A_874 : i32
      %get3A_876 = arith.index_cast %mul3A_875 : i32 to index
      %get3A_877 = tpu.vector_load %arg6[%get3A_876] {strides = array<i32>} : memref<32768xi32, #tpu.memory_space<vmem>>, vector<16xi32>,
      %bitcast3A_878 = vector.bitcast %get3A_877 : vector<16xi32> to vector<16xi32>
      %mul3A_879 = arith.constant 16 : i32
      %mul3A_880 = arith.muli %while3A_873, %mul3A_879 : i32
      %add3A_881 = vector.broadcast %mul3A_880 : i32 to vector<16xi32>
      %add3A_882 = arith.addi %add3A_881, %iota3A : vector<16xi32>
      %lt3A = vector.broadcast %reduce_max3A_241 : i32 to vector<16xi32>
      %lt3A_883 = arith.cmpi slt, %add3A_882, %lt3A : vector<16xi32>
      %sub3A_884 = vector.broadcast %shift_left3A_226 : i32 to vector<16xi32>
      %sub3A_885 = arith.subi %bitcast3A_878, %sub3A_884 : vector<16xi32>
      %min3A = arith.constant 2097152 : i32
      %min3A_886 = vector.broadcast %min3A : i32 to vector<16xi32>
      %min3A_887 = arith.minui %sub3A_885, %min3A_886 : vector<16xi32>
      %shift_right_logical3A = arith.constant 10 : i32
      %shift_right_logical3A_888 = vector.broadcast %shift_right_logical3A : i32 to vector<16xi32>
      %shift_right_logical3A_889 = arith.shrui %min3A_887, %shift_right_logical3A_888 : vector<16xi32>
      %min3A_890 = arith.constant 2047 : i32
      %min3A_891 = vector.broadcast %min3A_890 : i32 to vector<16xi32>
      %min3A_892 = arith.minui %shift_right_logical3A_889, %min3A_891 : vector<16xi32>
      %bitcast3A_893 = vector.bitcast %min3A_892 : vector<16xi32> to vector<16xi32>
      tpu.vector_store_idx %arg8[%bitcast3A_893], %broadcast_in_dim3A_0 masked %lt3A_883 {add = true} : memref<2064xi32, #tpu.memory_space<vmem>>[vector<16xi32>], vector<16xi32>, vector<16xi1>
    }
    %while3A_286 = arith.constant 127 : i32
    %while3A_287 = arith.constant false
    %while3A_288 = arith.constant 0 : i32
    %while3A_289 = arith.constant 0 : i32
    %while3A_290 = arith.constant 0 : i32
    %while3A_291:5 = scf.while (%while3A_873 = %while3A_286, %while3A_874 = %while3A_287, %while3A_875 = %while3A_288, %while3A_876 = %while3A_289, %while3A_877 = %while3A_290) : (i32, i1, i32, i32, i32) -> (i32, i1, i32, i32, i32) {
      %ge3A = arith.constant 0 : i32
      %ge3A_878 = arith.cmpi sge, %while3A_873, %ge3A : i32
      %not3A = arith.constant true
      %not3A_879 = arith.xori %while3A_874, %not3A : i1
      %and3A_880 = arith.andi %ge3A_878, %not3A_879 : i1
      scf.condition(%and3A_880) %while3A_873, %while3A_874, %while3A_875, %while3A_876, %while3A_877 : i32, i1, i32, i32, i32
    } do {
    ^bb0(%while3A_873: i32, %while3A_874: i1, %while3A_875: i32, %while3A_876: i32, %while3A_877: i32):
      %mul3A_878 = arith.constant 16 : i32
      %mul3A_879 = arith.muli %while3A_873, %mul3A_878 : i32
      %get3A_880 = arith.index_cast %mul3A_879 : i32 to index
      %get3A_881 = tpu.vector_load %arg8[%get3A_880] {strides = array<i32>} : memref<2064xi32, #tpu.memory_space<vmem>>, vector<16xi32>,
      %rev3A = arith.constant 15 : i32
      %rev3A_882 = vector.broadcast %rev3A : i32 to vector<16xi32>
      %rev3A_883 = tpu.iota {dimensions = array<i32: 0>} : vector<16xi32>
      %rev3A_884 = arith.subi %rev3A_882, %rev3A_883 : vector<16xi32>
      %rev3A_885 = tpu.dynamic_gather %get3A_881[%rev3A_884] in [0] : vector<16xi32>, vector<16xi32> -> vector<16xi32>
      %broadcast_in_dim3A_886 = arith.constant true
      %broadcast_in_dim3A_887 = vector.broadcast %broadcast_in_dim3A_886 : i1 to vector<16xi1>
      %masked_cumsum3A = tpu.scan <sum>, %rev3A_885 masked %broadcast_in_dim3A_887 : vector<16xi32>, vector<16xi1> -> vector<16xi32>
      %add3A_888 = vector.broadcast %while3A_877 : i32 to vector<16xi32>
      %add3A_889 = arith.addi %add3A_888, %masked_cumsum3A : vector<16xi32>
      %ge3A = arith.constant 64 : i32
      %ge3A_890 = vector.broadcast %ge3A : i32 to vector<16xi32>
      %ge3A_891 = arith.cmpi sge, %add3A_889, %ge3A_890 : vector<16xi32>
      %convert_element_type3A = arith.extui %ge3A_891 : vector<16xi1> to vector<16xi32>
      %reduce_sum3A = arith.constant true
      %reduce_sum3A_892 = vector.broadcast %reduce_sum3A : i1 to vector<16xi1>
      %reduce_sum3A_893 = tpu.scan <sum>, %convert_element_type3A masked %reduce_sum3A_892 : vector<16xi32>, vector<16xi1> -> vector<16xi32>
      %reduce_sum3A_894 = vector.extract %reduce_sum3A_893[15] : i32 from vector<16xi32>
      %gt3A = arith.constant 0 : i32
      %gt3A_895 = arith.cmpi sgt, %reduce_sum3A_894, %gt3A : i32
      %convert_element_type3A_896 = arith.extui %gt3A_895 : i1 to i32
      %cond3A = arith.constant 0 : i32
      %cond3A_897 = arith.constant 0 : i32
      %cond3A_898 = arith.cmpi ne, %convert_element_type3A_896, %cond3A_897 : i32
      %cond3A_899:3 = scf.if %cond3A_898 -> (i32, i32, i32) {
        %sub3A_902 = arith.constant 16 : i32
        %sub3A_903 = arith.subi %sub3A_902, %reduce_sum3A_894 : i32
        %eq3A_904 = vector.broadcast %sub3A_903 : i32 to vector<16xi32>
        %eq3A_905 = arith.cmpi eq, %iota3A, %eq3A_904 : vector<16xi32>
        %jit3A_906 = arith.constant 0 : i32
        %broadcast_in_dim3A_907 = vector.broadcast %jit3A_906 : i32 to vector<16xi32>
        %select_n3A_908 = arith.select %eq3A_905, %masked_cumsum3A, %broadcast_in_dim3A_907 : vector<16xi1>, vector<16xi32>
        %reduce_sum3A_909 = arith.constant true
        %reduce_sum3A_910 = vector.broadcast %reduce_sum3A_909 : i1 to vector<16xi1>
        %reduce_sum3A_911 = tpu.scan <sum>, %select_n3A_908 masked %reduce_sum3A_910 : vector<16xi32>, vector<16xi1> -> vector<16xi32>
        %reduce_sum3A_912 = vector.extract %reduce_sum3A_911[15] : i32 from vector<16xi32>
        %eq3A_913 = vector.broadcast %sub3A_903 : i32 to vector<16xi32>
        %eq3A_914 = arith.cmpi eq, %iota3A, %eq3A_913 : vector<16xi32>
        %jit3A_915 = arith.constant 0 : i32
        %broadcast_in_dim3A_916 = vector.broadcast %jit3A_915 : i32 to vector<16xi32>
        %select_n3A_917 = arith.select %eq3A_914, %rev3A_885, %broadcast_in_dim3A_916 : vector<16xi1>, vector<16xi32>
        %reduce_sum3A_918 = arith.constant true
        %reduce_sum3A_919 = vector.broadcast %reduce_sum3A_918 : i1 to vector<16xi1>
        %reduce_sum3A_920 = tpu.scan <sum>, %select_n3A_917 masked %reduce_sum3A_919 : vector<16xi32>, vector<16xi1> -> vector<16xi32>
        %reduce_sum3A_921 = vector.extract %reduce_sum3A_920[15] : i32 from vector<16xi32>
        %mul3A_922 = arith.constant 16 : i32
        %mul3A_923 = arith.muli %while3A_873, %mul3A_922 : i32
        %add3A_924 = arith.constant 15 : i32
        %add3A_925 = arith.addi %mul3A_923, %add3A_924 : i32
        %sub3A_926 = arith.subi %add3A_925, %sub3A_903 : i32
        %add3A_927 = arith.addi %while3A_877, %reduce_sum3A_912 : i32
        %sub3A_928 = arith.subi %add3A_927, %reduce_sum3A_921 : i32
        scf.yield %sub3A_926, %sub3A_928, %while3A_877 : i32, i32, i32
      } else {
        %reduce_sum3A_902 = arith.constant true
        %reduce_sum3A_903 = vector.broadcast %reduce_sum3A_902 : i1 to vector<16xi1>
        %reduce_sum3A_904 = tpu.scan <sum>, %get3A_881 masked %reduce_sum3A_903 : vector<16xi32>, vector<16xi1> -> vector<16xi32>
        %reduce_sum3A_905 = vector.extract %reduce_sum3A_904[15] : i32 from vector<16xi32>
        %add3A_906 = arith.addi %while3A_877, %reduce_sum3A_905 : i32
        scf.yield %while3A_875, %while3A_876, %add3A_906 : i32, i32, i32
      }
      %sub3A_900 = arith.constant 1 : i32
      %sub3A_901 = arith.subi %while3A_873, %sub3A_900 : i32
      %or3A = arith.ori %while3A_874, %gt3A_895 : i1
      scf.yield %sub3A_901, %or3A, %cond3A_899#0, %cond3A_899#1, %cond3A_899#2 : i32, i1, i32, i32, i32
    }
    %shift_left3A_292 = arith.constant 10 : i32
    %shift_left3A_293 = arith.shli %while3A_291#2, %shift_left3A_292 : i32
    %parallel_loop3A_294 = arith.constant 0 : i32
    %parallel_loop3A_295 = arith.constant 129 : i32
    %parallel_loop3A_296 = arith.constant 1 : i32
    scf.for %parallel_loop3A_873 = %parallel_loop3A_294 to %parallel_loop3A_295 step %parallel_loop3A_296  : i32 {
      %parallel_loop3A_874 = arith.constant 16 : i32
      %parallel_loop3A_875 = arith.muli %parallel_loop3A_873, %parallel_loop3A_874 : i32
      %parallel_loop3A_876 = arith.index_cast %parallel_loop3A_875 : i32 to index
      %parallel_loop3A_877 = tpu.vector_load %arg8[%parallel_loop3A_876] {strides = array<i32>} : memref<2064xi32, #tpu.memory_space<vmem>>, vector<16xi32>,
      tpu.vector_store %arg8[%parallel_loop3A_876], %broadcast_in_dim3A_2 {strides = array<i32>} : memref<2064xi32, #tpu.memory_space<vmem>>, vector<16xi32>,
    } {sc.loop_unroll_factor = 4 : i64, sc.parallel_access}
    %while3A_297 = arith.constant 0 : i32
    %while3A_298 = arith.subi %select_n3A_267, %while3A_297 : i32
    %while3A_299 = arith.addi %while3A_297, %while3A_298 : i32
    %while3A_300 = arith.constant 1 : i32
    %while3A_301 = arith.divsi %while3A_298, %while3A_300 : i32
    %while3A_302 = arith.muli %while3A_301, %while3A_300 : i32
    %while3A_303 = arith.addi %while3A_297, %while3A_302 : i32
    %while3A_304 = arith.constant 1 : i32
    %while3A_305 = scf.for %while3A_873 = %while3A_297 to %while3A_303 step %while3A_304 iter_args(%while3A_874 = %broadcast_in_dim3A_2) -> (vector<16xi32>)  : i32 {
      %mul3A_875 = arith.constant 16 : i32
      %mul3A_876 = arith.muli %while3A_873, %mul3A_875 : i32
      %get3A_877 = arith.index_cast %mul3A_876 : i32 to index
      %get3A_878 = tpu.vector_load %arg6[%get3A_877] {strides = array<i32>} : memref<32768xi32, #tpu.memory_space<vmem>>, vector<16xi32>,
      %bitcast3A_879 = vector.bitcast %get3A_878 : vector<16xi32> to vector<16xi32>
      %mul3A_880 = arith.constant 16 : i32
      %mul3A_881 = arith.muli %while3A_873, %mul3A_880 : i32
      %add3A_882 = vector.broadcast %mul3A_881 : i32 to vector<16xi32>
      %add3A_883 = arith.addi %add3A_882, %iota3A : vector<16xi32>
      %lt3A = vector.broadcast %reduce_max3A_241 : i32 to vector<16xi32>
      %lt3A_884 = arith.cmpi slt, %add3A_883, %lt3A : vector<16xi32>
      %sub3A_885 = vector.broadcast %shift_left3A_226 : i32 to vector<16xi32>
      %sub3A_886 = arith.subi %bitcast3A_879, %sub3A_885 : vector<16xi32>
      %min3A = arith.constant 2097152 : i32
      %min3A_887 = vector.broadcast %min3A : i32 to vector<16xi32>
      %min3A_888 = arith.minui %sub3A_886, %min3A_887 : vector<16xi32>
      %ge3A = vector.broadcast %shift_left3A_293 : i32 to vector<16xi32>
      %ge3A_889 = arith.cmpi uge, %min3A_888, %ge3A : vector<16xi32>
      %and3A_890 = arith.andi %lt3A_884, %ge3A_889 : vector<16xi1>
      %convert_element_type3A = arith.extui %and3A_890 : vector<16xi1> to vector<16xi32>
      %broadcast_in_dim3A_891 = arith.constant true
      %broadcast_in_dim3A_892 = vector.broadcast %broadcast_in_dim3A_891 : i1 to vector<16xi1>
      %masked_cumsum3A = tpu.scan <sum>, %convert_element_type3A masked %broadcast_in_dim3A_892 : vector<16xi32>, vector<16xi1> -> vector<16xi32>
      %add3A_893 = arith.addi %while3A_874, %masked_cumsum3A : vector<16xi32>
      %sub3A_894 = arith.constant 1 : i32
      %sub3A_895 = vector.broadcast %sub3A_894 : i32 to vector<16xi32>
      %sub3A_896 = arith.subi %add3A_893, %sub3A_895 : vector<16xi32>
      tpu.vector_store_idx %arg6[%sub3A_896], %get3A_878 masked %and3A_890 : memref<32768xi32, #tpu.memory_space<vmem>>[vector<16xi32>], vector<16xi32>, vector<16xi1>
      %mul3A_897 = arith.constant 16 : i32
      %mul3A_898 = arith.muli %while3A_873, %mul3A_897 : i32
      %get3A_899 = arith.index_cast %mul3A_898 : i32 to index
      %get3A_900 = tpu.vector_load %arg7[%get3A_899] {strides = array<i32>} : memref<32768xi32, #tpu.memory_space<vmem>>, vector<16xi32>,
      tpu.vector_store_idx %arg7[%sub3A_896], %get3A_900 masked %and3A_890 : memref<32768xi32, #tpu.memory_space<vmem>>[vector<16xi32>], vector<16xi32>, vector<16xi1>
      %all_reduce_population_count3A = tpu.all_reduce %and3A_890 {dim = 0 : i64, kind = #tpu.reduction_kind<sum>} : vector<16xi1> -> vector<16xi32>
      %add3A_901 = arith.addi %while3A_874, %all_reduce_population_count3A : vector<16xi32>
      scf.yield %add3A_901 : vector<16xi32>
    }
    %while3A_306 = arith.constant 1 : i32
    %while3A_307 = scf.for %while3A_873 = %while3A_303 to %while3A_299 step %while3A_306 iter_args(%while3A_874 = %while3A_305) -> (vector<16xi32>)  : i32 {
      %mul3A_875 = arith.constant 16 : i32
      %mul3A_876 = arith.muli %while3A_873, %mul3A_875 : i32
      %get3A_877 = arith.index_cast %mul3A_876 : i32 to index
      %get3A_878 = tpu.vector_load %arg6[%get3A_877] {strides = array<i32>} : memref<32768xi32, #tpu.memory_space<vmem>>, vector<16xi32>,
      %bitcast3A_879 = vector.bitcast %get3A_878 : vector<16xi32> to vector<16xi32>
      %mul3A_880 = arith.constant 16 : i32
      %mul3A_881 = arith.muli %while3A_873, %mul3A_880 : i32
      %add3A_882 = vector.broadcast %mul3A_881 : i32 to vector<16xi32>
      %add3A_883 = arith.addi %add3A_882, %iota3A : vector<16xi32>
      %lt3A = vector.broadcast %reduce_max3A_241 : i32 to vector<16xi32>
      %lt3A_884 = arith.cmpi slt, %add3A_883, %lt3A : vector<16xi32>
      %sub3A_885 = vector.broadcast %shift_left3A_226 : i32 to vector<16xi32>
      %sub3A_886 = arith.subi %bitcast3A_879, %sub3A_885 : vector<16xi32>
      %min3A = arith.constant 2097152 : i32
      %min3A_887 = vector.broadcast %min3A : i32 to vector<16xi32>
      %min3A_888 = arith.minui %sub3A_886, %min3A_887 : vector<16xi32>
      %ge3A = vector.broadcast %shift_left3A_293 : i32 to vector<16xi32>
      %ge3A_889 = arith.cmpi uge, %min3A_888, %ge3A : vector<16xi32>
      %and3A_890 = arith.andi %lt3A_884, %ge3A_889 : vector<16xi1>
      %convert_element_type3A = arith.extui %and3A_890 : vector<16xi1> to vector<16xi32>
      %broadcast_in_dim3A_891 = arith.constant true
      %broadcast_in_dim3A_892 = vector.broadcast %broadcast_in_dim3A_891 : i1 to vector<16xi1>
      %masked_cumsum3A = tpu.scan <sum>, %convert_element_type3A masked %broadcast_in_dim3A_892 : vector<16xi32>, vector<16xi1> -> vector<16xi32>
      %add3A_893 = arith.addi %while3A_874, %masked_cumsum3A : vector<16xi32>
      %sub3A_894 = arith.constant 1 : i32
      %sub3A_895 = vector.broadcast %sub3A_894 : i32 to vector<16xi32>
      %sub3A_896 = arith.subi %add3A_893, %sub3A_895 : vector<16xi32>
      tpu.vector_store_idx %arg6[%sub3A_896], %get3A_878 masked %and3A_890 : memref<32768xi32, #tpu.memory_space<vmem>>[vector<16xi32>], vector<16xi32>, vector<16xi1>
      %mul3A_897 = arith.constant 16 : i32
      %mul3A_898 = arith.muli %while3A_873, %mul3A_897 : i32
      %get3A_899 = arith.index_cast %mul3A_898 : i32 to index
      %get3A_900 = tpu.vector_load %arg7[%get3A_899] {strides = array<i32>} : memref<32768xi32, #tpu.memory_space<vmem>>, vector<16xi32>,
      tpu.vector_store_idx %arg7[%sub3A_896], %get3A_900 masked %and3A_890 : memref<32768xi32, #tpu.memory_space<vmem>>[vector<16xi32>], vector<16xi32>, vector<16xi1>
      %all_reduce_population_count3A = tpu.all_reduce %and3A_890 {dim = 0 : i64, kind = #tpu.reduction_kind<sum>} : vector<16xi1> -> vector<16xi32>
      %add3A_901 = arith.addi %while3A_874, %all_reduce_population_count3A : vector<16xi32>
      scf.yield %add3A_901 : vector<16xi32>
    }
    %reduce_max3A_308 = arith.constant true
    %reduce_max3A_309 = vector.broadcast %reduce_max3A_308 : i1 to vector<16xi1>
    %reduce_max3A_310 = arith.constant -2147483648 : i32
    %reduce_max3A_311 = vector.broadcast %reduce_max3A_310 : i32 to vector<16xi32>
    %reduce_max3A_312 = arith.xori %while3A_307, %reduce_max3A_311 : vector<16xi32>
    %reduce_max3A_313 = tpu.scan <max>, %reduce_max3A_312 masked %reduce_max3A_309 : vector<16xi32>, vector<16xi1> -> vector<16xi32>
    %reduce_max3A_314 = arith.xori %reduce_max3A_313, %reduce_max3A_311 : vector<16xi32>
    %reduce_max3A_315 = vector.extract %reduce_max3A_314[15] : i32 from vector<16xi32>
    %add3A_316 = arith.constant 15 : i32
    %add3A_317 = arith.addi %reduce_max3A_315, %add3A_316 : i32
    %jit3A_318 = arith.constant 16 : i32
    %div3A_319 = arith.divsi %add3A_317, %jit3A_318 : i32
    %sign3A_320 = arith.constant 0 : i32
    %sign3A_321 = arith.cmpi sgt, %add3A_317, %sign3A_320 : i32
    %sign3A_322 = arith.extui %sign3A_321 : i1 to i32
    %sign3A_323 = arith.constant 0 : i32
    %sign3A_324 = arith.cmpi slt, %add3A_317, %sign3A_323 : i32
    %sign3A_325 = arith.extui %sign3A_324 : i1 to i32
    %sign3A_326 = arith.subi %sign3A_322, %sign3A_325 : i32
    %sign3A_327 = arith.constant 0 : i32
    %sign3A_328 = arith.cmpi sgt, %jit3A_318, %sign3A_327 : i32
    %sign3A_329 = arith.extui %sign3A_328 : i1 to i32
    %sign3A_330 = arith.constant 0 : i32
    %sign3A_331 = arith.cmpi slt, %jit3A_318, %sign3A_330 : i32
    %sign3A_332 = arith.extui %sign3A_331 : i1 to i32
    %sign3A_333 = arith.subi %sign3A_329, %sign3A_332 : i32
    %ne3A_334 = arith.cmpi ne, %sign3A_326, %sign3A_333 : i32
    %rem3A_335 = arith.remsi %add3A_317, %jit3A_318 : i32
    %ne3A_336 = arith.constant 0 : i32
    %ne3A_337 = arith.cmpi ne, %rem3A_335, %ne3A_336 : i32
    %and3A_338 = arith.andi %ne3A_334, %ne3A_337 : i1
    %sub3A_339 = arith.constant 1 : i32
    %sub3A_340 = arith.subi %div3A_319, %sub3A_339 : i32
    %select_n3A_341 = arith.select %and3A_338, %sub3A_340, %div3A_319 : i32
    %while3A_342 = arith.constant 0 : i32
    %while3A_343 = arith.constant 0 : i32
    %while3A_344 = arith.subi %select_n3A_341, %while3A_343 : i32
    %while3A_345 = arith.addi %while3A_343, %while3A_344 : i32
    %while3A_346 = arith.constant 1 : i32
    %while3A_347 = arith.divsi %while3A_344, %while3A_346 : i32
    %while3A_348 = arith.muli %while3A_347, %while3A_346 : i32
    %while3A_349 = arith.addi %while3A_343, %while3A_348 : i32
    %while3A_350 = arith.constant 1 : i32
    scf.for %while3A_873 = %while3A_343 to %while3A_349 step %while3A_350  : i32 {
      %mul3A_874 = arith.constant 16 : i32
      %mul3A_875 = arith.muli %while3A_873, %mul3A_874 : i32
      %get3A_876 = arith.index_cast %mul3A_875 : i32 to index
      %get3A_877 = tpu.vector_load %arg6[%get3A_876] {strides = array<i32>} : memref<32768xi32, #tpu.memory_space<vmem>>, vector<16xi32>,
      %bitcast3A_878 = vector.bitcast %get3A_877 : vector<16xi32> to vector<16xi32>
      %mul3A_879 = arith.constant 16 : i32
      %mul3A_880 = arith.muli %while3A_873, %mul3A_879 : i32
      %add3A_881 = vector.broadcast %mul3A_880 : i32 to vector<16xi32>
      %add3A_882 = arith.addi %add3A_881, %iota3A : vector<16xi32>
      %lt3A = vector.broadcast %reduce_max3A_315 : i32 to vector<16xi32>
      %lt3A_883 = arith.cmpi slt, %add3A_882, %lt3A : vector<16xi32>
      %sub3A_884 = vector.broadcast %shift_left3A_226 : i32 to vector<16xi32>
      %sub3A_885 = arith.subi %bitcast3A_878, %sub3A_884 : vector<16xi32>
      %min3A = arith.constant 2097152 : i32
      %min3A_886 = vector.broadcast %min3A : i32 to vector<16xi32>
      %min3A_887 = arith.minui %sub3A_885, %min3A_886 : vector<16xi32>
      %sub3A_888 = vector.broadcast %shift_left3A_293 : i32 to vector<16xi32>
      %sub3A_889 = arith.subi %min3A_887, %sub3A_888 : vector<16xi32>
      %min3A_890 = arith.constant 1024 : i32
      %min3A_891 = vector.broadcast %min3A_890 : i32 to vector<16xi32>
      %min3A_892 = arith.minui %sub3A_889, %min3A_891 : vector<16xi32>
      %bitcast3A_893 = vector.bitcast %min3A_892 : vector<16xi32> to vector<16xi32>
      tpu.vector_store_idx %arg8[%bitcast3A_893], %broadcast_in_dim3A_0 masked %lt3A_883 {add = true} : memref<2064xi32, #tpu.memory_space<vmem>>[vector<16xi32>], vector<16xi32>, vector<16xi1>
    }
    %while3A_351 = arith.constant 1 : i32
    scf.for %while3A_873 = %while3A_349 to %while3A_345 step %while3A_351  : i32 {
      %mul3A_874 = arith.constant 16 : i32
      %mul3A_875 = arith.muli %while3A_873, %mul3A_874 : i32
      %get3A_876 = arith.index_cast %mul3A_875 : i32 to index
      %get3A_877 = tpu.vector_load %arg6[%get3A_876] {strides = array<i32>} : memref<32768xi32, #tpu.memory_space<vmem>>, vector<16xi32>,
      %bitcast3A_878 = vector.bitcast %get3A_877 : vector<16xi32> to vector<16xi32>
      %mul3A_879 = arith.constant 16 : i32
      %mul3A_880 = arith.muli %while3A_873, %mul3A_879 : i32
      %add3A_881 = vector.broadcast %mul3A_880 : i32 to vector<16xi32>
      %add3A_882 = arith.addi %add3A_881, %iota3A : vector<16xi32>
      %lt3A = vector.broadcast %reduce_max3A_315 : i32 to vector<16xi32>
      %lt3A_883 = arith.cmpi slt, %add3A_882, %lt3A : vector<16xi32>
      %sub3A_884 = vector.broadcast %shift_left3A_226 : i32 to vector<16xi32>
      %sub3A_885 = arith.subi %bitcast3A_878, %sub3A_884 : vector<16xi32>
      %min3A = arith.constant 2097152 : i32
      %min3A_886 = vector.broadcast %min3A : i32 to vector<16xi32>
      %min3A_887 = arith.minui %sub3A_885, %min3A_886 : vector<16xi32>
      %sub3A_888 = vector.broadcast %shift_left3A_293 : i32 to vector<16xi32>
      %sub3A_889 = arith.subi %min3A_887, %sub3A_888 : vector<16xi32>
      %min3A_890 = arith.constant 1024 : i32
      %min3A_891 = vector.broadcast %min3A_890 : i32 to vector<16xi32>
      %min3A_892 = arith.minui %sub3A_889, %min3A_891 : vector<16xi32>
      %bitcast3A_893 = vector.bitcast %min3A_892 : vector<16xi32> to vector<16xi32>
      tpu.vector_store_idx %arg8[%bitcast3A_893], %broadcast_in_dim3A_0 masked %lt3A_883 {add = true} : memref<2064xi32, #tpu.memory_space<vmem>>[vector<16xi32>], vector<16xi32>, vector<16xi1>
    }
    %while3A_352 = arith.constant 65 : i32
    %while3A_353 = arith.constant false
    %while3A_354 = arith.constant 0 : i32
    %while3A_355 = arith.constant 0 : i32
    %while3A_356 = arith.constant 0 : i32
    %while3A_357:5 = scf.while (%while3A_873 = %while3A_352, %while3A_874 = %while3A_353, %while3A_875 = %while3A_354, %while3A_876 = %while3A_355, %while3A_877 = %while3A_356) : (i32, i1, i32, i32, i32) -> (i32, i1, i32, i32, i32) {
      %ge3A = arith.constant 0 : i32
      %ge3A_878 = arith.cmpi sge, %while3A_873, %ge3A : i32
      %not3A = arith.constant true
      %not3A_879 = arith.xori %while3A_874, %not3A : i1
      %and3A_880 = arith.andi %ge3A_878, %not3A_879 : i1
      scf.condition(%and3A_880) %while3A_873, %while3A_874, %while3A_875, %while3A_876, %while3A_877 : i32, i1, i32, i32, i32
    } do {
    ^bb0(%while3A_873: i32, %while3A_874: i1, %while3A_875: i32, %while3A_876: i32, %while3A_877: i32):
      %mul3A_878 = arith.constant 16 : i32
      %mul3A_879 = arith.muli %while3A_873, %mul3A_878 : i32
      %get3A_880 = arith.index_cast %mul3A_879 : i32 to index
      %get3A_881 = tpu.vector_load %arg8[%get3A_880] {strides = array<i32>} : memref<2064xi32, #tpu.memory_space<vmem>>, vector<16xi32>,
      %rev3A = arith.constant 15 : i32
      %rev3A_882 = vector.broadcast %rev3A : i32 to vector<16xi32>
      %rev3A_883 = tpu.iota {dimensions = array<i32: 0>} : vector<16xi32>
      %rev3A_884 = arith.subi %rev3A_882, %rev3A_883 : vector<16xi32>
      %rev3A_885 = tpu.dynamic_gather %get3A_881[%rev3A_884] in [0] : vector<16xi32>, vector<16xi32> -> vector<16xi32>
      %broadcast_in_dim3A_886 = arith.constant true
      %broadcast_in_dim3A_887 = vector.broadcast %broadcast_in_dim3A_886 : i1 to vector<16xi1>
      %masked_cumsum3A = tpu.scan <sum>, %rev3A_885 masked %broadcast_in_dim3A_887 : vector<16xi32>, vector<16xi1> -> vector<16xi32>
      %add3A_888 = vector.broadcast %while3A_877 : i32 to vector<16xi32>
      %add3A_889 = arith.addi %add3A_888, %masked_cumsum3A : vector<16xi32>
      %ge3A = arith.constant 64 : i32
      %ge3A_890 = vector.broadcast %ge3A : i32 to vector<16xi32>
      %ge3A_891 = arith.cmpi sge, %add3A_889, %ge3A_890 : vector<16xi32>
      %convert_element_type3A = arith.extui %ge3A_891 : vector<16xi1> to vector<16xi32>
      %reduce_sum3A = arith.constant true
      %reduce_sum3A_892 = vector.broadcast %reduce_sum3A : i1 to vector<16xi1>
      %reduce_sum3A_893 = tpu.scan <sum>, %convert_element_type3A masked %reduce_sum3A_892 : vector<16xi32>, vector<16xi1> -> vector<16xi32>
      %reduce_sum3A_894 = vector.extract %reduce_sum3A_893[15] : i32 from vector<16xi32>
      %gt3A = arith.constant 0 : i32
      %gt3A_895 = arith.cmpi sgt, %reduce_sum3A_894, %gt3A : i32
      %convert_element_type3A_896 = arith.extui %gt3A_895 : i1 to i32
      %cond3A = arith.constant 0 : i32
      %cond3A_897 = arith.constant 0 : i32
      %cond3A_898 = arith.cmpi ne, %convert_element_type3A_896, %cond3A_897 : i32
      %cond3A_899:3 = scf.if %cond3A_898 -> (i32, i32, i32) {
        %sub3A_902 = arith.constant 16 : i32
        %sub3A_903 = arith.subi %sub3A_902, %reduce_sum3A_894 : i32
        %eq3A_904 = vector.broadcast %sub3A_903 : i32 to vector<16xi32>
        %eq3A_905 = arith.cmpi eq, %iota3A, %eq3A_904 : vector<16xi32>
        %jit3A_906 = arith.constant 0 : i32
        %broadcast_in_dim3A_907 = vector.broadcast %jit3A_906 : i32 to vector<16xi32>
        %select_n3A_908 = arith.select %eq3A_905, %masked_cumsum3A, %broadcast_in_dim3A_907 : vector<16xi1>, vector<16xi32>
        %reduce_sum3A_909 = arith.constant true
        %reduce_sum3A_910 = vector.broadcast %reduce_sum3A_909 : i1 to vector<16xi1>
        %reduce_sum3A_911 = tpu.scan <sum>, %select_n3A_908 masked %reduce_sum3A_910 : vector<16xi32>, vector<16xi1> -> vector<16xi32>
        %reduce_sum3A_912 = vector.extract %reduce_sum3A_911[15] : i32 from vector<16xi32>
        %eq3A_913 = vector.broadcast %sub3A_903 : i32 to vector<16xi32>
        %eq3A_914 = arith.cmpi eq, %iota3A, %eq3A_913 : vector<16xi32>
        %jit3A_915 = arith.constant 0 : i32
        %broadcast_in_dim3A_916 = vector.broadcast %jit3A_915 : i32 to vector<16xi32>
        %select_n3A_917 = arith.select %eq3A_914, %rev3A_885, %broadcast_in_dim3A_916 : vector<16xi1>, vector<16xi32>
        %reduce_sum3A_918 = arith.constant true
        %reduce_sum3A_919 = vector.broadcast %reduce_sum3A_918 : i1 to vector<16xi1>
        %reduce_sum3A_920 = tpu.scan <sum>, %select_n3A_917 masked %reduce_sum3A_919 : vector<16xi32>, vector<16xi1> -> vector<16xi32>
        %reduce_sum3A_921 = vector.extract %reduce_sum3A_920[15] : i32 from vector<16xi32>
        %mul3A_922 = arith.constant 16 : i32
        %mul3A_923 = arith.muli %while3A_873, %mul3A_922 : i32
        %add3A_924 = arith.constant 15 : i32
        %add3A_925 = arith.addi %mul3A_923, %add3A_924 : i32
        %sub3A_926 = arith.subi %add3A_925, %sub3A_903 : i32
        %add3A_927 = arith.addi %while3A_877, %reduce_sum3A_912 : i32
        %sub3A_928 = arith.subi %add3A_927, %reduce_sum3A_921 : i32
        scf.yield %sub3A_926, %sub3A_928, %while3A_877 : i32, i32, i32
      } else {
        %reduce_sum3A_902 = arith.constant true
        %reduce_sum3A_903 = vector.broadcast %reduce_sum3A_902 : i1 to vector<16xi1>
        %reduce_sum3A_904 = tpu.scan <sum>, %get3A_881 masked %reduce_sum3A_903 : vector<16xi32>, vector<16xi1> -> vector<16xi32>
        %reduce_sum3A_905 = vector.extract %reduce_sum3A_904[15] : i32 from vector<16xi32>
        %add3A_906 = arith.addi %while3A_877, %reduce_sum3A_905 : i32
        scf.yield %while3A_875, %while3A_876, %add3A_906 : i32, i32, i32
      }
      %sub3A_900 = arith.constant 1 : i32
      %sub3A_901 = arith.subi %while3A_873, %sub3A_900 : i32
      %or3A = arith.ori %while3A_874, %gt3A_895 : i1
      scf.yield %sub3A_901, %or3A, %cond3A_899#0, %cond3A_899#1, %cond3A_899#2 : i32, i1, i32, i32, i32
    }
    %sub3A_358 = arith.constant 64 : i32
    %sub3A_359 = arith.subi %sub3A_358, %while3A_357#3 : i32
    %parallel_loop3A_360 = arith.constant 0 : i32
    %parallel_loop3A_361 = arith.constant 129 : i32
    %parallel_loop3A_362 = arith.constant 1 : i32
    scf.for %parallel_loop3A_873 = %parallel_loop3A_360 to %parallel_loop3A_361 step %parallel_loop3A_362  : i32 {
      %parallel_loop3A_874 = arith.constant 16 : i32
      %parallel_loop3A_875 = arith.muli %parallel_loop3A_873, %parallel_loop3A_874 : i32
      %parallel_loop3A_876 = arith.index_cast %parallel_loop3A_875 : i32 to index
      %parallel_loop3A_877 = tpu.vector_load %arg8[%parallel_loop3A_876] {strides = array<i32>} : memref<2064xi32, #tpu.memory_space<vmem>>, vector<16xi32>,
      tpu.vector_store %arg8[%parallel_loop3A_876], %broadcast_in_dim3A_2 {strides = array<i32>} : memref<2064xi32, #tpu.memory_space<vmem>>, vector<16xi32>,
    } {sc.loop_unroll_factor = 4 : i64, sc.parallel_access}
    %while3A_363 = arith.constant 0 : i32
    %while3A_364 = arith.subi %select_n3A_341, %while3A_363 : i32
    %while3A_365 = arith.addi %while3A_363, %while3A_364 : i32
    %while3A_366 = arith.constant 1 : i32
    %while3A_367 = arith.divsi %while3A_364, %while3A_366 : i32
    %while3A_368 = arith.muli %while3A_367, %while3A_366 : i32
    %while3A_369 = arith.addi %while3A_363, %while3A_368 : i32
    %while3A_370 = arith.constant 1 : i32
    %while3A_371:2 = scf.for %while3A_873 = %while3A_363 to %while3A_369 step %while3A_370 iter_args(%while3A_874 = %broadcast_in_dim3A_2, %while3A_875 = %broadcast_in_dim3A_2) -> (vector<16xi32>, vector<16xi32>)  : i32 {
      %mul3A_876 = arith.constant 16 : i32
      %mul3A_877 = arith.muli %while3A_873, %mul3A_876 : i32
      %get3A_878 = arith.index_cast %mul3A_877 : i32 to index
      %get3A_879 = tpu.vector_load %arg6[%get3A_878] {strides = array<i32>} : memref<32768xi32, #tpu.memory_space<vmem>>, vector<16xi32>,
      %bitcast3A_880 = vector.bitcast %get3A_879 : vector<16xi32> to vector<16xi32>
      %mul3A_881 = arith.constant 16 : i32
      %mul3A_882 = arith.muli %while3A_873, %mul3A_881 : i32
      %add3A_883 = vector.broadcast %mul3A_882 : i32 to vector<16xi32>
      %add3A_884 = arith.addi %add3A_883, %iota3A : vector<16xi32>
      %lt3A = vector.broadcast %reduce_max3A_315 : i32 to vector<16xi32>
      %lt3A_885 = arith.cmpi slt, %add3A_884, %lt3A : vector<16xi32>
      %sub3A_886 = vector.broadcast %shift_left3A_226 : i32 to vector<16xi32>
      %sub3A_887 = arith.subi %bitcast3A_880, %sub3A_886 : vector<16xi32>
      %min3A = arith.constant 2097152 : i32
      %min3A_888 = vector.broadcast %min3A : i32 to vector<16xi32>
      %min3A_889 = arith.minui %sub3A_887, %min3A_888 : vector<16xi32>
      %sub3A_890 = vector.broadcast %shift_left3A_293 : i32 to vector<16xi32>
      %sub3A_891 = arith.subi %min3A_889, %sub3A_890 : vector<16xi32>
      %min3A_892 = arith.constant 1024 : i32
      %min3A_893 = vector.broadcast %min3A_892 : i32 to vector<16xi32>
      %min3A_894 = arith.minui %sub3A_891, %min3A_893 : vector<16xi32>
      %gt3A = vector.broadcast %while3A_357#2 : i32 to vector<16xi32>
      %gt3A_895 = arith.cmpi ugt, %min3A_894, %gt3A : vector<16xi32>
      %and3A_896 = arith.andi %lt3A_885, %gt3A_895 : vector<16xi1>
      %eq3A_897 = vector.broadcast %while3A_357#2 : i32 to vector<16xi32>
      %eq3A_898 = arith.cmpi eq, %min3A_894, %eq3A_897 : vector<16xi32>
      %and3A_899 = arith.andi %lt3A_885, %eq3A_898 : vector<16xi1>
      %convert_element_type3A = arith.extui %and3A_899 : vector<16xi1> to vector<16xi32>
      %broadcast_in_dim3A_900 = arith.constant true
      %broadcast_in_dim3A_901 = vector.broadcast %broadcast_in_dim3A_900 : i1 to vector<16xi1>
      %masked_cumsum3A = tpu.scan <sum>, %convert_element_type3A masked %broadcast_in_dim3A_901 : vector<16xi32>, vector<16xi1> -> vector<16xi32>
      %add3A_902 = arith.addi %masked_cumsum3A, %while3A_875 : vector<16xi32>
      %le3A = vector.broadcast %sub3A_359 : i32 to vector<16xi32>
      %le3A_903 = arith.cmpi sle, %add3A_902, %le3A : vector<16xi32>
      %and3A_904 = arith.andi %and3A_899, %le3A_903 : vector<16xi1>
      %or3A = arith.ori %and3A_896, %and3A_904 : vector<16xi1>
      %convert_element_type3A_905 = arith.extui %or3A : vector<16xi1> to vector<16xi32>
      %broadcast_in_dim3A_906 = arith.constant true
      %broadcast_in_dim3A_907 = vector.broadcast %broadcast_in_dim3A_906 : i1 to vector<16xi1>
      %masked_cumsum3A_908 = tpu.scan <sum>, %convert_element_type3A_905 masked %broadcast_in_dim3A_907 : vector<16xi32>, vector<16xi1> -> vector<16xi32>
      %add3A_909 = arith.addi %while3A_874, %masked_cumsum3A_908 : vector<16xi32>
      %sub3A_910 = arith.constant 1 : i32
      %sub3A_911 = vector.broadcast %sub3A_910 : i32 to vector<16xi32>
      %sub3A_912 = arith.subi %add3A_909, %sub3A_911 : vector<16xi32>
      tpu.vector_store_idx %arg9[%sub3A_912], %get3A_879 masked %or3A : memref<64xi32, #tpu.memory_space<vmem>>[vector<16xi32>], vector<16xi32>, vector<16xi1>
      %mul3A_913 = arith.constant 16 : i32
      %mul3A_914 = arith.muli %while3A_873, %mul3A_913 : i32
      %get3A_915 = arith.index_cast %mul3A_914 : i32 to index
      %get3A_916 = tpu.vector_load %arg7[%get3A_915] {strides = array<i32>} : memref<32768xi32, #tpu.memory_space<vmem>>, vector<16xi32>,
      tpu.vector_store_idx %arg10[%sub3A_912], %get3A_916 masked %or3A : memref<64xi32, #tpu.memory_space<vmem>>[vector<16xi32>], vector<16xi32>, vector<16xi1>
      %all_reduce_population_count3A = tpu.all_reduce %or3A {dim = 0 : i64, kind = #tpu.reduction_kind<sum>} : vector<16xi1> -> vector<16xi32>
      %add3A_917 = arith.addi %while3A_874, %all_reduce_population_count3A : vector<16xi32>
      %all_reduce_population_count3A_918 = tpu.all_reduce %and3A_899 {dim = 0 : i64, kind = #tpu.reduction_kind<sum>} : vector<16xi1> -> vector<16xi32>
      %add3A_919 = arith.addi %while3A_875, %all_reduce_population_count3A_918 : vector<16xi32>
      scf.yield %add3A_917, %add3A_919 : vector<16xi32>, vector<16xi32>
    }
    %while3A_372 = arith.constant 1 : i32
    %while3A_373:2 = scf.for %while3A_873 = %while3A_369 to %while3A_365 step %while3A_372 iter_args(%while3A_874 = %while3A_371#0, %while3A_875 = %while3A_371#1) -> (vector<16xi32>, vector<16xi32>)  : i32 {
      %mul3A_876 = arith.constant 16 : i32
      %mul3A_877 = arith.muli %while3A_873, %mul3A_876 : i32
      %get3A_878 = arith.index_cast %mul3A_877 : i32 to index
      %get3A_879 = tpu.vector_load %arg6[%get3A_878] {strides = array<i32>} : memref<32768xi32, #tpu.memory_space<vmem>>, vector<16xi32>,
      %bitcast3A_880 = vector.bitcast %get3A_879 : vector<16xi32> to vector<16xi32>
      %mul3A_881 = arith.constant 16 : i32
      %mul3A_882 = arith.muli %while3A_873, %mul3A_881 : i32
      %add3A_883 = vector.broadcast %mul3A_882 : i32 to vector<16xi32>
      %add3A_884 = arith.addi %add3A_883, %iota3A : vector<16xi32>
      %lt3A = vector.broadcast %reduce_max3A_315 : i32 to vector<16xi32>
      %lt3A_885 = arith.cmpi slt, %add3A_884, %lt3A : vector<16xi32>
      %sub3A_886 = vector.broadcast %shift_left3A_226 : i32 to vector<16xi32>
      %sub3A_887 = arith.subi %bitcast3A_880, %sub3A_886 : vector<16xi32>
      %min3A = arith.constant 2097152 : i32
      %min3A_888 = vector.broadcast %min3A : i32 to vector<16xi32>
      %min3A_889 = arith.minui %sub3A_887, %min3A_888 : vector<16xi32>
      %sub3A_890 = vector.broadcast %shift_left3A_293 : i32 to vector<16xi32>
      %sub3A_891 = arith.subi %min3A_889, %sub3A_890 : vector<16xi32>
      %min3A_892 = arith.constant 1024 : i32
      %min3A_893 = vector.broadcast %min3A_892 : i32 to vector<16xi32>
      %min3A_894 = arith.minui %sub3A_891, %min3A_893 : vector<16xi32>
      %gt3A = vector.broadcast %while3A_357#2 : i32 to vector<16xi32>
      %gt3A_895 = arith.cmpi ugt, %min3A_894, %gt3A : vector<16xi32>
      %and3A_896 = arith.andi %lt3A_885, %gt3A_895 : vector<16xi1>
      %eq3A_897 = vector.broadcast %while3A_357#2 : i32 to vector<16xi32>
      %eq3A_898 = arith.cmpi eq, %min3A_894, %eq3A_897 : vector<16xi32>
      %and3A_899 = arith.andi %lt3A_885, %eq3A_898 : vector<16xi1>
      %convert_element_type3A = arith.extui %and3A_899 : vector<16xi1> to vector<16xi32>
      %broadcast_in_dim3A_900 = arith.constant true
      %broadcast_in_dim3A_901 = vector.broadcast %broadcast_in_dim3A_900 : i1 to vector<16xi1>
      %masked_cumsum3A = tpu.scan <sum>, %convert_element_type3A masked %broadcast_in_dim3A_901 : vector<16xi32>, vector<16xi1> -> vector<16xi32>
      %add3A_902 = arith.addi %masked_cumsum3A, %while3A_875 : vector<16xi32>
      %le3A = vector.broadcast %sub3A_359 : i32 to vector<16xi32>
      %le3A_903 = arith.cmpi sle, %add3A_902, %le3A : vector<16xi32>
      %and3A_904 = arith.andi %and3A_899, %le3A_903 : vector<16xi1>
      %or3A = arith.ori %and3A_896, %and3A_904 : vector<16xi1>
      %convert_element_type3A_905 = arith.extui %or3A : vector<16xi1> to vector<16xi32>
      %broadcast_in_dim3A_906 = arith.constant true
      %broadcast_in_dim3A_907 = vector.broadcast %broadcast_in_dim3A_906 : i1 to vector<16xi1>
      %masked_cumsum3A_908 = tpu.scan <sum>, %convert_element_type3A_905 masked %broadcast_in_dim3A_907 : vector<16xi32>, vector<16xi1> -> vector<16xi32>
      %add3A_909 = arith.addi %while3A_874, %masked_cumsum3A_908 : vector<16xi32>
      %sub3A_910 = arith.constant 1 : i32
      %sub3A_911 = vector.broadcast %sub3A_910 : i32 to vector<16xi32>
      %sub3A_912 = arith.subi %add3A_909, %sub3A_911 : vector<16xi32>
      tpu.vector_store_idx %arg9[%sub3A_912], %get3A_879 masked %or3A : memref<64xi32, #tpu.memory_space<vmem>>[vector<16xi32>], vector<16xi32>, vector<16xi1>
      %mul3A_913 = arith.constant 16 : i32
      %mul3A_914 = arith.muli %while3A_873, %mul3A_913 : i32
      %get3A_915 = arith.index_cast %mul3A_914 : i32 to index
      %get3A_916 = tpu.vector_load %arg7[%get3A_915] {strides = array<i32>} : memref<32768xi32, #tpu.memory_space<vmem>>, vector<16xi32>,
      tpu.vector_store_idx %arg10[%sub3A_912], %get3A_916 masked %or3A : memref<64xi32, #tpu.memory_space<vmem>>[vector<16xi32>], vector<16xi32>, vector<16xi1>
      %all_reduce_population_count3A = tpu.all_reduce %or3A {dim = 0 : i64, kind = #tpu.reduction_kind<sum>} : vector<16xi1> -> vector<16xi32>
      %add3A_917 = arith.addi %while3A_874, %all_reduce_population_count3A : vector<16xi32>
      %all_reduce_population_count3A_918 = tpu.all_reduce %and3A_899 {dim = 0 : i64, kind = #tpu.reduction_kind<sum>} : vector<16xi1> -> vector<16xi32>
      %add3A_919 = arith.addi %while3A_875, %all_reduce_population_count3A_918 : vector<16xi32>
      scf.yield %add3A_917, %add3A_919 : vector<16xi32>, vector<16xi32>
    }
    %dma_wait3A_374 = arith.constant 0 : i32
    %dma_wait3A_375 = tpu.memref_slice %arg3[%add3A_16, %dma_wait3A_374] : memref<128x64xf32, #tpu.memory_space<hbm>> -> memref<1x64xf32, #tpu.memory_space<hbm>>
    %dma_wait3A_376 = tpu.memref_squeeze %dma_wait3A_375 : memref<1x64xf32, #tpu.memory_space<hbm>> -> memref<64xf32, #tpu.memory_space<hbm>>
    %dma_wait3A_377 = arith.constant 0 : i32
    %dma_wait3A_378 = tpu.memref_slice %arg3[%add3A_16, %dma_wait3A_377] : memref<128x64xf32, #tpu.memory_space<hbm>> -> memref<1x64xf32, #tpu.memory_space<hbm>>
    %dma_wait3A_379 = tpu.memref_squeeze %dma_wait3A_378 : memref<1x64xf32, #tpu.memory_space<hbm>> -> memref<64xf32, #tpu.memory_space<hbm>>
    tpu.wait_dma2 semaphore(%arg14 : memref<!tpu.dma_semaphore, #tpu.memory_space<semaphore_mem>>) src(%arg11 : memref<64xf32, #tpu.memory_space<vmem>>) dst(%dma_wait3A_379 : memref<64xf32, #tpu.memory_space<hbm>>)
    %dma_wait3A_380 = arith.constant 0 : i32
    %dma_wait3A_381 = tpu.memref_slice %arg4[%add3A_16, %dma_wait3A_380] : memref<128x64xi32, #tpu.memory_space<hbm>> -> memref<1x64xi32, #tpu.memory_space<hbm>>
    %dma_wait3A_382 = tpu.memref_squeeze %dma_wait3A_381 : memref<1x64xi32, #tpu.memory_space<hbm>> -> memref<64xi32, #tpu.memory_space<hbm>>
    %dma_wait3A_383 = arith.constant 0 : i32
    %dma_wait3A_384 = tpu.memref_slice %arg4[%add3A_16, %dma_wait3A_383] : memref<128x64xi32, #tpu.memory_space<hbm>> -> memref<1x64xi32, #tpu.memory_space<hbm>>
    %dma_wait3A_385 = tpu.memref_squeeze %dma_wait3A_384 : memref<1x64xi32, #tpu.memory_space<hbm>> -> memref<64xi32, #tpu.memory_space<hbm>>
    tpu.wait_dma2 semaphore(%arg14 : memref<!tpu.dma_semaphore, #tpu.memory_space<semaphore_mem>>) src(%arg12 : memref<64xi32, #tpu.memory_space<vmem>>) dst(%dma_wait3A_385 : memref<64xi32, #tpu.memory_space<hbm>>)
    %eq3A_386 = arith.constant 0 : i32
    %eq3A_387 = vector.broadcast %eq3A_386 : i32 to vector<16xi32>
    %eq3A_388 = arith.cmpi eq, %iota3A, %eq3A_387 : vector<16xi32>
    %get3A_389 = arith.constant 0 : index
    %get3A_390 = tpu.vector_load %arg9[%get3A_389] {strides = array<i32>} : memref<64xi32, #tpu.memory_space<vmem>>, vector<16xi32>,
    %bitcast3A_391 = vector.bitcast %get3A_390 : vector<16xi32> to vector<16xi32>
    %get3A_392 = arith.constant 16 : index
    %get3A_393 = tpu.vector_load %arg9[%get3A_392] {strides = array<i32>} : memref<64xi32, #tpu.memory_space<vmem>>, vector<16xi32>,
    %bitcast3A_394 = vector.bitcast %get3A_393 : vector<16xi32> to vector<16xi32>
    %get3A_395 = arith.constant 32 : index
    %get3A_396 = tpu.vector_load %arg9[%get3A_395] {strides = array<i32>} : memref<64xi32, #tpu.memory_space<vmem>>, vector<16xi32>,
    %bitcast3A_397 = vector.bitcast %get3A_396 : vector<16xi32> to vector<16xi32>
    %get3A_398 = arith.constant 48 : index
    %get3A_399 = tpu.vector_load %arg9[%get3A_398] {strides = array<i32>} : memref<64xi32, #tpu.memory_space<vmem>>, vector<16xi32>,
    %bitcast3A_400 = vector.bitcast %get3A_399 : vector<16xi32> to vector<16xi32>
    %get3A_401 = arith.constant 0 : index
    %get3A_402 = tpu.vector_load %arg10[%get3A_401] {strides = array<i32>} : memref<64xi32, #tpu.memory_space<vmem>>, vector<16xi32>,
    %get3A_403 = arith.constant 16 : index
    %get3A_404 = tpu.vector_load %arg10[%get3A_403] {strides = array<i32>} : memref<64xi32, #tpu.memory_space<vmem>>, vector<16xi32>,
    %get3A_405 = arith.constant 32 : index
    %get3A_406 = tpu.vector_load %arg10[%get3A_405] {strides = array<i32>} : memref<64xi32, #tpu.memory_space<vmem>>, vector<16xi32>,
    %get3A_407 = arith.constant 48 : index
    %get3A_408 = tpu.vector_load %arg10[%get3A_407] {strides = array<i32>} : memref<64xi32, #tpu.memory_space<vmem>>, vector<16xi32>,
    %scan3A_409 = arith.constant 0 : i32
    %scan3A_410 = arith.constant 64 : i32
    %scan3A_411 = arith.addi %scan3A_409, %scan3A_410 : i32
    %scan3A_412 = arith.constant 1 : i32
    %scan3A_413:8 = scf.for %scan3A_873 = %scan3A_409 to %scan3A_411 step %scan3A_412 iter_args(%scan3A_874 = %bitcast3A_391, %scan3A_875 = %bitcast3A_394, %scan3A_876 = %bitcast3A_397, %scan3A_877 = %bitcast3A_400, %scan3A_878 = %get3A_402, %scan3A_879 = %get3A_404, %scan3A_880 = %get3A_406, %scan3A_881 = %get3A_408) -> (vector<16xi32>, vector<16xi32>, vector<16xi32>, vector<16xi32>, vector<16xi32>, vector<16xi32>, vector<16xi32>, vector<16xi32>)  : i32 {
      %max3A = arith.maxui %scan3A_874, %scan3A_875 : vector<16xi32>
      %max3A_882 = arith.maxui %scan3A_876, %scan3A_877 : vector<16xi32>
      %max3A_883 = arith.maxui %max3A, %max3A_882 : vector<16xi32>
      %broadcast_in_dim3A_884 = arith.constant true
      %broadcast_in_dim3A_885 = vector.broadcast %broadcast_in_dim3A_884 : i1 to vector<16xi1>
      %masked_cummax3A = tpu.scan <max>, %max3A_883 masked %broadcast_in_dim3A_885 : vector<16xi32>, vector<16xi1> -> vector<16xi32>
      %broadcast_in_dim3A_886 = arith.constant 15 : i32
      %broadcast_in_dim3A_887 = vector.broadcast %broadcast_in_dim3A_886 : i32 to vector<16x1xi32>
      %gather3A = vector.shape_cast %broadcast_in_dim3A_887 : vector<16x1xi32> to vector<16xi32>
      %gather3A_888 = tpu.dynamic_gather %masked_cummax3A[%gather3A] in [0] : vector<16xi32>, vector<16xi32> -> vector<16xi32>
      %eq3A_889 = arith.cmpi eq, %scan3A_874, %gather3A_888 : vector<16xi32>
      %jit3A_890 = arith.constant 2147483647 : i32
      %broadcast_in_dim3A_891 = vector.broadcast %jit3A_890 : i32 to vector<16xi32>
      %select_n3A_892 = arith.select %eq3A_889, %scan3A_878, %broadcast_in_dim3A_891 : vector<16xi1>, vector<16xi32>
      %eq3A_893 = arith.cmpi eq, %scan3A_875, %gather3A_888 : vector<16xi32>
      %jit3A_894 = arith.constant 2147483647 : i32
      %broadcast_in_dim3A_895 = vector.broadcast %jit3A_894 : i32 to vector<16xi32>
      %select_n3A_896 = arith.select %eq3A_893, %scan3A_879, %broadcast_in_dim3A_895 : vector<16xi1>, vector<16xi32>
      %eq3A_897 = arith.cmpi eq, %scan3A_876, %gather3A_888 : vector<16xi32>
      %jit3A_898 = arith.constant 2147483647 : i32
      %broadcast_in_dim3A_899 = vector.broadcast %jit3A_898 : i32 to vector<16xi32>
      %select_n3A_900 = arith.select %eq3A_897, %scan3A_880, %broadcast_in_dim3A_899 : vector<16xi1>, vector<16xi32>
      %min3A = arith.minsi %select_n3A_892, %select_n3A_896 : vector<16xi32>
      %eq3A_901 = arith.cmpi eq, %scan3A_877, %gather3A_888 : vector<16xi32>
      %jit3A_902 = arith.constant 2147483647 : i32
      %broadcast_in_dim3A_903 = vector.broadcast %jit3A_902 : i32 to vector<16xi32>
      %select_n3A_904 = arith.select %eq3A_901, %scan3A_881, %broadcast_in_dim3A_903 : vector<16xi1>, vector<16xi32>
      %min3A_905 = arith.minsi %select_n3A_900, %select_n3A_904 : vector<16xi32>
      %min3A_906 = arith.minsi %min3A, %min3A_905 : vector<16xi32>
      %neg3A = arith.constant 0 : i32
      %neg3A_907 = vector.broadcast %neg3A : i32 to vector<16xi32>
      %neg3A_908 = arith.subi %neg3A_907, %min3A_906 : vector<16xi32>
      %broadcast_in_dim3A_909 = arith.constant true
      %broadcast_in_dim3A_910 = vector.broadcast %broadcast_in_dim3A_909 : i1 to vector<16xi1>
      %masked_cummax3A_911 = arith.constant -2147483648 : i32
      %masked_cummax3A_912 = vector.broadcast %masked_cummax3A_911 : i32 to vector<16xi32>
      %masked_cummax3A_913 = arith.xori %neg3A_908, %masked_cummax3A_912 : vector<16xi32>
      %masked_cummax3A_914 = tpu.scan <max>, %masked_cummax3A_913 masked %broadcast_in_dim3A_910 : vector<16xi32>, vector<16xi1> -> vector<16xi32>
      %masked_cummax3A_915 = arith.xori %masked_cummax3A_914, %masked_cummax3A_912 : vector<16xi32>
      %broadcast_in_dim3A_916 = arith.constant 15 : i32
      %broadcast_in_dim3A_917 = vector.broadcast %broadcast_in_dim3A_916 : i32 to vector<16x1xi32>
      %gather3A_918 = vector.shape_cast %broadcast_in_dim3A_917 : vector<16x1xi32> to vector<16xi32>
      %gather3A_919 = tpu.dynamic_gather %masked_cummax3A_915[%gather3A_918] in [0] : vector<16xi32>, vector<16xi32> -> vector<16xi32>
      %neg3A_920 = arith.constant 0 : i32
      %neg3A_921 = vector.broadcast %neg3A_920 : i32 to vector<16xi32>
      %neg3A_922 = arith.subi %neg3A_921, %gather3A_919 : vector<16xi32>
      %bitcast3A_923 = vector.bitcast %gather3A_888 : vector<16xi32> to vector<16xi32>
      %shift_right_arithmetic3A = arith.constant 31 : i32
      %shift_right_arithmetic3A_924 = vector.broadcast %shift_right_arithmetic3A : i32 to vector<16xi32>
      %shift_right_arithmetic3A_925 = arith.shrsi %bitcast3A_923, %shift_right_arithmetic3A_924 : vector<16xi32>
      %not3A = arith.constant dense<-1> : vector<16xi32>
      %not3A_926 = arith.xori %shift_right_arithmetic3A_925, %not3A : vector<16xi32>
      %or3A = arith.constant -2147483648 : i32
      %or3A_927 = vector.broadcast %or3A : i32 to vector<16xi32>
      %or3A_928 = arith.ori %not3A_926, %or3A_927 : vector<16xi32>
      %xor3A = arith.xori %bitcast3A_923, %or3A_928 : vector<16xi32>
      %broadcast_in_dim3A_929 = vector.broadcast %scan3A_873 : i32 to vector<16xi32>
      %bitcast3A_930 = vector.bitcast %xor3A : vector<16xi32> to vector<16xf32>
      tpu.vector_store_idx %arg11[%broadcast_in_dim3A_929], %bitcast3A_930 masked %eq3A_388 : memref<64xf32, #tpu.memory_space<vmem>>[vector<16xi32>], vector<16xf32>, vector<16xi1>
      tpu.vector_store_idx %arg12[%broadcast_in_dim3A_929], %neg3A_922 masked %eq3A_388 : memref<64xi32, #tpu.memory_space<vmem>>[vector<16xi32>], vector<16xi32>, vector<16xi1>
      %eq3A_931 = arith.cmpi eq, %scan3A_878, %neg3A_922 : vector<16xi32>
      %eq3A_932 = arith.cmpi eq, %scan3A_879, %neg3A_922 : vector<16xi32>
      %eq3A_933 = arith.cmpi eq, %scan3A_880, %neg3A_922 : vector<16xi32>
      %eq3A_934 = arith.cmpi eq, %scan3A_881, %neg3A_922 : vector<16xi32>
      %jit3A_935 = arith.constant 0 : i32
      %broadcast_in_dim3A_936 = vector.broadcast %jit3A_935 : i32 to vector<16xi32>
      %select_n3A_937 = arith.select %eq3A_931, %broadcast_in_dim3A_936, %scan3A_874 : vector<16xi1>, vector<16xi32>
      %jit3A_938 = arith.constant 0 : i32
      %broadcast_in_dim3A_939 = vector.broadcast %jit3A_938 : i32 to vector<16xi32>
      %select_n3A_940 = arith.select %eq3A_932, %broadcast_in_dim3A_939, %scan3A_875 : vector<16xi1>, vector<16xi32>
      %jit3A_941 = arith.constant 0 : i32
      %broadcast_in_dim3A_942 = vector.broadcast %jit3A_941 : i32 to vector<16xi32>
      %select_n3A_943 = arith.select %eq3A_933, %broadcast_in_dim3A_942, %scan3A_876 : vector<16xi1>, vector<16xi32>
      %jit3A_944 = arith.constant 0 : i32
      %broadcast_in_dim3A_945 = vector.broadcast %jit3A_944 : i32 to vector<16xi32>
      %select_n3A_946 = arith.select %eq3A_934, %broadcast_in_dim3A_945, %scan3A_877 : vector<16xi1>, vector<16xi32>
      %jit3A_947 = arith.constant 2147483647 : i32
      %broadcast_in_dim3A_948 = vector.broadcast %jit3A_947 : i32 to vector<16xi32>
      %select_n3A_949 = arith.select %eq3A_931, %broadcast_in_dim3A_948, %scan3A_878 : vector<16xi1>, vector<16xi32>
      %jit3A_950 = arith.constant 2147483647 : i32
      %broadcast_in_dim3A_951 = vector.broadcast %jit3A_950 : i32 to vector<16xi32>
      %select_n3A_952 = arith.select %eq3A_932, %broadcast_in_dim3A_951, %scan3A_879 : vector<16xi1>, vector<16xi32>
      %jit3A_953 = arith.constant 2147483647 : i32
      %broadcast_in_dim3A_954 = vector.broadcast %jit3A_953 : i32 to vector<16xi32>
      %select_n3A_955 = arith.select %eq3A_933, %broadcast_in_dim3A_954, %scan3A_880 : vector<16xi1>, vector<16xi32>
      %jit3A_956 = arith.constant 2147483647 : i32
      %broadcast_in_dim3A_957 = vector.broadcast %jit3A_956 : i32 to vector<16xi32>
      %select_n3A_958 = arith.select %eq3A_934, %broadcast_in_dim3A_957, %scan3A_881 : vector<16xi1>, vector<16xi32>
      scf.yield %select_n3A_937, %select_n3A_940, %select_n3A_943, %select_n3A_946, %select_n3A_949, %select_n3A_952, %select_n3A_955, %select_n3A_958 : vector<16xi32>, vector<16xi32>, vector<16xi32>, vector<16xi32>, vector<16xi32>, vector<16xi32>, vector<16xi32>, vector<16xi32>
    }
    %scan3A_414 = arith.constant 64 : i32
    %dma_start3A_415 = arith.constant 0 : i32
    %dma_start3A_416 = tpu.memref_slice %arg3[%add3A_209, %dma_start3A_415] : memref<128x64xf32, #tpu.memory_space<hbm>> -> memref<1x64xf32, #tpu.memory_space<hbm>>
    %dma_start3A_417 = tpu.memref_squeeze %dma_start3A_416 : memref<1x64xf32, #tpu.memory_space<hbm>> -> memref<64xf32, #tpu.memory_space<hbm>>
    %dma_start3A_418 = arith.constant 0 : i32
    %dma_start3A_419 = tpu.memref_slice %arg3[%add3A_209, %dma_start3A_418] : memref<128x64xf32, #tpu.memory_space<hbm>> -> memref<1x64xf32, #tpu.memory_space<hbm>>
    %dma_start3A_420 = tpu.memref_squeeze %dma_start3A_419 : memref<1x64xf32, #tpu.memory_space<hbm>> -> memref<64xf32, #tpu.memory_space<hbm>>
    tpu.enqueue_dma source(%arg11 : memref<64xf32, #tpu.memory_space<vmem>>) target(%dma_start3A_420 : memref<64xf32, #tpu.memory_space<hbm>>) target_semaphore(%arg14 : memref<!tpu.dma_semaphore, #tpu.memory_space<semaphore_mem>>)
    %dma_start3A_421 = arith.constant 0 : i32
    %dma_start3A_422 = tpu.memref_slice %arg4[%add3A_209, %dma_start3A_421] : memref<128x64xi32, #tpu.memory_space<hbm>> -> memref<1x64xi32, #tpu.memory_space<hbm>>
    %dma_start3A_423 = tpu.memref_squeeze %dma_start3A_422 : memref<1x64xi32, #tpu.memory_space<hbm>> -> memref<64xi32, #tpu.memory_space<hbm>>
    %dma_start3A_424 = arith.constant 0 : i32
    %dma_start3A_425 = tpu.memref_slice %arg4[%add3A_209, %dma_start3A_424] : memref<128x64xi32, #tpu.memory_space<hbm>> -> memref<1x64xi32, #tpu.memory_space<hbm>>
    %dma_start3A_426 = tpu.memref_squeeze %dma_start3A_425 : memref<1x64xi32, #tpu.memory_space<hbm>> -> memref<64xi32, #tpu.memory_space<hbm>>
    tpu.enqueue_dma source(%arg12 : memref<64xi32, #tpu.memory_space<vmem>>) target(%dma_start3A_426 : memref<64xi32, #tpu.memory_space<hbm>>) target_semaphore(%arg14 : memref<!tpu.dma_semaphore, #tpu.memory_space<semaphore_mem>>)
    %mul3A_427 = arith.constant 4 : i32
    %mul3A_428 = arith.muli %add3A, %mul3A_427 : i32
    %add3A_429 = arith.constant 2 : i32
    %add3A_430 = arith.addi %mul3A_428, %add3A_429 : i32
    %dma_wait3A_431 = arith.constant 0 : i32
    %dma_wait3A_432 = tpu.memref_slice %arg2[%add3A_269, %dma_wait3A_431] : memref<128x32768xf32, #tpu.memory_space<hbm>> -> memref<1x32768xf32, #tpu.memory_space<hbm>>
    %dma_wait3A_433 = tpu.memref_squeeze %dma_wait3A_432 : memref<1x32768xf32, #tpu.memory_space<hbm>> -> memref<32768xf32, #tpu.memory_space<hbm>>
    %dma_wait3A_434 = arith.constant 0 : i32
    %dma_wait3A_435 = tpu.memref_slice %arg2[%add3A_269, %dma_wait3A_434] : memref<128x32768xf32, #tpu.memory_space<hbm>> -> memref<1x32768xf32, #tpu.memory_space<hbm>>
    %dma_wait3A_436 = tpu.memref_squeeze %dma_wait3A_435 : memref<1x32768xf32, #tpu.memory_space<hbm>> -> memref<32768xf32, #tpu.memory_space<hbm>>
    tpu.wait_dma2 semaphore(%arg13 : memref<!tpu.dma_semaphore, #tpu.memory_space<semaphore_mem>>) src(%dma_wait3A_436 : memref<32768xf32, #tpu.memory_space<hbm>>) dst(%arg5 : memref<32768xf32, #tpu.memory_space<vmem>>)
    %parallel_loop3A_437 = arith.constant 0 : i32
    %parallel_loop3A_438 = arith.constant 2048 : i32
    %parallel_loop3A_439 = arith.constant 1 : i32
    scf.for %parallel_loop3A_873 = %parallel_loop3A_437 to %parallel_loop3A_438 step %parallel_loop3A_439  : i32 {
      %parallel_loop3A_874 = arith.constant 16 : i32
      %parallel_loop3A_875 = arith.muli %parallel_loop3A_873, %parallel_loop3A_874 : i32
      %parallel_loop3A_876 = arith.index_cast %parallel_loop3A_875 : i32 to index
      %parallel_loop3A_877 = tpu.vector_load %arg5[%parallel_loop3A_876] {strides = array<i32>} : memref<32768xf32, #tpu.memory_space<vmem>>, vector<16xf32>,
      %parallel_loop3A_878 = vector.bitcast %parallel_loop3A_877 : vector<16xf32> to vector<16xi32>
      %parallel_loop3A_879 = arith.constant 31 : i32
      %parallel_loop3A_880 = vector.broadcast %parallel_loop3A_879 : i32 to vector<16xi32>
      %parallel_loop3A_881 = arith.shrsi %parallel_loop3A_878, %parallel_loop3A_880 : vector<16xi32>
      %parallel_loop3A_882 = arith.constant -2147483648 : i32
      %parallel_loop3A_883 = vector.broadcast %parallel_loop3A_882 : i32 to vector<16xi32>
      %parallel_loop3A_884 = arith.ori %parallel_loop3A_881, %parallel_loop3A_883 : vector<16xi32>
      %parallel_loop3A_885 = arith.xori %parallel_loop3A_878, %parallel_loop3A_884 : vector<16xi32>
      %parallel_loop3A_886 = vector.bitcast %parallel_loop3A_885 : vector<16xi32> to vector<16xi32>
      %parallel_loop3A_887 = arith.constant 21 : i32
      %parallel_loop3A_888 = vector.broadcast %parallel_loop3A_887 : i32 to vector<16xi32>
      %parallel_loop3A_889 = arith.shrui %parallel_loop3A_886, %parallel_loop3A_888 : vector<16xi32>
      %parallel_loop3A_890 = vector.bitcast %parallel_loop3A_889 : vector<16xi32> to vector<16xi32>
      tpu.vector_store_idx %arg8[%parallel_loop3A_890], %broadcast_in_dim3A_0 {add = true} : memref<2064xi32, #tpu.memory_space<vmem>>[vector<16xi32>], vector<16xi32>,
    } {sc.loop_unroll_factor = 8 : i64, sc.parallel_access}
    %while3A_440 = arith.constant 127 : i32
    %while3A_441 = arith.constant false
    %while3A_442 = arith.constant 0 : i32
    %while3A_443 = arith.constant 0 : i32
    %while3A_444 = arith.constant 0 : i32
    %while3A_445:5 = scf.while (%while3A_873 = %while3A_440, %while3A_874 = %while3A_441, %while3A_875 = %while3A_442, %while3A_876 = %while3A_443, %while3A_877 = %while3A_444) : (i32, i1, i32, i32, i32) -> (i32, i1, i32, i32, i32) {
      %ge3A = arith.constant 0 : i32
      %ge3A_878 = arith.cmpi sge, %while3A_873, %ge3A : i32
      %not3A = arith.constant true
      %not3A_879 = arith.xori %while3A_874, %not3A : i1
      %and3A_880 = arith.andi %ge3A_878, %not3A_879 : i1
      scf.condition(%and3A_880) %while3A_873, %while3A_874, %while3A_875, %while3A_876, %while3A_877 : i32, i1, i32, i32, i32
    } do {
    ^bb0(%while3A_873: i32, %while3A_874: i1, %while3A_875: i32, %while3A_876: i32, %while3A_877: i32):
      %mul3A_878 = arith.constant 16 : i32
      %mul3A_879 = arith.muli %while3A_873, %mul3A_878 : i32
      %get3A_880 = arith.index_cast %mul3A_879 : i32 to index
      %get3A_881 = tpu.vector_load %arg8[%get3A_880] {strides = array<i32>} : memref<2064xi32, #tpu.memory_space<vmem>>, vector<16xi32>,
      %rev3A = arith.constant 15 : i32
      %rev3A_882 = vector.broadcast %rev3A : i32 to vector<16xi32>
      %rev3A_883 = tpu.iota {dimensions = array<i32: 0>} : vector<16xi32>
      %rev3A_884 = arith.subi %rev3A_882, %rev3A_883 : vector<16xi32>
      %rev3A_885 = tpu.dynamic_gather %get3A_881[%rev3A_884] in [0] : vector<16xi32>, vector<16xi32> -> vector<16xi32>
      %broadcast_in_dim3A_886 = arith.constant true
      %broadcast_in_dim3A_887 = vector.broadcast %broadcast_in_dim3A_886 : i1 to vector<16xi1>
      %masked_cumsum3A = tpu.scan <sum>, %rev3A_885 masked %broadcast_in_dim3A_887 : vector<16xi32>, vector<16xi1> -> vector<16xi32>
      %add3A_888 = vector.broadcast %while3A_877 : i32 to vector<16xi32>
      %add3A_889 = arith.addi %add3A_888, %masked_cumsum3A : vector<16xi32>
      %ge3A = arith.constant 64 : i32
      %ge3A_890 = vector.broadcast %ge3A : i32 to vector<16xi32>
      %ge3A_891 = arith.cmpi sge, %add3A_889, %ge3A_890 : vector<16xi32>
      %convert_element_type3A = arith.extui %ge3A_891 : vector<16xi1> to vector<16xi32>
      %reduce_sum3A = arith.constant true
      %reduce_sum3A_892 = vector.broadcast %reduce_sum3A : i1 to vector<16xi1>
      %reduce_sum3A_893 = tpu.scan <sum>, %convert_element_type3A masked %reduce_sum3A_892 : vector<16xi32>, vector<16xi1> -> vector<16xi32>
      %reduce_sum3A_894 = vector.extract %reduce_sum3A_893[15] : i32 from vector<16xi32>
      %gt3A = arith.constant 0 : i32
      %gt3A_895 = arith.cmpi sgt, %reduce_sum3A_894, %gt3A : i32
      %convert_element_type3A_896 = arith.extui %gt3A_895 : i1 to i32
      %cond3A = arith.constant 0 : i32
      %cond3A_897 = arith.constant 0 : i32
      %cond3A_898 = arith.cmpi ne, %convert_element_type3A_896, %cond3A_897 : i32
      %cond3A_899:3 = scf.if %cond3A_898 -> (i32, i32, i32) {
        %sub3A_902 = arith.constant 16 : i32
        %sub3A_903 = arith.subi %sub3A_902, %reduce_sum3A_894 : i32
        %eq3A_904 = vector.broadcast %sub3A_903 : i32 to vector<16xi32>
        %eq3A_905 = arith.cmpi eq, %iota3A, %eq3A_904 : vector<16xi32>
        %jit3A_906 = arith.constant 0 : i32
        %broadcast_in_dim3A_907 = vector.broadcast %jit3A_906 : i32 to vector<16xi32>
        %select_n3A_908 = arith.select %eq3A_905, %masked_cumsum3A, %broadcast_in_dim3A_907 : vector<16xi1>, vector<16xi32>
        %reduce_sum3A_909 = arith.constant true
        %reduce_sum3A_910 = vector.broadcast %reduce_sum3A_909 : i1 to vector<16xi1>
        %reduce_sum3A_911 = tpu.scan <sum>, %select_n3A_908 masked %reduce_sum3A_910 : vector<16xi32>, vector<16xi1> -> vector<16xi32>
        %reduce_sum3A_912 = vector.extract %reduce_sum3A_911[15] : i32 from vector<16xi32>
        %eq3A_913 = vector.broadcast %sub3A_903 : i32 to vector<16xi32>
        %eq3A_914 = arith.cmpi eq, %iota3A, %eq3A_913 : vector<16xi32>
        %jit3A_915 = arith.constant 0 : i32
        %broadcast_in_dim3A_916 = vector.broadcast %jit3A_915 : i32 to vector<16xi32>
        %select_n3A_917 = arith.select %eq3A_914, %rev3A_885, %broadcast_in_dim3A_916 : vector<16xi1>, vector<16xi32>
        %reduce_sum3A_918 = arith.constant true
        %reduce_sum3A_919 = vector.broadcast %reduce_sum3A_918 : i1 to vector<16xi1>
        %reduce_sum3A_920 = tpu.scan <sum>, %select_n3A_917 masked %reduce_sum3A_919 : vector<16xi32>, vector<16xi1> -> vector<16xi32>
        %reduce_sum3A_921 = vector.extract %reduce_sum3A_920[15] : i32 from vector<16xi32>
        %mul3A_922 = arith.constant 16 : i32
        %mul3A_923 = arith.muli %while3A_873, %mul3A_922 : i32
        %add3A_924 = arith.constant 15 : i32
        %add3A_925 = arith.addi %mul3A_923, %add3A_924 : i32
        %sub3A_926 = arith.subi %add3A_925, %sub3A_903 : i32
        %add3A_927 = arith.addi %while3A_877, %reduce_sum3A_912 : i32
        %sub3A_928 = arith.subi %add3A_927, %reduce_sum3A_921 : i32
        scf.yield %sub3A_926, %sub3A_928, %while3A_877 : i32, i32, i32
      } else {
        %reduce_sum3A_902 = arith.constant true
        %reduce_sum3A_903 = vector.broadcast %reduce_sum3A_902 : i1 to vector<16xi1>
        %reduce_sum3A_904 = tpu.scan <sum>, %get3A_881 masked %reduce_sum3A_903 : vector<16xi32>, vector<16xi1> -> vector<16xi32>
        %reduce_sum3A_905 = vector.extract %reduce_sum3A_904[15] : i32 from vector<16xi32>
        %add3A_906 = arith.addi %while3A_877, %reduce_sum3A_905 : i32
        scf.yield %while3A_875, %while3A_876, %add3A_906 : i32, i32, i32
      }
      %sub3A_900 = arith.constant 1 : i32
      %sub3A_901 = arith.subi %while3A_873, %sub3A_900 : i32
      %or3A = arith.ori %while3A_874, %gt3A_895 : i1
      scf.yield %sub3A_901, %or3A, %cond3A_899#0, %cond3A_899#1, %cond3A_899#2 : i32, i1, i32, i32, i32
    }
    %shift_left3A_446 = arith.constant 21 : i32
    %shift_left3A_447 = arith.shli %while3A_445#2, %shift_left3A_446 : i32
    %parallel_loop3A_448 = arith.constant 0 : i32
    %parallel_loop3A_449 = arith.constant 129 : i32
    %parallel_loop3A_450 = arith.constant 1 : i32
    scf.for %parallel_loop3A_873 = %parallel_loop3A_448 to %parallel_loop3A_449 step %parallel_loop3A_450  : i32 {
      %parallel_loop3A_874 = arith.constant 16 : i32
      %parallel_loop3A_875 = arith.muli %parallel_loop3A_873, %parallel_loop3A_874 : i32
      %parallel_loop3A_876 = arith.index_cast %parallel_loop3A_875 : i32 to index
      %parallel_loop3A_877 = tpu.vector_load %arg8[%parallel_loop3A_876] {strides = array<i32>} : memref<2064xi32, #tpu.memory_space<vmem>>, vector<16xi32>,
      tpu.vector_store %arg8[%parallel_loop3A_876], %broadcast_in_dim3A_2 {strides = array<i32>} : memref<2064xi32, #tpu.memory_space<vmem>>, vector<16xi32>,
    } {sc.loop_unroll_factor = 4 : i64, sc.parallel_access}
    %parallel_loop3A_451 = arith.constant 0 : i32
    %parallel_loop3A_452 = arith.constant 2048 : i32
    %parallel_loop3A_453 = arith.constant 1 : i32
    %parallel_loop3A_454 = scf.for %parallel_loop3A_873 = %parallel_loop3A_451 to %parallel_loop3A_452 step %parallel_loop3A_453 iter_args(%parallel_loop3A_874 = %broadcast_in_dim3A_2) -> (vector<16xi32>)  : i32 {
      %parallel_loop3A_875 = arith.constant 16 : i32
      %parallel_loop3A_876 = arith.muli %parallel_loop3A_873, %parallel_loop3A_875 : i32
      %parallel_loop3A_877 = arith.index_cast %parallel_loop3A_876 : i32 to index
      %parallel_loop3A_878 = tpu.vector_load %arg5[%parallel_loop3A_877] {strides = array<i32>} : memref<32768xf32, #tpu.memory_space<vmem>>, vector<16xf32>,
      %parallel_loop3A_879 = vector.bitcast %parallel_loop3A_878 : vector<16xf32> to vector<16xi32>
      %parallel_loop3A_880 = arith.constant 31 : i32
      %parallel_loop3A_881 = vector.broadcast %parallel_loop3A_880 : i32 to vector<16xi32>
      %parallel_loop3A_882 = arith.shrsi %parallel_loop3A_879, %parallel_loop3A_881 : vector<16xi32>
      %parallel_loop3A_883 = arith.constant -2147483648 : i32
      %parallel_loop3A_884 = vector.broadcast %parallel_loop3A_883 : i32 to vector<16xi32>
      %parallel_loop3A_885 = arith.ori %parallel_loop3A_882, %parallel_loop3A_884 : vector<16xi32>
      %parallel_loop3A_886 = arith.xori %parallel_loop3A_879, %parallel_loop3A_885 : vector<16xi32>
      %parallel_loop3A_887 = vector.bitcast %parallel_loop3A_886 : vector<16xi32> to vector<16xi32>
      %parallel_loop3A_888 = vector.broadcast %shift_left3A_447 : i32 to vector<16xi32>
      %parallel_loop3A_889 = arith.cmpi uge, %parallel_loop3A_887, %parallel_loop3A_888 : vector<16xi32>
      %parallel_loop3A_890 = arith.extui %parallel_loop3A_889 : vector<16xi1> to vector<16xi32>
      %parallel_loop3A_891 = arith.constant true
      %parallel_loop3A_892 = vector.broadcast %parallel_loop3A_891 : i1 to vector<16xi1>
      %parallel_loop3A_893 = tpu.scan <sum>, %parallel_loop3A_890 masked %parallel_loop3A_892 : vector<16xi32>, vector<16xi1> -> vector<16xi32>
      %parallel_loop3A_894 = arith.addi %parallel_loop3A_874, %parallel_loop3A_893 : vector<16xi32>
      %parallel_loop3A_895 = arith.constant 1 : i32
      %parallel_loop3A_896 = vector.broadcast %parallel_loop3A_895 : i32 to vector<16xi32>
      %parallel_loop3A_897 = arith.subi %parallel_loop3A_894, %parallel_loop3A_896 : vector<16xi32>
      %parallel_loop3A_898 = vector.bitcast %parallel_loop3A_887 : vector<16xi32> to vector<16xi32>
      tpu.vector_store_idx %arg6[%parallel_loop3A_897], %parallel_loop3A_898 masked %parallel_loop3A_889 : memref<32768xi32, #tpu.memory_space<vmem>>[vector<16xi32>], vector<16xi32>, vector<16xi1>
      %parallel_loop3A_899 = arith.constant 16 : i32
      %parallel_loop3A_900 = arith.muli %parallel_loop3A_873, %parallel_loop3A_899 : i32
      %parallel_loop3A_901 = vector.broadcast %parallel_loop3A_900 : i32 to vector<16xi32>
      %parallel_loop3A_902 = arith.addi %iota3A, %parallel_loop3A_901 : vector<16xi32>
      tpu.vector_store_idx %arg7[%parallel_loop3A_897], %parallel_loop3A_902 masked %parallel_loop3A_889 : memref<32768xi32, #tpu.memory_space<vmem>>[vector<16xi32>], vector<16xi32>, vector<16xi1>
      %parallel_loop3A_903 = tpu.all_reduce %parallel_loop3A_889 {dim = 0 : i64, kind = #tpu.reduction_kind<sum>} : vector<16xi1> -> vector<16xi32>
      %parallel_loop3A_904 = arith.addi %parallel_loop3A_874, %parallel_loop3A_903 : vector<16xi32>
      scf.yield %parallel_loop3A_904 : vector<16xi32>
    } {sc.loop_unroll_factor = 8 : i64, sc.parallel_access}
    %reduce_max3A_455 = arith.constant true
    %reduce_max3A_456 = vector.broadcast %reduce_max3A_455 : i1 to vector<16xi1>
    %reduce_max3A_457 = arith.constant -2147483648 : i32
    %reduce_max3A_458 = vector.broadcast %reduce_max3A_457 : i32 to vector<16xi32>
    %reduce_max3A_459 = arith.xori %parallel_loop3A_454, %reduce_max3A_458 : vector<16xi32>
    %reduce_max3A_460 = tpu.scan <max>, %reduce_max3A_459 masked %reduce_max3A_456 : vector<16xi32>, vector<16xi1> -> vector<16xi32>
    %reduce_max3A_461 = arith.xori %reduce_max3A_460, %reduce_max3A_458 : vector<16xi32>
    %reduce_max3A_462 = vector.extract %reduce_max3A_461[15] : i32 from vector<16xi32>
    %add3A_463 = arith.constant 15 : i32
    %add3A_464 = arith.addi %reduce_max3A_462, %add3A_463 : i32
    %jit3A_465 = arith.constant 16 : i32
    %div3A_466 = arith.divsi %add3A_464, %jit3A_465 : i32
    %sign3A_467 = arith.constant 0 : i32
    %sign3A_468 = arith.cmpi sgt, %add3A_464, %sign3A_467 : i32
    %sign3A_469 = arith.extui %sign3A_468 : i1 to i32
    %sign3A_470 = arith.constant 0 : i32
    %sign3A_471 = arith.cmpi slt, %add3A_464, %sign3A_470 : i32
    %sign3A_472 = arith.extui %sign3A_471 : i1 to i32
    %sign3A_473 = arith.subi %sign3A_469, %sign3A_472 : i32
    %sign3A_474 = arith.constant 0 : i32
    %sign3A_475 = arith.cmpi sgt, %jit3A_465, %sign3A_474 : i32
    %sign3A_476 = arith.extui %sign3A_475 : i1 to i32
    %sign3A_477 = arith.constant 0 : i32
    %sign3A_478 = arith.cmpi slt, %jit3A_465, %sign3A_477 : i32
    %sign3A_479 = arith.extui %sign3A_478 : i1 to i32
    %sign3A_480 = arith.subi %sign3A_476, %sign3A_479 : i32
    %ne3A_481 = arith.cmpi ne, %sign3A_473, %sign3A_480 : i32
    %rem3A_482 = arith.remsi %add3A_464, %jit3A_465 : i32
    %ne3A_483 = arith.constant 0 : i32
    %ne3A_484 = arith.cmpi ne, %rem3A_482, %ne3A_483 : i32
    %and3A_485 = arith.andi %ne3A_481, %ne3A_484 : i1
    %sub3A_486 = arith.constant 1 : i32
    %sub3A_487 = arith.subi %div3A_466, %sub3A_486 : i32
    %select_n3A_488 = arith.select %and3A_485, %sub3A_487, %div3A_466 : i32
    %add3A_489 = arith.constant 1 : i32
    %add3A_490 = arith.addi %add3A_430, %add3A_489 : i32
    %dma_start3A_491 = arith.constant 0 : i32
    %dma_start3A_492 = tpu.memref_slice %arg2[%add3A_490, %dma_start3A_491] : memref<128x32768xf32, #tpu.memory_space<hbm>> -> memref<1x32768xf32, #tpu.memory_space<hbm>>
    %dma_start3A_493 = tpu.memref_squeeze %dma_start3A_492 : memref<1x32768xf32, #tpu.memory_space<hbm>> -> memref<32768xf32, #tpu.memory_space<hbm>>
    %dma_start3A_494 = arith.constant 0 : i32
    %dma_start3A_495 = tpu.memref_slice %arg2[%add3A_490, %dma_start3A_494] : memref<128x32768xf32, #tpu.memory_space<hbm>> -> memref<1x32768xf32, #tpu.memory_space<hbm>>
    %dma_start3A_496 = tpu.memref_squeeze %dma_start3A_495 : memref<1x32768xf32, #tpu.memory_space<hbm>> -> memref<32768xf32, #tpu.memory_space<hbm>>
    tpu.enqueue_dma source(%dma_start3A_496 : memref<32768xf32, #tpu.memory_space<hbm>>) target(%arg5 : memref<32768xf32, #tpu.memory_space<vmem>>) target_semaphore(%arg13 : memref<!tpu.dma_semaphore, #tpu.memory_space<semaphore_mem>>)
    %while3A_497 = arith.constant 0 : i32
    %while3A_498 = arith.constant 0 : i32
    %while3A_499 = arith.subi %select_n3A_488, %while3A_498 : i32
    %while3A_500 = arith.addi %while3A_498, %while3A_499 : i32
    %while3A_501 = arith.constant 1 : i32
    %while3A_502 = arith.divsi %while3A_499, %while3A_501 : i32
    %while3A_503 = arith.muli %while3A_502, %while3A_501 : i32
    %while3A_504 = arith.addi %while3A_498, %while3A_503 : i32
    %while3A_505 = arith.constant 1 : i32
    scf.for %while3A_873 = %while3A_498 to %while3A_504 step %while3A_505  : i32 {
      %mul3A_874 = arith.constant 16 : i32
      %mul3A_875 = arith.muli %while3A_873, %mul3A_874 : i32
      %get3A_876 = arith.index_cast %mul3A_875 : i32 to index
      %get3A_877 = tpu.vector_load %arg6[%get3A_876] {strides = array<i32>} : memref<32768xi32, #tpu.memory_space<vmem>>, vector<16xi32>,
      %bitcast3A_878 = vector.bitcast %get3A_877 : vector<16xi32> to vector<16xi32>
      %mul3A_879 = arith.constant 16 : i32
      %mul3A_880 = arith.muli %while3A_873, %mul3A_879 : i32
      %add3A_881 = vector.broadcast %mul3A_880 : i32 to vector<16xi32>
      %add3A_882 = arith.addi %add3A_881, %iota3A : vector<16xi32>
      %lt3A = vector.broadcast %reduce_max3A_462 : i32 to vector<16xi32>
      %lt3A_883 = arith.cmpi slt, %add3A_882, %lt3A : vector<16xi32>
      %sub3A_884 = vector.broadcast %shift_left3A_447 : i32 to vector<16xi32>
      %sub3A_885 = arith.subi %bitcast3A_878, %sub3A_884 : vector<16xi32>
      %min3A = arith.constant 2097152 : i32
      %min3A_886 = vector.broadcast %min3A : i32 to vector<16xi32>
      %min3A_887 = arith.minui %sub3A_885, %min3A_886 : vector<16xi32>
      %shift_right_logical3A = arith.constant 10 : i32
      %shift_right_logical3A_888 = vector.broadcast %shift_right_logical3A : i32 to vector<16xi32>
      %shift_right_logical3A_889 = arith.shrui %min3A_887, %shift_right_logical3A_888 : vector<16xi32>
      %min3A_890 = arith.constant 2047 : i32
      %min3A_891 = vector.broadcast %min3A_890 : i32 to vector<16xi32>
      %min3A_892 = arith.minui %shift_right_logical3A_889, %min3A_891 : vector<16xi32>
      %bitcast3A_893 = vector.bitcast %min3A_892 : vector<16xi32> to vector<16xi32>
      tpu.vector_store_idx %arg8[%bitcast3A_893], %broadcast_in_dim3A_0 masked %lt3A_883 {add = true} : memref<2064xi32, #tpu.memory_space<vmem>>[vector<16xi32>], vector<16xi32>, vector<16xi1>
    }
    %while3A_506 = arith.constant 1 : i32
    scf.for %while3A_873 = %while3A_504 to %while3A_500 step %while3A_506  : i32 {
      %mul3A_874 = arith.constant 16 : i32
      %mul3A_875 = arith.muli %while3A_873, %mul3A_874 : i32
      %get3A_876 = arith.index_cast %mul3A_875 : i32 to index
      %get3A_877 = tpu.vector_load %arg6[%get3A_876] {strides = array<i32>} : memref<32768xi32, #tpu.memory_space<vmem>>, vector<16xi32>,
      %bitcast3A_878 = vector.bitcast %get3A_877 : vector<16xi32> to vector<16xi32>
      %mul3A_879 = arith.constant 16 : i32
      %mul3A_880 = arith.muli %while3A_873, %mul3A_879 : i32
      %add3A_881 = vector.broadcast %mul3A_880 : i32 to vector<16xi32>
      %add3A_882 = arith.addi %add3A_881, %iota3A : vector<16xi32>
      %lt3A = vector.broadcast %reduce_max3A_462 : i32 to vector<16xi32>
      %lt3A_883 = arith.cmpi slt, %add3A_882, %lt3A : vector<16xi32>
      %sub3A_884 = vector.broadcast %shift_left3A_447 : i32 to vector<16xi32>
      %sub3A_885 = arith.subi %bitcast3A_878, %sub3A_884 : vector<16xi32>
      %min3A = arith.constant 2097152 : i32
      %min3A_886 = vector.broadcast %min3A : i32 to vector<16xi32>
      %min3A_887 = arith.minui %sub3A_885, %min3A_886 : vector<16xi32>
      %shift_right_logical3A = arith.constant 10 : i32
      %shift_right_logical3A_888 = vector.broadcast %shift_right_logical3A : i32 to vector<16xi32>
      %shift_right_logical3A_889 = arith.shrui %min3A_887, %shift_right_logical3A_888 : vector<16xi32>
      %min3A_890 = arith.constant 2047 : i32
      %min3A_891 = vector.broadcast %min3A_890 : i32 to vector<16xi32>
      %min3A_892 = arith.minui %shift_right_logical3A_889, %min3A_891 : vector<16xi32>
      %bitcast3A_893 = vector.bitcast %min3A_892 : vector<16xi32> to vector<16xi32>
      tpu.vector_store_idx %arg8[%bitcast3A_893], %broadcast_in_dim3A_0 masked %lt3A_883 {add = true} : memref<2064xi32, #tpu.memory_space<vmem>>[vector<16xi32>], vector<16xi32>, vector<16xi1>
    }
    %while3A_507 = arith.constant 127 : i32
    %while3A_508 = arith.constant false
    %while3A_509 = arith.constant 0 : i32
    %while3A_510 = arith.constant 0 : i32
    %while3A_511 = arith.constant 0 : i32
    %while3A_512:5 = scf.while (%while3A_873 = %while3A_507, %while3A_874 = %while3A_508, %while3A_875 = %while3A_509, %while3A_876 = %while3A_510, %while3A_877 = %while3A_511) : (i32, i1, i32, i32, i32) -> (i32, i1, i32, i32, i32) {
      %ge3A = arith.constant 0 : i32
      %ge3A_878 = arith.cmpi sge, %while3A_873, %ge3A : i32
      %not3A = arith.constant true
      %not3A_879 = arith.xori %while3A_874, %not3A : i1
      %and3A_880 = arith.andi %ge3A_878, %not3A_879 : i1
      scf.condition(%and3A_880) %while3A_873, %while3A_874, %while3A_875, %while3A_876, %while3A_877 : i32, i1, i32, i32, i32
    } do {
    ^bb0(%while3A_873: i32, %while3A_874: i1, %while3A_875: i32, %while3A_876: i32, %while3A_877: i32):
      %mul3A_878 = arith.constant 16 : i32
      %mul3A_879 = arith.muli %while3A_873, %mul3A_878 : i32
      %get3A_880 = arith.index_cast %mul3A_879 : i32 to index
      %get3A_881 = tpu.vector_load %arg8[%get3A_880] {strides = array<i32>} : memref<2064xi32, #tpu.memory_space<vmem>>, vector<16xi32>,
      %rev3A = arith.constant 15 : i32
      %rev3A_882 = vector.broadcast %rev3A : i32 to vector<16xi32>
      %rev3A_883 = tpu.iota {dimensions = array<i32: 0>} : vector<16xi32>
      %rev3A_884 = arith.subi %rev3A_882, %rev3A_883 : vector<16xi32>
      %rev3A_885 = tpu.dynamic_gather %get3A_881[%rev3A_884] in [0] : vector<16xi32>, vector<16xi32> -> vector<16xi32>
      %broadcast_in_dim3A_886 = arith.constant true
      %broadcast_in_dim3A_887 = vector.broadcast %broadcast_in_dim3A_886 : i1 to vector<16xi1>
      %masked_cumsum3A = tpu.scan <sum>, %rev3A_885 masked %broadcast_in_dim3A_887 : vector<16xi32>, vector<16xi1> -> vector<16xi32>
      %add3A_888 = vector.broadcast %while3A_877 : i32 to vector<16xi32>
      %add3A_889 = arith.addi %add3A_888, %masked_cumsum3A : vector<16xi32>
      %ge3A = arith.constant 64 : i32
      %ge3A_890 = vector.broadcast %ge3A : i32 to vector<16xi32>
      %ge3A_891 = arith.cmpi sge, %add3A_889, %ge3A_890 : vector<16xi32>
      %convert_element_type3A = arith.extui %ge3A_891 : vector<16xi1> to vector<16xi32>
      %reduce_sum3A = arith.constant true
      %reduce_sum3A_892 = vector.broadcast %reduce_sum3A : i1 to vector<16xi1>
      %reduce_sum3A_893 = tpu.scan <sum>, %convert_element_type3A masked %reduce_sum3A_892 : vector<16xi32>, vector<16xi1> -> vector<16xi32>
      %reduce_sum3A_894 = vector.extract %reduce_sum3A_893[15] : i32 from vector<16xi32>
      %gt3A = arith.constant 0 : i32
      %gt3A_895 = arith.cmpi sgt, %reduce_sum3A_894, %gt3A : i32
      %convert_element_type3A_896 = arith.extui %gt3A_895 : i1 to i32
      %cond3A = arith.constant 0 : i32
      %cond3A_897 = arith.constant 0 : i32
      %cond3A_898 = arith.cmpi ne, %convert_element_type3A_896, %cond3A_897 : i32
      %cond3A_899:3 = scf.if %cond3A_898 -> (i32, i32, i32) {
        %sub3A_902 = arith.constant 16 : i32
        %sub3A_903 = arith.subi %sub3A_902, %reduce_sum3A_894 : i32
        %eq3A_904 = vector.broadcast %sub3A_903 : i32 to vector<16xi32>
        %eq3A_905 = arith.cmpi eq, %iota3A, %eq3A_904 : vector<16xi32>
        %jit3A_906 = arith.constant 0 : i32
        %broadcast_in_dim3A_907 = vector.broadcast %jit3A_906 : i32 to vector<16xi32>
        %select_n3A_908 = arith.select %eq3A_905, %masked_cumsum3A, %broadcast_in_dim3A_907 : vector<16xi1>, vector<16xi32>
        %reduce_sum3A_909 = arith.constant true
        %reduce_sum3A_910 = vector.broadcast %reduce_sum3A_909 : i1 to vector<16xi1>
        %reduce_sum3A_911 = tpu.scan <sum>, %select_n3A_908 masked %reduce_sum3A_910 : vector<16xi32>, vector<16xi1> -> vector<16xi32>
        %reduce_sum3A_912 = vector.extract %reduce_sum3A_911[15] : i32 from vector<16xi32>
        %eq3A_913 = vector.broadcast %sub3A_903 : i32 to vector<16xi32>
        %eq3A_914 = arith.cmpi eq, %iota3A, %eq3A_913 : vector<16xi32>
        %jit3A_915 = arith.constant 0 : i32
        %broadcast_in_dim3A_916 = vector.broadcast %jit3A_915 : i32 to vector<16xi32>
        %select_n3A_917 = arith.select %eq3A_914, %rev3A_885, %broadcast_in_dim3A_916 : vector<16xi1>, vector<16xi32>
        %reduce_sum3A_918 = arith.constant true
        %reduce_sum3A_919 = vector.broadcast %reduce_sum3A_918 : i1 to vector<16xi1>
        %reduce_sum3A_920 = tpu.scan <sum>, %select_n3A_917 masked %reduce_sum3A_919 : vector<16xi32>, vector<16xi1> -> vector<16xi32>
        %reduce_sum3A_921 = vector.extract %reduce_sum3A_920[15] : i32 from vector<16xi32>
        %mul3A_922 = arith.constant 16 : i32
        %mul3A_923 = arith.muli %while3A_873, %mul3A_922 : i32
        %add3A_924 = arith.constant 15 : i32
        %add3A_925 = arith.addi %mul3A_923, %add3A_924 : i32
        %sub3A_926 = arith.subi %add3A_925, %sub3A_903 : i32
        %add3A_927 = arith.addi %while3A_877, %reduce_sum3A_912 : i32
        %sub3A_928 = arith.subi %add3A_927, %reduce_sum3A_921 : i32
        scf.yield %sub3A_926, %sub3A_928, %while3A_877 : i32, i32, i32
      } else {
        %reduce_sum3A_902 = arith.constant true
        %reduce_sum3A_903 = vector.broadcast %reduce_sum3A_902 : i1 to vector<16xi1>
        %reduce_sum3A_904 = tpu.scan <sum>, %get3A_881 masked %reduce_sum3A_903 : vector<16xi32>, vector<16xi1> -> vector<16xi32>
        %reduce_sum3A_905 = vector.extract %reduce_sum3A_904[15] : i32 from vector<16xi32>
        %add3A_906 = arith.addi %while3A_877, %reduce_sum3A_905 : i32
        scf.yield %while3A_875, %while3A_876, %add3A_906 : i32, i32, i32
      }
      %sub3A_900 = arith.constant 1 : i32
      %sub3A_901 = arith.subi %while3A_873, %sub3A_900 : i32
      %or3A = arith.ori %while3A_874, %gt3A_895 : i1
      scf.yield %sub3A_901, %or3A, %cond3A_899#0, %cond3A_899#1, %cond3A_899#2 : i32, i1, i32, i32, i32
    }
    %shift_left3A_513 = arith.constant 10 : i32
    %shift_left3A_514 = arith.shli %while3A_512#2, %shift_left3A_513 : i32
    %parallel_loop3A_515 = arith.constant 0 : i32
    %parallel_loop3A_516 = arith.constant 129 : i32
    %parallel_loop3A_517 = arith.constant 1 : i32
    scf.for %parallel_loop3A_873 = %parallel_loop3A_515 to %parallel_loop3A_516 step %parallel_loop3A_517  : i32 {
      %parallel_loop3A_874 = arith.constant 16 : i32
      %parallel_loop3A_875 = arith.muli %parallel_loop3A_873, %parallel_loop3A_874 : i32
      %parallel_loop3A_876 = arith.index_cast %parallel_loop3A_875 : i32 to index
      %parallel_loop3A_877 = tpu.vector_load %arg8[%parallel_loop3A_876] {strides = array<i32>} : memref<2064xi32, #tpu.memory_space<vmem>>, vector<16xi32>,
      tpu.vector_store %arg8[%parallel_loop3A_876], %broadcast_in_dim3A_2 {strides = array<i32>} : memref<2064xi32, #tpu.memory_space<vmem>>, vector<16xi32>,
    } {sc.loop_unroll_factor = 4 : i64, sc.parallel_access}
    %while3A_518 = arith.constant 0 : i32
    %while3A_519 = arith.subi %select_n3A_488, %while3A_518 : i32
    %while3A_520 = arith.addi %while3A_518, %while3A_519 : i32
    %while3A_521 = arith.constant 1 : i32
    %while3A_522 = arith.divsi %while3A_519, %while3A_521 : i32
    %while3A_523 = arith.muli %while3A_522, %while3A_521 : i32
    %while3A_524 = arith.addi %while3A_518, %while3A_523 : i32
    %while3A_525 = arith.constant 1 : i32
    %while3A_526 = scf.for %while3A_873 = %while3A_518 to %while3A_524 step %while3A_525 iter_args(%while3A_874 = %broadcast_in_dim3A_2) -> (vector<16xi32>)  : i32 {
      %mul3A_875 = arith.constant 16 : i32
      %mul3A_876 = arith.muli %while3A_873, %mul3A_875 : i32
      %get3A_877 = arith.index_cast %mul3A_876 : i32 to index
      %get3A_878 = tpu.vector_load %arg6[%get3A_877] {strides = array<i32>} : memref<32768xi32, #tpu.memory_space<vmem>>, vector<16xi32>,
      %bitcast3A_879 = vector.bitcast %get3A_878 : vector<16xi32> to vector<16xi32>
      %mul3A_880 = arith.constant 16 : i32
      %mul3A_881 = arith.muli %while3A_873, %mul3A_880 : i32
      %add3A_882 = vector.broadcast %mul3A_881 : i32 to vector<16xi32>
      %add3A_883 = arith.addi %add3A_882, %iota3A : vector<16xi32>
      %lt3A = vector.broadcast %reduce_max3A_462 : i32 to vector<16xi32>
      %lt3A_884 = arith.cmpi slt, %add3A_883, %lt3A : vector<16xi32>
      %sub3A_885 = vector.broadcast %shift_left3A_447 : i32 to vector<16xi32>
      %sub3A_886 = arith.subi %bitcast3A_879, %sub3A_885 : vector<16xi32>
      %min3A = arith.constant 2097152 : i32
      %min3A_887 = vector.broadcast %min3A : i32 to vector<16xi32>
      %min3A_888 = arith.minui %sub3A_886, %min3A_887 : vector<16xi32>
      %ge3A = vector.broadcast %shift_left3A_514 : i32 to vector<16xi32>
      %ge3A_889 = arith.cmpi uge, %min3A_888, %ge3A : vector<16xi32>
      %and3A_890 = arith.andi %lt3A_884, %ge3A_889 : vector<16xi1>
      %convert_element_type3A = arith.extui %and3A_890 : vector<16xi1> to vector<16xi32>
      %broadcast_in_dim3A_891 = arith.constant true
      %broadcast_in_dim3A_892 = vector.broadcast %broadcast_in_dim3A_891 : i1 to vector<16xi1>
      %masked_cumsum3A = tpu.scan <sum>, %convert_element_type3A masked %broadcast_in_dim3A_892 : vector<16xi32>, vector<16xi1> -> vector<16xi32>
      %add3A_893 = arith.addi %while3A_874, %masked_cumsum3A : vector<16xi32>
      %sub3A_894 = arith.constant 1 : i32
      %sub3A_895 = vector.broadcast %sub3A_894 : i32 to vector<16xi32>
      %sub3A_896 = arith.subi %add3A_893, %sub3A_895 : vector<16xi32>
      tpu.vector_store_idx %arg6[%sub3A_896], %get3A_878 masked %and3A_890 : memref<32768xi32, #tpu.memory_space<vmem>>[vector<16xi32>], vector<16xi32>, vector<16xi1>
      %mul3A_897 = arith.constant 16 : i32
      %mul3A_898 = arith.muli %while3A_873, %mul3A_897 : i32
      %get3A_899 = arith.index_cast %mul3A_898 : i32 to index
      %get3A_900 = tpu.vector_load %arg7[%get3A_899] {strides = array<i32>} : memref<32768xi32, #tpu.memory_space<vmem>>, vector<16xi32>,
      tpu.vector_store_idx %arg7[%sub3A_896], %get3A_900 masked %and3A_890 : memref<32768xi32, #tpu.memory_space<vmem>>[vector<16xi32>], vector<16xi32>, vector<16xi1>
      %all_reduce_population_count3A = tpu.all_reduce %and3A_890 {dim = 0 : i64, kind = #tpu.reduction_kind<sum>} : vector<16xi1> -> vector<16xi32>
      %add3A_901 = arith.addi %while3A_874, %all_reduce_population_count3A : vector<16xi32>
      scf.yield %add3A_901 : vector<16xi32>
    }
    %while3A_527 = arith.constant 1 : i32
    %while3A_528 = scf.for %while3A_873 = %while3A_524 to %while3A_520 step %while3A_527 iter_args(%while3A_874 = %while3A_526) -> (vector<16xi32>)  : i32 {
      %mul3A_875 = arith.constant 16 : i32
      %mul3A_876 = arith.muli %while3A_873, %mul3A_875 : i32
      %get3A_877 = arith.index_cast %mul3A_876 : i32 to index
      %get3A_878 = tpu.vector_load %arg6[%get3A_877] {strides = array<i32>} : memref<32768xi32, #tpu.memory_space<vmem>>, vector<16xi32>,
      %bitcast3A_879 = vector.bitcast %get3A_878 : vector<16xi32> to vector<16xi32>
      %mul3A_880 = arith.constant 16 : i32
      %mul3A_881 = arith.muli %while3A_873, %mul3A_880 : i32
      %add3A_882 = vector.broadcast %mul3A_881 : i32 to vector<16xi32>
      %add3A_883 = arith.addi %add3A_882, %iota3A : vector<16xi32>
      %lt3A = vector.broadcast %reduce_max3A_462 : i32 to vector<16xi32>
      %lt3A_884 = arith.cmpi slt, %add3A_883, %lt3A : vector<16xi32>
      %sub3A_885 = vector.broadcast %shift_left3A_447 : i32 to vector<16xi32>
      %sub3A_886 = arith.subi %bitcast3A_879, %sub3A_885 : vector<16xi32>
      %min3A = arith.constant 2097152 : i32
      %min3A_887 = vector.broadcast %min3A : i32 to vector<16xi32>
      %min3A_888 = arith.minui %sub3A_886, %min3A_887 : vector<16xi32>
      %ge3A = vector.broadcast %shift_left3A_514 : i32 to vector<16xi32>
      %ge3A_889 = arith.cmpi uge, %min3A_888, %ge3A : vector<16xi32>
      %and3A_890 = arith.andi %lt3A_884, %ge3A_889 : vector<16xi1>
      %convert_element_type3A = arith.extui %and3A_890 : vector<16xi1> to vector<16xi32>
      %broadcast_in_dim3A_891 = arith.constant true
      %broadcast_in_dim3A_892 = vector.broadcast %broadcast_in_dim3A_891 : i1 to vector<16xi1>
      %masked_cumsum3A = tpu.scan <sum>, %convert_element_type3A masked %broadcast_in_dim3A_892 : vector<16xi32>, vector<16xi1> -> vector<16xi32>
      %add3A_893 = arith.addi %while3A_874, %masked_cumsum3A : vector<16xi32>
      %sub3A_894 = arith.constant 1 : i32
      %sub3A_895 = vector.broadcast %sub3A_894 : i32 to vector<16xi32>
      %sub3A_896 = arith.subi %add3A_893, %sub3A_895 : vector<16xi32>
      tpu.vector_store_idx %arg6[%sub3A_896], %get3A_878 masked %and3A_890 : memref<32768xi32, #tpu.memory_space<vmem>>[vector<16xi32>], vector<16xi32>, vector<16xi1>
      %mul3A_897 = arith.constant 16 : i32
      %mul3A_898 = arith.muli %while3A_873, %mul3A_897 : i32
      %get3A_899 = arith.index_cast %mul3A_898 : i32 to index
      %get3A_900 = tpu.vector_load %arg7[%get3A_899] {strides = array<i32>} : memref<32768xi32, #tpu.memory_space<vmem>>, vector<16xi32>,
      tpu.vector_store_idx %arg7[%sub3A_896], %get3A_900 masked %and3A_890 : memref<32768xi32, #tpu.memory_space<vmem>>[vector<16xi32>], vector<16xi32>, vector<16xi1>
      %all_reduce_population_count3A = tpu.all_reduce %and3A_890 {dim = 0 : i64, kind = #tpu.reduction_kind<sum>} : vector<16xi1> -> vector<16xi32>
      %add3A_901 = arith.addi %while3A_874, %all_reduce_population_count3A : vector<16xi32>
      scf.yield %add3A_901 : vector<16xi32>
    }
    %reduce_max3A_529 = arith.constant true
    %reduce_max3A_530 = vector.broadcast %reduce_max3A_529 : i1 to vector<16xi1>
    %reduce_max3A_531 = arith.constant -2147483648 : i32
    %reduce_max3A_532 = vector.broadcast %reduce_max3A_531 : i32 to vector<16xi32>
    %reduce_max3A_533 = arith.xori %while3A_528, %reduce_max3A_532 : vector<16xi32>
    %reduce_max3A_534 = tpu.scan <max>, %reduce_max3A_533 masked %reduce_max3A_530 : vector<16xi32>, vector<16xi1> -> vector<16xi32>
    %reduce_max3A_535 = arith.xori %reduce_max3A_534, %reduce_max3A_532 : vector<16xi32>
    %reduce_max3A_536 = vector.extract %reduce_max3A_535[15] : i32 from vector<16xi32>
    %add3A_537 = arith.constant 15 : i32
    %add3A_538 = arith.addi %reduce_max3A_536, %add3A_537 : i32
    %jit3A_539 = arith.constant 16 : i32
    %div3A_540 = arith.divsi %add3A_538, %jit3A_539 : i32
    %sign3A_541 = arith.constant 0 : i32
    %sign3A_542 = arith.cmpi sgt, %add3A_538, %sign3A_541 : i32
    %sign3A_543 = arith.extui %sign3A_542 : i1 to i32
    %sign3A_544 = arith.constant 0 : i32
    %sign3A_545 = arith.cmpi slt, %add3A_538, %sign3A_544 : i32
    %sign3A_546 = arith.extui %sign3A_545 : i1 to i32
    %sign3A_547 = arith.subi %sign3A_543, %sign3A_546 : i32
    %sign3A_548 = arith.constant 0 : i32
    %sign3A_549 = arith.cmpi sgt, %jit3A_539, %sign3A_548 : i32
    %sign3A_550 = arith.extui %sign3A_549 : i1 to i32
    %sign3A_551 = arith.constant 0 : i32
    %sign3A_552 = arith.cmpi slt, %jit3A_539, %sign3A_551 : i32
    %sign3A_553 = arith.extui %sign3A_552 : i1 to i32
    %sign3A_554 = arith.subi %sign3A_550, %sign3A_553 : i32
    %ne3A_555 = arith.cmpi ne, %sign3A_547, %sign3A_554 : i32
    %rem3A_556 = arith.remsi %add3A_538, %jit3A_539 : i32
    %ne3A_557 = arith.constant 0 : i32
    %ne3A_558 = arith.cmpi ne, %rem3A_556, %ne3A_557 : i32
    %and3A_559 = arith.andi %ne3A_555, %ne3A_558 : i1
    %sub3A_560 = arith.constant 1 : i32
    %sub3A_561 = arith.subi %div3A_540, %sub3A_560 : i32
    %select_n3A_562 = arith.select %and3A_559, %sub3A_561, %div3A_540 : i32
    %while3A_563 = arith.constant 0 : i32
    %while3A_564 = arith.constant 0 : i32
    %while3A_565 = arith.subi %select_n3A_562, %while3A_564 : i32
    %while3A_566 = arith.addi %while3A_564, %while3A_565 : i32
    %while3A_567 = arith.constant 1 : i32
    %while3A_568 = arith.divsi %while3A_565, %while3A_567 : i32
    %while3A_569 = arith.muli %while3A_568, %while3A_567 : i32
    %while3A_570 = arith.addi %while3A_564, %while3A_569 : i32
    %while3A_571 = arith.constant 1 : i32
    scf.for %while3A_873 = %while3A_564 to %while3A_570 step %while3A_571  : i32 {
      %mul3A_874 = arith.constant 16 : i32
      %mul3A_875 = arith.muli %while3A_873, %mul3A_874 : i32
      %get3A_876 = arith.index_cast %mul3A_875 : i32 to index
      %get3A_877 = tpu.vector_load %arg6[%get3A_876] {strides = array<i32>} : memref<32768xi32, #tpu.memory_space<vmem>>, vector<16xi32>,
      %bitcast3A_878 = vector.bitcast %get3A_877 : vector<16xi32> to vector<16xi32>
      %mul3A_879 = arith.constant 16 : i32
      %mul3A_880 = arith.muli %while3A_873, %mul3A_879 : i32
      %add3A_881 = vector.broadcast %mul3A_880 : i32 to vector<16xi32>
      %add3A_882 = arith.addi %add3A_881, %iota3A : vector<16xi32>
      %lt3A = vector.broadcast %reduce_max3A_536 : i32 to vector<16xi32>
      %lt3A_883 = arith.cmpi slt, %add3A_882, %lt3A : vector<16xi32>
      %sub3A_884 = vector.broadcast %shift_left3A_447 : i32 to vector<16xi32>
      %sub3A_885 = arith.subi %bitcast3A_878, %sub3A_884 : vector<16xi32>
      %min3A = arith.constant 2097152 : i32
      %min3A_886 = vector.broadcast %min3A : i32 to vector<16xi32>
      %min3A_887 = arith.minui %sub3A_885, %min3A_886 : vector<16xi32>
      %sub3A_888 = vector.broadcast %shift_left3A_514 : i32 to vector<16xi32>
      %sub3A_889 = arith.subi %min3A_887, %sub3A_888 : vector<16xi32>
      %min3A_890 = arith.constant 1024 : i32
      %min3A_891 = vector.broadcast %min3A_890 : i32 to vector<16xi32>
      %min3A_892 = arith.minui %sub3A_889, %min3A_891 : vector<16xi32>
      %bitcast3A_893 = vector.bitcast %min3A_892 : vector<16xi32> to vector<16xi32>
      tpu.vector_store_idx %arg8[%bitcast3A_893], %broadcast_in_dim3A_0 masked %lt3A_883 {add = true} : memref<2064xi32, #tpu.memory_space<vmem>>[vector<16xi32>], vector<16xi32>, vector<16xi1>
    }
    %while3A_572 = arith.constant 1 : i32
    scf.for %while3A_873 = %while3A_570 to %while3A_566 step %while3A_572  : i32 {
      %mul3A_874 = arith.constant 16 : i32
      %mul3A_875 = arith.muli %while3A_873, %mul3A_874 : i32
      %get3A_876 = arith.index_cast %mul3A_875 : i32 to index
      %get3A_877 = tpu.vector_load %arg6[%get3A_876] {strides = array<i32>} : memref<32768xi32, #tpu.memory_space<vmem>>, vector<16xi32>,
      %bitcast3A_878 = vector.bitcast %get3A_877 : vector<16xi32> to vector<16xi32>
      %mul3A_879 = arith.constant 16 : i32
      %mul3A_880 = arith.muli %while3A_873, %mul3A_879 : i32
      %add3A_881 = vector.broadcast %mul3A_880 : i32 to vector<16xi32>
      %add3A_882 = arith.addi %add3A_881, %iota3A : vector<16xi32>
      %lt3A = vector.broadcast %reduce_max3A_536 : i32 to vector<16xi32>
      %lt3A_883 = arith.cmpi slt, %add3A_882, %lt3A : vector<16xi32>
      %sub3A_884 = vector.broadcast %shift_left3A_447 : i32 to vector<16xi32>
      %sub3A_885 = arith.subi %bitcast3A_878, %sub3A_884 : vector<16xi32>
      %min3A = arith.constant 2097152 : i32
      %min3A_886 = vector.broadcast %min3A : i32 to vector<16xi32>
      %min3A_887 = arith.minui %sub3A_885, %min3A_886 : vector<16xi32>
      %sub3A_888 = vector.broadcast %shift_left3A_514 : i32 to vector<16xi32>
      %sub3A_889 = arith.subi %min3A_887, %sub3A_888 : vector<16xi32>
      %min3A_890 = arith.constant 1024 : i32
      %min3A_891 = vector.broadcast %min3A_890 : i32 to vector<16xi32>
      %min3A_892 = arith.minui %sub3A_889, %min3A_891 : vector<16xi32>
      %bitcast3A_893 = vector.bitcast %min3A_892 : vector<16xi32> to vector<16xi32>
      tpu.vector_store_idx %arg8[%bitcast3A_893], %broadcast_in_dim3A_0 masked %lt3A_883 {add = true} : memref<2064xi32, #tpu.memory_space<vmem>>[vector<16xi32>], vector<16xi32>, vector<16xi1>
    }
    %while3A_573 = arith.constant 65 : i32
    %while3A_574 = arith.constant false
    %while3A_575 = arith.constant 0 : i32
    %while3A_576 = arith.constant 0 : i32
    %while3A_577 = arith.constant 0 : i32
    %while3A_578:5 = scf.while (%while3A_873 = %while3A_573, %while3A_874 = %while3A_574, %while3A_875 = %while3A_575, %while3A_876 = %while3A_576, %while3A_877 = %while3A_577) : (i32, i1, i32, i32, i32) -> (i32, i1, i32, i32, i32) {
      %ge3A = arith.constant 0 : i32
      %ge3A_878 = arith.cmpi sge, %while3A_873, %ge3A : i32
      %not3A = arith.constant true
      %not3A_879 = arith.xori %while3A_874, %not3A : i1
      %and3A_880 = arith.andi %ge3A_878, %not3A_879 : i1
      scf.condition(%and3A_880) %while3A_873, %while3A_874, %while3A_875, %while3A_876, %while3A_877 : i32, i1, i32, i32, i32
    } do {
    ^bb0(%while3A_873: i32, %while3A_874: i1, %while3A_875: i32, %while3A_876: i32, %while3A_877: i32):
      %mul3A_878 = arith.constant 16 : i32
      %mul3A_879 = arith.muli %while3A_873, %mul3A_878 : i32
      %get3A_880 = arith.index_cast %mul3A_879 : i32 to index
      %get3A_881 = tpu.vector_load %arg8[%get3A_880] {strides = array<i32>} : memref<2064xi32, #tpu.memory_space<vmem>>, vector<16xi32>,
      %rev3A = arith.constant 15 : i32
      %rev3A_882 = vector.broadcast %rev3A : i32 to vector<16xi32>
      %rev3A_883 = tpu.iota {dimensions = array<i32: 0>} : vector<16xi32>
      %rev3A_884 = arith.subi %rev3A_882, %rev3A_883 : vector<16xi32>
      %rev3A_885 = tpu.dynamic_gather %get3A_881[%rev3A_884] in [0] : vector<16xi32>, vector<16xi32> -> vector<16xi32>
      %broadcast_in_dim3A_886 = arith.constant true
      %broadcast_in_dim3A_887 = vector.broadcast %broadcast_in_dim3A_886 : i1 to vector<16xi1>
      %masked_cumsum3A = tpu.scan <sum>, %rev3A_885 masked %broadcast_in_dim3A_887 : vector<16xi32>, vector<16xi1> -> vector<16xi32>
      %add3A_888 = vector.broadcast %while3A_877 : i32 to vector<16xi32>
      %add3A_889 = arith.addi %add3A_888, %masked_cumsum3A : vector<16xi32>
      %ge3A = arith.constant 64 : i32
      %ge3A_890 = vector.broadcast %ge3A : i32 to vector<16xi32>
      %ge3A_891 = arith.cmpi sge, %add3A_889, %ge3A_890 : vector<16xi32>
      %convert_element_type3A = arith.extui %ge3A_891 : vector<16xi1> to vector<16xi32>
      %reduce_sum3A = arith.constant true
      %reduce_sum3A_892 = vector.broadcast %reduce_sum3A : i1 to vector<16xi1>
      %reduce_sum3A_893 = tpu.scan <sum>, %convert_element_type3A masked %reduce_sum3A_892 : vector<16xi32>, vector<16xi1> -> vector<16xi32>
      %reduce_sum3A_894 = vector.extract %reduce_sum3A_893[15] : i32 from vector<16xi32>
      %gt3A = arith.constant 0 : i32
      %gt3A_895 = arith.cmpi sgt, %reduce_sum3A_894, %gt3A : i32
      %convert_element_type3A_896 = arith.extui %gt3A_895 : i1 to i32
      %cond3A = arith.constant 0 : i32
      %cond3A_897 = arith.constant 0 : i32
      %cond3A_898 = arith.cmpi ne, %convert_element_type3A_896, %cond3A_897 : i32
      %cond3A_899:3 = scf.if %cond3A_898 -> (i32, i32, i32) {
        %sub3A_902 = arith.constant 16 : i32
        %sub3A_903 = arith.subi %sub3A_902, %reduce_sum3A_894 : i32
        %eq3A_904 = vector.broadcast %sub3A_903 : i32 to vector<16xi32>
        %eq3A_905 = arith.cmpi eq, %iota3A, %eq3A_904 : vector<16xi32>
        %jit3A_906 = arith.constant 0 : i32
        %broadcast_in_dim3A_907 = vector.broadcast %jit3A_906 : i32 to vector<16xi32>
        %select_n3A_908 = arith.select %eq3A_905, %masked_cumsum3A, %broadcast_in_dim3A_907 : vector<16xi1>, vector<16xi32>
        %reduce_sum3A_909 = arith.constant true
        %reduce_sum3A_910 = vector.broadcast %reduce_sum3A_909 : i1 to vector<16xi1>
        %reduce_sum3A_911 = tpu.scan <sum>, %select_n3A_908 masked %reduce_sum3A_910 : vector<16xi32>, vector<16xi1> -> vector<16xi32>
        %reduce_sum3A_912 = vector.extract %reduce_sum3A_911[15] : i32 from vector<16xi32>
        %eq3A_913 = vector.broadcast %sub3A_903 : i32 to vector<16xi32>
        %eq3A_914 = arith.cmpi eq, %iota3A, %eq3A_913 : vector<16xi32>
        %jit3A_915 = arith.constant 0 : i32
        %broadcast_in_dim3A_916 = vector.broadcast %jit3A_915 : i32 to vector<16xi32>
        %select_n3A_917 = arith.select %eq3A_914, %rev3A_885, %broadcast_in_dim3A_916 : vector<16xi1>, vector<16xi32>
        %reduce_sum3A_918 = arith.constant true
        %reduce_sum3A_919 = vector.broadcast %reduce_sum3A_918 : i1 to vector<16xi1>
        %reduce_sum3A_920 = tpu.scan <sum>, %select_n3A_917 masked %reduce_sum3A_919 : vector<16xi32>, vector<16xi1> -> vector<16xi32>
        %reduce_sum3A_921 = vector.extract %reduce_sum3A_920[15] : i32 from vector<16xi32>
        %mul3A_922 = arith.constant 16 : i32
        %mul3A_923 = arith.muli %while3A_873, %mul3A_922 : i32
        %add3A_924 = arith.constant 15 : i32
        %add3A_925 = arith.addi %mul3A_923, %add3A_924 : i32
        %sub3A_926 = arith.subi %add3A_925, %sub3A_903 : i32
        %add3A_927 = arith.addi %while3A_877, %reduce_sum3A_912 : i32
        %sub3A_928 = arith.subi %add3A_927, %reduce_sum3A_921 : i32
        scf.yield %sub3A_926, %sub3A_928, %while3A_877 : i32, i32, i32
      } else {
        %reduce_sum3A_902 = arith.constant true
        %reduce_sum3A_903 = vector.broadcast %reduce_sum3A_902 : i1 to vector<16xi1>
        %reduce_sum3A_904 = tpu.scan <sum>, %get3A_881 masked %reduce_sum3A_903 : vector<16xi32>, vector<16xi1> -> vector<16xi32>
        %reduce_sum3A_905 = vector.extract %reduce_sum3A_904[15] : i32 from vector<16xi32>
        %add3A_906 = arith.addi %while3A_877, %reduce_sum3A_905 : i32
        scf.yield %while3A_875, %while3A_876, %add3A_906 : i32, i32, i32
      }
      %sub3A_900 = arith.constant 1 : i32
      %sub3A_901 = arith.subi %while3A_873, %sub3A_900 : i32
      %or3A = arith.ori %while3A_874, %gt3A_895 : i1
      scf.yield %sub3A_901, %or3A, %cond3A_899#0, %cond3A_899#1, %cond3A_899#2 : i32, i1, i32, i32, i32
    }
    %sub3A_579 = arith.constant 64 : i32
    %sub3A_580 = arith.subi %sub3A_579, %while3A_578#3 : i32
    %parallel_loop3A_581 = arith.constant 0 : i32
    %parallel_loop3A_582 = arith.constant 129 : i32
    %parallel_loop3A_583 = arith.constant 1 : i32
    scf.for %parallel_loop3A_873 = %parallel_loop3A_581 to %parallel_loop3A_582 step %parallel_loop3A_583  : i32 {
      %parallel_loop3A_874 = arith.constant 16 : i32
      %parallel_loop3A_875 = arith.muli %parallel_loop3A_873, %parallel_loop3A_874 : i32
      %parallel_loop3A_876 = arith.index_cast %parallel_loop3A_875 : i32 to index
      %parallel_loop3A_877 = tpu.vector_load %arg8[%parallel_loop3A_876] {strides = array<i32>} : memref<2064xi32, #tpu.memory_space<vmem>>, vector<16xi32>,
      tpu.vector_store %arg8[%parallel_loop3A_876], %broadcast_in_dim3A_2 {strides = array<i32>} : memref<2064xi32, #tpu.memory_space<vmem>>, vector<16xi32>,
    } {sc.loop_unroll_factor = 4 : i64, sc.parallel_access}
    %while3A_584 = arith.constant 0 : i32
    %while3A_585 = arith.subi %select_n3A_562, %while3A_584 : i32
    %while3A_586 = arith.addi %while3A_584, %while3A_585 : i32
    %while3A_587 = arith.constant 1 : i32
    %while3A_588 = arith.divsi %while3A_585, %while3A_587 : i32
    %while3A_589 = arith.muli %while3A_588, %while3A_587 : i32
    %while3A_590 = arith.addi %while3A_584, %while3A_589 : i32
    %while3A_591 = arith.constant 1 : i32
    %while3A_592:2 = scf.for %while3A_873 = %while3A_584 to %while3A_590 step %while3A_591 iter_args(%while3A_874 = %broadcast_in_dim3A_2, %while3A_875 = %broadcast_in_dim3A_2) -> (vector<16xi32>, vector<16xi32>)  : i32 {
      %mul3A_876 = arith.constant 16 : i32
      %mul3A_877 = arith.muli %while3A_873, %mul3A_876 : i32
      %get3A_878 = arith.index_cast %mul3A_877 : i32 to index
      %get3A_879 = tpu.vector_load %arg6[%get3A_878] {strides = array<i32>} : memref<32768xi32, #tpu.memory_space<vmem>>, vector<16xi32>,
      %bitcast3A_880 = vector.bitcast %get3A_879 : vector<16xi32> to vector<16xi32>
      %mul3A_881 = arith.constant 16 : i32
      %mul3A_882 = arith.muli %while3A_873, %mul3A_881 : i32
      %add3A_883 = vector.broadcast %mul3A_882 : i32 to vector<16xi32>
      %add3A_884 = arith.addi %add3A_883, %iota3A : vector<16xi32>
      %lt3A = vector.broadcast %reduce_max3A_536 : i32 to vector<16xi32>
      %lt3A_885 = arith.cmpi slt, %add3A_884, %lt3A : vector<16xi32>
      %sub3A_886 = vector.broadcast %shift_left3A_447 : i32 to vector<16xi32>
      %sub3A_887 = arith.subi %bitcast3A_880, %sub3A_886 : vector<16xi32>
      %min3A = arith.constant 2097152 : i32
      %min3A_888 = vector.broadcast %min3A : i32 to vector<16xi32>
      %min3A_889 = arith.minui %sub3A_887, %min3A_888 : vector<16xi32>
      %sub3A_890 = vector.broadcast %shift_left3A_514 : i32 to vector<16xi32>
      %sub3A_891 = arith.subi %min3A_889, %sub3A_890 : vector<16xi32>
      %min3A_892 = arith.constant 1024 : i32
      %min3A_893 = vector.broadcast %min3A_892 : i32 to vector<16xi32>
      %min3A_894 = arith.minui %sub3A_891, %min3A_893 : vector<16xi32>
      %gt3A = vector.broadcast %while3A_578#2 : i32 to vector<16xi32>
      %gt3A_895 = arith.cmpi ugt, %min3A_894, %gt3A : vector<16xi32>
      %and3A_896 = arith.andi %lt3A_885, %gt3A_895 : vector<16xi1>
      %eq3A_897 = vector.broadcast %while3A_578#2 : i32 to vector<16xi32>
      %eq3A_898 = arith.cmpi eq, %min3A_894, %eq3A_897 : vector<16xi32>
      %and3A_899 = arith.andi %lt3A_885, %eq3A_898 : vector<16xi1>
      %convert_element_type3A = arith.extui %and3A_899 : vector<16xi1> to vector<16xi32>
      %broadcast_in_dim3A_900 = arith.constant true
      %broadcast_in_dim3A_901 = vector.broadcast %broadcast_in_dim3A_900 : i1 to vector<16xi1>
      %masked_cumsum3A = tpu.scan <sum>, %convert_element_type3A masked %broadcast_in_dim3A_901 : vector<16xi32>, vector<16xi1> -> vector<16xi32>
      %add3A_902 = arith.addi %masked_cumsum3A, %while3A_875 : vector<16xi32>
      %le3A = vector.broadcast %sub3A_580 : i32 to vector<16xi32>
      %le3A_903 = arith.cmpi sle, %add3A_902, %le3A : vector<16xi32>
      %and3A_904 = arith.andi %and3A_899, %le3A_903 : vector<16xi1>
      %or3A = arith.ori %and3A_896, %and3A_904 : vector<16xi1>
      %convert_element_type3A_905 = arith.extui %or3A : vector<16xi1> to vector<16xi32>
      %broadcast_in_dim3A_906 = arith.constant true
      %broadcast_in_dim3A_907 = vector.broadcast %broadcast_in_dim3A_906 : i1 to vector<16xi1>
      %masked_cumsum3A_908 = tpu.scan <sum>, %convert_element_type3A_905 masked %broadcast_in_dim3A_907 : vector<16xi32>, vector<16xi1> -> vector<16xi32>
      %add3A_909 = arith.addi %while3A_874, %masked_cumsum3A_908 : vector<16xi32>
      %sub3A_910 = arith.constant 1 : i32
      %sub3A_911 = vector.broadcast %sub3A_910 : i32 to vector<16xi32>
      %sub3A_912 = arith.subi %add3A_909, %sub3A_911 : vector<16xi32>
      tpu.vector_store_idx %arg9[%sub3A_912], %get3A_879 masked %or3A : memref<64xi32, #tpu.memory_space<vmem>>[vector<16xi32>], vector<16xi32>, vector<16xi1>
      %mul3A_913 = arith.constant 16 : i32
      %mul3A_914 = arith.muli %while3A_873, %mul3A_913 : i32
      %get3A_915 = arith.index_cast %mul3A_914 : i32 to index
      %get3A_916 = tpu.vector_load %arg7[%get3A_915] {strides = array<i32>} : memref<32768xi32, #tpu.memory_space<vmem>>, vector<16xi32>,
      tpu.vector_store_idx %arg10[%sub3A_912], %get3A_916 masked %or3A : memref<64xi32, #tpu.memory_space<vmem>>[vector<16xi32>], vector<16xi32>, vector<16xi1>
      %all_reduce_population_count3A = tpu.all_reduce %or3A {dim = 0 : i64, kind = #tpu.reduction_kind<sum>} : vector<16xi1> -> vector<16xi32>
      %add3A_917 = arith.addi %while3A_874, %all_reduce_population_count3A : vector<16xi32>
      %all_reduce_population_count3A_918 = tpu.all_reduce %and3A_899 {dim = 0 : i64, kind = #tpu.reduction_kind<sum>} : vector<16xi1> -> vector<16xi32>
      %add3A_919 = arith.addi %while3A_875, %all_reduce_population_count3A_918 : vector<16xi32>
      scf.yield %add3A_917, %add3A_919 : vector<16xi32>, vector<16xi32>
    }
    %while3A_593 = arith.constant 1 : i32
    %while3A_594:2 = scf.for %while3A_873 = %while3A_590 to %while3A_586 step %while3A_593 iter_args(%while3A_874 = %while3A_592#0, %while3A_875 = %while3A_592#1) -> (vector<16xi32>, vector<16xi32>)  : i32 {
      %mul3A_876 = arith.constant 16 : i32
      %mul3A_877 = arith.muli %while3A_873, %mul3A_876 : i32
      %get3A_878 = arith.index_cast %mul3A_877 : i32 to index
      %get3A_879 = tpu.vector_load %arg6[%get3A_878] {strides = array<i32>} : memref<32768xi32, #tpu.memory_space<vmem>>, vector<16xi32>,
      %bitcast3A_880 = vector.bitcast %get3A_879 : vector<16xi32> to vector<16xi32>
      %mul3A_881 = arith.constant 16 : i32
      %mul3A_882 = arith.muli %while3A_873, %mul3A_881 : i32
      %add3A_883 = vector.broadcast %mul3A_882 : i32 to vector<16xi32>
      %add3A_884 = arith.addi %add3A_883, %iota3A : vector<16xi32>
      %lt3A = vector.broadcast %reduce_max3A_536 : i32 to vector<16xi32>
      %lt3A_885 = arith.cmpi slt, %add3A_884, %lt3A : vector<16xi32>
      %sub3A_886 = vector.broadcast %shift_left3A_447 : i32 to vector<16xi32>
      %sub3A_887 = arith.subi %bitcast3A_880, %sub3A_886 : vector<16xi32>
      %min3A = arith.constant 2097152 : i32
      %min3A_888 = vector.broadcast %min3A : i32 to vector<16xi32>
      %min3A_889 = arith.minui %sub3A_887, %min3A_888 : vector<16xi32>
      %sub3A_890 = vector.broadcast %shift_left3A_514 : i32 to vector<16xi32>
      %sub3A_891 = arith.subi %min3A_889, %sub3A_890 : vector<16xi32>
      %min3A_892 = arith.constant 1024 : i32
      %min3A_893 = vector.broadcast %min3A_892 : i32 to vector<16xi32>
      %min3A_894 = arith.minui %sub3A_891, %min3A_893 : vector<16xi32>
      %gt3A = vector.broadcast %while3A_578#2 : i32 to vector<16xi32>
      %gt3A_895 = arith.cmpi ugt, %min3A_894, %gt3A : vector<16xi32>
      %and3A_896 = arith.andi %lt3A_885, %gt3A_895 : vector<16xi1>
      %eq3A_897 = vector.broadcast %while3A_578#2 : i32 to vector<16xi32>
      %eq3A_898 = arith.cmpi eq, %min3A_894, %eq3A_897 : vector<16xi32>
      %and3A_899 = arith.andi %lt3A_885, %eq3A_898 : vector<16xi1>
      %convert_element_type3A = arith.extui %and3A_899 : vector<16xi1> to vector<16xi32>
      %broadcast_in_dim3A_900 = arith.constant true
      %broadcast_in_dim3A_901 = vector.broadcast %broadcast_in_dim3A_900 : i1 to vector<16xi1>
      %masked_cumsum3A = tpu.scan <sum>, %convert_element_type3A masked %broadcast_in_dim3A_901 : vector<16xi32>, vector<16xi1> -> vector<16xi32>
      %add3A_902 = arith.addi %masked_cumsum3A, %while3A_875 : vector<16xi32>
      %le3A = vector.broadcast %sub3A_580 : i32 to vector<16xi32>
      %le3A_903 = arith.cmpi sle, %add3A_902, %le3A : vector<16xi32>
      %and3A_904 = arith.andi %and3A_899, %le3A_903 : vector<16xi1>
      %or3A = arith.ori %and3A_896, %and3A_904 : vector<16xi1>
      %convert_element_type3A_905 = arith.extui %or3A : vector<16xi1> to vector<16xi32>
      %broadcast_in_dim3A_906 = arith.constant true
      %broadcast_in_dim3A_907 = vector.broadcast %broadcast_in_dim3A_906 : i1 to vector<16xi1>
      %masked_cumsum3A_908 = tpu.scan <sum>, %convert_element_type3A_905 masked %broadcast_in_dim3A_907 : vector<16xi32>, vector<16xi1> -> vector<16xi32>
      %add3A_909 = arith.addi %while3A_874, %masked_cumsum3A_908 : vector<16xi32>
      %sub3A_910 = arith.constant 1 : i32
      %sub3A_911 = vector.broadcast %sub3A_910 : i32 to vector<16xi32>
      %sub3A_912 = arith.subi %add3A_909, %sub3A_911 : vector<16xi32>
      tpu.vector_store_idx %arg9[%sub3A_912], %get3A_879 masked %or3A : memref<64xi32, #tpu.memory_space<vmem>>[vector<16xi32>], vector<16xi32>, vector<16xi1>
      %mul3A_913 = arith.constant 16 : i32
      %mul3A_914 = arith.muli %while3A_873, %mul3A_913 : i32
      %get3A_915 = arith.index_cast %mul3A_914 : i32 to index
      %get3A_916 = tpu.vector_load %arg7[%get3A_915] {strides = array<i32>} : memref<32768xi32, #tpu.memory_space<vmem>>, vector<16xi32>,
      tpu.vector_store_idx %arg10[%sub3A_912], %get3A_916 masked %or3A : memref<64xi32, #tpu.memory_space<vmem>>[vector<16xi32>], vector<16xi32>, vector<16xi1>
      %all_reduce_population_count3A = tpu.all_reduce %or3A {dim = 0 : i64, kind = #tpu.reduction_kind<sum>} : vector<16xi1> -> vector<16xi32>
      %add3A_917 = arith.addi %while3A_874, %all_reduce_population_count3A : vector<16xi32>
      %all_reduce_population_count3A_918 = tpu.all_reduce %and3A_899 {dim = 0 : i64, kind = #tpu.reduction_kind<sum>} : vector<16xi1> -> vector<16xi32>
      %add3A_919 = arith.addi %while3A_875, %all_reduce_population_count3A_918 : vector<16xi32>
      scf.yield %add3A_917, %add3A_919 : vector<16xi32>, vector<16xi32>
    }
    %dma_wait3A_595 = arith.constant 0 : i32
    %dma_wait3A_596 = tpu.memref_slice %arg3[%add3A_209, %dma_wait3A_595] : memref<128x64xf32, #tpu.memory_space<hbm>> -> memref<1x64xf32, #tpu.memory_space<hbm>>
    %dma_wait3A_597 = tpu.memref_squeeze %dma_wait3A_596 : memref<1x64xf32, #tpu.memory_space<hbm>> -> memref<64xf32, #tpu.memory_space<hbm>>
    %dma_wait3A_598 = arith.constant 0 : i32
    %dma_wait3A_599 = tpu.memref_slice %arg3[%add3A_209, %dma_wait3A_598] : memref<128x64xf32, #tpu.memory_space<hbm>> -> memref<1x64xf32, #tpu.memory_space<hbm>>
    %dma_wait3A_600 = tpu.memref_squeeze %dma_wait3A_599 : memref<1x64xf32, #tpu.memory_space<hbm>> -> memref<64xf32, #tpu.memory_space<hbm>>
    tpu.wait_dma2 semaphore(%arg14 : memref<!tpu.dma_semaphore, #tpu.memory_space<semaphore_mem>>) src(%arg11 : memref<64xf32, #tpu.memory_space<vmem>>) dst(%dma_wait3A_600 : memref<64xf32, #tpu.memory_space<hbm>>)
    %dma_wait3A_601 = arith.constant 0 : i32
    %dma_wait3A_602 = tpu.memref_slice %arg4[%add3A_209, %dma_wait3A_601] : memref<128x64xi32, #tpu.memory_space<hbm>> -> memref<1x64xi32, #tpu.memory_space<hbm>>
    %dma_wait3A_603 = tpu.memref_squeeze %dma_wait3A_602 : memref<1x64xi32, #tpu.memory_space<hbm>> -> memref<64xi32, #tpu.memory_space<hbm>>
    %dma_wait3A_604 = arith.constant 0 : i32
    %dma_wait3A_605 = tpu.memref_slice %arg4[%add3A_209, %dma_wait3A_604] : memref<128x64xi32, #tpu.memory_space<hbm>> -> memref<1x64xi32, #tpu.memory_space<hbm>>
    %dma_wait3A_606 = tpu.memref_squeeze %dma_wait3A_605 : memref<1x64xi32, #tpu.memory_space<hbm>> -> memref<64xi32, #tpu.memory_space<hbm>>
    tpu.wait_dma2 semaphore(%arg14 : memref<!tpu.dma_semaphore, #tpu.memory_space<semaphore_mem>>) src(%arg12 : memref<64xi32, #tpu.memory_space<vmem>>) dst(%dma_wait3A_606 : memref<64xi32, #tpu.memory_space<hbm>>)
    %eq3A_607 = arith.constant 0 : i32
    %eq3A_608 = vector.broadcast %eq3A_607 : i32 to vector<16xi32>
    %eq3A_609 = arith.cmpi eq, %iota3A, %eq3A_608 : vector<16xi32>
    %get3A_610 = arith.constant 0 : index
    %get3A_611 = tpu.vector_load %arg9[%get3A_610] {strides = array<i32>} : memref<64xi32, #tpu.memory_space<vmem>>, vector<16xi32>,
    %bitcast3A_612 = vector.bitcast %get3A_611 : vector<16xi32> to vector<16xi32>
    %get3A_613 = arith.constant 16 : index
    %get3A_614 = tpu.vector_load %arg9[%get3A_613] {strides = array<i32>} : memref<64xi32, #tpu.memory_space<vmem>>, vector<16xi32>,
    %bitcast3A_615 = vector.bitcast %get3A_614 : vector<16xi32> to vector<16xi32>
    %get3A_616 = arith.constant 32 : index
    %get3A_617 = tpu.vector_load %arg9[%get3A_616] {strides = array<i32>} : memref<64xi32, #tpu.memory_space<vmem>>, vector<16xi32>,
    %bitcast3A_618 = vector.bitcast %get3A_617 : vector<16xi32> to vector<16xi32>
    %get3A_619 = arith.constant 48 : index
    %get3A_620 = tpu.vector_load %arg9[%get3A_619] {strides = array<i32>} : memref<64xi32, #tpu.memory_space<vmem>>, vector<16xi32>,
    %bitcast3A_621 = vector.bitcast %get3A_620 : vector<16xi32> to vector<16xi32>
    %get3A_622 = arith.constant 0 : index
    %get3A_623 = tpu.vector_load %arg10[%get3A_622] {strides = array<i32>} : memref<64xi32, #tpu.memory_space<vmem>>, vector<16xi32>,
    %get3A_624 = arith.constant 16 : index
    %get3A_625 = tpu.vector_load %arg10[%get3A_624] {strides = array<i32>} : memref<64xi32, #tpu.memory_space<vmem>>, vector<16xi32>,
    %get3A_626 = arith.constant 32 : index
    %get3A_627 = tpu.vector_load %arg10[%get3A_626] {strides = array<i32>} : memref<64xi32, #tpu.memory_space<vmem>>, vector<16xi32>,
    %get3A_628 = arith.constant 48 : index
    %get3A_629 = tpu.vector_load %arg10[%get3A_628] {strides = array<i32>} : memref<64xi32, #tpu.memory_space<vmem>>, vector<16xi32>,
    %scan3A_630 = arith.constant 0 : i32
    %scan3A_631 = arith.constant 64 : i32
    %scan3A_632 = arith.addi %scan3A_630, %scan3A_631 : i32
    %scan3A_633 = arith.constant 1 : i32
    %scan3A_634:8 = scf.for %scan3A_873 = %scan3A_630 to %scan3A_632 step %scan3A_633 iter_args(%scan3A_874 = %bitcast3A_612, %scan3A_875 = %bitcast3A_615, %scan3A_876 = %bitcast3A_618, %scan3A_877 = %bitcast3A_621, %scan3A_878 = %get3A_623, %scan3A_879 = %get3A_625, %scan3A_880 = %get3A_627, %scan3A_881 = %get3A_629) -> (vector<16xi32>, vector<16xi32>, vector<16xi32>, vector<16xi32>, vector<16xi32>, vector<16xi32>, vector<16xi32>, vector<16xi32>)  : i32 {
      %max3A = arith.maxui %scan3A_874, %scan3A_875 : vector<16xi32>
      %max3A_882 = arith.maxui %scan3A_876, %scan3A_877 : vector<16xi32>
      %max3A_883 = arith.maxui %max3A, %max3A_882 : vector<16xi32>
      %broadcast_in_dim3A_884 = arith.constant true
      %broadcast_in_dim3A_885 = vector.broadcast %broadcast_in_dim3A_884 : i1 to vector<16xi1>
      %masked_cummax3A = tpu.scan <max>, %max3A_883 masked %broadcast_in_dim3A_885 : vector<16xi32>, vector<16xi1> -> vector<16xi32>
      %broadcast_in_dim3A_886 = arith.constant 15 : i32
      %broadcast_in_dim3A_887 = vector.broadcast %broadcast_in_dim3A_886 : i32 to vector<16x1xi32>
      %gather3A = vector.shape_cast %broadcast_in_dim3A_887 : vector<16x1xi32> to vector<16xi32>
      %gather3A_888 = tpu.dynamic_gather %masked_cummax3A[%gather3A] in [0] : vector<16xi32>, vector<16xi32> -> vector<16xi32>
      %eq3A_889 = arith.cmpi eq, %scan3A_874, %gather3A_888 : vector<16xi32>
      %jit3A_890 = arith.constant 2147483647 : i32
      %broadcast_in_dim3A_891 = vector.broadcast %jit3A_890 : i32 to vector<16xi32>
      %select_n3A_892 = arith.select %eq3A_889, %scan3A_878, %broadcast_in_dim3A_891 : vector<16xi1>, vector<16xi32>
      %eq3A_893 = arith.cmpi eq, %scan3A_875, %gather3A_888 : vector<16xi32>
      %jit3A_894 = arith.constant 2147483647 : i32
      %broadcast_in_dim3A_895 = vector.broadcast %jit3A_894 : i32 to vector<16xi32>
      %select_n3A_896 = arith.select %eq3A_893, %scan3A_879, %broadcast_in_dim3A_895 : vector<16xi1>, vector<16xi32>
      %eq3A_897 = arith.cmpi eq, %scan3A_876, %gather3A_888 : vector<16xi32>
      %jit3A_898 = arith.constant 2147483647 : i32
      %broadcast_in_dim3A_899 = vector.broadcast %jit3A_898 : i32 to vector<16xi32>
      %select_n3A_900 = arith.select %eq3A_897, %scan3A_880, %broadcast_in_dim3A_899 : vector<16xi1>, vector<16xi32>
      %min3A = arith.minsi %select_n3A_892, %select_n3A_896 : vector<16xi32>
      %eq3A_901 = arith.cmpi eq, %scan3A_877, %gather3A_888 : vector<16xi32>
      %jit3A_902 = arith.constant 2147483647 : i32
      %broadcast_in_dim3A_903 = vector.broadcast %jit3A_902 : i32 to vector<16xi32>
      %select_n3A_904 = arith.select %eq3A_901, %scan3A_881, %broadcast_in_dim3A_903 : vector<16xi1>, vector<16xi32>
      %min3A_905 = arith.minsi %select_n3A_900, %select_n3A_904 : vector<16xi32>
      %min3A_906 = arith.minsi %min3A, %min3A_905 : vector<16xi32>
      %neg3A = arith.constant 0 : i32
      %neg3A_907 = vector.broadcast %neg3A : i32 to vector<16xi32>
      %neg3A_908 = arith.subi %neg3A_907, %min3A_906 : vector<16xi32>
      %broadcast_in_dim3A_909 = arith.constant true
      %broadcast_in_dim3A_910 = vector.broadcast %broadcast_in_dim3A_909 : i1 to vector<16xi1>
      %masked_cummax3A_911 = arith.constant -2147483648 : i32
      %masked_cummax3A_912 = vector.broadcast %masked_cummax3A_911 : i32 to vector<16xi32>
      %masked_cummax3A_913 = arith.xori %neg3A_908, %masked_cummax3A_912 : vector<16xi32>
      %masked_cummax3A_914 = tpu.scan <max>, %masked_cummax3A_913 masked %broadcast_in_dim3A_910 : vector<16xi32>, vector<16xi1> -> vector<16xi32>
      %masked_cummax3A_915 = arith.xori %masked_cummax3A_914, %masked_cummax3A_912 : vector<16xi32>
      %broadcast_in_dim3A_916 = arith.constant 15 : i32
      %broadcast_in_dim3A_917 = vector.broadcast %broadcast_in_dim3A_916 : i32 to vector<16x1xi32>
      %gather3A_918 = vector.shape_cast %broadcast_in_dim3A_917 : vector<16x1xi32> to vector<16xi32>
      %gather3A_919 = tpu.dynamic_gather %masked_cummax3A_915[%gather3A_918] in [0] : vector<16xi32>, vector<16xi32> -> vector<16xi32>
      %neg3A_920 = arith.constant 0 : i32
      %neg3A_921 = vector.broadcast %neg3A_920 : i32 to vector<16xi32>
      %neg3A_922 = arith.subi %neg3A_921, %gather3A_919 : vector<16xi32>
      %bitcast3A_923 = vector.bitcast %gather3A_888 : vector<16xi32> to vector<16xi32>
      %shift_right_arithmetic3A = arith.constant 31 : i32
      %shift_right_arithmetic3A_924 = vector.broadcast %shift_right_arithmetic3A : i32 to vector<16xi32>
      %shift_right_arithmetic3A_925 = arith.shrsi %bitcast3A_923, %shift_right_arithmetic3A_924 : vector<16xi32>
      %not3A = arith.constant dense<-1> : vector<16xi32>
      %not3A_926 = arith.xori %shift_right_arithmetic3A_925, %not3A : vector<16xi32>
      %or3A = arith.constant -2147483648 : i32
      %or3A_927 = vector.broadcast %or3A : i32 to vector<16xi32>
      %or3A_928 = arith.ori %not3A_926, %or3A_927 : vector<16xi32>
      %xor3A = arith.xori %bitcast3A_923, %or3A_928 : vector<16xi32>
      %broadcast_in_dim3A_929 = vector.broadcast %scan3A_873 : i32 to vector<16xi32>
      %bitcast3A_930 = vector.bitcast %xor3A : vector<16xi32> to vector<16xf32>
      tpu.vector_store_idx %arg11[%broadcast_in_dim3A_929], %bitcast3A_930 masked %eq3A_609 : memref<64xf32, #tpu.memory_space<vmem>>[vector<16xi32>], vector<16xf32>, vector<16xi1>
      tpu.vector_store_idx %arg12[%broadcast_in_dim3A_929], %neg3A_922 masked %eq3A_609 : memref<64xi32, #tpu.memory_space<vmem>>[vector<16xi32>], vector<16xi32>, vector<16xi1>
      %eq3A_931 = arith.cmpi eq, %scan3A_878, %neg3A_922 : vector<16xi32>
      %eq3A_932 = arith.cmpi eq, %scan3A_879, %neg3A_922 : vector<16xi32>
      %eq3A_933 = arith.cmpi eq, %scan3A_880, %neg3A_922 : vector<16xi32>
      %eq3A_934 = arith.cmpi eq, %scan3A_881, %neg3A_922 : vector<16xi32>
      %jit3A_935 = arith.constant 0 : i32
      %broadcast_in_dim3A_936 = vector.broadcast %jit3A_935 : i32 to vector<16xi32>
      %select_n3A_937 = arith.select %eq3A_931, %broadcast_in_dim3A_936, %scan3A_874 : vector<16xi1>, vector<16xi32>
      %jit3A_938 = arith.constant 0 : i32
      %broadcast_in_dim3A_939 = vector.broadcast %jit3A_938 : i32 to vector<16xi32>
      %select_n3A_940 = arith.select %eq3A_932, %broadcast_in_dim3A_939, %scan3A_875 : vector<16xi1>, vector<16xi32>
      %jit3A_941 = arith.constant 0 : i32
      %broadcast_in_dim3A_942 = vector.broadcast %jit3A_941 : i32 to vector<16xi32>
      %select_n3A_943 = arith.select %eq3A_933, %broadcast_in_dim3A_942, %scan3A_876 : vector<16xi1>, vector<16xi32>
      %jit3A_944 = arith.constant 0 : i32
      %broadcast_in_dim3A_945 = vector.broadcast %jit3A_944 : i32 to vector<16xi32>
      %select_n3A_946 = arith.select %eq3A_934, %broadcast_in_dim3A_945, %scan3A_877 : vector<16xi1>, vector<16xi32>
      %jit3A_947 = arith.constant 2147483647 : i32
      %broadcast_in_dim3A_948 = vector.broadcast %jit3A_947 : i32 to vector<16xi32>
      %select_n3A_949 = arith.select %eq3A_931, %broadcast_in_dim3A_948, %scan3A_878 : vector<16xi1>, vector<16xi32>
      %jit3A_950 = arith.constant 2147483647 : i32
      %broadcast_in_dim3A_951 = vector.broadcast %jit3A_950 : i32 to vector<16xi32>
      %select_n3A_952 = arith.select %eq3A_932, %broadcast_in_dim3A_951, %scan3A_879 : vector<16xi1>, vector<16xi32>
      %jit3A_953 = arith.constant 2147483647 : i32
      %broadcast_in_dim3A_954 = vector.broadcast %jit3A_953 : i32 to vector<16xi32>
      %select_n3A_955 = arith.select %eq3A_933, %broadcast_in_dim3A_954, %scan3A_880 : vector<16xi1>, vector<16xi32>
      %jit3A_956 = arith.constant 2147483647 : i32
      %broadcast_in_dim3A_957 = vector.broadcast %jit3A_956 : i32 to vector<16xi32>
      %select_n3A_958 = arith.select %eq3A_934, %broadcast_in_dim3A_957, %scan3A_881 : vector<16xi1>, vector<16xi32>
      scf.yield %select_n3A_937, %select_n3A_940, %select_n3A_943, %select_n3A_946, %select_n3A_949, %select_n3A_952, %select_n3A_955, %select_n3A_958 : vector<16xi32>, vector<16xi32>, vector<16xi32>, vector<16xi32>, vector<16xi32>, vector<16xi32>, vector<16xi32>, vector<16xi32>
    }
    %scan3A_635 = arith.constant 64 : i32
    %dma_start3A_636 = arith.constant 0 : i32
    %dma_start3A_637 = tpu.memref_slice %arg3[%add3A_430, %dma_start3A_636] : memref<128x64xf32, #tpu.memory_space<hbm>> -> memref<1x64xf32, #tpu.memory_space<hbm>>
    %dma_start3A_638 = tpu.memref_squeeze %dma_start3A_637 : memref<1x64xf32, #tpu.memory_space<hbm>> -> memref<64xf32, #tpu.memory_space<hbm>>
    %dma_start3A_639 = arith.constant 0 : i32
    %dma_start3A_640 = tpu.memref_slice %arg3[%add3A_430, %dma_start3A_639] : memref<128x64xf32, #tpu.memory_space<hbm>> -> memref<1x64xf32, #tpu.memory_space<hbm>>
    %dma_start3A_641 = tpu.memref_squeeze %dma_start3A_640 : memref<1x64xf32, #tpu.memory_space<hbm>> -> memref<64xf32, #tpu.memory_space<hbm>>
    tpu.enqueue_dma source(%arg11 : memref<64xf32, #tpu.memory_space<vmem>>) target(%dma_start3A_641 : memref<64xf32, #tpu.memory_space<hbm>>) target_semaphore(%arg14 : memref<!tpu.dma_semaphore, #tpu.memory_space<semaphore_mem>>)
    %dma_start3A_642 = arith.constant 0 : i32
    %dma_start3A_643 = tpu.memref_slice %arg4[%add3A_430, %dma_start3A_642] : memref<128x64xi32, #tpu.memory_space<hbm>> -> memref<1x64xi32, #tpu.memory_space<hbm>>
    %dma_start3A_644 = tpu.memref_squeeze %dma_start3A_643 : memref<1x64xi32, #tpu.memory_space<hbm>> -> memref<64xi32, #tpu.memory_space<hbm>>
    %dma_start3A_645 = arith.constant 0 : i32
    %dma_start3A_646 = tpu.memref_slice %arg4[%add3A_430, %dma_start3A_645] : memref<128x64xi32, #tpu.memory_space<hbm>> -> memref<1x64xi32, #tpu.memory_space<hbm>>
    %dma_start3A_647 = tpu.memref_squeeze %dma_start3A_646 : memref<1x64xi32, #tpu.memory_space<hbm>> -> memref<64xi32, #tpu.memory_space<hbm>>
    tpu.enqueue_dma source(%arg12 : memref<64xi32, #tpu.memory_space<vmem>>) target(%dma_start3A_647 : memref<64xi32, #tpu.memory_space<hbm>>) target_semaphore(%arg14 : memref<!tpu.dma_semaphore, #tpu.memory_space<semaphore_mem>>)
    %mul3A_648 = arith.constant 4 : i32
    %mul3A_649 = arith.muli %add3A, %mul3A_648 : i32
    %add3A_650 = arith.constant 3 : i32
    %add3A_651 = arith.addi %mul3A_649, %add3A_650 : i32
    %dma_wait3A_652 = arith.constant 0 : i32
    %dma_wait3A_653 = tpu.memref_slice %arg2[%add3A_490, %dma_wait3A_652] : memref<128x32768xf32, #tpu.memory_space<hbm>> -> memref<1x32768xf32, #tpu.memory_space<hbm>>
    %dma_wait3A_654 = tpu.memref_squeeze %dma_wait3A_653 : memref<1x32768xf32, #tpu.memory_space<hbm>> -> memref<32768xf32, #tpu.memory_space<hbm>>
    %dma_wait3A_655 = arith.constant 0 : i32
    %dma_wait3A_656 = tpu.memref_slice %arg2[%add3A_490, %dma_wait3A_655] : memref<128x32768xf32, #tpu.memory_space<hbm>> -> memref<1x32768xf32, #tpu.memory_space<hbm>>
    %dma_wait3A_657 = tpu.memref_squeeze %dma_wait3A_656 : memref<1x32768xf32, #tpu.memory_space<hbm>> -> memref<32768xf32, #tpu.memory_space<hbm>>
    tpu.wait_dma2 semaphore(%arg13 : memref<!tpu.dma_semaphore, #tpu.memory_space<semaphore_mem>>) src(%dma_wait3A_657 : memref<32768xf32, #tpu.memory_space<hbm>>) dst(%arg5 : memref<32768xf32, #tpu.memory_space<vmem>>)
    %parallel_loop3A_658 = arith.constant 0 : i32
    %parallel_loop3A_659 = arith.constant 2048 : i32
    %parallel_loop3A_660 = arith.constant 1 : i32
    scf.for %parallel_loop3A_873 = %parallel_loop3A_658 to %parallel_loop3A_659 step %parallel_loop3A_660  : i32 {
      %parallel_loop3A_874 = arith.constant 16 : i32
      %parallel_loop3A_875 = arith.muli %parallel_loop3A_873, %parallel_loop3A_874 : i32
      %parallel_loop3A_876 = arith.index_cast %parallel_loop3A_875 : i32 to index
      %parallel_loop3A_877 = tpu.vector_load %arg5[%parallel_loop3A_876] {strides = array<i32>} : memref<32768xf32, #tpu.memory_space<vmem>>, vector<16xf32>,
      %parallel_loop3A_878 = vector.bitcast %parallel_loop3A_877 : vector<16xf32> to vector<16xi32>
      %parallel_loop3A_879 = arith.constant 31 : i32
      %parallel_loop3A_880 = vector.broadcast %parallel_loop3A_879 : i32 to vector<16xi32>
      %parallel_loop3A_881 = arith.shrsi %parallel_loop3A_878, %parallel_loop3A_880 : vector<16xi32>
      %parallel_loop3A_882 = arith.constant -2147483648 : i32
      %parallel_loop3A_883 = vector.broadcast %parallel_loop3A_882 : i32 to vector<16xi32>
      %parallel_loop3A_884 = arith.ori %parallel_loop3A_881, %parallel_loop3A_883 : vector<16xi32>
      %parallel_loop3A_885 = arith.xori %parallel_loop3A_878, %parallel_loop3A_884 : vector<16xi32>
      %parallel_loop3A_886 = vector.bitcast %parallel_loop3A_885 : vector<16xi32> to vector<16xi32>
      %parallel_loop3A_887 = arith.constant 21 : i32
      %parallel_loop3A_888 = vector.broadcast %parallel_loop3A_887 : i32 to vector<16xi32>
      %parallel_loop3A_889 = arith.shrui %parallel_loop3A_886, %parallel_loop3A_888 : vector<16xi32>
      %parallel_loop3A_890 = vector.bitcast %parallel_loop3A_889 : vector<16xi32> to vector<16xi32>
      tpu.vector_store_idx %arg8[%parallel_loop3A_890], %broadcast_in_dim3A_0 {add = true} : memref<2064xi32, #tpu.memory_space<vmem>>[vector<16xi32>], vector<16xi32>,
    } {sc.loop_unroll_factor = 8 : i64, sc.parallel_access}
    %while3A_661 = arith.constant 127 : i32
    %while3A_662 = arith.constant false
    %while3A_663 = arith.constant 0 : i32
    %while3A_664 = arith.constant 0 : i32
    %while3A_665 = arith.constant 0 : i32
    %while3A_666:5 = scf.while (%while3A_873 = %while3A_661, %while3A_874 = %while3A_662, %while3A_875 = %while3A_663, %while3A_876 = %while3A_664, %while3A_877 = %while3A_665) : (i32, i1, i32, i32, i32) -> (i32, i1, i32, i32, i32) {
      %ge3A = arith.constant 0 : i32
      %ge3A_878 = arith.cmpi sge, %while3A_873, %ge3A : i32
      %not3A = arith.constant true
      %not3A_879 = arith.xori %while3A_874, %not3A : i1
      %and3A_880 = arith.andi %ge3A_878, %not3A_879 : i1
      scf.condition(%and3A_880) %while3A_873, %while3A_874, %while3A_875, %while3A_876, %while3A_877 : i32, i1, i32, i32, i32
    } do {
    ^bb0(%while3A_873: i32, %while3A_874: i1, %while3A_875: i32, %while3A_876: i32, %while3A_877: i32):
      %mul3A_878 = arith.constant 16 : i32
      %mul3A_879 = arith.muli %while3A_873, %mul3A_878 : i32
      %get3A_880 = arith.index_cast %mul3A_879 : i32 to index
      %get3A_881 = tpu.vector_load %arg8[%get3A_880] {strides = array<i32>} : memref<2064xi32, #tpu.memory_space<vmem>>, vector<16xi32>,
      %rev3A = arith.constant 15 : i32
      %rev3A_882 = vector.broadcast %rev3A : i32 to vector<16xi32>
      %rev3A_883 = tpu.iota {dimensions = array<i32: 0>} : vector<16xi32>
      %rev3A_884 = arith.subi %rev3A_882, %rev3A_883 : vector<16xi32>
      %rev3A_885 = tpu.dynamic_gather %get3A_881[%rev3A_884] in [0] : vector<16xi32>, vector<16xi32> -> vector<16xi32>
      %broadcast_in_dim3A_886 = arith.constant true
      %broadcast_in_dim3A_887 = vector.broadcast %broadcast_in_dim3A_886 : i1 to vector<16xi1>
      %masked_cumsum3A = tpu.scan <sum>, %rev3A_885 masked %broadcast_in_dim3A_887 : vector<16xi32>, vector<16xi1> -> vector<16xi32>
      %add3A_888 = vector.broadcast %while3A_877 : i32 to vector<16xi32>
      %add3A_889 = arith.addi %add3A_888, %masked_cumsum3A : vector<16xi32>
      %ge3A = arith.constant 64 : i32
      %ge3A_890 = vector.broadcast %ge3A : i32 to vector<16xi32>
      %ge3A_891 = arith.cmpi sge, %add3A_889, %ge3A_890 : vector<16xi32>
      %convert_element_type3A = arith.extui %ge3A_891 : vector<16xi1> to vector<16xi32>
      %reduce_sum3A = arith.constant true
      %reduce_sum3A_892 = vector.broadcast %reduce_sum3A : i1 to vector<16xi1>
      %reduce_sum3A_893 = tpu.scan <sum>, %convert_element_type3A masked %reduce_sum3A_892 : vector<16xi32>, vector<16xi1> -> vector<16xi32>
      %reduce_sum3A_894 = vector.extract %reduce_sum3A_893[15] : i32 from vector<16xi32>
      %gt3A = arith.constant 0 : i32
      %gt3A_895 = arith.cmpi sgt, %reduce_sum3A_894, %gt3A : i32
      %convert_element_type3A_896 = arith.extui %gt3A_895 : i1 to i32
      %cond3A = arith.constant 0 : i32
      %cond3A_897 = arith.constant 0 : i32
      %cond3A_898 = arith.cmpi ne, %convert_element_type3A_896, %cond3A_897 : i32
      %cond3A_899:3 = scf.if %cond3A_898 -> (i32, i32, i32) {
        %sub3A_902 = arith.constant 16 : i32
        %sub3A_903 = arith.subi %sub3A_902, %reduce_sum3A_894 : i32
        %eq3A_904 = vector.broadcast %sub3A_903 : i32 to vector<16xi32>
        %eq3A_905 = arith.cmpi eq, %iota3A, %eq3A_904 : vector<16xi32>
        %jit3A_906 = arith.constant 0 : i32
        %broadcast_in_dim3A_907 = vector.broadcast %jit3A_906 : i32 to vector<16xi32>
        %select_n3A_908 = arith.select %eq3A_905, %masked_cumsum3A, %broadcast_in_dim3A_907 : vector<16xi1>, vector<16xi32>
        %reduce_sum3A_909 = arith.constant true
        %reduce_sum3A_910 = vector.broadcast %reduce_sum3A_909 : i1 to vector<16xi1>
        %reduce_sum3A_911 = tpu.scan <sum>, %select_n3A_908 masked %reduce_sum3A_910 : vector<16xi32>, vector<16xi1> -> vector<16xi32>
        %reduce_sum3A_912 = vector.extract %reduce_sum3A_911[15] : i32 from vector<16xi32>
        %eq3A_913 = vector.broadcast %sub3A_903 : i32 to vector<16xi32>
        %eq3A_914 = arith.cmpi eq, %iota3A, %eq3A_913 : vector<16xi32>
        %jit3A_915 = arith.constant 0 : i32
        %broadcast_in_dim3A_916 = vector.broadcast %jit3A_915 : i32 to vector<16xi32>
        %select_n3A_917 = arith.select %eq3A_914, %rev3A_885, %broadcast_in_dim3A_916 : vector<16xi1>, vector<16xi32>
        %reduce_sum3A_918 = arith.constant true
        %reduce_sum3A_919 = vector.broadcast %reduce_sum3A_918 : i1 to vector<16xi1>
        %reduce_sum3A_920 = tpu.scan <sum>, %select_n3A_917 masked %reduce_sum3A_919 : vector<16xi32>, vector<16xi1> -> vector<16xi32>
        %reduce_sum3A_921 = vector.extract %reduce_sum3A_920[15] : i32 from vector<16xi32>
        %mul3A_922 = arith.constant 16 : i32
        %mul3A_923 = arith.muli %while3A_873, %mul3A_922 : i32
        %add3A_924 = arith.constant 15 : i32
        %add3A_925 = arith.addi %mul3A_923, %add3A_924 : i32
        %sub3A_926 = arith.subi %add3A_925, %sub3A_903 : i32
        %add3A_927 = arith.addi %while3A_877, %reduce_sum3A_912 : i32
        %sub3A_928 = arith.subi %add3A_927, %reduce_sum3A_921 : i32
        scf.yield %sub3A_926, %sub3A_928, %while3A_877 : i32, i32, i32
      } else {
        %reduce_sum3A_902 = arith.constant true
        %reduce_sum3A_903 = vector.broadcast %reduce_sum3A_902 : i1 to vector<16xi1>
        %reduce_sum3A_904 = tpu.scan <sum>, %get3A_881 masked %reduce_sum3A_903 : vector<16xi32>, vector<16xi1> -> vector<16xi32>
        %reduce_sum3A_905 = vector.extract %reduce_sum3A_904[15] : i32 from vector<16xi32>
        %add3A_906 = arith.addi %while3A_877, %reduce_sum3A_905 : i32
        scf.yield %while3A_875, %while3A_876, %add3A_906 : i32, i32, i32
      }
      %sub3A_900 = arith.constant 1 : i32
      %sub3A_901 = arith.subi %while3A_873, %sub3A_900 : i32
      %or3A = arith.ori %while3A_874, %gt3A_895 : i1
      scf.yield %sub3A_901, %or3A, %cond3A_899#0, %cond3A_899#1, %cond3A_899#2 : i32, i1, i32, i32, i32
    }
    %shift_left3A_667 = arith.constant 21 : i32
    %shift_left3A_668 = arith.shli %while3A_666#2, %shift_left3A_667 : i32
    %parallel_loop3A_669 = arith.constant 0 : i32
    %parallel_loop3A_670 = arith.constant 129 : i32
    %parallel_loop3A_671 = arith.constant 1 : i32
    scf.for %parallel_loop3A_873 = %parallel_loop3A_669 to %parallel_loop3A_670 step %parallel_loop3A_671  : i32 {
      %parallel_loop3A_874 = arith.constant 16 : i32
      %parallel_loop3A_875 = arith.muli %parallel_loop3A_873, %parallel_loop3A_874 : i32
      %parallel_loop3A_876 = arith.index_cast %parallel_loop3A_875 : i32 to index
      %parallel_loop3A_877 = tpu.vector_load %arg8[%parallel_loop3A_876] {strides = array<i32>} : memref<2064xi32, #tpu.memory_space<vmem>>, vector<16xi32>,
      tpu.vector_store %arg8[%parallel_loop3A_876], %broadcast_in_dim3A_2 {strides = array<i32>} : memref<2064xi32, #tpu.memory_space<vmem>>, vector<16xi32>,
    } {sc.loop_unroll_factor = 4 : i64, sc.parallel_access}
    %parallel_loop3A_672 = arith.constant 0 : i32
    %parallel_loop3A_673 = arith.constant 2048 : i32
    %parallel_loop3A_674 = arith.constant 1 : i32
    %parallel_loop3A_675 = scf.for %parallel_loop3A_873 = %parallel_loop3A_672 to %parallel_loop3A_673 step %parallel_loop3A_674 iter_args(%parallel_loop3A_874 = %broadcast_in_dim3A_2) -> (vector<16xi32>)  : i32 {
      %parallel_loop3A_875 = arith.constant 16 : i32
      %parallel_loop3A_876 = arith.muli %parallel_loop3A_873, %parallel_loop3A_875 : i32
      %parallel_loop3A_877 = arith.index_cast %parallel_loop3A_876 : i32 to index
      %parallel_loop3A_878 = tpu.vector_load %arg5[%parallel_loop3A_877] {strides = array<i32>} : memref<32768xf32, #tpu.memory_space<vmem>>, vector<16xf32>,
      %parallel_loop3A_879 = vector.bitcast %parallel_loop3A_878 : vector<16xf32> to vector<16xi32>
      %parallel_loop3A_880 = arith.constant 31 : i32
      %parallel_loop3A_881 = vector.broadcast %parallel_loop3A_880 : i32 to vector<16xi32>
      %parallel_loop3A_882 = arith.shrsi %parallel_loop3A_879, %parallel_loop3A_881 : vector<16xi32>
      %parallel_loop3A_883 = arith.constant -2147483648 : i32
      %parallel_loop3A_884 = vector.broadcast %parallel_loop3A_883 : i32 to vector<16xi32>
      %parallel_loop3A_885 = arith.ori %parallel_loop3A_882, %parallel_loop3A_884 : vector<16xi32>
      %parallel_loop3A_886 = arith.xori %parallel_loop3A_879, %parallel_loop3A_885 : vector<16xi32>
      %parallel_loop3A_887 = vector.bitcast %parallel_loop3A_886 : vector<16xi32> to vector<16xi32>
      %parallel_loop3A_888 = vector.broadcast %shift_left3A_668 : i32 to vector<16xi32>
      %parallel_loop3A_889 = arith.cmpi uge, %parallel_loop3A_887, %parallel_loop3A_888 : vector<16xi32>
      %parallel_loop3A_890 = arith.extui %parallel_loop3A_889 : vector<16xi1> to vector<16xi32>
      %parallel_loop3A_891 = arith.constant true
      %parallel_loop3A_892 = vector.broadcast %parallel_loop3A_891 : i1 to vector<16xi1>
      %parallel_loop3A_893 = tpu.scan <sum>, %parallel_loop3A_890 masked %parallel_loop3A_892 : vector<16xi32>, vector<16xi1> -> vector<16xi32>
      %parallel_loop3A_894 = arith.addi %parallel_loop3A_874, %parallel_loop3A_893 : vector<16xi32>
      %parallel_loop3A_895 = arith.constant 1 : i32
      %parallel_loop3A_896 = vector.broadcast %parallel_loop3A_895 : i32 to vector<16xi32>
      %parallel_loop3A_897 = arith.subi %parallel_loop3A_894, %parallel_loop3A_896 : vector<16xi32>
      %parallel_loop3A_898 = vector.bitcast %parallel_loop3A_887 : vector<16xi32> to vector<16xi32>
      tpu.vector_store_idx %arg6[%parallel_loop3A_897], %parallel_loop3A_898 masked %parallel_loop3A_889 : memref<32768xi32, #tpu.memory_space<vmem>>[vector<16xi32>], vector<16xi32>, vector<16xi1>
      %parallel_loop3A_899 = arith.constant 16 : i32
      %parallel_loop3A_900 = arith.muli %parallel_loop3A_873, %parallel_loop3A_899 : i32
      %parallel_loop3A_901 = vector.broadcast %parallel_loop3A_900 : i32 to vector<16xi32>
      %parallel_loop3A_902 = arith.addi %iota3A, %parallel_loop3A_901 : vector<16xi32>
      tpu.vector_store_idx %arg7[%parallel_loop3A_897], %parallel_loop3A_902 masked %parallel_loop3A_889 : memref<32768xi32, #tpu.memory_space<vmem>>[vector<16xi32>], vector<16xi32>, vector<16xi1>
      %parallel_loop3A_903 = tpu.all_reduce %parallel_loop3A_889 {dim = 0 : i64, kind = #tpu.reduction_kind<sum>} : vector<16xi1> -> vector<16xi32>
      %parallel_loop3A_904 = arith.addi %parallel_loop3A_874, %parallel_loop3A_903 : vector<16xi32>
      scf.yield %parallel_loop3A_904 : vector<16xi32>
    } {sc.loop_unroll_factor = 8 : i64, sc.parallel_access}
    %reduce_max3A_676 = arith.constant true
    %reduce_max3A_677 = vector.broadcast %reduce_max3A_676 : i1 to vector<16xi1>
    %reduce_max3A_678 = arith.constant -2147483648 : i32
    %reduce_max3A_679 = vector.broadcast %reduce_max3A_678 : i32 to vector<16xi32>
    %reduce_max3A_680 = arith.xori %parallel_loop3A_675, %reduce_max3A_679 : vector<16xi32>
    %reduce_max3A_681 = tpu.scan <max>, %reduce_max3A_680 masked %reduce_max3A_677 : vector<16xi32>, vector<16xi1> -> vector<16xi32>
    %reduce_max3A_682 = arith.xori %reduce_max3A_681, %reduce_max3A_679 : vector<16xi32>
    %reduce_max3A_683 = vector.extract %reduce_max3A_682[15] : i32 from vector<16xi32>
    %add3A_684 = arith.constant 15 : i32
    %add3A_685 = arith.addi %reduce_max3A_683, %add3A_684 : i32
    %jit3A_686 = arith.constant 16 : i32
    %div3A_687 = arith.divsi %add3A_685, %jit3A_686 : i32
    %sign3A_688 = arith.constant 0 : i32
    %sign3A_689 = arith.cmpi sgt, %add3A_685, %sign3A_688 : i32
    %sign3A_690 = arith.extui %sign3A_689 : i1 to i32
    %sign3A_691 = arith.constant 0 : i32
    %sign3A_692 = arith.cmpi slt, %add3A_685, %sign3A_691 : i32
    %sign3A_693 = arith.extui %sign3A_692 : i1 to i32
    %sign3A_694 = arith.subi %sign3A_690, %sign3A_693 : i32
    %sign3A_695 = arith.constant 0 : i32
    %sign3A_696 = arith.cmpi sgt, %jit3A_686, %sign3A_695 : i32
    %sign3A_697 = arith.extui %sign3A_696 : i1 to i32
    %sign3A_698 = arith.constant 0 : i32
    %sign3A_699 = arith.cmpi slt, %jit3A_686, %sign3A_698 : i32
    %sign3A_700 = arith.extui %sign3A_699 : i1 to i32
    %sign3A_701 = arith.subi %sign3A_697, %sign3A_700 : i32
    %ne3A_702 = arith.cmpi ne, %sign3A_694, %sign3A_701 : i32
    %rem3A_703 = arith.remsi %add3A_685, %jit3A_686 : i32
    %ne3A_704 = arith.constant 0 : i32
    %ne3A_705 = arith.cmpi ne, %rem3A_703, %ne3A_704 : i32
    %and3A_706 = arith.andi %ne3A_702, %ne3A_705 : i1
    %sub3A_707 = arith.constant 1 : i32
    %sub3A_708 = arith.subi %div3A_687, %sub3A_707 : i32
    %select_n3A_709 = arith.select %and3A_706, %sub3A_708, %div3A_687 : i32
    %while3A_710 = arith.constant 0 : i32
    %while3A_711 = arith.constant 0 : i32
    %while3A_712 = arith.subi %select_n3A_709, %while3A_711 : i32
    %while3A_713 = arith.addi %while3A_711, %while3A_712 : i32
    %while3A_714 = arith.constant 1 : i32
    %while3A_715 = arith.divsi %while3A_712, %while3A_714 : i32
    %while3A_716 = arith.muli %while3A_715, %while3A_714 : i32
    %while3A_717 = arith.addi %while3A_711, %while3A_716 : i32
    %while3A_718 = arith.constant 1 : i32
    scf.for %while3A_873 = %while3A_711 to %while3A_717 step %while3A_718  : i32 {
      %mul3A_874 = arith.constant 16 : i32
      %mul3A_875 = arith.muli %while3A_873, %mul3A_874 : i32
      %get3A_876 = arith.index_cast %mul3A_875 : i32 to index
      %get3A_877 = tpu.vector_load %arg6[%get3A_876] {strides = array<i32>} : memref<32768xi32, #tpu.memory_space<vmem>>, vector<16xi32>,
      %bitcast3A_878 = vector.bitcast %get3A_877 : vector<16xi32> to vector<16xi32>
      %mul3A_879 = arith.constant 16 : i32
      %mul3A_880 = arith.muli %while3A_873, %mul3A_879 : i32
      %add3A_881 = vector.broadcast %mul3A_880 : i32 to vector<16xi32>
      %add3A_882 = arith.addi %add3A_881, %iota3A : vector<16xi32>
      %lt3A = vector.broadcast %reduce_max3A_683 : i32 to vector<16xi32>
      %lt3A_883 = arith.cmpi slt, %add3A_882, %lt3A : vector<16xi32>
      %sub3A_884 = vector.broadcast %shift_left3A_668 : i32 to vector<16xi32>
      %sub3A_885 = arith.subi %bitcast3A_878, %sub3A_884 : vector<16xi32>
      %min3A = arith.constant 2097152 : i32
      %min3A_886 = vector.broadcast %min3A : i32 to vector<16xi32>
      %min3A_887 = arith.minui %sub3A_885, %min3A_886 : vector<16xi32>
      %shift_right_logical3A = arith.constant 10 : i32
      %shift_right_logical3A_888 = vector.broadcast %shift_right_logical3A : i32 to vector<16xi32>
      %shift_right_logical3A_889 = arith.shrui %min3A_887, %shift_right_logical3A_888 : vector<16xi32>
      %min3A_890 = arith.constant 2047 : i32
      %min3A_891 = vector.broadcast %min3A_890 : i32 to vector<16xi32>
      %min3A_892 = arith.minui %shift_right_logical3A_889, %min3A_891 : vector<16xi32>
      %bitcast3A_893 = vector.bitcast %min3A_892 : vector<16xi32> to vector<16xi32>
      tpu.vector_store_idx %arg8[%bitcast3A_893], %broadcast_in_dim3A_0 masked %lt3A_883 {add = true} : memref<2064xi32, #tpu.memory_space<vmem>>[vector<16xi32>], vector<16xi32>, vector<16xi1>
    }
    %while3A_719 = arith.constant 1 : i32
    scf.for %while3A_873 = %while3A_717 to %while3A_713 step %while3A_719  : i32 {
      %mul3A_874 = arith.constant 16 : i32
      %mul3A_875 = arith.muli %while3A_873, %mul3A_874 : i32
      %get3A_876 = arith.index_cast %mul3A_875 : i32 to index
      %get3A_877 = tpu.vector_load %arg6[%get3A_876] {strides = array<i32>} : memref<32768xi32, #tpu.memory_space<vmem>>, vector<16xi32>,
      %bitcast3A_878 = vector.bitcast %get3A_877 : vector<16xi32> to vector<16xi32>
      %mul3A_879 = arith.constant 16 : i32
      %mul3A_880 = arith.muli %while3A_873, %mul3A_879 : i32
      %add3A_881 = vector.broadcast %mul3A_880 : i32 to vector<16xi32>
      %add3A_882 = arith.addi %add3A_881, %iota3A : vector<16xi32>
      %lt3A = vector.broadcast %reduce_max3A_683 : i32 to vector<16xi32>
      %lt3A_883 = arith.cmpi slt, %add3A_882, %lt3A : vector<16xi32>
      %sub3A_884 = vector.broadcast %shift_left3A_668 : i32 to vector<16xi32>
      %sub3A_885 = arith.subi %bitcast3A_878, %sub3A_884 : vector<16xi32>
      %min3A = arith.constant 2097152 : i32
      %min3A_886 = vector.broadcast %min3A : i32 to vector<16xi32>
      %min3A_887 = arith.minui %sub3A_885, %min3A_886 : vector<16xi32>
      %shift_right_logical3A = arith.constant 10 : i32
      %shift_right_logical3A_888 = vector.broadcast %shift_right_logical3A : i32 to vector<16xi32>
      %shift_right_logical3A_889 = arith.shrui %min3A_887, %shift_right_logical3A_888 : vector<16xi32>
      %min3A_890 = arith.constant 2047 : i32
      %min3A_891 = vector.broadcast %min3A_890 : i32 to vector<16xi32>
      %min3A_892 = arith.minui %shift_right_logical3A_889, %min3A_891 : vector<16xi32>
      %bitcast3A_893 = vector.bitcast %min3A_892 : vector<16xi32> to vector<16xi32>
      tpu.vector_store_idx %arg8[%bitcast3A_893], %broadcast_in_dim3A_0 masked %lt3A_883 {add = true} : memref<2064xi32, #tpu.memory_space<vmem>>[vector<16xi32>], vector<16xi32>, vector<16xi1>
    }
    %while3A_720 = arith.constant 127 : i32
    %while3A_721 = arith.constant false
    %while3A_722 = arith.constant 0 : i32
    %while3A_723 = arith.constant 0 : i32
    %while3A_724 = arith.constant 0 : i32
    %while3A_725:5 = scf.while (%while3A_873 = %while3A_720, %while3A_874 = %while3A_721, %while3A_875 = %while3A_722, %while3A_876 = %while3A_723, %while3A_877 = %while3A_724) : (i32, i1, i32, i32, i32) -> (i32, i1, i32, i32, i32) {
      %ge3A = arith.constant 0 : i32
      %ge3A_878 = arith.cmpi sge, %while3A_873, %ge3A : i32
      %not3A = arith.constant true
      %not3A_879 = arith.xori %while3A_874, %not3A : i1
      %and3A_880 = arith.andi %ge3A_878, %not3A_879 : i1
      scf.condition(%and3A_880) %while3A_873, %while3A_874, %while3A_875, %while3A_876, %while3A_877 : i32, i1, i32, i32, i32
    } do {
    ^bb0(%while3A_873: i32, %while3A_874: i1, %while3A_875: i32, %while3A_876: i32, %while3A_877: i32):
      %mul3A_878 = arith.constant 16 : i32
      %mul3A_879 = arith.muli %while3A_873, %mul3A_878 : i32
      %get3A_880 = arith.index_cast %mul3A_879 : i32 to index
      %get3A_881 = tpu.vector_load %arg8[%get3A_880] {strides = array<i32>} : memref<2064xi32, #tpu.memory_space<vmem>>, vector<16xi32>,
      %rev3A = arith.constant 15 : i32
      %rev3A_882 = vector.broadcast %rev3A : i32 to vector<16xi32>
      %rev3A_883 = tpu.iota {dimensions = array<i32: 0>} : vector<16xi32>
      %rev3A_884 = arith.subi %rev3A_882, %rev3A_883 : vector<16xi32>
      %rev3A_885 = tpu.dynamic_gather %get3A_881[%rev3A_884] in [0] : vector<16xi32>, vector<16xi32> -> vector<16xi32>
      %broadcast_in_dim3A_886 = arith.constant true
      %broadcast_in_dim3A_887 = vector.broadcast %broadcast_in_dim3A_886 : i1 to vector<16xi1>
      %masked_cumsum3A = tpu.scan <sum>, %rev3A_885 masked %broadcast_in_dim3A_887 : vector<16xi32>, vector<16xi1> -> vector<16xi32>
      %add3A_888 = vector.broadcast %while3A_877 : i32 to vector<16xi32>
      %add3A_889 = arith.addi %add3A_888, %masked_cumsum3A : vector<16xi32>
      %ge3A = arith.constant 64 : i32
      %ge3A_890 = vector.broadcast %ge3A : i32 to vector<16xi32>
      %ge3A_891 = arith.cmpi sge, %add3A_889, %ge3A_890 : vector<16xi32>
      %convert_element_type3A = arith.extui %ge3A_891 : vector<16xi1> to vector<16xi32>
      %reduce_sum3A = arith.constant true
      %reduce_sum3A_892 = vector.broadcast %reduce_sum3A : i1 to vector<16xi1>
      %reduce_sum3A_893 = tpu.scan <sum>, %convert_element_type3A masked %reduce_sum3A_892 : vector<16xi32>, vector<16xi1> -> vector<16xi32>
      %reduce_sum3A_894 = vector.extract %reduce_sum3A_893[15] : i32 from vector<16xi32>
      %gt3A = arith.constant 0 : i32
      %gt3A_895 = arith.cmpi sgt, %reduce_sum3A_894, %gt3A : i32
      %convert_element_type3A_896 = arith.extui %gt3A_895 : i1 to i32
      %cond3A = arith.constant 0 : i32
      %cond3A_897 = arith.constant 0 : i32
      %cond3A_898 = arith.cmpi ne, %convert_element_type3A_896, %cond3A_897 : i32
      %cond3A_899:3 = scf.if %cond3A_898 -> (i32, i32, i32) {
        %sub3A_902 = arith.constant 16 : i32
        %sub3A_903 = arith.subi %sub3A_902, %reduce_sum3A_894 : i32
        %eq3A_904 = vector.broadcast %sub3A_903 : i32 to vector<16xi32>
        %eq3A_905 = arith.cmpi eq, %iota3A, %eq3A_904 : vector<16xi32>
        %jit3A_906 = arith.constant 0 : i32
        %broadcast_in_dim3A_907 = vector.broadcast %jit3A_906 : i32 to vector<16xi32>
        %select_n3A_908 = arith.select %eq3A_905, %masked_cumsum3A, %broadcast_in_dim3A_907 : vector<16xi1>, vector<16xi32>
        %reduce_sum3A_909 = arith.constant true
        %reduce_sum3A_910 = vector.broadcast %reduce_sum3A_909 : i1 to vector<16xi1>
        %reduce_sum3A_911 = tpu.scan <sum>, %select_n3A_908 masked %reduce_sum3A_910 : vector<16xi32>, vector<16xi1> -> vector<16xi32>
        %reduce_sum3A_912 = vector.extract %reduce_sum3A_911[15] : i32 from vector<16xi32>
        %eq3A_913 = vector.broadcast %sub3A_903 : i32 to vector<16xi32>
        %eq3A_914 = arith.cmpi eq, %iota3A, %eq3A_913 : vector<16xi32>
        %jit3A_915 = arith.constant 0 : i32
        %broadcast_in_dim3A_916 = vector.broadcast %jit3A_915 : i32 to vector<16xi32>
        %select_n3A_917 = arith.select %eq3A_914, %rev3A_885, %broadcast_in_dim3A_916 : vector<16xi1>, vector<16xi32>
        %reduce_sum3A_918 = arith.constant true
        %reduce_sum3A_919 = vector.broadcast %reduce_sum3A_918 : i1 to vector<16xi1>
        %reduce_sum3A_920 = tpu.scan <sum>, %select_n3A_917 masked %reduce_sum3A_919 : vector<16xi32>, vector<16xi1> -> vector<16xi32>
        %reduce_sum3A_921 = vector.extract %reduce_sum3A_920[15] : i32 from vector<16xi32>
        %mul3A_922 = arith.constant 16 : i32
        %mul3A_923 = arith.muli %while3A_873, %mul3A_922 : i32
        %add3A_924 = arith.constant 15 : i32
        %add3A_925 = arith.addi %mul3A_923, %add3A_924 : i32
        %sub3A_926 = arith.subi %add3A_925, %sub3A_903 : i32
        %add3A_927 = arith.addi %while3A_877, %reduce_sum3A_912 : i32
        %sub3A_928 = arith.subi %add3A_927, %reduce_sum3A_921 : i32
        scf.yield %sub3A_926, %sub3A_928, %while3A_877 : i32, i32, i32
      } else {
        %reduce_sum3A_902 = arith.constant true
        %reduce_sum3A_903 = vector.broadcast %reduce_sum3A_902 : i1 to vector<16xi1>
        %reduce_sum3A_904 = tpu.scan <sum>, %get3A_881 masked %reduce_sum3A_903 : vector<16xi32>, vector<16xi1> -> vector<16xi32>
        %reduce_sum3A_905 = vector.extract %reduce_sum3A_904[15] : i32 from vector<16xi32>
        %add3A_906 = arith.addi %while3A_877, %reduce_sum3A_905 : i32
        scf.yield %while3A_875, %while3A_876, %add3A_906 : i32, i32, i32
      }
      %sub3A_900 = arith.constant 1 : i32
      %sub3A_901 = arith.subi %while3A_873, %sub3A_900 : i32
      %or3A = arith.ori %while3A_874, %gt3A_895 : i1
      scf.yield %sub3A_901, %or3A, %cond3A_899#0, %cond3A_899#1, %cond3A_899#2 : i32, i1, i32, i32, i32
    }
    %shift_left3A_726 = arith.constant 10 : i32
    %shift_left3A_727 = arith.shli %while3A_725#2, %shift_left3A_726 : i32
    %parallel_loop3A_728 = arith.constant 0 : i32
    %parallel_loop3A_729 = arith.constant 129 : i32
    %parallel_loop3A_730 = arith.constant 1 : i32
    scf.for %parallel_loop3A_873 = %parallel_loop3A_728 to %parallel_loop3A_729 step %parallel_loop3A_730  : i32 {
      %parallel_loop3A_874 = arith.constant 16 : i32
      %parallel_loop3A_875 = arith.muli %parallel_loop3A_873, %parallel_loop3A_874 : i32
      %parallel_loop3A_876 = arith.index_cast %parallel_loop3A_875 : i32 to index
      %parallel_loop3A_877 = tpu.vector_load %arg8[%parallel_loop3A_876] {strides = array<i32>} : memref<2064xi32, #tpu.memory_space<vmem>>, vector<16xi32>,
      tpu.vector_store %arg8[%parallel_loop3A_876], %broadcast_in_dim3A_2 {strides = array<i32>} : memref<2064xi32, #tpu.memory_space<vmem>>, vector<16xi32>,
    } {sc.loop_unroll_factor = 4 : i64, sc.parallel_access}
    %while3A_731 = arith.constant 0 : i32
    %while3A_732 = arith.subi %select_n3A_709, %while3A_731 : i32
    %while3A_733 = arith.addi %while3A_731, %while3A_732 : i32
    %while3A_734 = arith.constant 1 : i32
    %while3A_735 = arith.divsi %while3A_732, %while3A_734 : i32
    %while3A_736 = arith.muli %while3A_735, %while3A_734 : i32
    %while3A_737 = arith.addi %while3A_731, %while3A_736 : i32
    %while3A_738 = arith.constant 1 : i32
    %while3A_739 = scf.for %while3A_873 = %while3A_731 to %while3A_737 step %while3A_738 iter_args(%while3A_874 = %broadcast_in_dim3A_2) -> (vector<16xi32>)  : i32 {
      %mul3A_875 = arith.constant 16 : i32
      %mul3A_876 = arith.muli %while3A_873, %mul3A_875 : i32
      %get3A_877 = arith.index_cast %mul3A_876 : i32 to index
      %get3A_878 = tpu.vector_load %arg6[%get3A_877] {strides = array<i32>} : memref<32768xi32, #tpu.memory_space<vmem>>, vector<16xi32>,
      %bitcast3A_879 = vector.bitcast %get3A_878 : vector<16xi32> to vector<16xi32>
      %mul3A_880 = arith.constant 16 : i32
      %mul3A_881 = arith.muli %while3A_873, %mul3A_880 : i32
      %add3A_882 = vector.broadcast %mul3A_881 : i32 to vector<16xi32>
      %add3A_883 = arith.addi %add3A_882, %iota3A : vector<16xi32>
      %lt3A = vector.broadcast %reduce_max3A_683 : i32 to vector<16xi32>
      %lt3A_884 = arith.cmpi slt, %add3A_883, %lt3A : vector<16xi32>
      %sub3A_885 = vector.broadcast %shift_left3A_668 : i32 to vector<16xi32>
      %sub3A_886 = arith.subi %bitcast3A_879, %sub3A_885 : vector<16xi32>
      %min3A = arith.constant 2097152 : i32
      %min3A_887 = vector.broadcast %min3A : i32 to vector<16xi32>
      %min3A_888 = arith.minui %sub3A_886, %min3A_887 : vector<16xi32>
      %ge3A = vector.broadcast %shift_left3A_727 : i32 to vector<16xi32>
      %ge3A_889 = arith.cmpi uge, %min3A_888, %ge3A : vector<16xi32>
      %and3A_890 = arith.andi %lt3A_884, %ge3A_889 : vector<16xi1>
      %convert_element_type3A = arith.extui %and3A_890 : vector<16xi1> to vector<16xi32>
      %broadcast_in_dim3A_891 = arith.constant true
      %broadcast_in_dim3A_892 = vector.broadcast %broadcast_in_dim3A_891 : i1 to vector<16xi1>
      %masked_cumsum3A = tpu.scan <sum>, %convert_element_type3A masked %broadcast_in_dim3A_892 : vector<16xi32>, vector<16xi1> -> vector<16xi32>
      %add3A_893 = arith.addi %while3A_874, %masked_cumsum3A : vector<16xi32>
      %sub3A_894 = arith.constant 1 : i32
      %sub3A_895 = vector.broadcast %sub3A_894 : i32 to vector<16xi32>
      %sub3A_896 = arith.subi %add3A_893, %sub3A_895 : vector<16xi32>
      tpu.vector_store_idx %arg6[%sub3A_896], %get3A_878 masked %and3A_890 : memref<32768xi32, #tpu.memory_space<vmem>>[vector<16xi32>], vector<16xi32>, vector<16xi1>
      %mul3A_897 = arith.constant 16 : i32
      %mul3A_898 = arith.muli %while3A_873, %mul3A_897 : i32
      %get3A_899 = arith.index_cast %mul3A_898 : i32 to index
      %get3A_900 = tpu.vector_load %arg7[%get3A_899] {strides = array<i32>} : memref<32768xi32, #tpu.memory_space<vmem>>, vector<16xi32>,
      tpu.vector_store_idx %arg7[%sub3A_896], %get3A_900 masked %and3A_890 : memref<32768xi32, #tpu.memory_space<vmem>>[vector<16xi32>], vector<16xi32>, vector<16xi1>
      %all_reduce_population_count3A = tpu.all_reduce %and3A_890 {dim = 0 : i64, kind = #tpu.reduction_kind<sum>} : vector<16xi1> -> vector<16xi32>
      %add3A_901 = arith.addi %while3A_874, %all_reduce_population_count3A : vector<16xi32>
      scf.yield %add3A_901 : vector<16xi32>
    }
    %while3A_740 = arith.constant 1 : i32
    %while3A_741 = scf.for %while3A_873 = %while3A_737 to %while3A_733 step %while3A_740 iter_args(%while3A_874 = %while3A_739) -> (vector<16xi32>)  : i32 {
      %mul3A_875 = arith.constant 16 : i32
      %mul3A_876 = arith.muli %while3A_873, %mul3A_875 : i32
      %get3A_877 = arith.index_cast %mul3A_876 : i32 to index
      %get3A_878 = tpu.vector_load %arg6[%get3A_877] {strides = array<i32>} : memref<32768xi32, #tpu.memory_space<vmem>>, vector<16xi32>,
      %bitcast3A_879 = vector.bitcast %get3A_878 : vector<16xi32> to vector<16xi32>
      %mul3A_880 = arith.constant 16 : i32
      %mul3A_881 = arith.muli %while3A_873, %mul3A_880 : i32
      %add3A_882 = vector.broadcast %mul3A_881 : i32 to vector<16xi32>
      %add3A_883 = arith.addi %add3A_882, %iota3A : vector<16xi32>
      %lt3A = vector.broadcast %reduce_max3A_683 : i32 to vector<16xi32>
      %lt3A_884 = arith.cmpi slt, %add3A_883, %lt3A : vector<16xi32>
      %sub3A_885 = vector.broadcast %shift_left3A_668 : i32 to vector<16xi32>
      %sub3A_886 = arith.subi %bitcast3A_879, %sub3A_885 : vector<16xi32>
      %min3A = arith.constant 2097152 : i32
      %min3A_887 = vector.broadcast %min3A : i32 to vector<16xi32>
      %min3A_888 = arith.minui %sub3A_886, %min3A_887 : vector<16xi32>
      %ge3A = vector.broadcast %shift_left3A_727 : i32 to vector<16xi32>
      %ge3A_889 = arith.cmpi uge, %min3A_888, %ge3A : vector<16xi32>
      %and3A_890 = arith.andi %lt3A_884, %ge3A_889 : vector<16xi1>
      %convert_element_type3A = arith.extui %and3A_890 : vector<16xi1> to vector<16xi32>
      %broadcast_in_dim3A_891 = arith.constant true
      %broadcast_in_dim3A_892 = vector.broadcast %broadcast_in_dim3A_891 : i1 to vector<16xi1>
      %masked_cumsum3A = tpu.scan <sum>, %convert_element_type3A masked %broadcast_in_dim3A_892 : vector<16xi32>, vector<16xi1> -> vector<16xi32>
      %add3A_893 = arith.addi %while3A_874, %masked_cumsum3A : vector<16xi32>
      %sub3A_894 = arith.constant 1 : i32
      %sub3A_895 = vector.broadcast %sub3A_894 : i32 to vector<16xi32>
      %sub3A_896 = arith.subi %add3A_893, %sub3A_895 : vector<16xi32>
      tpu.vector_store_idx %arg6[%sub3A_896], %get3A_878 masked %and3A_890 : memref<32768xi32, #tpu.memory_space<vmem>>[vector<16xi32>], vector<16xi32>, vector<16xi1>
      %mul3A_897 = arith.constant 16 : i32
      %mul3A_898 = arith.muli %while3A_873, %mul3A_897 : i32
      %get3A_899 = arith.index_cast %mul3A_898 : i32 to index
      %get3A_900 = tpu.vector_load %arg7[%get3A_899] {strides = array<i32>} : memref<32768xi32, #tpu.memory_space<vmem>>, vector<16xi32>,
      tpu.vector_store_idx %arg7[%sub3A_896], %get3A_900 masked %and3A_890 : memref<32768xi32, #tpu.memory_space<vmem>>[vector<16xi32>], vector<16xi32>, vector<16xi1>
      %all_reduce_population_count3A = tpu.all_reduce %and3A_890 {dim = 0 : i64, kind = #tpu.reduction_kind<sum>} : vector<16xi1> -> vector<16xi32>
      %add3A_901 = arith.addi %while3A_874, %all_reduce_population_count3A : vector<16xi32>
      scf.yield %add3A_901 : vector<16xi32>
    }
    %reduce_max3A_742 = arith.constant true
    %reduce_max3A_743 = vector.broadcast %reduce_max3A_742 : i1 to vector<16xi1>
    %reduce_max3A_744 = arith.constant -2147483648 : i32
    %reduce_max3A_745 = vector.broadcast %reduce_max3A_744 : i32 to vector<16xi32>
    %reduce_max3A_746 = arith.xori %while3A_741, %reduce_max3A_745 : vector<16xi32>
    %reduce_max3A_747 = tpu.scan <max>, %reduce_max3A_746 masked %reduce_max3A_743 : vector<16xi32>, vector<16xi1> -> vector<16xi32>
    %reduce_max3A_748 = arith.xori %reduce_max3A_747, %reduce_max3A_745 : vector<16xi32>
    %reduce_max3A_749 = vector.extract %reduce_max3A_748[15] : i32 from vector<16xi32>
    %add3A_750 = arith.constant 15 : i32
    %add3A_751 = arith.addi %reduce_max3A_749, %add3A_750 : i32
    %jit3A_752 = arith.constant 16 : i32
    %div3A_753 = arith.divsi %add3A_751, %jit3A_752 : i32
    %sign3A_754 = arith.constant 0 : i32
    %sign3A_755 = arith.cmpi sgt, %add3A_751, %sign3A_754 : i32
    %sign3A_756 = arith.extui %sign3A_755 : i1 to i32
    %sign3A_757 = arith.constant 0 : i32
    %sign3A_758 = arith.cmpi slt, %add3A_751, %sign3A_757 : i32
    %sign3A_759 = arith.extui %sign3A_758 : i1 to i32
    %sign3A_760 = arith.subi %sign3A_756, %sign3A_759 : i32
    %sign3A_761 = arith.constant 0 : i32
    %sign3A_762 = arith.cmpi sgt, %jit3A_752, %sign3A_761 : i32
    %sign3A_763 = arith.extui %sign3A_762 : i1 to i32
    %sign3A_764 = arith.constant 0 : i32
    %sign3A_765 = arith.cmpi slt, %jit3A_752, %sign3A_764 : i32
    %sign3A_766 = arith.extui %sign3A_765 : i1 to i32
    %sign3A_767 = arith.subi %sign3A_763, %sign3A_766 : i32
    %ne3A_768 = arith.cmpi ne, %sign3A_760, %sign3A_767 : i32
    %rem3A_769 = arith.remsi %add3A_751, %jit3A_752 : i32
    %ne3A_770 = arith.constant 0 : i32
    %ne3A_771 = arith.cmpi ne, %rem3A_769, %ne3A_770 : i32
    %and3A_772 = arith.andi %ne3A_768, %ne3A_771 : i1
    %sub3A_773 = arith.constant 1 : i32
    %sub3A_774 = arith.subi %div3A_753, %sub3A_773 : i32
    %select_n3A_775 = arith.select %and3A_772, %sub3A_774, %div3A_753 : i32
    %while3A_776 = arith.constant 0 : i32
    %while3A_777 = arith.constant 0 : i32
    %while3A_778 = arith.subi %select_n3A_775, %while3A_777 : i32
    %while3A_779 = arith.addi %while3A_777, %while3A_778 : i32
    %while3A_780 = arith.constant 1 : i32
    %while3A_781 = arith.divsi %while3A_778, %while3A_780 : i32
    %while3A_782 = arith.muli %while3A_781, %while3A_780 : i32
    %while3A_783 = arith.addi %while3A_777, %while3A_782 : i32
    %while3A_784 = arith.constant 1 : i32
    scf.for %while3A_873 = %while3A_777 to %while3A_783 step %while3A_784  : i32 {
      %mul3A_874 = arith.constant 16 : i32
      %mul3A_875 = arith.muli %while3A_873, %mul3A_874 : i32
      %get3A_876 = arith.index_cast %mul3A_875 : i32 to index
      %get3A_877 = tpu.vector_load %arg6[%get3A_876] {strides = array<i32>} : memref<32768xi32, #tpu.memory_space<vmem>>, vector<16xi32>,
      %bitcast3A_878 = vector.bitcast %get3A_877 : vector<16xi32> to vector<16xi32>
      %mul3A_879 = arith.constant 16 : i32
      %mul3A_880 = arith.muli %while3A_873, %mul3A_879 : i32
      %add3A_881 = vector.broadcast %mul3A_880 : i32 to vector<16xi32>
      %add3A_882 = arith.addi %add3A_881, %iota3A : vector<16xi32>
      %lt3A = vector.broadcast %reduce_max3A_749 : i32 to vector<16xi32>
      %lt3A_883 = arith.cmpi slt, %add3A_882, %lt3A : vector<16xi32>
      %sub3A_884 = vector.broadcast %shift_left3A_668 : i32 to vector<16xi32>
      %sub3A_885 = arith.subi %bitcast3A_878, %sub3A_884 : vector<16xi32>
      %min3A = arith.constant 2097152 : i32
      %min3A_886 = vector.broadcast %min3A : i32 to vector<16xi32>
      %min3A_887 = arith.minui %sub3A_885, %min3A_886 : vector<16xi32>
      %sub3A_888 = vector.broadcast %shift_left3A_727 : i32 to vector<16xi32>
      %sub3A_889 = arith.subi %min3A_887, %sub3A_888 : vector<16xi32>
      %min3A_890 = arith.constant 1024 : i32
      %min3A_891 = vector.broadcast %min3A_890 : i32 to vector<16xi32>
      %min3A_892 = arith.minui %sub3A_889, %min3A_891 : vector<16xi32>
      %bitcast3A_893 = vector.bitcast %min3A_892 : vector<16xi32> to vector<16xi32>
      tpu.vector_store_idx %arg8[%bitcast3A_893], %broadcast_in_dim3A_0 masked %lt3A_883 {add = true} : memref<2064xi32, #tpu.memory_space<vmem>>[vector<16xi32>], vector<16xi32>, vector<16xi1>
    }
    %while3A_785 = arith.constant 1 : i32
    scf.for %while3A_873 = %while3A_783 to %while3A_779 step %while3A_785  : i32 {
      %mul3A_874 = arith.constant 16 : i32
      %mul3A_875 = arith.muli %while3A_873, %mul3A_874 : i32
      %get3A_876 = arith.index_cast %mul3A_875 : i32 to index
      %get3A_877 = tpu.vector_load %arg6[%get3A_876] {strides = array<i32>} : memref<32768xi32, #tpu.memory_space<vmem>>, vector<16xi32>,
      %bitcast3A_878 = vector.bitcast %get3A_877 : vector<16xi32> to vector<16xi32>
      %mul3A_879 = arith.constant 16 : i32
      %mul3A_880 = arith.muli %while3A_873, %mul3A_879 : i32
      %add3A_881 = vector.broadcast %mul3A_880 : i32 to vector<16xi32>
      %add3A_882 = arith.addi %add3A_881, %iota3A : vector<16xi32>
      %lt3A = vector.broadcast %reduce_max3A_749 : i32 to vector<16xi32>
      %lt3A_883 = arith.cmpi slt, %add3A_882, %lt3A : vector<16xi32>
      %sub3A_884 = vector.broadcast %shift_left3A_668 : i32 to vector<16xi32>
      %sub3A_885 = arith.subi %bitcast3A_878, %sub3A_884 : vector<16xi32>
      %min3A = arith.constant 2097152 : i32
      %min3A_886 = vector.broadcast %min3A : i32 to vector<16xi32>
      %min3A_887 = arith.minui %sub3A_885, %min3A_886 : vector<16xi32>
      %sub3A_888 = vector.broadcast %shift_left3A_727 : i32 to vector<16xi32>
      %sub3A_889 = arith.subi %min3A_887, %sub3A_888 : vector<16xi32>
      %min3A_890 = arith.constant 1024 : i32
      %min3A_891 = vector.broadcast %min3A_890 : i32 to vector<16xi32>
      %min3A_892 = arith.minui %sub3A_889, %min3A_891 : vector<16xi32>
      %bitcast3A_893 = vector.bitcast %min3A_892 : vector<16xi32> to vector<16xi32>
      tpu.vector_store_idx %arg8[%bitcast3A_893], %broadcast_in_dim3A_0 masked %lt3A_883 {add = true} : memref<2064xi32, #tpu.memory_space<vmem>>[vector<16xi32>], vector<16xi32>, vector<16xi1>
    }
    %while3A_786 = arith.constant 65 : i32
    %while3A_787 = arith.constant false
    %while3A_788 = arith.constant 0 : i32
    %while3A_789 = arith.constant 0 : i32
    %while3A_790 = arith.constant 0 : i32
    %while3A_791:5 = scf.while (%while3A_873 = %while3A_786, %while3A_874 = %while3A_787, %while3A_875 = %while3A_788, %while3A_876 = %while3A_789, %while3A_877 = %while3A_790) : (i32, i1, i32, i32, i32) -> (i32, i1, i32, i32, i32) {
      %ge3A = arith.constant 0 : i32
      %ge3A_878 = arith.cmpi sge, %while3A_873, %ge3A : i32
      %not3A = arith.constant true
      %not3A_879 = arith.xori %while3A_874, %not3A : i1
      %and3A_880 = arith.andi %ge3A_878, %not3A_879 : i1
      scf.condition(%and3A_880) %while3A_873, %while3A_874, %while3A_875, %while3A_876, %while3A_877 : i32, i1, i32, i32, i32
    } do {
    ^bb0(%while3A_873: i32, %while3A_874: i1, %while3A_875: i32, %while3A_876: i32, %while3A_877: i32):
      %mul3A_878 = arith.constant 16 : i32
      %mul3A_879 = arith.muli %while3A_873, %mul3A_878 : i32
      %get3A_880 = arith.index_cast %mul3A_879 : i32 to index
      %get3A_881 = tpu.vector_load %arg8[%get3A_880] {strides = array<i32>} : memref<2064xi32, #tpu.memory_space<vmem>>, vector<16xi32>,
      %rev3A = arith.constant 15 : i32
      %rev3A_882 = vector.broadcast %rev3A : i32 to vector<16xi32>
      %rev3A_883 = tpu.iota {dimensions = array<i32: 0>} : vector<16xi32>
      %rev3A_884 = arith.subi %rev3A_882, %rev3A_883 : vector<16xi32>
      %rev3A_885 = tpu.dynamic_gather %get3A_881[%rev3A_884] in [0] : vector<16xi32>, vector<16xi32> -> vector<16xi32>
      %broadcast_in_dim3A_886 = arith.constant true
      %broadcast_in_dim3A_887 = vector.broadcast %broadcast_in_dim3A_886 : i1 to vector<16xi1>
      %masked_cumsum3A = tpu.scan <sum>, %rev3A_885 masked %broadcast_in_dim3A_887 : vector<16xi32>, vector<16xi1> -> vector<16xi32>
      %add3A_888 = vector.broadcast %while3A_877 : i32 to vector<16xi32>
      %add3A_889 = arith.addi %add3A_888, %masked_cumsum3A : vector<16xi32>
      %ge3A = arith.constant 64 : i32
      %ge3A_890 = vector.broadcast %ge3A : i32 to vector<16xi32>
      %ge3A_891 = arith.cmpi sge, %add3A_889, %ge3A_890 : vector<16xi32>
      %convert_element_type3A = arith.extui %ge3A_891 : vector<16xi1> to vector<16xi32>
      %reduce_sum3A = arith.constant true
      %reduce_sum3A_892 = vector.broadcast %reduce_sum3A : i1 to vector<16xi1>
      %reduce_sum3A_893 = tpu.scan <sum>, %convert_element_type3A masked %reduce_sum3A_892 : vector<16xi32>, vector<16xi1> -> vector<16xi32>
      %reduce_sum3A_894 = vector.extract %reduce_sum3A_893[15] : i32 from vector<16xi32>
      %gt3A = arith.constant 0 : i32
      %gt3A_895 = arith.cmpi sgt, %reduce_sum3A_894, %gt3A : i32
      %convert_element_type3A_896 = arith.extui %gt3A_895 : i1 to i32
      %cond3A = arith.constant 0 : i32
      %cond3A_897 = arith.constant 0 : i32
      %cond3A_898 = arith.cmpi ne, %convert_element_type3A_896, %cond3A_897 : i32
      %cond3A_899:3 = scf.if %cond3A_898 -> (i32, i32, i32) {
        %sub3A_902 = arith.constant 16 : i32
        %sub3A_903 = arith.subi %sub3A_902, %reduce_sum3A_894 : i32
        %eq3A_904 = vector.broadcast %sub3A_903 : i32 to vector<16xi32>
        %eq3A_905 = arith.cmpi eq, %iota3A, %eq3A_904 : vector<16xi32>
        %jit3A_906 = arith.constant 0 : i32
        %broadcast_in_dim3A_907 = vector.broadcast %jit3A_906 : i32 to vector<16xi32>
        %select_n3A_908 = arith.select %eq3A_905, %masked_cumsum3A, %broadcast_in_dim3A_907 : vector<16xi1>, vector<16xi32>
        %reduce_sum3A_909 = arith.constant true
        %reduce_sum3A_910 = vector.broadcast %reduce_sum3A_909 : i1 to vector<16xi1>
        %reduce_sum3A_911 = tpu.scan <sum>, %select_n3A_908 masked %reduce_sum3A_910 : vector<16xi32>, vector<16xi1> -> vector<16xi32>
        %reduce_sum3A_912 = vector.extract %reduce_sum3A_911[15] : i32 from vector<16xi32>
        %eq3A_913 = vector.broadcast %sub3A_903 : i32 to vector<16xi32>
        %eq3A_914 = arith.cmpi eq, %iota3A, %eq3A_913 : vector<16xi32>
        %jit3A_915 = arith.constant 0 : i32
        %broadcast_in_dim3A_916 = vector.broadcast %jit3A_915 : i32 to vector<16xi32>
        %select_n3A_917 = arith.select %eq3A_914, %rev3A_885, %broadcast_in_dim3A_916 : vector<16xi1>, vector<16xi32>
        %reduce_sum3A_918 = arith.constant true
        %reduce_sum3A_919 = vector.broadcast %reduce_sum3A_918 : i1 to vector<16xi1>
        %reduce_sum3A_920 = tpu.scan <sum>, %select_n3A_917 masked %reduce_sum3A_919 : vector<16xi32>, vector<16xi1> -> vector<16xi32>
        %reduce_sum3A_921 = vector.extract %reduce_sum3A_920[15] : i32 from vector<16xi32>
        %mul3A_922 = arith.constant 16 : i32
        %mul3A_923 = arith.muli %while3A_873, %mul3A_922 : i32
        %add3A_924 = arith.constant 15 : i32
        %add3A_925 = arith.addi %mul3A_923, %add3A_924 : i32
        %sub3A_926 = arith.subi %add3A_925, %sub3A_903 : i32
        %add3A_927 = arith.addi %while3A_877, %reduce_sum3A_912 : i32
        %sub3A_928 = arith.subi %add3A_927, %reduce_sum3A_921 : i32
        scf.yield %sub3A_926, %sub3A_928, %while3A_877 : i32, i32, i32
      } else {
        %reduce_sum3A_902 = arith.constant true
        %reduce_sum3A_903 = vector.broadcast %reduce_sum3A_902 : i1 to vector<16xi1>
        %reduce_sum3A_904 = tpu.scan <sum>, %get3A_881 masked %reduce_sum3A_903 : vector<16xi32>, vector<16xi1> -> vector<16xi32>
        %reduce_sum3A_905 = vector.extract %reduce_sum3A_904[15] : i32 from vector<16xi32>
        %add3A_906 = arith.addi %while3A_877, %reduce_sum3A_905 : i32
        scf.yield %while3A_875, %while3A_876, %add3A_906 : i32, i32, i32
      }
      %sub3A_900 = arith.constant 1 : i32
      %sub3A_901 = arith.subi %while3A_873, %sub3A_900 : i32
      %or3A = arith.ori %while3A_874, %gt3A_895 : i1
      scf.yield %sub3A_901, %or3A, %cond3A_899#0, %cond3A_899#1, %cond3A_899#2 : i32, i1, i32, i32, i32
    }
    %sub3A_792 = arith.constant 64 : i32
    %sub3A_793 = arith.subi %sub3A_792, %while3A_791#3 : i32
    %parallel_loop3A_794 = arith.constant 0 : i32
    %parallel_loop3A_795 = arith.constant 129 : i32
    %parallel_loop3A_796 = arith.constant 1 : i32
    scf.for %parallel_loop3A_873 = %parallel_loop3A_794 to %parallel_loop3A_795 step %parallel_loop3A_796  : i32 {
      %parallel_loop3A_874 = arith.constant 16 : i32
      %parallel_loop3A_875 = arith.muli %parallel_loop3A_873, %parallel_loop3A_874 : i32
      %parallel_loop3A_876 = arith.index_cast %parallel_loop3A_875 : i32 to index
      %parallel_loop3A_877 = tpu.vector_load %arg8[%parallel_loop3A_876] {strides = array<i32>} : memref<2064xi32, #tpu.memory_space<vmem>>, vector<16xi32>,
      tpu.vector_store %arg8[%parallel_loop3A_876], %broadcast_in_dim3A_2 {strides = array<i32>} : memref<2064xi32, #tpu.memory_space<vmem>>, vector<16xi32>,
    } {sc.loop_unroll_factor = 4 : i64, sc.parallel_access}
    %while3A_797 = arith.constant 0 : i32
    %while3A_798 = arith.subi %select_n3A_775, %while3A_797 : i32
    %while3A_799 = arith.addi %while3A_797, %while3A_798 : i32
    %while3A_800 = arith.constant 1 : i32
    %while3A_801 = arith.divsi %while3A_798, %while3A_800 : i32
    %while3A_802 = arith.muli %while3A_801, %while3A_800 : i32
    %while3A_803 = arith.addi %while3A_797, %while3A_802 : i32
    %while3A_804 = arith.constant 1 : i32
    %while3A_805:2 = scf.for %while3A_873 = %while3A_797 to %while3A_803 step %while3A_804 iter_args(%while3A_874 = %broadcast_in_dim3A_2, %while3A_875 = %broadcast_in_dim3A_2) -> (vector<16xi32>, vector<16xi32>)  : i32 {
      %mul3A_876 = arith.constant 16 : i32
      %mul3A_877 = arith.muli %while3A_873, %mul3A_876 : i32
      %get3A_878 = arith.index_cast %mul3A_877 : i32 to index
      %get3A_879 = tpu.vector_load %arg6[%get3A_878] {strides = array<i32>} : memref<32768xi32, #tpu.memory_space<vmem>>, vector<16xi32>,
      %bitcast3A_880 = vector.bitcast %get3A_879 : vector<16xi32> to vector<16xi32>
      %mul3A_881 = arith.constant 16 : i32
      %mul3A_882 = arith.muli %while3A_873, %mul3A_881 : i32
      %add3A_883 = vector.broadcast %mul3A_882 : i32 to vector<16xi32>
      %add3A_884 = arith.addi %add3A_883, %iota3A : vector<16xi32>
      %lt3A = vector.broadcast %reduce_max3A_749 : i32 to vector<16xi32>
      %lt3A_885 = arith.cmpi slt, %add3A_884, %lt3A : vector<16xi32>
      %sub3A_886 = vector.broadcast %shift_left3A_668 : i32 to vector<16xi32>
      %sub3A_887 = arith.subi %bitcast3A_880, %sub3A_886 : vector<16xi32>
      %min3A = arith.constant 2097152 : i32
      %min3A_888 = vector.broadcast %min3A : i32 to vector<16xi32>
      %min3A_889 = arith.minui %sub3A_887, %min3A_888 : vector<16xi32>
      %sub3A_890 = vector.broadcast %shift_left3A_727 : i32 to vector<16xi32>
      %sub3A_891 = arith.subi %min3A_889, %sub3A_890 : vector<16xi32>
      %min3A_892 = arith.constant 1024 : i32
      %min3A_893 = vector.broadcast %min3A_892 : i32 to vector<16xi32>
      %min3A_894 = arith.minui %sub3A_891, %min3A_893 : vector<16xi32>
      %gt3A = vector.broadcast %while3A_791#2 : i32 to vector<16xi32>
      %gt3A_895 = arith.cmpi ugt, %min3A_894, %gt3A : vector<16xi32>
      %and3A_896 = arith.andi %lt3A_885, %gt3A_895 : vector<16xi1>
      %eq3A_897 = vector.broadcast %while3A_791#2 : i32 to vector<16xi32>
      %eq3A_898 = arith.cmpi eq, %min3A_894, %eq3A_897 : vector<16xi32>
      %and3A_899 = arith.andi %lt3A_885, %eq3A_898 : vector<16xi1>
      %convert_element_type3A = arith.extui %and3A_899 : vector<16xi1> to vector<16xi32>
      %broadcast_in_dim3A_900 = arith.constant true
      %broadcast_in_dim3A_901 = vector.broadcast %broadcast_in_dim3A_900 : i1 to vector<16xi1>
      %masked_cumsum3A = tpu.scan <sum>, %convert_element_type3A masked %broadcast_in_dim3A_901 : vector<16xi32>, vector<16xi1> -> vector<16xi32>
      %add3A_902 = arith.addi %masked_cumsum3A, %while3A_875 : vector<16xi32>
      %le3A = vector.broadcast %sub3A_793 : i32 to vector<16xi32>
      %le3A_903 = arith.cmpi sle, %add3A_902, %le3A : vector<16xi32>
      %and3A_904 = arith.andi %and3A_899, %le3A_903 : vector<16xi1>
      %or3A = arith.ori %and3A_896, %and3A_904 : vector<16xi1>
      %convert_element_type3A_905 = arith.extui %or3A : vector<16xi1> to vector<16xi32>
      %broadcast_in_dim3A_906 = arith.constant true
      %broadcast_in_dim3A_907 = vector.broadcast %broadcast_in_dim3A_906 : i1 to vector<16xi1>
      %masked_cumsum3A_908 = tpu.scan <sum>, %convert_element_type3A_905 masked %broadcast_in_dim3A_907 : vector<16xi32>, vector<16xi1> -> vector<16xi32>
      %add3A_909 = arith.addi %while3A_874, %masked_cumsum3A_908 : vector<16xi32>
      %sub3A_910 = arith.constant 1 : i32
      %sub3A_911 = vector.broadcast %sub3A_910 : i32 to vector<16xi32>
      %sub3A_912 = arith.subi %add3A_909, %sub3A_911 : vector<16xi32>
      tpu.vector_store_idx %arg9[%sub3A_912], %get3A_879 masked %or3A : memref<64xi32, #tpu.memory_space<vmem>>[vector<16xi32>], vector<16xi32>, vector<16xi1>
      %mul3A_913 = arith.constant 16 : i32
      %mul3A_914 = arith.muli %while3A_873, %mul3A_913 : i32
      %get3A_915 = arith.index_cast %mul3A_914 : i32 to index
      %get3A_916 = tpu.vector_load %arg7[%get3A_915] {strides = array<i32>} : memref<32768xi32, #tpu.memory_space<vmem>>, vector<16xi32>,
      tpu.vector_store_idx %arg10[%sub3A_912], %get3A_916 masked %or3A : memref<64xi32, #tpu.memory_space<vmem>>[vector<16xi32>], vector<16xi32>, vector<16xi1>
      %all_reduce_population_count3A = tpu.all_reduce %or3A {dim = 0 : i64, kind = #tpu.reduction_kind<sum>} : vector<16xi1> -> vector<16xi32>
      %add3A_917 = arith.addi %while3A_874, %all_reduce_population_count3A : vector<16xi32>
      %all_reduce_population_count3A_918 = tpu.all_reduce %and3A_899 {dim = 0 : i64, kind = #tpu.reduction_kind<sum>} : vector<16xi1> -> vector<16xi32>
      %add3A_919 = arith.addi %while3A_875, %all_reduce_population_count3A_918 : vector<16xi32>
      scf.yield %add3A_917, %add3A_919 : vector<16xi32>, vector<16xi32>
    }
    %while3A_806 = arith.constant 1 : i32
    %while3A_807:2 = scf.for %while3A_873 = %while3A_803 to %while3A_799 step %while3A_806 iter_args(%while3A_874 = %while3A_805#0, %while3A_875 = %while3A_805#1) -> (vector<16xi32>, vector<16xi32>)  : i32 {
      %mul3A_876 = arith.constant 16 : i32
      %mul3A_877 = arith.muli %while3A_873, %mul3A_876 : i32
      %get3A_878 = arith.index_cast %mul3A_877 : i32 to index
      %get3A_879 = tpu.vector_load %arg6[%get3A_878] {strides = array<i32>} : memref<32768xi32, #tpu.memory_space<vmem>>, vector<16xi32>,
      %bitcast3A_880 = vector.bitcast %get3A_879 : vector<16xi32> to vector<16xi32>
      %mul3A_881 = arith.constant 16 : i32
      %mul3A_882 = arith.muli %while3A_873, %mul3A_881 : i32
      %add3A_883 = vector.broadcast %mul3A_882 : i32 to vector<16xi32>
      %add3A_884 = arith.addi %add3A_883, %iota3A : vector<16xi32>
      %lt3A = vector.broadcast %reduce_max3A_749 : i32 to vector<16xi32>
      %lt3A_885 = arith.cmpi slt, %add3A_884, %lt3A : vector<16xi32>
      %sub3A_886 = vector.broadcast %shift_left3A_668 : i32 to vector<16xi32>
      %sub3A_887 = arith.subi %bitcast3A_880, %sub3A_886 : vector<16xi32>
      %min3A = arith.constant 2097152 : i32
      %min3A_888 = vector.broadcast %min3A : i32 to vector<16xi32>
      %min3A_889 = arith.minui %sub3A_887, %min3A_888 : vector<16xi32>
      %sub3A_890 = vector.broadcast %shift_left3A_727 : i32 to vector<16xi32>
      %sub3A_891 = arith.subi %min3A_889, %sub3A_890 : vector<16xi32>
      %min3A_892 = arith.constant 1024 : i32
      %min3A_893 = vector.broadcast %min3A_892 : i32 to vector<16xi32>
      %min3A_894 = arith.minui %sub3A_891, %min3A_893 : vector<16xi32>
      %gt3A = vector.broadcast %while3A_791#2 : i32 to vector<16xi32>
      %gt3A_895 = arith.cmpi ugt, %min3A_894, %gt3A : vector<16xi32>
      %and3A_896 = arith.andi %lt3A_885, %gt3A_895 : vector<16xi1>
      %eq3A_897 = vector.broadcast %while3A_791#2 : i32 to vector<16xi32>
      %eq3A_898 = arith.cmpi eq, %min3A_894, %eq3A_897 : vector<16xi32>
      %and3A_899 = arith.andi %lt3A_885, %eq3A_898 : vector<16xi1>
      %convert_element_type3A = arith.extui %and3A_899 : vector<16xi1> to vector<16xi32>
      %broadcast_in_dim3A_900 = arith.constant true
      %broadcast_in_dim3A_901 = vector.broadcast %broadcast_in_dim3A_900 : i1 to vector<16xi1>
      %masked_cumsum3A = tpu.scan <sum>, %convert_element_type3A masked %broadcast_in_dim3A_901 : vector<16xi32>, vector<16xi1> -> vector<16xi32>
      %add3A_902 = arith.addi %masked_cumsum3A, %while3A_875 : vector<16xi32>
      %le3A = vector.broadcast %sub3A_793 : i32 to vector<16xi32>
      %le3A_903 = arith.cmpi sle, %add3A_902, %le3A : vector<16xi32>
      %and3A_904 = arith.andi %and3A_899, %le3A_903 : vector<16xi1>
      %or3A = arith.ori %and3A_896, %and3A_904 : vector<16xi1>
      %convert_element_type3A_905 = arith.extui %or3A : vector<16xi1> to vector<16xi32>
      %broadcast_in_dim3A_906 = arith.constant true
      %broadcast_in_dim3A_907 = vector.broadcast %broadcast_in_dim3A_906 : i1 to vector<16xi1>
      %masked_cumsum3A_908 = tpu.scan <sum>, %convert_element_type3A_905 masked %broadcast_in_dim3A_907 : vector<16xi32>, vector<16xi1> -> vector<16xi32>
      %add3A_909 = arith.addi %while3A_874, %masked_cumsum3A_908 : vector<16xi32>
      %sub3A_910 = arith.constant 1 : i32
      %sub3A_911 = vector.broadcast %sub3A_910 : i32 to vector<16xi32>
      %sub3A_912 = arith.subi %add3A_909, %sub3A_911 : vector<16xi32>
      tpu.vector_store_idx %arg9[%sub3A_912], %get3A_879 masked %or3A : memref<64xi32, #tpu.memory_space<vmem>>[vector<16xi32>], vector<16xi32>, vector<16xi1>
      %mul3A_913 = arith.constant 16 : i32
      %mul3A_914 = arith.muli %while3A_873, %mul3A_913 : i32
      %get3A_915 = arith.index_cast %mul3A_914 : i32 to index
      %get3A_916 = tpu.vector_load %arg7[%get3A_915] {strides = array<i32>} : memref<32768xi32, #tpu.memory_space<vmem>>, vector<16xi32>,
      tpu.vector_store_idx %arg10[%sub3A_912], %get3A_916 masked %or3A : memref<64xi32, #tpu.memory_space<vmem>>[vector<16xi32>], vector<16xi32>, vector<16xi1>
      %all_reduce_population_count3A = tpu.all_reduce %or3A {dim = 0 : i64, kind = #tpu.reduction_kind<sum>} : vector<16xi1> -> vector<16xi32>
      %add3A_917 = arith.addi %while3A_874, %all_reduce_population_count3A : vector<16xi32>
      %all_reduce_population_count3A_918 = tpu.all_reduce %and3A_899 {dim = 0 : i64, kind = #tpu.reduction_kind<sum>} : vector<16xi1> -> vector<16xi32>
      %add3A_919 = arith.addi %while3A_875, %all_reduce_population_count3A_918 : vector<16xi32>
      scf.yield %add3A_917, %add3A_919 : vector<16xi32>, vector<16xi32>
    }
    %dma_wait3A_808 = arith.constant 0 : i32
    %dma_wait3A_809 = tpu.memref_slice %arg3[%add3A_430, %dma_wait3A_808] : memref<128x64xf32, #tpu.memory_space<hbm>> -> memref<1x64xf32, #tpu.memory_space<hbm>>
    %dma_wait3A_810 = tpu.memref_squeeze %dma_wait3A_809 : memref<1x64xf32, #tpu.memory_space<hbm>> -> memref<64xf32, #tpu.memory_space<hbm>>
    %dma_wait3A_811 = arith.constant 0 : i32
    %dma_wait3A_812 = tpu.memref_slice %arg3[%add3A_430, %dma_wait3A_811] : memref<128x64xf32, #tpu.memory_space<hbm>> -> memref<1x64xf32, #tpu.memory_space<hbm>>
    %dma_wait3A_813 = tpu.memref_squeeze %dma_wait3A_812 : memref<1x64xf32, #tpu.memory_space<hbm>> -> memref<64xf32, #tpu.memory_space<hbm>>
    tpu.wait_dma2 semaphore(%arg14 : memref<!tpu.dma_semaphore, #tpu.memory_space<semaphore_mem>>) src(%arg11 : memref<64xf32, #tpu.memory_space<vmem>>) dst(%dma_wait3A_813 : memref<64xf32, #tpu.memory_space<hbm>>)
    %dma_wait3A_814 = arith.constant 0 : i32
    %dma_wait3A_815 = tpu.memref_slice %arg4[%add3A_430, %dma_wait3A_814] : memref<128x64xi32, #tpu.memory_space<hbm>> -> memref<1x64xi32, #tpu.memory_space<hbm>>
    %dma_wait3A_816 = tpu.memref_squeeze %dma_wait3A_815 : memref<1x64xi32, #tpu.memory_space<hbm>> -> memref<64xi32, #tpu.memory_space<hbm>>
    %dma_wait3A_817 = arith.constant 0 : i32
    %dma_wait3A_818 = tpu.memref_slice %arg4[%add3A_430, %dma_wait3A_817] : memref<128x64xi32, #tpu.memory_space<hbm>> -> memref<1x64xi32, #tpu.memory_space<hbm>>
    %dma_wait3A_819 = tpu.memref_squeeze %dma_wait3A_818 : memref<1x64xi32, #tpu.memory_space<hbm>> -> memref<64xi32, #tpu.memory_space<hbm>>
    tpu.wait_dma2 semaphore(%arg14 : memref<!tpu.dma_semaphore, #tpu.memory_space<semaphore_mem>>) src(%arg12 : memref<64xi32, #tpu.memory_space<vmem>>) dst(%dma_wait3A_819 : memref<64xi32, #tpu.memory_space<hbm>>)
    %eq3A_820 = arith.constant 0 : i32
    %eq3A_821 = vector.broadcast %eq3A_820 : i32 to vector<16xi32>
    %eq3A_822 = arith.cmpi eq, %iota3A, %eq3A_821 : vector<16xi32>
    %get3A_823 = arith.constant 0 : index
    %get3A_824 = tpu.vector_load %arg9[%get3A_823] {strides = array<i32>} : memref<64xi32, #tpu.memory_space<vmem>>, vector<16xi32>,
    %bitcast3A_825 = vector.bitcast %get3A_824 : vector<16xi32> to vector<16xi32>
    %get3A_826 = arith.constant 16 : index
    %get3A_827 = tpu.vector_load %arg9[%get3A_826] {strides = array<i32>} : memref<64xi32, #tpu.memory_space<vmem>>, vector<16xi32>,
    %bitcast3A_828 = vector.bitcast %get3A_827 : vector<16xi32> to vector<16xi32>
    %get3A_829 = arith.constant 32 : index
    %get3A_830 = tpu.vector_load %arg9[%get3A_829] {strides = array<i32>} : memref<64xi32, #tpu.memory_space<vmem>>, vector<16xi32>,
    %bitcast3A_831 = vector.bitcast %get3A_830 : vector<16xi32> to vector<16xi32>
    %get3A_832 = arith.constant 48 : index
    %get3A_833 = tpu.vector_load %arg9[%get3A_832] {strides = array<i32>} : memref<64xi32, #tpu.memory_space<vmem>>, vector<16xi32>,
    %bitcast3A_834 = vector.bitcast %get3A_833 : vector<16xi32> to vector<16xi32>
    %get3A_835 = arith.constant 0 : index
    %get3A_836 = tpu.vector_load %arg10[%get3A_835] {strides = array<i32>} : memref<64xi32, #tpu.memory_space<vmem>>, vector<16xi32>,
    %get3A_837 = arith.constant 16 : index
    %get3A_838 = tpu.vector_load %arg10[%get3A_837] {strides = array<i32>} : memref<64xi32, #tpu.memory_space<vmem>>, vector<16xi32>,
    %get3A_839 = arith.constant 32 : index
    %get3A_840 = tpu.vector_load %arg10[%get3A_839] {strides = array<i32>} : memref<64xi32, #tpu.memory_space<vmem>>, vector<16xi32>,
    %get3A_841 = arith.constant 48 : index
    %get3A_842 = tpu.vector_load %arg10[%get3A_841] {strides = array<i32>} : memref<64xi32, #tpu.memory_space<vmem>>, vector<16xi32>,
    %scan3A_843 = arith.constant 0 : i32
    %scan3A_844 = arith.constant 64 : i32
    %scan3A_845 = arith.addi %scan3A_843, %scan3A_844 : i32
    %scan3A_846 = arith.constant 1 : i32
    %scan3A_847:8 = scf.for %scan3A_873 = %scan3A_843 to %scan3A_845 step %scan3A_846 iter_args(%scan3A_874 = %bitcast3A_825, %scan3A_875 = %bitcast3A_828, %scan3A_876 = %bitcast3A_831, %scan3A_877 = %bitcast3A_834, %scan3A_878 = %get3A_836, %scan3A_879 = %get3A_838, %scan3A_880 = %get3A_840, %scan3A_881 = %get3A_842) -> (vector<16xi32>, vector<16xi32>, vector<16xi32>, vector<16xi32>, vector<16xi32>, vector<16xi32>, vector<16xi32>, vector<16xi32>)  : i32 {
      %max3A = arith.maxui %scan3A_874, %scan3A_875 : vector<16xi32>
      %max3A_882 = arith.maxui %scan3A_876, %scan3A_877 : vector<16xi32>
      %max3A_883 = arith.maxui %max3A, %max3A_882 : vector<16xi32>
      %broadcast_in_dim3A_884 = arith.constant true
      %broadcast_in_dim3A_885 = vector.broadcast %broadcast_in_dim3A_884 : i1 to vector<16xi1>
      %masked_cummax3A = tpu.scan <max>, %max3A_883 masked %broadcast_in_dim3A_885 : vector<16xi32>, vector<16xi1> -> vector<16xi32>
      %broadcast_in_dim3A_886 = arith.constant 15 : i32
      %broadcast_in_dim3A_887 = vector.broadcast %broadcast_in_dim3A_886 : i32 to vector<16x1xi32>
      %gather3A = vector.shape_cast %broadcast_in_dim3A_887 : vector<16x1xi32> to vector<16xi32>
      %gather3A_888 = tpu.dynamic_gather %masked_cummax3A[%gather3A] in [0] : vector<16xi32>, vector<16xi32> -> vector<16xi32>
      %eq3A_889 = arith.cmpi eq, %scan3A_874, %gather3A_888 : vector<16xi32>
      %jit3A_890 = arith.constant 2147483647 : i32
      %broadcast_in_dim3A_891 = vector.broadcast %jit3A_890 : i32 to vector<16xi32>
      %select_n3A_892 = arith.select %eq3A_889, %scan3A_878, %broadcast_in_dim3A_891 : vector<16xi1>, vector<16xi32>
      %eq3A_893 = arith.cmpi eq, %scan3A_875, %gather3A_888 : vector<16xi32>
      %jit3A_894 = arith.constant 2147483647 : i32
      %broadcast_in_dim3A_895 = vector.broadcast %jit3A_894 : i32 to vector<16xi32>
      %select_n3A_896 = arith.select %eq3A_893, %scan3A_879, %broadcast_in_dim3A_895 : vector<16xi1>, vector<16xi32>
      %eq3A_897 = arith.cmpi eq, %scan3A_876, %gather3A_888 : vector<16xi32>
      %jit3A_898 = arith.constant 2147483647 : i32
      %broadcast_in_dim3A_899 = vector.broadcast %jit3A_898 : i32 to vector<16xi32>
      %select_n3A_900 = arith.select %eq3A_897, %scan3A_880, %broadcast_in_dim3A_899 : vector<16xi1>, vector<16xi32>
      %min3A = arith.minsi %select_n3A_892, %select_n3A_896 : vector<16xi32>
      %eq3A_901 = arith.cmpi eq, %scan3A_877, %gather3A_888 : vector<16xi32>
      %jit3A_902 = arith.constant 2147483647 : i32
      %broadcast_in_dim3A_903 = vector.broadcast %jit3A_902 : i32 to vector<16xi32>
      %select_n3A_904 = arith.select %eq3A_901, %scan3A_881, %broadcast_in_dim3A_903 : vector<16xi1>, vector<16xi32>
      %min3A_905 = arith.minsi %select_n3A_900, %select_n3A_904 : vector<16xi32>
      %min3A_906 = arith.minsi %min3A, %min3A_905 : vector<16xi32>
      %neg3A = arith.constant 0 : i32
      %neg3A_907 = vector.broadcast %neg3A : i32 to vector<16xi32>
      %neg3A_908 = arith.subi %neg3A_907, %min3A_906 : vector<16xi32>
      %broadcast_in_dim3A_909 = arith.constant true
      %broadcast_in_dim3A_910 = vector.broadcast %broadcast_in_dim3A_909 : i1 to vector<16xi1>
      %masked_cummax3A_911 = arith.constant -2147483648 : i32
      %masked_cummax3A_912 = vector.broadcast %masked_cummax3A_911 : i32 to vector<16xi32>
      %masked_cummax3A_913 = arith.xori %neg3A_908, %masked_cummax3A_912 : vector<16xi32>
      %masked_cummax3A_914 = tpu.scan <max>, %masked_cummax3A_913 masked %broadcast_in_dim3A_910 : vector<16xi32>, vector<16xi1> -> vector<16xi32>
      %masked_cummax3A_915 = arith.xori %masked_cummax3A_914, %masked_cummax3A_912 : vector<16xi32>
      %broadcast_in_dim3A_916 = arith.constant 15 : i32
      %broadcast_in_dim3A_917 = vector.broadcast %broadcast_in_dim3A_916 : i32 to vector<16x1xi32>
      %gather3A_918 = vector.shape_cast %broadcast_in_dim3A_917 : vector<16x1xi32> to vector<16xi32>
      %gather3A_919 = tpu.dynamic_gather %masked_cummax3A_915[%gather3A_918] in [0] : vector<16xi32>, vector<16xi32> -> vector<16xi32>
      %neg3A_920 = arith.constant 0 : i32
      %neg3A_921 = vector.broadcast %neg3A_920 : i32 to vector<16xi32>
      %neg3A_922 = arith.subi %neg3A_921, %gather3A_919 : vector<16xi32>
      %bitcast3A_923 = vector.bitcast %gather3A_888 : vector<16xi32> to vector<16xi32>
      %shift_right_arithmetic3A = arith.constant 31 : i32
      %shift_right_arithmetic3A_924 = vector.broadcast %shift_right_arithmetic3A : i32 to vector<16xi32>
      %shift_right_arithmetic3A_925 = arith.shrsi %bitcast3A_923, %shift_right_arithmetic3A_924 : vector<16xi32>
      %not3A = arith.constant dense<-1> : vector<16xi32>
      %not3A_926 = arith.xori %shift_right_arithmetic3A_925, %not3A : vector<16xi32>
      %or3A = arith.constant -2147483648 : i32
      %or3A_927 = vector.broadcast %or3A : i32 to vector<16xi32>
      %or3A_928 = arith.ori %not3A_926, %or3A_927 : vector<16xi32>
      %xor3A = arith.xori %bitcast3A_923, %or3A_928 : vector<16xi32>
      %broadcast_in_dim3A_929 = vector.broadcast %scan3A_873 : i32 to vector<16xi32>
      %bitcast3A_930 = vector.bitcast %xor3A : vector<16xi32> to vector<16xf32>
      tpu.vector_store_idx %arg11[%broadcast_in_dim3A_929], %bitcast3A_930 masked %eq3A_822 : memref<64xf32, #tpu.memory_space<vmem>>[vector<16xi32>], vector<16xf32>, vector<16xi1>
      tpu.vector_store_idx %arg12[%broadcast_in_dim3A_929], %neg3A_922 masked %eq3A_822 : memref<64xi32, #tpu.memory_space<vmem>>[vector<16xi32>], vector<16xi32>, vector<16xi1>
      %eq3A_931 = arith.cmpi eq, %scan3A_878, %neg3A_922 : vector<16xi32>
      %eq3A_932 = arith.cmpi eq, %scan3A_879, %neg3A_922 : vector<16xi32>
      %eq3A_933 = arith.cmpi eq, %scan3A_880, %neg3A_922 : vector<16xi32>
      %eq3A_934 = arith.cmpi eq, %scan3A_881, %neg3A_922 : vector<16xi32>
      %jit3A_935 = arith.constant 0 : i32
      %broadcast_in_dim3A_936 = vector.broadcast %jit3A_935 : i32 to vector<16xi32>
      %select_n3A_937 = arith.select %eq3A_931, %broadcast_in_dim3A_936, %scan3A_874 : vector<16xi1>, vector<16xi32>
      %jit3A_938 = arith.constant 0 : i32
      %broadcast_in_dim3A_939 = vector.broadcast %jit3A_938 : i32 to vector<16xi32>
      %select_n3A_940 = arith.select %eq3A_932, %broadcast_in_dim3A_939, %scan3A_875 : vector<16xi1>, vector<16xi32>
      %jit3A_941 = arith.constant 0 : i32
      %broadcast_in_dim3A_942 = vector.broadcast %jit3A_941 : i32 to vector<16xi32>
      %select_n3A_943 = arith.select %eq3A_933, %broadcast_in_dim3A_942, %scan3A_876 : vector<16xi1>, vector<16xi32>
      %jit3A_944 = arith.constant 0 : i32
      %broadcast_in_dim3A_945 = vector.broadcast %jit3A_944 : i32 to vector<16xi32>
      %select_n3A_946 = arith.select %eq3A_934, %broadcast_in_dim3A_945, %scan3A_877 : vector<16xi1>, vector<16xi32>
      %jit3A_947 = arith.constant 2147483647 : i32
      %broadcast_in_dim3A_948 = vector.broadcast %jit3A_947 : i32 to vector<16xi32>
      %select_n3A_949 = arith.select %eq3A_931, %broadcast_in_dim3A_948, %scan3A_878 : vector<16xi1>, vector<16xi32>
      %jit3A_950 = arith.constant 2147483647 : i32
      %broadcast_in_dim3A_951 = vector.broadcast %jit3A_950 : i32 to vector<16xi32>
      %select_n3A_952 = arith.select %eq3A_932, %broadcast_in_dim3A_951, %scan3A_879 : vector<16xi1>, vector<16xi32>
      %jit3A_953 = arith.constant 2147483647 : i32
      %broadcast_in_dim3A_954 = vector.broadcast %jit3A_953 : i32 to vector<16xi32>
      %select_n3A_955 = arith.select %eq3A_933, %broadcast_in_dim3A_954, %scan3A_880 : vector<16xi1>, vector<16xi32>
      %jit3A_956 = arith.constant 2147483647 : i32
      %broadcast_in_dim3A_957 = vector.broadcast %jit3A_956 : i32 to vector<16xi32>
      %select_n3A_958 = arith.select %eq3A_934, %broadcast_in_dim3A_957, %scan3A_881 : vector<16xi1>, vector<16xi32>
      scf.yield %select_n3A_937, %select_n3A_940, %select_n3A_943, %select_n3A_946, %select_n3A_949, %select_n3A_952, %select_n3A_955, %select_n3A_958 : vector<16xi32>, vector<16xi32>, vector<16xi32>, vector<16xi32>, vector<16xi32>, vector<16xi32>, vector<16xi32>, vector<16xi32>
    }
    %scan3A_848 = arith.constant 64 : i32
    %dma_start3A_849 = arith.constant 0 : i32
    %dma_start3A_850 = tpu.memref_slice %arg3[%add3A_651, %dma_start3A_849] : memref<128x64xf32, #tpu.memory_space<hbm>> -> memref<1x64xf32, #tpu.memory_space<hbm>>
    %dma_start3A_851 = tpu.memref_squeeze %dma_start3A_850 : memref<1x64xf32, #tpu.memory_space<hbm>> -> memref<64xf32, #tpu.memory_space<hbm>>
    %dma_start3A_852 = arith.constant 0 : i32
    %dma_start3A_853 = tpu.memref_slice %arg3[%add3A_651, %dma_start3A_852] : memref<128x64xf32, #tpu.memory_space<hbm>> -> memref<1x64xf32, #tpu.memory_space<hbm>>
    %dma_start3A_854 = tpu.memref_squeeze %dma_start3A_853 : memref<1x64xf32, #tpu.memory_space<hbm>> -> memref<64xf32, #tpu.memory_space<hbm>>
    tpu.enqueue_dma source(%arg11 : memref<64xf32, #tpu.memory_space<vmem>>) target(%dma_start3A_854 : memref<64xf32, #tpu.memory_space<hbm>>) target_semaphore(%arg14 : memref<!tpu.dma_semaphore, #tpu.memory_space<semaphore_mem>>)
    %dma_start3A_855 = arith.constant 0 : i32
    %dma_start3A_856 = tpu.memref_slice %arg4[%add3A_651, %dma_start3A_855] : memref<128x64xi32, #tpu.memory_space<hbm>> -> memref<1x64xi32, #tpu.memory_space<hbm>>
    %dma_start3A_857 = tpu.memref_squeeze %dma_start3A_856 : memref<1x64xi32, #tpu.memory_space<hbm>> -> memref<64xi32, #tpu.memory_space<hbm>>
    %dma_start3A_858 = arith.constant 0 : i32
    %dma_start3A_859 = tpu.memref_slice %arg4[%add3A_651, %dma_start3A_858] : memref<128x64xi32, #tpu.memory_space<hbm>> -> memref<1x64xi32, #tpu.memory_space<hbm>>
    %dma_start3A_860 = tpu.memref_squeeze %dma_start3A_859 : memref<1x64xi32, #tpu.memory_space<hbm>> -> memref<64xi32, #tpu.memory_space<hbm>>
    tpu.enqueue_dma source(%arg12 : memref<64xi32, #tpu.memory_space<vmem>>) target(%dma_start3A_860 : memref<64xi32, #tpu.memory_space<hbm>>) target_semaphore(%arg14 : memref<!tpu.dma_semaphore, #tpu.memory_space<semaphore_mem>>)
    %dma_wait3A_861 = arith.constant 0 : i32
    %dma_wait3A_862 = tpu.memref_slice %arg3[%add3A_651, %dma_wait3A_861] : memref<128x64xf32, #tpu.memory_space<hbm>> -> memref<1x64xf32, #tpu.memory_space<hbm>>
    %dma_wait3A_863 = tpu.memref_squeeze %dma_wait3A_862 : memref<1x64xf32, #tpu.memory_space<hbm>> -> memref<64xf32, #tpu.memory_space<hbm>>
    %dma_wait3A_864 = arith.constant 0 : i32
    %dma_wait3A_865 = tpu.memref_slice %arg3[%add3A_651, %dma_wait3A_864] : memref<128x64xf32, #tpu.memory_space<hbm>> -> memref<1x64xf32, #tpu.memory_space<hbm>>
    %dma_wait3A_866 = tpu.memref_squeeze %dma_wait3A_865 : memref<1x64xf32, #tpu.memory_space<hbm>> -> memref<64xf32, #tpu.memory_space<hbm>>
    tpu.wait_dma2 semaphore(%arg14 : memref<!tpu.dma_semaphore, #tpu.memory_space<semaphore_mem>>) src(%arg11 : memref<64xf32, #tpu.memory_space<vmem>>) dst(%dma_wait3A_866 : memref<64xf32, #tpu.memory_space<hbm>>)
    %dma_wait3A_867 = arith.constant 0 : i32
    %dma_wait3A_868 = tpu.memref_slice %arg4[%add3A_651, %dma_wait3A_867] : memref<128x64xi32, #tpu.memory_space<hbm>> -> memref<1x64xi32, #tpu.memory_space<hbm>>
    %dma_wait3A_869 = tpu.memref_squeeze %dma_wait3A_868 : memref<1x64xi32, #tpu.memory_space<hbm>> -> memref<64xi32, #tpu.memory_space<hbm>>
    %dma_wait3A_870 = arith.constant 0 : i32
    %dma_wait3A_871 = tpu.memref_slice %arg4[%add3A_651, %dma_wait3A_870] : memref<128x64xi32, #tpu.memory_space<hbm>> -> memref<1x64xi32, #tpu.memory_space<hbm>>
    %dma_wait3A_872 = tpu.memref_squeeze %dma_wait3A_871 : memref<1x64xi32, #tpu.memory_space<hbm>> -> memref<64xi32, #tpu.memory_space<hbm>>
    tpu.wait_dma2 semaphore(%arg14 : memref<!tpu.dma_semaphore, #tpu.memory_space<semaphore_mem>>) src(%arg12 : memref<64xi32, #tpu.memory_space<vmem>>) dst(%dma_wait3A_872 : memref<64xi32, #tpu.memory_space<hbm>>)
    return
  }
}

</mosaic_0001>

<sc_bundles>
// kernel: kernel.3.cloned.1.call-start
scs
__scs_entry_jumppad:
0x0: {  	(pc) =	sbr.rel $0x88, $3  }
0x1: {  	(tag) =	ssettag $0x0;
	lr =	simm.s32 $0x1  }
0x2: {  	[smem:$0x3FA0] =	sst lr;
	_ =	strace $0xD0000000  }
0x3: {  	_ = 	snop  }
0x4: {  	_ = 	snop  }
0x5: {  	_ = 	snop  }
0x6: {  	_ = 	snop  }
0x7: {  	_ = 	snop  }
__scs_overlays_trampoline_lowered:
0x8: {  	[smem:$0x3FAF] =	sst s0  }
0x9: {  	[smem:$0x3FB0] =	sst s1  }
0xa: {  	[smem:$0x3FB1] =	sst s2  }
0xb: {  	[smem:$0x3FB2] =	sst s3  }
0xc: {  	[smem:$0x3FB3] =	sst s4  }
0xd: {  	[smem:$0x3FB4] =	sst s5  }
0xe: {  	[smem:$0x3FB5] =	sst s6  }
0xf: {  	[smem:$0x3FB6] =	sst s7  }
0x10: {  	[smem:$0x3FB7] =	sst s8  }
0x11: {  	[smem:$0x3FB8] =	sst s9;
	s0 =	simm.s32 @!p0 $0x0  }
0x12: {  	s1 =	sld [smem:$0x3F9E];
	s0 =	simm.s32 @p0 $0x1  }
0x13: {  	[smem:$0x3FB9] =	sst s0;
	s0 =	simm.s32 @!p1 $0x0  }
0x14: {  	s2 =	sld [smem:$0x3F9D];
	s0 =	simm.s32 @p1 $0x1  }
0x15: {  	[smem:$0x3FBA] =	sst s0;
	s0 =	simm.s32 @!p2 $0x0  }
0x16: {  	s3 =	sld [smem:$0x3FDB];
	s0 =	simm.s32 @p2 $0x1  }
0x17: {  	s4 =	simm.s32 $0x1BF5;
	[smem:$0x3FBC] =	sst s0  }
0x18: {  	s0 =	sld [smem:$0x3F9F];
	_ =	swait.ge [sflag:s4], $0x0  }
0x19: {  	s7 =	sld [smem:$0x3FA0]  }
0x1a: {  	s8 =	sadd.s32 $0xFFFFE003, lr  }
0x1b: {  	s9 =	sadd.s32 $0xFFFFFEF7, lr;
	s5 =	simm.s32 $0xFFFFFFFF;
	p2 =	slt.u32 s8, $0xFFFFF086  }
0x1c: {  	p1 =	slt.u32 s9, $0xF7A;
	s5 =	simm.s32 @!p2 $0x0  }
0x1d: {  	s5 =	simm.s32 @p1 $0x1;
	p0 =	seq.s32 s7, s2  }
0x1e: {  	s7 =	smul.u32 @!p0 $0xF7A, s2;
	p2 =	seq.s32 @!p0 s5, $0x0  }
0x1f: {  	s9 =	smul.u32 $0xF7A, s1;
	s8 =	simm.s32 @!p0 $0x1BF5;
	p2 =	por !p2, p0  }
0x20: {  	[sflag:s8] =	ssyncset.s32 @!p0 $0xFFFFF086;
	s6 =	sadd.s32 @!p0 s3, s7;
	s7 =	simm.s32 @!p0 $0x108  }
0x21: {  	s3 =	sadd.s32 s3, s9;
	s6 =	sadd.s32 @!p0 $0x88, s6;
	s7 =	simm.s32 @p2 $0x1082  }
0x22: {  	[simem:s7], [sflag:s8] =	dma.local @!p0 [hbm:s6], $0xF7A  }
0x23: {  	s9 =	sor.u32 $0xD0000000, s2;
	s6 =	simm.s32 $0x108;
	_ =	swait.ge @!p0 [sflag:s8], $0x0  }
0x24: {  	s3 =	sadd.s32 $0x88, s3;
	s6 =	simm.s32 @!p1 $0x1082;
	[sflag:s4] =	ssyncset.s32 $0xFFFFF086  }
0x25: {  	[simem:s6], [sflag:s4] =	dma.local [hbm:s3], $0xF7A  }
0x26: {  	[smem:$0x3FA0] =	sst s1;
	(tag) =	ssettag s2;
	_ =	strace s9  }
0x27: {  	s1 =	sld [smem:$0x3FB0]  }
0x28: {  	s2 =	sld [smem:$0x3FB1]  }
0x29: {  	s4 =	sld [smem:$0x3FB3]  }
0x2a: {  	p0 =	seq.s32 s5, $0x0;
	s5 =	sld [smem:$0x3FB4]  }
0x2b: {  	s6 =	sld [smem:$0x3FB5]  }
0x2c: {  	s7 =	sld [smem:$0x3FB6]  }
0x2d: {  	s3 =	simm.s32 $0x108;
	s8 =	sld [smem:$0x3FB7]  }
0x2e: {  	s3 =	simm.s32 @!p0 $0x1082;
	s9 =	sld [smem:$0x3FB8]  }
0x2f: {  	lr =	sadd.s32 s0, s3;
	s0 =	sld [smem:$0x3FAF]  }
0x30: {  	s3 =	sld [smem:$0x3FB2]  }
0x31: {  	[smem:$0x3FBB] =	sst s10  }
0x32: {  	s10 =	sld [smem:$0x3FB9];
	_ =	sdelay $0x3  }
0x33: {  	p0 =	seq.s32 s10, $0x1;
	s10 =	sld [smem:$0x3FBB];
	_ =	sdelay $0x3  }
0x34: {  	[smem:$0x3FBB] =	sst s10  }
0x35: {  	s10 =	sld [smem:$0x3FBA];
	_ =	sdelay $0x3  }
0x36: {  	p1 =	seq.s32 s10, $0x1;
	s10 =	sld [smem:$0x3FBB];
	_ =	sdelay $0x3  }
0x37: {  	[smem:$0x3FBB] =	sst s10  }
0x38: {  	s10 =	sld [smem:$0x3FBC]  }
0x39: {  	_ = 	snop;
	(pc) =	sbr.ind lr, $3  }
0x3a: {  	_ = 	snop  }
0x3b: {  	_ = 	snop  }
0x3c: {  	p2 =	seq.s32 s10, $0x1;
	s10 =	sld [smem:$0x3FBB]  }
0x3d: {  	_ =	shalt  }
0x3e: {  	_ =	shalt  }
0x3f: {  	_ =	shalt  }
0x40: {  	_ =	shalt  }
0x41: {  	_ =	shalt  }
0x42: {  	_ =	shalt  }
0x43: {  	_ =	shalt  }
0x44: {  	_ =	shalt  }
0x45: {  	_ =	shalt  }
0x46: {  	_ =	shalt  }
0x47: {  	_ =	shalt  }
0x48: {  	_ =	shalt  }
0x49: {  	_ =	shalt  }
0x4a: {  	_ =	shalt  }
0x4b: {  	_ =	shalt  }
0x4c: {  	_ =	shalt  }
0x4d: {  	_ =	shalt  }
0x4e: {  	_ =	shalt  }
0x4f: {  	_ =	shalt  }
0x50: {  	_ =	shalt  }
0x51: {  	_ =	shalt  }
0x52: {  	_ =	shalt  }
0x53: {  	_ =	shalt  }
0x54: {  	_ =	shalt  }
0x55: {  	_ =	shalt  }
0x56: {  	_ =	shalt  }
0x57: {  	_ =	shalt  }
0x58: {  	_ =	shalt  }
0x59: {  	_ =	shalt  }
0x5a: {  	_ =	shalt  }
0x5b: {  	_ =	shalt  }
0x5c: {  	_ =	shalt  }
0x5d: {  	_ =	shalt  }
0x5e: {  	_ =	shalt  }
0x5f: {  	_ =	shalt  }
0x60: {  	_ =	shalt  }
0x61: {  	_ =	shalt  }
0x62: {  	_ =	shalt  }
0x63: {  	_ =	shalt  }
0x64: {  	_ =	shalt  }
0x65: {  	_ =	shalt  }
0x66: {  	_ =	shalt  }
0x67: {  	_ =	shalt  }
0x68: {  	_ =	shalt  }
0x69: {  	_ =	shalt  }
0x6a: {  	_ =	shalt  }
0x6b: {  	_ =	shalt  }
0x6c: {  	_ =	shalt  }
0x6d: {  	_ =	shalt  }
0x6e: {  	_ =	shalt  }
0x6f: {  	_ =	shalt  }
0x70: {  	_ =	shalt  }
0x71: {  	_ =	shalt  }
0x72: {  	_ =	shalt  }
0x73: {  	_ =	shalt  }
0x74: {  	_ =	shalt  }
0x75: {  	_ =	shalt  }
0x76: {  	_ =	shalt  }
0x77: {  	_ =	shalt  }
0x78: {  	_ =	shalt  }
0x79: {  	_ =	shalt  }
0x7a: {  	_ =	shalt  }
0x7b: {  	_ =	shalt  }
0x7c: {  	_ =	shalt  }
0x7d: {  	_ =	shalt  }
0x7e: {  	_ =	shalt  }
0x7f: {  	_ =	shalt  }
0x80: {  	_ =	shalt  }
0x81: {  	_ =	shalt  }
0x82: {  	_ =	shalt  }
0x83: {  	_ =	shalt  }
0x84: {  	_ =	shalt  }
0x85: {  	_ =	shalt  }
0x86: {  	_ =	shalt  }
0x87: {  	_ =	shalt  }
.Lfunc_end0:
.L_simem_size_0:
called_computation_lowered:
.L_overlay_start_0:
0x88: {  	s2 =	sld [smem:$0x3FD9]  }
0x89: {  	s3 =	sld [smem:$0x3FFE];
	_ =	sdelay $0x1  }
0x8a: {  	s1 =	srdreg.scid  }
0x8b: {  	s0 =	sand.u32 $0x1, s1  }
0x8c: {  	s17 =	sshll.u32 s0, $0xA;
	s2 =	sadd.s32 s3, s2  }
0x8d: {  	s2 =	sadd.s32 s2, s17  }
0x8e: {  	[smem:$0x3FC7] =	sst s2  }
0x8f: {  	_ = 	snop  }
0x90: {  	s2 =	sld [smem:$0x3FC9];
	(tm) =	ssettm $0x1  }
0x91: {  	s18 =	sld [smem:$0x3FFB];
	_ =	sdelay $0x3  }
0x92: {  	_ =	strace s18  }
0x93: {  	s3 =	sld [smem:$0x3FFC];
	_ =	sdelay $0x3  }
0x94: {  	_ =	strace s3  }
0x95: {  	s3 =	sld [smem:$0x3FFD];
	_ =	sdelay $0x3  }
0x96: {  	_ =	strace s3  }
0x97: {  	_ =	strace $0x8FFFFFFF  }
0x98: {  	s19 =	sld [smem:$0x3FDB];
	_ =	sdelay $0x1  }
0x99: {  	s4 =	simm.s32 $_scs_section_size  }
0x9a: {  	s5 =	simm.s32 $_size__tile_overlayer_lowered;
	s6 =	simm.s32 $_tile_overlayer_lowered  }
0x9b: {  	s22 =	simm.s32 $0x1BFF;
	s21 =	sshll.u32 s6, $0x1;
	s3 =	sadd.s32 s4, s19  }
0x9c: {  	s7 =	simm.s32 $0x0;
	s20 =	sshll.u32 s5, $0x1;
	s5 =	sadd.s32 s21, s3  }
0x9d: {  	[timem:s7], [sflag:s22] =	dma.local [hbm:s5], s20  }
0x9e: {  	_ =	swait.ge [sflag:s22], s20  }
0x9f: {  	s4 =	ssub.s32 $0x0, s20;
	[sflag:s22] =	ssyncset.done $0x0  }
0xa0: {  	[sflag:s22] =	ssyncadd.s32 s4;
	_ =	sdelay $0x1  }
0xa1: {  	s23 =	simm.s32 $0x1B8B  }
0xa2: {  	_ =	swait.ge [sflag:s23], $0x1  }
0xa3: {  	[sflag:s23] =	ssyncset.done $0x0  }
0xa4: {  	s25 =	simm.s32 $0x1B8E;
	s24 =	sld [smem:$0x3FFE];
	[sflag:s23] =	ssyncadd.s32 $0xFFFFFFFF  }
0xa5: {  	s26 =	simm.s32 $execute0_lowered;
	[smem:$0x3FD2] =	sst s25  }
0xa6: {  	s5 =	sshll.u32 s26, $0x1;
	_ =	strace $0x80000046;
	[dreg:$0x1] =	wrdreg $0xFFFFFFFF  }
0xa7: {  	s28 =	simm.s32 $_size_execute0_lowered;
	s3 =	sadd.s32 s3, s5;
	[dreg:$0x0] =	wrdreg $0x0  }
0xa8: {  	s5 =	sshll.u32 s28, $0x1;
	[dreg:$0x2] =	wrdreg s3  }
0xa9: {  	[dreg:$0x3] =	wrdreg s5  }
0xaa: {  	[dreg:$0x4] =	wrdreg $0xC0  }
0xab: {  	_ =	task [dreg:s7], $0x5FFFF  }
0xac: {  	[dreg:$0x1] =	wrdreg $0xFFFFFFFF  }
0xad: {  	[dreg:$0x0] =	wrdreg $0x60  }
0xae: {  	[dreg:$0x2] =	wrdreg s2  }
0xaf: {  	[dreg:$0x3] =	wrdreg s24  }
0xb0: {  	[dreg:$0x4] =	wrdreg $0x9  }
0xb1: {  	_ =	task.clear_ibuf [dreg:s7], $0x5FFFF;
	_ =	strace $0x90000046  }
0xb2: {  	s29 =	simm.s32 $0x9;
	_ =	strace $0x80000048  }
0xb3: {  	_ =	swait.ge [sflag:s29], $0x1  }
0xb4: {  	[sflag:s29] =	ssyncadd.s32 $0xFFFFFFFF  }
0xb5: {  	_ =	strace $0x90000048  }
0xb6: {  	_ =	sfence  }
0xb7: {  	s30 =	sld [smem:$0x0];
	_ =	sdelay $0x2  }
0xb8: {  	s31 =	sshll.u32 s1, $0xD;
	s1 =	sshrl.u32 s1, $0x2  }
0xb9: {  	s3 =	sand.u32 $0x4000, s31;
	s1 =	sadd.s32 s1, s30  }
0xba: {  	s0 =	sor.u32 s3, s0;
	s1 =	sshll.u32 s1, $0x11  }
0xbb: {  	s0 =	sor.u32 s1, s0  }
0xbc: {  	s0 =	sadd.s32 $0x8F2B, s0  }
0xbd: {  	[sflag:s0] =	ssyncadd.remote.s32 $0x1  }
0xbe: {  	_ =	sfence.sel $0xFFFF  }
0xbf: {  	[dreg:$0x0] =	wrdreg $0xFFFFFFFF;
	(pc) =	sbr.abs _section_cstart, $3  }
0xc0: {  	[dreg:$0x1] =	wrdreg $0xFFFFFFFF  }
0xc1: {  	_ =	task.clear_ibuf [dreg:s7], $0x2FFFF;
	_ =	strace $0x9FFFFFFF  }
0xc2: {  	(tm) =	ssettm $0x7FFFFFFF  }
0xc3: {  	_ =	shalt  }
tec
execute0_lowered:
.L_overlay_start_1:
0x0: {  	(tag) =	ssettag $0x1  }
0x1: {  	s0 =	rddreg [dreg:$0x0]  }
0x2: {  	s2 =	rddreg [dreg:$0x1]  }
0x3: {  	s1 =	simm.s32 $0x0;
	s3 =	srdreg.scid;
	s6 =	stileid.u32  }
0x4: {  	s17 =	simm.s32 $0x400;
	s18 =	simm.s32 $0x1;
	s19 =	simm.s32 $0x18000  }
0x5: {  	s20 =	simm.s32 $0x8000;
	s28 =	simm.s32 $0x0;
	[smem:$0x7FF] =	sst s1  }
0x6: {  	s3 =	sand.u32 $0x1, s3;
	s13 =	sadd.s32 $0x800, s2;
	s2 =	sadd.s32 $0x1000, s2  }
0x7: {  	s9 =	sshll.u32 s6, $0x12;
	s11 =	sshll.u32 s6, $0xA;
	s4 =	ssub.s32 $0x2, s3  }
0x8: {  	_ =	strace $0x80000047;
	s7 =	sshll.u32 s3, $0x9;
	s5 =	sshrl.u32 s4, $0x1  }
0x9: {  	s3 =	sor.u32 s7, s9;
	s8 =	sor.u32 $0x80, s7;
	s22 =	sor.u32 s7, s11  }
0xa: {  	s10 =	sor.u32 $0x100, s7;
	s16 =	sor.u32 $0x180, s7;
	s15 =	ssub.s32 s4, s5  }
0xb: {  	s3 =	sshrl.u32 s3, $0x3;
	s21 =	sor.u32 s9, s8;
	s23 =	sshrl.u32 s22, $0x3  }
0xc: {  	s12 =	sor.u32 s9, s10;
	s8 =	sor.u32 s11, s8;
	s25 =	sor.u32 s9, s16  }
0xd: {  	s26 =	sor.u32 s11, s10;
	s30 =	sor.u32 s11, s16;
	s16 =	simm.s32 $0x80  }
0xe: {  	s22 =	simm.s32 $0x18880;
	s3 =	sadd.s32 s0, s3;
	s4 =	sshrl.u32 s21, $0x3  }
0xf: {  	s5 =	sadd.s32 s13, s23;
	s6 =	sadd.s32 s2, s23;
	s12 =	sshrl.u32 s12, $0x3  }
0x10: {  	s14 =	sshrl.u32 s8, $0x3;
	s29 =	sshrl.u32 s26, $0x3;
	s31 =	sshrl.u32 s30, $0x3  }
0x11: {  	s15 =	smax.u32 s15, $0x1;
	s21 =	simm.s32 $0x10000;
	s23 =	simm.s32 $0x18900  }
0x12: {  	s26 =	simm.s32 $0x2;
	[dreg:$0x3] =	wrdreg s3;
	s24 =	sadd.s32 s0, s4  }
0x13: {  	v0 =	vlaneseq.u32;
	s7 =	sadd.s32 s0, s12;
	s8 =	sadd.s32 s13, s14;
	s9 =	sadd.s32 s2, s14  }
0x14: {  	v3 =	vmul.u32 $0xFFFFFFFF, v0;
	s12 =	sshrl.u32 s25, $0x3;
	s11 =	sadd.s32 s13, s29;
	s13 =	sadd.s32 s13, s31  }
0x15: {  	v1 =	vimm.s32 $0x0;
	v2 =	vimm.s32 $0x1;
	s14 =	sadd.s32 s2, s31;
	s25 =	simm.s32 $0x18A00;
	[dreg:$0x4] =	wrdreg s24  }
0x16: {  	v4 =	vimm.s32 $0xF;
	v5 =	vimm.s32 $0x80000000;
	v3 =	vadd.s32 $0xF, v3;
	s10 =	sadd.s32 s0, s12;
	s12 =	sadd.s32 s2, s29;
	s24 =	simm.s32 $0x18980  }
.LBB2_1:
0x17: {  	s0 =	simm.s32 $0x18020  }
0x18: {  	[tilespmem:s0+$0xFFFFFFE0] =	vst v1  }
0x19: {  	[tilespmem:s0+$0x10] =	vst v1  }
0x1a: {  	s2 =	simm.s32 $0x0;
	[tilespmem:s0+$0x0] =	vst v1  }
.LBB2_2:
0x1b: {  	s2 =	sadd.s32 $0x4, s2  }
0x1c: {  	[tilespmem:s0+$0xFFFFFFF0] =	vst v1;
	s0 =	sadd.s32 $0x40, s0;
	p0 =	slt.u32 s2, $0x7C  }
.Ltmp0:
0x1d: {  	[tilespmem:s0+$0xFFFFFFE0] =	vst v1;
	(pc) =	sbr.rel @p0 .LBB2_2-.Ltmp0, $3  }
0x1e: {  	_ =	sdelay $0x1  }
0x1f: {  	[tilespmem:s0+$0x10] =	vst v1  }
0x20: {  	[tilespmem:s0+$0x0] =	vst v1  }
0x21: {  	[tilespmem:s0+$0xFFFFFFF0] =	vst v1  }
0x22: {  	[tilespmem:$0x18800] =	vst v1;
	s0 =	rddreg [dreg:$0x3]  }
0x23: {  	[tilespmem:s1], [sflag:$0x1] =	stream.strided.gather [hbm4b:s0+s16], $0x8000, s17, s16, $0x38;
	[tilespmem:$0x18A80] =	vst v63  }
0x24: {  	_ =	swait.ge [sflag:s18], $0x8000  }
0x25: {  	[sflag:s18] =	ssyncset.done $0x0  }
0x26: {  	s31 =	simm.s32 $0x40;
	[sflag:s18] =	ssyncadd.s32 $0xFFFF8000  }
0x27: {  	v6 =	vld [tilespmem:s31+$0x30]  }
0x28: {  	v7 =	vld [tilespmem:s31+$0xFFFFFFD0]  }
0x29: {  	v8 =	vld [tilespmem:s31+$0xFFFFFFE0]  }
0x2a: {  	v9 =	vld [tilespmem:s31+$0xFFFFFFF0]  }
0x2b: {  	v10 =	vld [tilespmem:s31+$0x0]  }
0x2c: {  	v11 =	vld [tilespmem:s31+$0x10]  }
0x2d: {  	v14 =	vld [tilespmem:s31+$0x20]  }
0x2e: {  	v15 =	vld [tilespmem:s31+$0xFFFFFFC0];
	_ =	sdelay $0x2  }
0x2f: {  	v12 =	vshra.s32 v6, $0x1F;
	v13 =	vshra.s32 v7, $0x1F;
	v16 =	vshra.s32 v8, $0x1F  }
0x30: {  	v59 =	vshra.s32 v9, $0x1F;
	v60 =	vshra.s32 v10, $0x1F;
	v61 =	vshra.s32 v11, $0x1F  }
0x31: {  	v62 =	vshra.s32 v14, $0x1F;
	v17 =	vshra.s32 v15, $0x1F;
	v12 =	vor.u32 $0x80000000, v12  }
0x32: {  	v13 =	vor.u32 $0x80000000, v13;
	v63 =	vor.u32 $0x80000000, v17;
	v6 =	vxor.u32 v6, v12  }
0x33: {  	v12 =	vor.u32 $0x80000000, v16;
	v7 =	vxor.u32 v7, v13;
	v6 =	vshrl.u32 v6, $0x15  }
0x34: {  	v13 =	vor.u32 $0x80000000, v59;
	v8 =	vxor.u32 v8, v12;
	v12 =	vor.u32 $0x80000000, v60  }
0x35: {  	v13 =	vxor.u32 v9, v13;
	v9 =	vor.u32 $0x80000000, v61;
	v18 =	vxor.u32 v10, v12  }
0x36: {  	v10 =	vor.u32 $0x80000000, v62;
	v12 =	vxor.u32 v11, v9;
	v9 =	vshrl.u32 v7, $0x15  }
0x37: {  	v7 =	vshrl.u32 v8, $0x15;
	v11 =	vxor.u32 v14, v10;
	v10 =	vxor.u32 v15, v63  }
0x38: {  	s29 =	simm.s32 $0xC0;
	s0 =	simm.s32 $0x0;
	v8 =	vshrl.u32 v13, $0x15;
	v10 =	vshrl.u32 v10, $0x15;
	[tilespmem:v6+s19+$0x0] =	vst.idx.add.s32.msk $0xffff, v2;
	v6 =	vshrl.u32 v18, $0x15  }
.LBB2_4:
0x39: {  	v13 =	vld [tilespmem:s29+$0x30];
	s0 =	sadd.s32 $0x8, s0;
	v14 =	vshrl.u32 v12, $0x15;
	v15 =	vshrl.u32 v11, $0x15  }
0x3a: {  	v11 =	vld [tilespmem:s29+$0xFFFFFFD0];
	p0 =	slt.u32 s0, $0x7F8  }
0x3b: {  	v12 =	vld [tilespmem:s29+$0xFFFFFFE0]  }
0x3c: {  	v16 =	vld [tilespmem:s29+$0xFFFFFFF0]  }
0x3d: {  	v17 =	vld [tilespmem:s29+$0x0]  }
0x3e: {  	v18 =	vld [tilespmem:s29+$0x10];
	v19 =	vshra.s32 v13, $0x1F  }
0x3f: {  	v20 =	vshra.s32 v11, $0x1F;
	v21 =	vld [tilespmem:s29+$0x20];
	v19 =	vor.u32 $0x80000000, v19  }
0x40: {  	v22 =	vld [tilespmem:s29+$0xFFFFFFC0];
	v20 =	vor.u32 $0x80000000, v20;
	v23 =	vshra.s32 v12, $0x1F;
	v13 =	vxor.u32 v13, v19  }
0x41: {  	v19 =	vor.u32 $0x80000000, v23;
	v23 =	vshra.s32 v16, $0x1F;
	v13 =	vshrl.u32 v13, $0x15;
	[tilespmem:v10+s19+$0x0] =	vst.idx.add.s32.msk $0xffff, v2  }
0x42: {  	v10 =	vxor.u32 v11, v20;
	v11 =	vor.u32 $0x80000000, v23;
	v20 =	vshra.s32 v17, $0x1F;
	[tilespmem:v9+s19+$0x0] =	vst.idx.add.s32.msk $0xffff, v2  }
0x43: {  	v19 =	vxor.u32 v12, v19;
	v9 =	vor.u32 $0x80000000, v20;
	v12 =	vshra.s32 v18, $0x1F;
	[tilespmem:v7+s19+$0x0] =	vst.idx.add.s32.msk $0xffff, v2  }
.Ltmp1:
0x44: {  	v16 =	vxor.u32 v16, v11;
	v7 =	vor.u32 $0x80000000, v12;
	v11 =	vshra.s32 v21, $0x1F;
	[tilespmem:v8+s19+$0x0] =	vst.idx.add.s32.msk $0xffff, v2;
	(pc) =	sbr.rel @p0 .LBB2_4-.Ltmp1, $4  }
0x45: {  	v17 =	vxor.u32 v17, v9;
	v8 =	vshra.s32 v22, $0x1F;
	v9 =	vor.u32 $0x80000000, v11;
	[tilespmem:v6+s19+$0x0] =	vst.idx.add.s32.msk $0xffff, v2  }
0x46: {  	v12 =	vxor.u32 v18, v7;
	v6 =	vor.u32 $0x80000000, v8;
	v11 =	vxor.u32 v21, v9;
	[tilespmem:v13+s19+$0x0] =	vst.idx.add.s32.msk $0xffff, v2  }
0x47: {  	v7 =	vshrl.u32 v19, $0x15;
	v9 =	vshrl.u32 v10, $0x15;
	v6 =	vxor.u32 v22, v6;
	[tilespmem:v14+s19+$0x0] =	vst.idx.add.s32.msk $0xffff, v2  }
0x48: {  	s29 =	sadd.s32 $0x80, s29;
	v8 =	vshrl.u32 v16, $0x15;
	v10 =	vshrl.u32 v6, $0x15;
	v6 =	vshrl.u32 v17, $0x15;
	[tilespmem:v15+s19+$0x0] =	vst.idx.add.s32.msk $0xffff, v2  }
0x49: {  	_ =	sdelay $0x3  }
0x4a: {  	v12 =	vshrl.u32 v12, $0x15;
	[tilespmem:v10+s19+$0x0] =	vst.idx.add.s32.msk $0xffff, v2  }
0x4b: {  	v63 =	vshrl.u32 v11, $0x15;
	[tilespmem:v9+s19+$0x0] =	vst.idx.add.s32.msk $0xffff, v2  }
0x4c: {  	[tilespmem:v7+s19+$0x0] =	vst.idx.add.s32.msk $0xffff, v2  }
0x4d: {  	[tilespmem:v8+s19+$0x0] =	vst.idx.add.s32.msk $0xffff, v2  }
0x4e: {  	[tilespmem:v6+s19+$0x0] =	vst.idx.add.s32.msk $0xffff, v2  }
0x4f: {  	[tilespmem:v12+s19+$0x0] =	vst.idx.add.s32.msk $0xffff, v2  }
0x50: {  	s2 =	simm.s32 $0x0;
	s0 =	simm.s32 $0xFFFFF011;
	s29 =	simm.s32 $0x187F0;
	[tilespmem:v63+s19+$0x0] =	vst.idx.add.s32.msk $0xffff, v2  }
.LBB2_6:
0x51: {  	v6 =	vld [tilespmem:s29+$0x0];
	_ =	sdelay $0x4  }
0x52: {  	v7 =	vperm.xlane v6, v3;
	_ =	sdelay $0x1  }
0x53: {  	(xrf0) =	vadd.scan.msk.s32 $0xffff, v7;
	_ =	sdelay $0x5  }
0x54: {  	v7, _, _ =	vpop (xrf0)  }
0x55: {  	v7 =	vadd.s32 s2, v7  }
0x56: {  	vm0 =	vgt.s32 v7, $0x3F  }
0x57: {  	v7 =	vsel vm0, $0x1, v1  }
0x58: {  	(xrf0) =	vadd.scan.msk.s32 $0xffff, v7;
	_ =	sdelay $0x5  }
0x59: {  	v7, _, _ =	vpop (xrf0)  }
0x5a: {  	(v2sf) =	vpush v7, $0xF;
	_ =	sdelay $0xe  }
0x5b: {  	s30 =	spop (v2sf)  }
0x5c: {  	p0 =	slt.s32 s30, $0x1  }
.Ltmp2:
0x5d: {  	_ = 	snop;
	(pc) =	sbr.rel @!p0 .LBB2_7-.Ltmp2, $1  }
0x5e: {  	_ =	sdelay $0x3  }
0x5f: {  	(xrf0) =	vadd.scan.msk.s32 $0xffff, v6;
	_ =	sdelay $0x5  }
0x60: {  	v6, _, _ =	vpop (xrf0)  }
0x61: {  	(v2sf) =	vpush v6, $0xF;
	_ =	sdelay $0x9  }
0x62: {  	s0 =	sadd.s32 $0x10, s0  }
0x63: {  	p0 =	sne.s32 s0, $0xFFFFF811  }
.Ltmp3:
0x64: {  	_ = 	snop;
	(pc) =	sbr.rel @p0 .LBB2_6-.Ltmp3, $3  }
0x65: {  	_ =	sdelay $0x1  }
0x66: {  	s30 =	spop (v2sf)  }
0x67: {  	s29 =	sadd.s32 $0xFFFFFFF0, s29;
	s2 =	sadd.s32 s2, s30  }
.Ltmp4:
0x68: {  	(pc) =	sbr.rel .LBB2_10-.Ltmp4, $2  }
0x69: {  	_ =	sdelay $0x2  }
0x6a: {  	s0 =	simm.s32 $0x0  }
.LBB2_7:
0x6b: {  	s0 =	ssub.s32 s30, s0  }
0x6c: {  	s0 =	sshll.u32 s0, $0x15  }
.LBB2_10:
0x6d: {  	s2 =	simm.s32 $0x18020  }
0x6e: {  	[tilespmem:s2+$0xFFFFFFE0] =	vst v1  }
0x6f: {  	[tilespmem:s2+$0x10] =	vst v1  }
0x70: {  	s29 =	simm.s32 $0x0;
	[tilespmem:s2+$0x0] =	vst v1  }
.LBB2_11:
0x71: {  	s29 =	sadd.s32 $0x4, s29  }
0x72: {  	[tilespmem:s2+$0xFFFFFFF0] =	vst v1;
	s2 =	sadd.s32 $0x40, s2;
	p0 =	slt.u32 s29, $0x7C  }
.Ltmp5:
0x73: {  	[tilespmem:s2+$0xFFFFFFE0] =	vst v1;
	(pc) =	sbr.rel @p0 .LBB2_11-.Ltmp5, $3  }
0x74: {  	_ =	sdelay $0x1  }
0x75: {  	[tilespmem:s2+$0x10] =	vst v1  }
0x76: {  	[tilespmem:s2+$0x0] =	vst v1  }
0x77: {  	[tilespmem:s2+$0xFFFFFFF0] =	vst v1;
	v11 =	vimm.s32 $0x0  }
0x78: {  	s3 =	simm.s32 $0x40;
	[tilespmem:$0x18800] =	vst v11  }
0x79: {  	v7 =	vld [tilespmem:s3+$0xFFFFFFC0]  }
0x7a: {  	v8 =	vld [tilespmem:s3+$0x20]  }
0x7b: {  	v9 =	vld [tilespmem:s3+$0x30]  }
0x7c: {  	v12 =	vld [tilespmem:s3+$0xFFFFFFF0];
	_ =	sdelay $0x1  }
0x7d: {  	v13 =	vld [tilespmem:s3+$0xFFFFFFD0];
	v10 =	vshra.s32 v7, $0x1F  }
0x7e: {  	v6 =	vmov s0;
	v16 =	vld [tilespmem:s3+$0x0];
	v10 =	vor.u32 $0x80000000, v10  }
0x7f: {  	v14 =	vshra.s32 v8, $0x1F;
	v15 =	vshra.s32 v9, $0x1F;
	v20 =	vxor.u32 v7, v10  }
0x80: {  	v7 =	vor.u32 $0x80000000, v14;
	v10 =	vshra.s32 v12, $0x1F;
	vm2 =	vge.u32 v20, v6  }
0x81: {  	v14 =	vor.u32 $0x80000000, v15;
	v7 =	vxor.u32 v8, v7;
	v8 =	vsel vm2, $0x1, v1  }
0x82: {  	v19 =	vld [tilespmem:s3+$0xFFFFFFE0];
	v15 =	vshra.s32 v13, $0x1F;
	v18 =	vor.u32 $0x80000000, v10;
	v10 =	vxor.u32 v9, v14;
	(xrf0) =	vadd.scan.msk.s32 $0xffff, v8  }
0x83: {  	v9 =	vshra.s32 v16, $0x1F;
	vm4 =	vge.u32 v7, v6;
	v8 =	vor.u32 $0x80000000, v15  }
0x84: {  	v14 =	vld [tilespmem:s3+$0x10];
	vm7 =	vge.u32 v10, v6;
	v17 =	vsel vm4, $0x1, v1;
	v15 =	vxor.u32 v13, v8  }
0x85: {  	v12 =	vxor.u32 v12, v18;
	(xrf0) =	vadd.scan.msk.s32 $0xffff, v17;
	v8 =	vsel vm7, $0x1, v1;
	vm5 =	vge.u32 v15, v6  }
0x86: {  	v9 =	vor.u32 $0x80000000, v9;
	vm3 =	vge.u32 v12, v6;
	(xrf0) =	vadd.scan.msk.s32 $0xffff, v8;
	v13 =	vsel vm5, $0x1, v1  }
0x87: {  	v9 =	vxor.u32 v16, v9;
	v16 =	vsel vm3, $0x1, v1;
	(xrf0) =	vadd.scan.msk.s32 $0xffff, v13;
	v13 =	vshra.s32 v19, $0x1F  }
0x88: {  	vm0 =	vge.u32 v9, v6;
	v17 =	vmpcnt.ones.xlane vm2;
	v13 =	vor.u32 $0x80000000, v13;
	v18, _, _ =	vpop (xrf0);
	(xrf0) =	vadd.scan.msk.s32 $0xffff, v16  }
0x89: {  	v21 =	vsel vm0, $0x1, v1;
	v22 =	vshra.s32 v14, $0x1F;
	v16 =	vadd.s32 v18, v11  }
0x8a: {  	(xrf0) =	vadd.scan.msk.s32 $0xffff, v21;
	v21 =	vmpcnt.ones.xlane vm5;
	v18 =	vadd.s32 $0xFFFFFFFF, v16;
	v16 =	vxor.u32 v19, v13  }
0x8b: {  	v17 =	vadd.s32 v11, v17;
	v11 =	vor.u32 $0x80000000, v22;
	v13, _, _ =	vpop (xrf0);
	vm6 =	vge.u32 v16, v6  }
0x8c: {  	v11 =	vxor.u32 v14, v11;
	v19 =	vadd.s32 v17, v21;
	v14, _, _ =	vpop (xrf0);
	v21 =	vmpcnt.ones.xlane vm6  }
0x8d: {  	v22 =	vsel vm6, $0x1, v1;
	v24, _, _ =	vpop (xrf0)  }
0x8e: {  	s4 =	simm.s32 $0x0;
	v21 =	vadd.s32 v19, v21;
	v25, _, _ =	vpop (xrf0);
	(xrf0) =	vadd.scan.msk.s32 $0xffff, v22  }
0x8f: {  	v23 =	vmpcnt.ones.xlane vm3;
	v8 =	vor.u32 s4, v0  }
0x90: {  	v63 =	vmpcnt.ones.xlane vm0;
	vm1 =	vge.u32 v11, v6;
	v17 =	vadd.s32 v24, v17  }
0x91: {  	s29 =	simm.s32 $0x70;
	v22 =	vadd.s32 $0xFFFFFFFF, v17;
	v17 =	vadd.s32 v25, v21;
	v23 =	vadd.s32 v21, v23;
	v21, _, _ =	vpop (xrf0)  }
0x92: {  	s30 =	simm.s32 $0x0;
	s31 =	simm.s32 $0xF0;
	s0 =	simm.s32 $0xC0;
	[tilespmem:v18+s20+$0x0] =	vst.idx.msk vm2, v20;
	v20 =	vadd.s32 v23, v63;
	v21 =	vadd.s32 v21, v23;
	v23 =	vsel vm1, $0x1, v1  }
.LBB2_13:
0x93: {  	s2 =	sadd.s32 $0xFFFFFF90, s31;
	v24 =	vld [tilespmem:s0+$0xFFFFFFC0];
	s30 =	sadd.s32 $0x8, s30;
	[tilespmem:v18+s21+$0x0] =	vst.idx.msk vm2, v8;
	v18 =	vadd.s32 $0xFFFFFFFF, v17;
	(xrf0) =	vadd.scan.msk.s32 $0xffff, v23;
	v17 =	vmovc v10;
	vm9 =	vmmov vm4  }
0x94: {  	vm8 =	vmmov vm7;
	v8 =	vor.u32 s2, v0;
	v10 =	vld [tilespmem:s0+$0x30];
	p0 =	slt.u32 s30, $0x7F8;
	s2 =	sadd.s32 $0xFFFFFFC0, s29;
	v23, _, _ =	vpop (xrf0)  }
0x95: {  	s3 =	sadd.s32 $0xFFFFFFA0, s29;
	v25 =	vld [tilespmem:s0+$0x20];
	v19 =	vadd.s32 v23, v19;
	v23 =	vor.u32 s2, v0;
	s2 =	sadd.s32 $0xFFFFFFE0, s29  }
0x96: {  	s4 =	sadd.s32 $0xFFFFFFD0, s29;
	v26 =	vld [tilespmem:s0+$0xFFFFFFF0];
	[tilespmem:v22+s20+$0x0] =	vst.idx.msk vm5, v15;
	v15 =	vor.u32 s3, v0;
	s3 =	sadd.s32 $0xFFFFFFB0, s29;
	v19 =	vadd.s32 $0xFFFFFFFF, v19;
	v27 =	vor.u32 s2, v0  }
0x97: {  	v28 =	vld [tilespmem:s0+$0xFFFFFFE0];
	[tilespmem:v22+s21+$0x0] =	vst.idx.msk vm5, v15;
	v15 =	vor.u32 s3, v0;
	v22 =	vor.u32 s4, v0  }
0x98: {  	v31 =	vmpcnt.ones.xlane vm8;
	v29 =	vshra.s32 v24, $0x1F;
	v30 =	vld [tilespmem:s0+$0x0];
	[tilespmem:v18+s20+$0x0] =	vst.idx.msk vm3, v12;
	v12 =	vmpcnt.ones.xlane vm9  }
0x99: {  	v29 =	vor.u32 $0x80000000, v29;
	v32 =	vld [tilespmem:s0+$0x10];
	[tilespmem:v18+s21+$0x0] =	vst.idx.msk vm3, v23;
	v18 =	vadd.s32 $0xFFFFFFFF, v21;
	v21 =	vmpcnt.ones.xlane vm1;
	v23, _, _ =	vpop (xrf0)  }
0x9a: {  	v34 =	vshra.s32 v10, $0x1F;
	v33 =	vshra.s32 v25, $0x1F;
	v23 =	vadd.s32 v23, v20  }
0x9b: {  	v24 =	vxor.u32 v24, v29;
	v29 =	vld [tilespmem:s0+$0xFFFFFFD0];
	v35 =	vshra.s32 v26, $0x1F;
	v33 =	vor.u32 $0x80000000, v33;
	[tilespmem:v19+s20+$0x0] =	vst.idx.msk vm6, v16  }
0x9c: {  	vm2 =	vge.u32 v24, v6;
	v16 =	vadd.s32 v20, v21;
	v25 =	vxor.u32 v25, v33  }
0x9d: {  	v20 =	vmpcnt.ones.xlane vm2;
	vm4 =	vge.u32 v25, v6;
	[tilespmem:v19+s21+$0x0] =	vst.idx.msk vm6, v15;
	v19 =	vadd.s32 v16, v12  }
0x9e: {  	v12 =	vsel vm2, $0x1, v1;
	v15 =	vor.u32 $0x80000000, v34;
	v21 =	vshra.s32 v32, $0x1F;
	[tilespmem:v18+s20+$0x0] =	vst.idx.msk vm0, v9  }
0x9f: {  	v9 =	vsel vm4, $0x1, v1;
	[tilespmem:v18+s21+$0x0] =	vst.idx.msk vm0, v22;
	v22 =	vadd.s32 $0xFFFFFFFF, v23;
	v23 =	vadd.s32 v19, v31  }
0xa0: {  	v10 =	vxor.u32 v10, v15;
	v31 =	vor.u32 $0x80000000, v35;
	v18 =	vshra.s32 v29, $0x1F;
	(xrf0) =	vadd.scan.msk.s32 $0xffff, v12  }
0xa1: {  	v13 =	vadd.s32 v13, v16;
	vm7 =	vge.u32 v10, v6;
	v12 =	vxor.u32 v26, v31;
	(xrf0) =	vadd.scan.msk.s32 $0xffff, v9  }
0xa2: {  	v16 =	vshra.s32 v30, $0x1F;
	v9 =	vor.u32 $0x80000000, v18;
	v18 =	vsel vm7, $0x1, v1  }
0xa3: {  	vm3 =	vge.u32 v12, v6;
	v15 =	vxor.u32 v29, v9;
	v9 =	vor.u32 $0x80000000, v16  }
0xa4: {  	v29 =	vshra.s32 v28, $0x1F;
	v26 =	vsel vm3, $0x1, v1;
	vm5 =	vge.u32 v15, v6;
	(xrf0) =	vadd.scan.msk.s32 $0xffff, v18  }
0xa5: {  	v9 =	vxor.u32 v30, v9;
	v18 =	vsel vm5, $0x1, v1;
	[tilespmem:v22+s20+$0x0] =	vst.idx.msk vm1, v11;
	v11 =	vadd.s32 v14, v19  }
0xa6: {  	vm0 =	vge.u32 v9, v6;
	v14 =	vor.u32 $0x80000000, v29;
	v29 =	vadd.s32 $0xFFFFFFFF, v13;
	v16, _, _ =	vpop (xrf0);
	(xrf0) =	vadd.scan.msk.s32 $0xffff, v18  }
0xa7: {  	v19 =	vsel vm0, $0x1, v1;
	v16 =	vadd.s32 v16, v23;
	(xrf0) =	vadd.scan.msk.s32 $0xffff, v26;
	v13, _, _ =	vpop (xrf0);
	v26 =	vadd.s32 $0xFFFFFFFF, v11  }
0xa8: {  	v11 =	vmpcnt.ones.xlane vm5;
	v18 =	vadd.s32 $0xFFFFFFFF, v16;
	v16 =	vxor.u32 v28, v14;
	(xrf0) =	vadd.scan.msk.s32 $0xffff, v19  }
0xa9: {  	v20 =	vadd.s32 v23, v20;
	v23 =	vor.u32 $0x80000000, v21;
	vm6 =	vge.u32 v16, v6;
	[tilespmem:v22+s21+$0x0] =	vst.idx.msk vm1, v27  }
0xaa: {  	v19 =	vadd.s32 v20, v11;
	v11 =	vxor.u32 v32, v23;
	v21 =	vsel vm6, $0x1, v1;
	v14, _, _ =	vpop (xrf0)  }
.Ltmp6:
0xab: {  	s2 =	sadd.s32 $0xFFFFFFF0, s29;
	v27 =	vor.u32 s29, v0;
	s29 =	smov.u32 s31;
	v22 =	vmpcnt.ones.xlane vm6;
	(xrf0) =	vadd.scan.msk.s32 $0xffff, v21;
	[tilespmem:v29+s20+$0x0] =	vst.idx.msk vm9, v7;
	v7 =	vmovc v25;
	(pc) =	sbr.rel @p0 .LBB2_13-.Ltmp6, $4  }
0xac: {  	v30 =	vmpcnt.ones.xlane vm3;
	vm1 =	vge.u32 v11, v6;
	v25 =	vor.u32 s2, v0;
	v23, _, _ =	vpop (xrf0);
	[tilespmem:v26+s20+$0x0] =	vst.idx.msk vm8, v17  }
0xad: {  	v17 =	vadd.s32 v23, v20;
	v20 =	vadd.s32 v19, v22;
	v23 =	vmpcnt.ones.xlane vm0;
	v28, _, _ =	vpop (xrf0);
	[tilespmem:v29+s21+$0x0] =	vst.idx.msk vm9, v25  }
0xae: {  	[tilespmem:v18+s20+$0x0] =	vst.idx.msk vm2, v24;
	v22 =	vadd.s32 $0xFFFFFFFF, v17;
	v17 =	vadd.s32 v28, v20;
	v20 =	vadd.s32 v20, v30;
	v21, _, _ =	vpop (xrf0)  }
0xaf: {  	s0 =	sadd.s32 $0x80, s0;
	s31 =	sadd.s32 $0x80, s31;
	v21 =	vadd.s32 v21, v20;
	v20 =	vadd.s32 v20, v23;
	v23 =	vsel vm1, $0x1, v1;
	[tilespmem:v26+s21+$0x0] =	vst.idx.msk vm8, v27  }
0xb0: {  	vm8 =	vmmov vm4;
	v24 =	vmpcnt.ones.xlane vm1  }
0xb1: {  	vm15 =	vmmov vm7;
	v25 =	vmpcnt.ones.xlane vm8  }
0xb2: {  	v26 =	vmpcnt.ones.xlane vm15;
	v24 =	vadd.s32 v20, v24  }
0xb3: {  	v25 =	vadd.s32 v24, v25  }
0xb4: {  	v26 =	vadd.s32 v25, v26  }
0xb5: {  	(xrf0) =	vadd.scan.msk.s32 $0xffff, v23;
	v55 =	vxor.u32 $0x80000000, v26  }
0xb6: {  	(xrf0) =	vmax.scan.msk.u32 $0xffff, v55;
	_ =	sdelay $0x3  }
0xb7: {  	v56, _, _ =	vpop (xrf0)  }
0xb8: {  	v57, _, _ =	vpop (xrf0)  }
0xb9: {  	v27, _, _ =	vpop (xrf0)  }
0xba: {  	(v2sf) =	vpush v27, $0xF;
	_ =	sdelay $0x7  }
0xbb: {  	v17 =	vadd.s32 $0xFFFFFFFF, v17  }
0xbc: {  	v59 =	vadd.s32 $0xFFFFFFFF, v21  }
0xbd: {  	[tilespmem:v18+s21+$0x0] =	vst.idx.msk vm2, v8;
	s0 =	sadd.s32 $0xFFFFFFA0, s29;
	v19 =	vadd.s32 v56, v19  }
0xbe: {  	[tilespmem:v22+s20+$0x0] =	vst.idx.msk vm5, v15;
	v58 =	vor.u32 s0, v0;
	v8 =	vadd.s32 $0xFFFFFFFF, v19  }
0xbf: {  	[tilespmem:v22+s21+$0x0] =	vst.idx.msk vm5, v58  }
0xc0: {  	s31 =	sadd.s32 $0xFFFFFFC0, s29;
	v13 =	vadd.s32 v13, v24;
	[tilespmem:v17+s20+$0x0] =	vst.idx.msk vm3, v12  }
0xc1: {  	s2 =	sadd.s32 $0xFFFFFFB0, s29;
	v60 =	vor.u32 s31, v0;
	v13 =	vadd.s32 $0xFFFFFFFF, v13;
	[tilespmem:v59+s20+$0x0] =	vst.idx.msk vm0, v9  }
0xc2: {  	s3 =	sadd.s32 $0xFFFFFFD0, s29;
	v62 =	vor.u32 s2, v0;
	[tilespmem:v17+s21+$0x0] =	vst.idx.msk vm3, v60;
	v61 =	vadd.s32 v57, v20;
	s2 =	spop (v2sf)  }
0xc3: {  	v63 =	vor.u32 s3, v0;
	v12 =	vadd.s32 $0xFFFFFFFF, v61;
	[tilespmem:v8+s20+$0x0] =	vst.idx.msk vm6, v16;
	s3 =	sadd.s32 $0x8000000F, s2  }
0xc4: {  	s4 =	sadd.s32 $0xFFFFFFE0, s29;
	s31 =	sadd.s32 $0xFFFFFFF0, s29;
	[tilespmem:v8+s21+$0x0] =	vst.idx.msk vm6, v62;
	v8 =	vadd.s32 v14, v25;
	s30 =	sand.u32 $0xF, s3  }
0xc5: {  	v9 =	vor.u32 s4, v0;
	[tilespmem:v59+s21+$0x0] =	vst.idx.msk vm0, v63;
	v8 =	vadd.s32 $0xFFFFFFFF, v8;
	s4 =	sshra.s32 s3, $0x1F;
	p0 =	slt.s32 s3, $0x1;
	p1 =	sne.s32 s30, $0x0  }
0xc6: {  	[tilespmem:v13+s20+$0x0] =	vst.idx.msk vm8, v7;
	v7 =	vor.u32 s31, v0;
	s4 =	sshrl.u32 s4, $0x1C;
	p0 =	por !p0, !p1  }
0xc7: {  	[tilespmem:v13+s21+$0x0] =	vst.idx.msk vm8, v7;
	s30 =	sadd.s32 s4, s3;
	s3 =	simm.s32 $0x1;
	p0 =	por !p0, !p0  }
0xc8: {  	[tilespmem:v12+s20+$0x0] =	vst.idx.msk vm1, v11;
	s0 =	sshra.s32 s30, $0x4;
	s3 =	simm.s32 @!p0 $0x0  }
0xc9: {  	[tilespmem:v12+s21+$0x0] =	vst.idx.msk vm1, v9;
	s0 =	ssub.s32 s0, s3  }
0xca: {  	v9 =	vor.u32 s29, v0;
	[tilespmem:v8+s20+$0x0] =	vst.idx.msk vm15, v10;
	p1 =	slt.s32 s0, $0x1  }
.Ltmp7:
0xcb: {  	[tilespmem:v8+s21+$0x0] =	vst.idx.msk vm15, v9;
	(pc) =	sbr.rel @p1 .LBB2_21-.Ltmp7, $4  }
0xcc: {  	s31 =	rddreg [dreg:$0x4]  }
0xcd: {  	[tilespmem:s1], [sflag:$0x1] =	stream.strided.gather [hbm4b:s31+s16], $0x8000, s17, s16, $0x38;
	[tilespmem:$0x18A80] =	vst v63  }
0xce: {  	s2 =	sxor.u32 $0x80000000, s2  }
0xcf: {  	v8 =	vmov s2;
	p0 =	sne.s32 s0, $0x1  }
.Ltmp8:
0xd0: {  	(pc) =	sbr.rel @!p0 .LBB2_16-.Ltmp8, $3  }
0xd1: {  	_ =	sdelay $0x1  }
0xd2: {  	s2 =	simm.s32 $0x8000  }
0xd3: {  	s29 =	simm.s32 $0x0;
	p2 =	por $0x0, $0x0;
	v7 =	vld [tilespmem:s2+$0x0];
	s2 =	sadd.s32 $0xFFFFFFFF, s0  }
0xd4: {  	_ =	sdelay $0x3  }
0xd5: {  	v7 =	vsub.s32 v7, v6  }
0xd6: {  	v9 =	vor.u32 s29, v0;
	v7 =	vmin.u32 v7, $0x200000  }
0xd7: {  	vm0 =	vlt.s32 v9, v8;
	v7 =	vshrl.u32 v7, $0xA  }
0xd8: {  	v7 =	vmin.u32 v7, $0x7FF  }
0xd9: {  	p3 =	sne.s32 s2, $0x1  }
.Ltmp9:
0xda: {  	_ = 	snop;
	(pc) =	sbr.rel @!p3 .LBB2_18-.Ltmp9, $3  }
0xdb: {  	_ =	sdelay $0x1  }
0xdc: {  	s30 =	simm.s32 $0x8010;
	[tilespmem:v7+s19+$0x0] =	vst.idx.add.s32.msk vm0, v2  }
0xdd: {  	s31 =	sadd.s32 $0xFFFFFFFF, s2;
	p2 =	por $0x1, $0x1;
	s2 =	simm.s32 $0x0;
	v7 =	vld [tilespmem:s30+$0x0]  }
.LBB2_19:
0xde: {  	p3 =	sne.s32 s31, $0x1;
	_ =	sdelay $0x3  }
0xdf: {  	s2 =	sadd.s32 $0x10, s2;
	v7 =	vsub.s32 v7, v6  }
0xe0: {  	v9 =	vor.u32 s2, v0;
	v7 =	vmin.u32 v7, $0x200000  }
0xe1: {  	vm0 =	vlt.s32 v9, v8;
	v7 =	vshrl.u32 v7, $0xA  }
0xe2: {  	v7 =	vmin.u32 v7, $0x7FF;
	_ =	sdelay $0x1  }
.Ltmp10:
0xe3: {  	(pc) =	sbr.rel @p3 .LBB2_19-.Ltmp10, $3  }
0xe4: {  	_ =	sdelay $0x1  }
0xe5: {  	s30 =	sadd.s32 $0x10, s30;
	[tilespmem:v7+s19+$0x0] =	vst.idx.add.s32.msk vm0, v2  }
0xe6: {  	s31 =	sadd.s32 $0xFFFFFFFF, s31;
	v7 =	vld [tilespmem:s30+$0x0]  }
.LBB2_20:
0xe7: {  	_ =	sdelay $0x2  }
0xe8: {  	s2 =	sadd.s32 @p2 $0x10, s2  }
0xe9: {  	s29 =	smov.u32 @p2 s2;
	v7 =	vsub.s32 v7, v6  }
0xea: {  	v9 =	vor.u32 s29, v0;
	v7 =	vmin.u32 v7, $0x200000  }
0xeb: {  	vm0 =	vlt.s32 v9, v8;
	v7 =	vshrl.u32 v7, $0xA  }
0xec: {  	v7 =	vmin.u32 v7, $0x7FF;
	_ =	sdelay $0x4  }
0xed: {  	[tilespmem:v7+s19+$0x0] =	vst.idx.add.s32.msk vm0, v2  }
.LBB2_21:
0xee: {  	s29 =	simm.s32 $0x0;
	s2 =	simm.s32 $0xFFBFF811;
	s30 =	simm.s32 $0x187F0  }
.LBB2_22:
0xef: {  	v7 =	vld [tilespmem:s30+$0x0];
	_ =	sdelay $0x4  }
0xf0: {  	v9 =	vperm.xlane v7, v3;
	_ =	sdelay $0x1  }
0xf1: {  	(xrf0) =	vadd.scan.msk.s32 $0xffff, v9;
	_ =	sdelay $0x5  }
0xf2: {  	v9, _, _ =	vpop (xrf0)  }
0xf3: {  	v9 =	vadd.s32 s29, v9  }
0xf4: {  	vm0 =	vgt.s32 v9, $0x3F  }
0xf5: {  	v9 =	vsel vm0, $0x1, v1  }
0xf6: {  	(xrf0) =	vadd.scan.msk.s32 $0xffff, v9;
	_ =	sdelay $0x5  }
0xf7: {  	v9, _, _ =	vpop (xrf0)  }
0xf8: {  	(v2sf) =	vpush v9, $0xF;
	_ =	sdelay $0xe  }
0xf9: {  	s31 =	spop (v2sf)  }
0xfa: {  	p2 =	slt.s32 s31, $0x1  }
.Ltmp11:
0xfb: {  	_ = 	snop;
	(pc) =	sbr.rel @!p2 .LBB2_23-.Ltmp11, $1  }
0xfc: {  	_ =	sdelay $0x3  }
0xfd: {  	(xrf0) =	vadd.scan.msk.s32 $0xffff, v7;
	_ =	sdelay $0x5  }
0xfe: {  	v7, _, _ =	vpop (xrf0)  }
0xff: {  	(v2sf) =	vpush v7, $0xF;
	_ =	sdelay $0x9  }
0x100: {  	s2 =	sadd.s32 $0x10, s2  }
0x101: {  	p2 =	sne.s32 s2, $0xFFC00011  }
.Ltmp12:
0x102: {  	_ = 	snop;
	(pc) =	sbr.rel @p2 .LBB2_22-.Ltmp12, $3  }
0x103: {  	_ =	sdelay $0x1  }
0x104: {  	s3 =	spop (v2sf)  }
0x105: {  	s30 =	sadd.s32 $0xFFFFFFF0, s30;
	s29 =	sadd.s32 s29, s3  }
.Ltmp13:
0x106: {  	(pc) =	sbr.rel .LBB2_26-.Ltmp13, $2  }
0x107: {  	_ =	sdelay $0x2  }
0x108: {  	s2 =	simm.s32 $0x0  }
.LBB2_23:
0x109: {  	s2 =	ssub.s32 s31, s2  }
0x10a: {  	s2 =	sshll.u32 s2, $0xA  }
.LBB2_26:
0x10b: {  	s29 =	simm.s32 $0x18020  }
0x10c: {  	[tilespmem:s29+$0xFFFFFFE0] =	vst v1  }
0x10d: {  	[tilespmem:s29+$0x10] =	vst v1  }
0x10e: {  	s30 =	simm.s32 $0x0;
	[tilespmem:s29+$0x0] =	vst v1  }
.LBB2_27:
0x10f: {  	s30 =	sadd.s32 $0x4, s30  }
0x110: {  	[tilespmem:s29+$0xFFFFFFF0] =	vst v1;
	s29 =	sadd.s32 $0x40, s29;
	p2 =	slt.u32 s30, $0x7C  }
.Ltmp14:
0x111: {  	[tilespmem:s29+$0xFFFFFFE0] =	vst v1;
	(pc) =	sbr.rel @p2 .LBB2_27-.Ltmp14, $3  }
0x112: {  	_ =	sdelay $0x1  }
0x113: {  	[tilespmem:s29+$0x10] =	vst v1  }
0x114: {  	[tilespmem:s29+$0x0] =	vst v1  }
.Ltmp15:
0x115: {  	(pc) =	sbr.rel @p1 .LBB2_29-.Ltmp15, $3  }
0x116: {  	_ =	sdelay $0x1  }
0x117: {  	[tilespmem:s29+$0xFFFFFFF0] =	vst v1  }
0x118: {  	v7 =	vmov s2;
	[tilespmem:$0x18800] =	vst v1  }
0x119: {  	s29 =	simm.s32 $0x8000  }
0x11a: {  	v9 =	vld [tilespmem:s29+$0x0];
	_ =	sdelay $0x4  }
0x11b: {  	s30 =	simm.s32 $0x0;
	v10 =	vsub.s32 v9, v6  }
0x11c: {  	v11 =	vor.u32 s30, v0;
	v10 =	vmin.u32 v10, $0x200000  }
0x11d: {  	vm0 =	vlt.s32 v11, v8;
	vm1 =	vge.u32 v10, v7  }
0x11e: {  	vm0 =	vmand vm0, vm1  }
0x11f: {  	v10 =	vsel vm0, $0x1, v1  }
0x120: {  	(xrf0) =	vadd.scan.msk.s32 $0xffff, v10;
	_ =	sdelay $0x5  }
0x121: {  	v11 =	vimm.s32 $0x0;
	v10, _, _ =	vpop (xrf0)  }
0x122: {  	v10 =	vadd.s32 v10, v11  }
0x123: {  	v10 =	vadd.s32 $0xFFFFFFFF, v10;
	_ =	sdelay $0x1  }
.Ltmp16:
0x124: {  	_ = 	snop;
	(pc) =	sbr.rel @!p0 .LBB2_32-.Ltmp16, $4  }
0x125: {  	_ = 	snop  }
0x126: {  	v12 =	vmpcnt.ones.xlane vm0  }
0x127: {  	s31 =	simm.s32 $0x10000;
	[tilespmem:v10+s20+$0x0] =	vst.idx.msk vm0, v9  }
0x128: {  	s0 =	sadd.s32 $0xFFFFFFFF, s0;
	v9 =	vadd.s32 v11, v12;
	v11 =	vld [tilespmem:s31+$0x0]  }
.LBB2_31:
0x129: {  	_ =	sdelay $0x3  }
0x12a: {  	s29 =	sadd.s32 $0x10, s29;
	s31 =	sadd.s32 $0x10, s31;
	s30 =	sadd.s32 $0x10, s30;
	[tilespmem:v10+s21+$0x0] =	vst.idx.msk vm0, v11;
	v10 =	vmov v9  }
0x12b: {  	p0 =	sne.s32 s0, $0x1;
	s0 =	sadd.s32 $0xFFFFFFFF, s0;
	v11 =	vld [tilespmem:s29+$0x0];
	_ =	sdelay $0x4  }
0x12c: {  	v12 =	vsub.s32 v11, v6  }
0x12d: {  	v13 =	vor.u32 s30, v0;
	v12 =	vmin.u32 v12, $0x200000  }
0x12e: {  	vm0 =	vlt.s32 v13, v8;
	vm1 =	vge.u32 v12, v7  }
0x12f: {  	vm0 =	vmand vm0, vm1  }
0x130: {  	v12 =	vsel vm0, $0x1, v1;
	v13 =	vmpcnt.ones.xlane vm0  }
0x131: {  	(xrf0) =	vadd.scan.msk.s32 $0xffff, v12  }
0x132: {  	v9 =	vadd.s32 v9, v13;
	_ =	sdelay $0x4  }
0x133: {  	v12, _, _ =	vpop (xrf0)  }
0x134: {  	v10 =	vadd.s32 v12, v10  }
0x135: {  	v10 =	vadd.s32 $0xFFFFFFFF, v10;
	_ =	sdelay $0x1  }
.Ltmp17:
0x136: {  	(pc) =	sbr.rel @p0 .LBB2_31-.Ltmp17, $3  }
0x137: {  	_ =	sdelay $0x1  }
0x138: {  	[tilespmem:v10+s20+$0x0] =	vst.idx.msk vm0, v11  }
0x139: {  	v11 =	vld [tilespmem:s31+$0x0]  }
.LBB2_32:
0x13a: {  	_ = 	snop  }
.Ltmp18:
0x13b: {  	_ = 	snop;
	(pc) =	sbr.rel .LBB2_33-.Ltmp18, $2  }
0x13c: {  	_ =	sdelay $0x2  }
0x13d: {  	v8 =	vxor.u32 $0x80000000, v9;
	[tilespmem:v10+s21+$0x0] =	vst.idx.msk vm0, v11  }
.LBB2_29:
0x13e: {  	v8 =	vimm.s32 $0x80000000  }
.LBB2_33:
0x13f: {  	(xrf0) =	vmax.scan.msk.u32 $0xffff, v8;
	_ =	sdelay $0x5  }
0x140: {  	v8, _, _ =	vpop (xrf0)  }
0x141: {  	(v2sf) =	vpush v8, $0xF;
	_ =	sdelay $0xe  }
0x142: {  	s0 =	spop (v2sf)  }
0x143: {  	s2 =	sadd.s32 $0x8000000F, s0  }
0x144: {  	s3 =	sand.u32 $0xF, s2  }
0x145: {  	s31 =	sshra.s32 s2, $0x1F;
	p1 =	slt.s32 s2, $0x1;
	p0 =	sne.s32 s3, $0x0  }
0x146: {  	s3 =	sshrl.u32 s31, $0x1C;
	p0 =	por !p1, !p0  }
0x147: {  	s2 =	sadd.s32 s3, s2;
	s3 =	simm.s32 $0x1;
	p0 =	por !p0, !p0  }
0x148: {  	s2 =	sshra.s32 s2, $0x4;
	s3 =	simm.s32 @!p0 $0x0  }
0x149: {  	s29 =	ssub.s32 s2, s3  }
0x14a: {  	p1 =	slt.s32 s29, $0x1  }
.Ltmp19:
0x14b: {  	_ = 	snop;
	(pc) =	sbr.rel @p1 .LBB2_40-.Ltmp19, $3  }
0x14c: {  	_ =	sdelay $0x1  }
0x14d: {  	s0 =	sxor.u32 $0x80000000, s0  }
0x14e: {  	v8 =	vmov s0;
	p0 =	sne.s32 s29, $0x1  }
.Ltmp20:
0x14f: {  	(pc) =	sbr.rel @!p0 .LBB2_35-.Ltmp20, $3  }
0x150: {  	_ =	sdelay $0x1  }
0x151: {  	s2 =	simm.s32 $0x8000  }
0x152: {  	s0 =	simm.s32 $0x0;
	p2 =	por $0x0, $0x0;
	v9 =	vld [tilespmem:s2+$0x0];
	s2 =	sadd.s32 $0xFFFFFFFF, s29  }
0x153: {  	_ =	sdelay $0x3  }
0x154: {  	v9 =	vsub.s32 v9, v6  }
0x155: {  	v10 =	vor.u32 s0, v0;
	v9 =	vmin.u32 v9, $0x200000  }
0x156: {  	vm0 =	vlt.s32 v10, v8;
	v9 =	vsub.s32 v9, v7  }
0x157: {  	v9 =	vmin.u32 v9, $0x400  }
0x158: {  	p3 =	sne.s32 s2, $0x1  }
.Ltmp21:
0x159: {  	_ = 	snop;
	(pc) =	sbr.rel @!p3 .LBB2_37-.Ltmp21, $3  }
0x15a: {  	_ =	sdelay $0x1  }
0x15b: {  	s30 =	simm.s32 $0x8010;
	[tilespmem:v9+s19+$0x0] =	vst.idx.add.s32.msk vm0, v2  }
0x15c: {  	s31 =	sadd.s32 $0xFFFFFFFF, s2;
	p2 =	por $0x1, $0x1;
	s2 =	simm.s32 $0x0;
	v9 =	vld [tilespmem:s30+$0x0]  }
.LBB2_38:
0x15d: {  	p3 =	sne.s32 s31, $0x1;
	_ =	sdelay $0x3  }
0x15e: {  	s2 =	sadd.s32 $0x10, s2;
	v9 =	vsub.s32 v9, v6  }
0x15f: {  	v10 =	vor.u32 s2, v0;
	v9 =	vmin.u32 v9, $0x200000  }
0x160: {  	vm0 =	vlt.s32 v10, v8;
	v9 =	vsub.s32 v9, v7  }
0x161: {  	v9 =	vmin.u32 v9, $0x400;
	_ =	sdelay $0x1  }
.Ltmp22:
0x162: {  	(pc) =	sbr.rel @p3 .LBB2_38-.Ltmp22, $3  }
0x163: {  	_ =	sdelay $0x1  }
0x164: {  	s30 =	sadd.s32 $0x10, s30;
	[tilespmem:v9+s19+$0x0] =	vst.idx.add.s32.msk vm0, v2  }
0x165: {  	s31 =	sadd.s32 $0xFFFFFFFF, s31;
	v9 =	vld [tilespmem:s30+$0x0]  }
.LBB2_39:
0x166: {  	_ =	sdelay $0x2  }
0x167: {  	s2 =	sadd.s32 @p2 $0x10, s2  }
0x168: {  	s0 =	smov.u32 @p2 s2;
	v9 =	vsub.s32 v9, v6  }
0x169: {  	v10 =	vor.u32 s0, v0;
	v9 =	vmin.u32 v9, $0x200000  }
0x16a: {  	vm0 =	vlt.s32 v10, v8;
	v9 =	vsub.s32 v9, v7  }
0x16b: {  	v9 =	vmin.u32 v9, $0x400;
	_ =	sdelay $0x4  }
0x16c: {  	[tilespmem:v9+s19+$0x0] =	vst.idx.add.s32.msk vm0, v2  }
.LBB2_40:
0x16d: {  	s30 =	simm.s32 $0x0;
	s0 =	simm.s32 $0x40F;
	s2 =	simm.s32 $0x18410  }
.LBB2_41:
0x16e: {  	v10 =	vld [tilespmem:s2+$0x0];
	_ =	sdelay $0x4  }
0x16f: {  	v9 =	vperm.xlane v10, v3;
	_ =	sdelay $0x1  }
0x170: {  	(xrf0) =	vadd.scan.msk.s32 $0xffff, v9;
	_ =	sdelay $0x5  }
0x171: {  	v11, _, _ =	vpop (xrf0)  }
0x172: {  	v12 =	vadd.s32 s30, v11  }
0x173: {  	vm0 =	vgt.s32 v12, $0x3F  }
0x174: {  	v12 =	vsel vm0, $0x1, v1  }
0x175: {  	(xrf0) =	vadd.scan.msk.s32 $0xffff, v12;
	_ =	sdelay $0x5  }
0x176: {  	v12, _, _ =	vpop (xrf0)  }
0x177: {  	(v2sf) =	vpush v12, $0xF;
	_ =	sdelay $0xe  }
0x178: {  	s31 =	spop (v2sf)  }
0x179: {  	p2 =	slt.s32 s31, $0x1  }
.Ltmp23:
0x17a: {  	_ = 	snop;
	(pc) =	sbr.rel @!p2 .LBB2_42-.Ltmp23, $1  }
0x17b: {  	_ =	sdelay $0x3  }
0x17c: {  	(xrf0) =	vadd.scan.msk.s32 $0xffff, v10;
	_ =	sdelay $0x5  }
0x17d: {  	v9, _, _ =	vpop (xrf0)  }
0x17e: {  	(v2sf) =	vpush v9, $0xF;
	_ =	sdelay $0x9  }
0x17f: {  	s0 =	sadd.s32 $0xFFFFFFF0, s0  }
0x180: {  	p2 =	sne.s32 s0, $0xFFFFFFEF  }
.Ltmp24:
0x181: {  	_ = 	snop;
	(pc) =	sbr.rel @p2 .LBB2_41-.Ltmp24, $3  }
0x182: {  	_ =	sdelay $0x1  }
0x183: {  	s3 =	spop (v2sf)  }
0x184: {  	s2 =	sadd.s32 $0xFFFFFFF0, s2;
	s30 =	sadd.s32 s30, s3  }
.Ltmp25:
0x185: {  	(pc) =	sbr.rel .LBB2_45-.Ltmp25, $2  }
0x186: {  	_ =	sdelay $0x2  }
0x187: {  	s2 =	simm.s32 $0x0;
	s31 =	simm.s32 $0x40  }
.LBB2_42:
0x188: {  	s2 =	ssub.s32 $0x10, s31  }
0x189: {  	v10 =	vmov s2  }
0x18a: {  	vm0 =	veq.s32 v10, v0  }
0x18b: {  	v10 =	vnsel vm0, $0x0, v11  }
0x18c: {  	v9 =	vnsel vm0, $0x0, v9;
	(xrf0) =	vadd.scan.msk.s32 $0xffff, v10  }
0x18d: {  	(xrf0) =	vadd.scan.msk.s32 $0xffff, v9;
	_ =	sdelay $0x4  }
0x18e: {  	v9, _, _ =	vpop (xrf0)  }
0x18f: {  	(v2sf) =	vpush v9, $0xF;
	v9, _, _ =	vpop (xrf0)  }
0x190: {  	(v2sf) =	vpush v9, $0xF;
	_ =	sdelay $0xd  }
0x191: {  	s4 =	spop (v2sf)  }
0x192: {  	s3 =	spop (v2sf);
	s2 =	sadd.s32 s30, s4  }
0x193: {  	s3 =	ssub.s32 s3, s2  }
0x194: {  	s2 =	sadd.s32 s0, s31;
	s31 =	sadd.s32 $0x40, s3  }
.LBB2_45:
0x195: {  	s0 =	simm.s32 $0x18020  }
0x196: {  	[tilespmem:s0+$0xFFFFFFE0] =	vst v1  }
0x197: {  	[tilespmem:s0+$0x10] =	vst v1  }
0x198: {  	s30 =	simm.s32 $0x0;
	[tilespmem:s0+$0x0] =	vst v1  }
.LBB2_46:
0x199: {  	s30 =	sadd.s32 $0x4, s30  }
0x19a: {  	[tilespmem:s0+$0xFFFFFFF0] =	vst v1;
	s0 =	sadd.s32 $0x40, s0;
	p2 =	slt.u32 s30, $0x7C  }
.Ltmp26:
0x19b: {  	[tilespmem:s0+$0xFFFFFFE0] =	vst v1;
	(pc) =	sbr.rel @p2 .LBB2_46-.Ltmp26, $3  }
0x19c: {  	_ =	sdelay $0x1  }
0x19d: {  	[tilespmem:s0+$0x10] =	vst v1  }
0x19e: {  	[tilespmem:s0+$0x0] =	vst v1  }
.Ltmp27:
0x19f: {  	(pc) =	sbr.rel @p1 .LBB2_51-.Ltmp27, $3  }
0x1a0: {  	_ =	sdelay $0x1  }
0x1a1: {  	[tilespmem:s0+$0xFFFFFFF0] =	vst v1  }
0x1a2: {  	[tilespmem:$0x18800] =	vst v1  }
0x1a3: {  	s0 =	simm.s32 $0x8000  }
0x1a4: {  	v11 =	vld [tilespmem:s0+$0x0];
	_ =	sdelay $0x4  }
0x1a5: {  	v9 =	vsub.s32 v11, v6  }
0x1a6: {  	v9 =	vmin.u32 v9, $0x200000  }
0x1a7: {  	s30 =	simm.s32 $0x0;
	v10 =	vsub.s32 v9, v7  }
0x1a8: {  	v12 =	vor.u32 s30, v0;
	v9 =	vmov s2;
	v13 =	vmin.u32 v10, $0x400  }
0x1a9: {  	vm0 =	vlt.s32 v12, v8;
	vm1 =	veq.s32 v13, v9  }
0x1aa: {  	vm1 =	vmand vm0, vm1  }
0x1ab: {  	v10 =	vsel vm1, $0x1, v1  }
0x1ac: {  	(xrf0) =	vadd.scan.msk.s32 $0xffff, v10;
	_ =	sdelay $0x5  }
0x1ad: {  	v12 =	vimm.s32 $0x0;
	v14, _, _ =	vpop (xrf0)  }
0x1ae: {  	v10 =	vmov s31;
	v14 =	vadd.s32 v12, v14  }
0x1af: {  	vm2 =	vgt.u32 v13, v9;
	vm3 =	vle.s32 v14, v10  }
0x1b0: {  	vm0 =	vmand vm0, vm2;
	vm2 =	vmand vm1, vm3  }
0x1b1: {  	vm0 =	vmor vm0, vm2  }
0x1b2: {  	v13 =	vsel vm0, $0x1, v1  }
0x1b3: {  	(xrf0) =	vadd.scan.msk.s32 $0xffff, v13;
	_ =	sdelay $0x5  }
0x1b4: {  	v13, _, _ =	vpop (xrf0)  }
0x1b5: {  	v13 =	vadd.s32 v13, v12  }
0x1b6: {  	v13 =	vadd.s32 $0xFFFFFFFF, v13;
	_ =	sdelay $0x1  }
.Ltmp28:
0x1b7: {  	_ = 	snop;
	(pc) =	sbr.rel @!p0 .LBB2_50-.Ltmp28, $4  }
0x1b8: {  	_ = 	snop  }
0x1b9: {  	v14 =	vmpcnt.ones.xlane vm1;
	v15 =	vmpcnt.ones.xlane vm0  }
0x1ba: {  	s31 =	simm.s32 $0x10000;
	[tilespmem:v13+s22+$0x0] =	vst.idx.msk vm0, v11  }
0x1bb: {  	s29 =	sadd.s32 $0xFFFFFFFF, s29;
	v11 =	vadd.s32 v12, v14;
	v12 =	vadd.s32 v12, v15;
	v14 =	vld [tilespmem:s31+$0x0]  }
.LBB2_49:
0x1bc: {  	_ =	sdelay $0x3  }
0x1bd: {  	s0 =	sadd.s32 $0x10, s0;
	s31 =	sadd.s32 $0x10, s31;
	s30 =	sadd.s32 $0x10, s30;
	[tilespmem:v13+s23+$0x0] =	vst.idx.msk vm0, v14;
	v13 =	vmov v11;
	v14 =	vmov v12  }
0x1be: {  	p0 =	sne.s32 s29, $0x1;
	s29 =	sadd.s32 $0xFFFFFFFF, s29;
	v15 =	vld [tilespmem:s0+$0x0];
	_ =	sdelay $0x4  }
0x1bf: {  	v16 =	vsub.s32 v15, v6  }
0x1c0: {  	v16 =	vmin.u32 v16, $0x200000  }
0x1c1: {  	v16 =	vsub.s32 v16, v7  }
0x1c2: {  	v17 =	vor.u32 s30, v0;
	v16 =	vmin.u32 v16, $0x400  }
0x1c3: {  	vm0 =	vlt.s32 v17, v8;
	vm1 =	vgt.u32 v16, v9;
	vm2 =	veq.s32 v16, v9  }
0x1c4: {  	vm1 =	vmand vm0, vm1;
	vm0 =	vmand vm0, vm2  }
0x1c5: {  	v16 =	vsel vm0, $0x1, v1;
	v17 =	vmpcnt.ones.xlane vm0  }
0x1c6: {  	(xrf0) =	vadd.scan.msk.s32 $0xffff, v16  }
0x1c7: {  	v11 =	vadd.s32 v11, v17;
	_ =	sdelay $0x4  }
0x1c8: {  	v16, _, _ =	vpop (xrf0)  }
0x1c9: {  	v13 =	vadd.s32 v13, v16  }
0x1ca: {  	vm2 =	vle.s32 v13, v10  }
0x1cb: {  	vm0 =	vmand vm0, vm2  }
0x1cc: {  	vm0 =	vmor vm1, vm0  }
0x1cd: {  	v13 =	vsel vm0, $0x1, v1;
	v16 =	vmpcnt.ones.xlane vm0  }
0x1ce: {  	(xrf0) =	vadd.scan.msk.s32 $0xffff, v13  }
0x1cf: {  	v12 =	vadd.s32 v12, v16;
	_ =	sdelay $0x4  }
0x1d0: {  	v13, _, _ =	vpop (xrf0)  }
0x1d1: {  	v13 =	vadd.s32 v13, v14  }
0x1d2: {  	v13 =	vadd.s32 $0xFFFFFFFF, v13;
	_ =	sdelay $0x1  }
.Ltmp29:
0x1d3: {  	(pc) =	sbr.rel @p0 .LBB2_49-.Ltmp29, $3  }
0x1d4: {  	_ =	sdelay $0x1  }
0x1d5: {  	[tilespmem:v13+s22+$0x0] =	vst.idx.msk vm0, v15  }
0x1d6: {  	v14 =	vld [tilespmem:s31+$0x0]  }
.LBB2_50:
0x1d7: {  	_ =	sdelay $0x4  }
0x1d8: {  	[tilespmem:v13+s23+$0x0] =	vst.idx.msk vm0, v14  }
.LBB2_51:
0x1d9: {  	v8 =	vld [tilespmem:$0x18880]  }
0x1da: {  	v12 =	vld [tilespmem:$0x18890]  }
0x1db: {  	v13 =	vld [tilespmem:$0x188A0]  }
0x1dc: {  	v11 =	vld [tilespmem:$0x188B0];
	_ =	sdelay $0x4  }
0x1dd: {  	v6 =	vmax.u32 v8, v12;
	v7 =	vmax.u32 v13, v11  }
0x1de: {  	v6 =	vmax.u32 v6, v7  }
0x1df: {  	(xrf0) =	vmax.scan.msk.u32 $0xffff, v6;
	_ =	sdelay $0x2  }
0x1e0: {  	v10 =	vld [tilespmem:$0x18930]  }
0x1e1: {  	v9 =	vld [tilespmem:$0x18920]  }
0x1e2: {  	v7 =	vld [tilespmem:$0x18910]  }
0x1e3: {  	v6 =	vld [tilespmem:$0x18900];
	v14, _, _ =	vpop (xrf0)  }
0x1e4: {  	v14 =	vperm.xlane v14, v4;
	_ =	sdelay $0x1  }
0x1e5: {  	vm0 =	veq.s32 v12, v14;
	vm1 =	veq.s32 v11, v14  }
0x1e6: {  	v15 =	vnsel vm0, $0x7FFFFFFF, v7;
	v16 =	vnsel vm1, $0x7FFFFFFF, v10  }
0x1e7: {  	vm13 =	veq.s32 v13, v14;
	vm14 =	vlt.s32 v6, v15;
	vm2 =	vlt.s32 v9, v16  }
0x1e8: {  	vm3 =	veq.s32 v8, v14;
	v17 =	vsel vm14, v6, v15;
	v18 =	vsel vm2, v9, v16  }
0x1e9: {  	v15 =	vsel vm3, v17, v15;
	v16 =	vsel vm13, v18, v16  }
0x1ea: {  	vm0 =	vlt.s32 v15, v16  }
0x1eb: {  	v15 =	vsel vm0, v15, v16  }
0x1ec: {  	v15 =	vsub.s32 $0x80000000, v15  }
0x1ed: {  	(xrf0) =	vmax.scan.msk.u32 $0xffff, v15;
	_ =	sdelay $0x5  }
0x1ee: {  	s2 =	simm.s32 $0x0;
	v15, _, _ =	vpop (xrf0)  }
0x1ef: {  	v17 =	vxor.u32 $0x80000000, v15;
	v15 =	vmov s2  }
0x1f0: {  	vm15 =	vgt.s32 v14, $0xFFFFFFFF  }
0x1f1: {  	v16 =	vsel vm15, $0xFFFFFFFF, v5  }
0x1f2: {  	s29 =	simm.s32 $0x1;
	s0 =	simm.s32 $0x2;
	s30 =	simm.s32 $0x3;
	v14 =	vxor.u32 v14, v16;
	v16 =	vperm.xlane v17, v4  }
.LBB2_52:
0x1f3: {  	p0 =	sne.s32 s30, $0x3F;
	s31 =	smov.u32 s30;
	s30 =	sadd.s32 $0x1, s30  }
0x1f4: {  	v16 =	vsub.s32 $0x0, v16;
	[tilespmem:v15+s24+$0x0] =	vst.idx.msk $0x1, v14  }
0x1f5: {  	vm0 =	veq.s32 v7, v16;
	vm1 =	veq.s32 v9, v16;
	vm2 =	veq.s32 v10, v16  }
0x1f6: {  	vm3 =	veq.s32 v6, v16;
	[tilespmem:v15+s25+$0x0] =	vst.idx.msk $0x1, v16;
	v12 =	vsel vm0, $0x0, v12;
	v13 =	vsel vm1, $0x0, v13  }
0x1f7: {  	v8 =	vsel vm3, $0x0, v8;
	v11 =	vsel vm2, $0x0, v11;
	v10 =	vsel vm2, $0x7FFFFFFF, v10  }
0x1f8: {  	v9 =	vsel vm1, $0x7FFFFFFF, v9;
	v14 =	vmax.u32 v8, v12;
	v15 =	vmax.u32 v13, v11  }
0x1f9: {  	v6 =	vsel vm3, $0x7FFFFFFF, v6;
	v7 =	vsel vm0, $0x7FFFFFFF, v7;
	v14 =	vmax.u32 v14, v15  }
0x1fa: {  	(xrf0) =	vmax.scan.msk.u32 $0xffff, v14;
	_ =	sdelay $0x5  }
0x1fb: {  	v14, _, _ =	vpop (xrf0)  }
0x1fc: {  	v14 =	vperm.xlane v14, v4;
	_ =	sdelay $0x1  }
0x1fd: {  	vm0 =	veq.s32 v12, v14;
	vm1 =	veq.s32 v11, v14;
	vm2 =	vgt.s32 v14, $0xFFFFFFFF  }
0x1fe: {  	v15 =	vnsel vm0, $0x7FFFFFFF, v7;
	v16 =	vnsel vm1, $0x7FFFFFFF, v10;
	v17 =	vsel vm2, $0xFFFFFFFF, v5  }
0x1ff: {  	vm0 =	veq.s32 v13, v14;
	vm1 =	vlt.s32 v6, v15;
	vm2 =	vlt.s32 v9, v16  }
0x200: {  	vm3 =	veq.s32 v8, v14;
	v18 =	vsel vm1, v6, v15;
	v19 =	vsel vm2, v9, v16  }
0x201: {  	v14 =	vxor.u32 v14, v17;
	v15 =	vsel vm3, v18, v15;
	v16 =	vsel vm0, v19, v16  }
0x202: {  	vm0 =	vlt.s32 v15, v16  }
0x203: {  	v15 =	vsel vm0, v15, v16  }
0x204: {  	v15 =	vsub.s32 $0x80000000, v15  }
0x205: {  	(xrf0) =	vmax.scan.msk.u32 $0xffff, v15;
	_ =	sdelay $0x3  }
.Ltmp30:
0x206: {  	(pc) =	sbr.rel @p0 .LBB2_52-.Ltmp30, $4  }
0x207: {  	v15 =	vmov s29;
	s29 =	smov.u32 s0;
	s0 =	smov.u32 s31  }
0x208: {  	v16, _, _ =	vpop (xrf0)  }
0x209: {  	v16 =	vxor.u32 $0x80000000, v16  }
0x20a: {  	v16 =	vperm.xlane v16, v4  }
0x20b: {  	_ = 	snop  }
0x20c: {  	v16 =	vsub.s32 $0x0, v16  }
0x20d: {  	vm0 =	veq.s32 v7, v16;
	vm1 =	veq.s32 v9, v16  }
0x20e: {  	vm2 =	veq.s32 v10, v16;
	vm3 =	veq.s32 v6, v16;
	v12 =	vsel vm0, $0x0, v12  }
0x20f: {  	v13 =	vsel vm1, $0x0, v13;
	v8 =	vsel vm3, $0x0, v8;
	v11 =	vsel vm2, $0x0, v11  }
0x210: {  	v17 =	vmax.u32 v8, v12;
	v18 =	vmax.u32 v13, v11  }
0x211: {  	v17 =	vmax.u32 v17, v18  }
0x212: {  	(xrf0) =	vmax.scan.msk.u32 $0xffff, v17;
	_ =	sdelay $0x5  }
0x213: {  	v17, _, _ =	vpop (xrf0)  }
0x214: {  	v17 =	vperm.xlane v17, v4  }
0x215: {  	v10 =	vsel vm2, $0x7FFFFFFF, v10;
	v9 =	vsel vm1, $0x7FFFFFFF, v9  }
0x216: {  	v7 =	vsel vm0, $0x7FFFFFFF, v7;
	vm8 =	veq.s32 v12, v17;
	vm9 =	veq.s32 v11, v17  }
0x217: {  	v6 =	vsel vm3, $0x7FFFFFFF, v6;
	v53 =	vnsel vm8, $0x7FFFFFFF, v7;
	v19 =	vnsel vm9, $0x7FFFFFFF, v10  }
0x218: {  	vm10 =	veq.s32 v13, v17;
	vm11 =	vlt.s32 v6, v53;
	vm12 =	vlt.s32 v9, v19  }
0x219: {  	vm13 =	veq.s32 v8, v17;
	v20 =	vsel vm11, v6, v53;
	v21 =	vsel vm12, v9, v19  }
0x21a: {  	v18 =	vsel vm13, v20, v53;
	v19 =	vsel vm10, v21, v19  }
0x21b: {  	vm0 =	vlt.s32 v18, v19  }
0x21c: {  	v18 =	vsel vm0, v18, v19  }
0x21d: {  	v18 =	vsub.s32 $0x80000000, v18  }
0x21e: {  	(xrf0) =	vmax.scan.msk.u32 $0xffff, v18;
	_ =	sdelay $0x5  }
0x21f: {  	v18, _, _ =	vpop (xrf0)  }
0x220: {  	v18 =	vxor.u32 $0x80000000, v18  }
0x221: {  	v18 =	vperm.xlane v18, v4;
	_ =	sdelay $0x1  }
0x222: {  	v18 =	vsub.s32 $0x0, v18  }
0x223: {  	vm14 =	veq.s32 v7, v18;
	vm15 =	veq.s32 v9, v18  }
0x224: {  	vm6 =	veq.s32 v10, v18;
	vm7 =	veq.s32 v6, v18;
	v12 =	vsel vm14, $0x0, v12  }
0x225: {  	v13 =	vsel vm15, $0x0, v13;
	v8 =	vsel vm7, $0x0, v8;
	v11 =	vsel vm6, $0x0, v11  }
0x226: {  	v54 =	vmax.u32 v8, v12;
	v55 =	vmax.u32 v13, v11  }
0x227: {  	v19 =	vmax.u32 v54, v55  }
0x228: {  	(xrf0) =	vmax.scan.msk.u32 $0xffff, v19;
	_ =	sdelay $0x5  }
0x229: {  	v19, _, _ =	vpop (xrf0)  }
0x22a: {  	v19 =	vperm.xlane v19, v4  }
0x22b: {  	v10 =	vsel vm6, $0x7FFFFFFF, v10;
	v9 =	vsel vm15, $0x7FFFFFFF, v9  }
0x22c: {  	v7 =	vsel vm14, $0x7FFFFFFF, v7;
	vm8 =	veq.s32 v12, v19;
	vm9 =	veq.s32 v11, v19  }
0x22d: {  	v6 =	vsel vm7, $0x7FFFFFFF, v6;
	v7 =	vnsel vm8, $0x7FFFFFFF, v7;
	v10 =	vnsel vm9, $0x7FFFFFFF, v10  }
0x22e: {  	vm10 =	veq.s32 v13, v19;
	vm11 =	vlt.s32 v6, v7;
	vm12 =	vlt.s32 v9, v10  }
0x22f: {  	vm13 =	veq.s32 v8, v19;
	v6 =	vsel vm11, v6, v7;
	v8 =	vsel vm12, v9, v10  }
0x230: {  	v6 =	vsel vm13, v6, v7;
	v7 =	vsel vm10, v8, v10  }
0x231: {  	vm0 =	vlt.s32 v6, v7  }
0x232: {  	v6 =	vsel vm0, v6, v7  }
0x233: {  	v6 =	vsub.s32 $0x80000000, v6  }
0x234: {  	(xrf0) =	vmax.scan.msk.u32 $0xffff, v6;
	_ =	sdelay $0x2  }
0x235: {  	v6 =	vmov s29;
	_ =	sdelay $0x1  }
0x236: {  	vm14 =	vgt.s32 v17, $0xFFFFFFFF;
	v7 =	vmov s0  }
0x237: {  	[tilespmem:v15+s24+$0x0] =	vst.idx.msk $0x1, v14;
	v8 =	vsel vm14, $0xFFFFFFFF, v5;
	v9, _, _ =	vpop (xrf0)  }
0x238: {  	[tilespmem:v15+s25+$0x0] =	vst.idx.msk $0x1, v16;
	vm15 =	vgt.s32 v19, $0xFFFFFFFF;
	v8 =	vxor.u32 v17, v8;
	v9 =	vxor.u32 $0x80000000, v9  }
0x239: {  	[tilespmem:v6+s24+$0x0] =	vst.idx.msk $0x1, v8;
	v8 =	vsel vm15, $0xFFFFFFFF, v5;
	v9 =	vperm.xlane v9, v4  }
0x23a: {  	[tilespmem:v6+s25+$0x0] =	vst.idx.msk $0x1, v18;
	v6 =	vxor.u32 v19, v8  }
0x23b: {  	[tilespmem:v7+s24+$0x0] =	vst.idx.msk $0x1, v6;
	v8 =	vsub.s32 $0x0, v9  }
0x23c: {  	[tilespmem:v7+s25+$0x0] =	vst.idx.msk $0x1, v8  }
0x23d: {  	[hbm4b:s5+s1] =	stream.linear.scatter [tilespmem:s24], [sflag:$0x2], $0x80, $0x38;
	[tilespmem:$0x18A80] =	vst v63  }
0x23e: {  	_ = 	snop  }
0x23f: {  	[hbm4b:s6+s1] =	stream.linear.scatter [tilespmem:s25], [sflag:$0x2], $0x80, $0x38;
	[tilespmem:$0x18A80] =	vst v63  }
0x240: {  	_ =	swait.ge [sflag:s18], $0x8000  }
0x241: {  	[sflag:s18] =	ssyncset.done $0x0  }
0x242: {  	s31 =	simm.s32 $0x40;
	[sflag:s18] =	ssyncadd.s32 $0xFFFF8000  }
0x243: {  	v6 =	vld [tilespmem:s31+$0x30]  }
0x244: {  	v7 =	vld [tilespmem:s31+$0xFFFFFFD0]  }
0x245: {  	v8 =	vld [tilespmem:s31+$0xFFFFFFE0]  }
0x246: {  	v9 =	vld [tilespmem:s31+$0xFFFFFFF0]  }
0x247: {  	v10 =	vld [tilespmem:s31+$0x0]  }
0x248: {  	v11 =	vld [tilespmem:s31+$0x10]  }
0x249: {  	v14 =	vld [tilespmem:s31+$0x20]  }
0x24a: {  	v15 =	vld [tilespmem:s31+$0xFFFFFFC0];
	_ =	sdelay $0x2  }
0x24b: {  	v12 =	vshra.s32 v6, $0x1F;
	v13 =	vshra.s32 v7, $0x1F;
	v56 =	vshra.s32 v8, $0x1F  }
0x24c: {  	v57 =	vshra.s32 v9, $0x1F;
	v58 =	vshra.s32 v10, $0x1F;
	v59 =	vshra.s32 v11, $0x1F  }
0x24d: {  	v60 =	vshra.s32 v14, $0x1F;
	v61 =	vshra.s32 v15, $0x1F;
	v12 =	vor.u32 $0x80000000, v12  }
0x24e: {  	v13 =	vor.u32 $0x80000000, v13;
	v63 =	vor.u32 $0x80000000, v61;
	v6 =	vxor.u32 v6, v12  }
0x24f: {  	v12 =	vor.u32 $0x80000000, v56;
	v7 =	vxor.u32 v7, v13;
	v6 =	vshrl.u32 v6, $0x15  }
0x250: {  	v13 =	vor.u32 $0x80000000, v57;
	v8 =	vxor.u32 v8, v12;
	v12 =	vor.u32 $0x80000000, v58  }
0x251: {  	v13 =	vxor.u32 v9, v13;
	v9 =	vor.u32 $0x80000000, v59;
	v62 =	vxor.u32 v10, v12  }
0x252: {  	v10 =	vor.u32 $0x80000000, v60;
	v12 =	vxor.u32 v11, v9;
	v9 =	vshrl.u32 v7, $0x15  }
0x253: {  	v7 =	vshrl.u32 v8, $0x15;
	v11 =	vxor.u32 v14, v10;
	v10 =	vxor.u32 v15, v63  }
0x254: {  	s0 =	simm.s32 $0x0;
	s29 =	simm.s32 $0xC0;
	v8 =	vshrl.u32 v13, $0x15;
	v10 =	vshrl.u32 v10, $0x15;
	[tilespmem:v6+s19+$0x0] =	vst.idx.add.s32.msk $0xffff, v2;
	v6 =	vshrl.u32 v62, $0x15  }
.LBB2_54:
0x255: {  	v13 =	vld [tilespmem:s29+$0x30];
	s0 =	sadd.s32 $0x8, s0;
	v14 =	vshrl.u32 v12, $0x15;
	v15 =	vshrl.u32 v11, $0x15  }
0x256: {  	v11 =	vld [tilespmem:s29+$0xFFFFFFD0];
	p0 =	slt.u32 s0, $0x7F8  }
0x257: {  	v12 =	vld [tilespmem:s29+$0xFFFFFFE0]  }
0x258: {  	v16 =	vld [tilespmem:s29+$0xFFFFFFF0]  }
0x259: {  	v17 =	vld [tilespmem:s29+$0x0]  }
0x25a: {  	v18 =	vld [tilespmem:s29+$0x10];
	v19 =	vshra.s32 v13, $0x1F  }
0x25b: {  	v20 =	vshra.s32 v11, $0x1F;
	v21 =	vld [tilespmem:s29+$0x20];
	v19 =	vor.u32 $0x80000000, v19  }
0x25c: {  	v22 =	vld [tilespmem:s29+$0xFFFFFFC0];
	v20 =	vor.u32 $0x80000000, v20;
	v23 =	vshra.s32 v12, $0x1F;
	v13 =	vxor.u32 v13, v19  }
0x25d: {  	v19 =	vor.u32 $0x80000000, v23;
	v23 =	vshra.s32 v16, $0x1F;
	v13 =	vshrl.u32 v13, $0x15;
	[tilespmem:v10+s19+$0x0] =	vst.idx.add.s32.msk $0xffff, v2  }
0x25e: {  	v10 =	vxor.u32 v11, v20;
	v11 =	vor.u32 $0x80000000, v23;
	v20 =	vshra.s32 v17, $0x1F;
	[tilespmem:v9+s19+$0x0] =	vst.idx.add.s32.msk $0xffff, v2  }
0x25f: {  	v19 =	vxor.u32 v12, v19;
	v9 =	vor.u32 $0x80000000, v20;
	v12 =	vshra.s32 v18, $0x1F;
	[tilespmem:v7+s19+$0x0] =	vst.idx.add.s32.msk $0xffff, v2  }
.Ltmp31:
0x260: {  	v16 =	vxor.u32 v16, v11;
	v7 =	vor.u32 $0x80000000, v12;
	v11 =	vshra.s32 v21, $0x1F;
	[tilespmem:v8+s19+$0x0] =	vst.idx.add.s32.msk $0xffff, v2;
	(pc) =	sbr.rel @p0 .LBB2_54-.Ltmp31, $4  }
0x261: {  	v17 =	vxor.u32 v17, v9;
	v8 =	vshra.s32 v22, $0x1F;
	v9 =	vor.u32 $0x80000000, v11;
	[tilespmem:v6+s19+$0x0] =	vst.idx.add.s32.msk $0xffff, v2  }
0x262: {  	v12 =	vxor.u32 v18, v7;
	v6 =	vor.u32 $0x80000000, v8;
	v11 =	vxor.u32 v21, v9;
	[tilespmem:v13+s19+$0x0] =	vst.idx.add.s32.msk $0xffff, v2  }
0x263: {  	v7 =	vshrl.u32 v19, $0x15;
	v9 =	vshrl.u32 v10, $0x15;
	v6 =	vxor.u32 v22, v6;
	[tilespmem:v14+s19+$0x0] =	vst.idx.add.s32.msk $0xffff, v2  }
0x264: {  	s29 =	sadd.s32 $0x80, s29;
	v8 =	vshrl.u32 v16, $0x15;
	v10 =	vshrl.u32 v6, $0x15;
	v6 =	vshrl.u32 v17, $0x15;
	[tilespmem:v15+s19+$0x0] =	vst.idx.add.s32.msk $0xffff, v2  }
0x265: {  	_ =	sdelay $0x3  }
0x266: {  	v12 =	vshrl.u32 v12, $0x15;
	[tilespmem:v10+s19+$0x0] =	vst.idx.add.s32.msk $0xffff, v2  }
0x267: {  	v63 =	vshrl.u32 v11, $0x15;
	[tilespmem:v9+s19+$0x0] =	vst.idx.add.s32.msk $0xffff, v2  }
0x268: {  	[tilespmem:v7+s19+$0x0] =	vst.idx.add.s32.msk $0xffff, v2  }
0x269: {  	[tilespmem:v8+s19+$0x0] =	vst.idx.add.s32.msk $0xffff, v2  }
0x26a: {  	[tilespmem:v6+s19+$0x0] =	vst.idx.add.s32.msk $0xffff, v2  }
0x26b: {  	[tilespmem:v12+s19+$0x0] =	vst.idx.add.s32.msk $0xffff, v2  }
0x26c: {  	s2 =	simm.s32 $0x0;
	s0 =	simm.s32 $0xFFFFF011;
	s29 =	simm.s32 $0x187F0;
	[tilespmem:v63+s19+$0x0] =	vst.idx.add.s32.msk $0xffff, v2  }
.LBB2_56:
0x26d: {  	v6 =	vld [tilespmem:s29+$0x0];
	_ =	sdelay $0x4  }
0x26e: {  	v7 =	vperm.xlane v6, v3;
	_ =	sdelay $0x1  }
0x26f: {  	(xrf0) =	vadd.scan.msk.s32 $0xffff, v7;
	_ =	sdelay $0x5  }
0x270: {  	v7, _, _ =	vpop (xrf0)  }
0x271: {  	v7 =	vadd.s32 s2, v7  }
0x272: {  	vm0 =	vgt.s32 v7, $0x3F  }
0x273: {  	v7 =	vsel vm0, $0x1, v1  }
0x274: {  	(xrf0) =	vadd.scan.msk.s32 $0xffff, v7;
	_ =	sdelay $0x5  }
0x275: {  	v7, _, _ =	vpop (xrf0)  }
0x276: {  	(v2sf) =	vpush v7, $0xF;
	_ =	sdelay $0xe  }
0x277: {  	s30 =	spop (v2sf)  }
0x278: {  	p0 =	slt.s32 s30, $0x1  }
.Ltmp32:
0x279: {  	_ = 	snop;
	(pc) =	sbr.rel @!p0 .LBB2_57-.Ltmp32, $1  }
0x27a: {  	_ =	sdelay $0x3  }
0x27b: {  	(xrf0) =	vadd.scan.msk.s32 $0xffff, v6;
	_ =	sdelay $0x5  }
0x27c: {  	v6, _, _ =	vpop (xrf0)  }
0x27d: {  	(v2sf) =	vpush v6, $0xF;
	_ =	sdelay $0x9  }
0x27e: {  	s0 =	sadd.s32 $0x10, s0  }
0x27f: {  	p0 =	sne.s32 s0, $0xFFFFF811  }
.Ltmp33:
0x280: {  	_ = 	snop;
	(pc) =	sbr.rel @p0 .LBB2_56-.Ltmp33, $3  }
0x281: {  	_ =	sdelay $0x1  }
0x282: {  	s3 =	spop (v2sf)  }
0x283: {  	s29 =	sadd.s32 $0xFFFFFFF0, s29;
	s2 =	sadd.s32 s2, s3  }
.Ltmp34:
0x284: {  	(pc) =	sbr.rel .LBB2_60-.Ltmp34, $2  }
0x285: {  	_ =	sdelay $0x2  }
0x286: {  	s0 =	simm.s32 $0x0  }
.LBB2_57:
0x287: {  	s0 =	ssub.s32 s30, s0  }
0x288: {  	s0 =	sshll.u32 s0, $0x15  }
.LBB2_60:
0x289: {  	s2 =	simm.s32 $0x18020  }
0x28a: {  	[tilespmem:s2+$0xFFFFFFE0] =	vst v1  }
0x28b: {  	[tilespmem:s2+$0x10] =	vst v1  }
0x28c: {  	s29 =	simm.s32 $0x0;
	[tilespmem:s2+$0x0] =	vst v1  }
.LBB2_61:
0x28d: {  	s29 =	sadd.s32 $0x4, s29  }
0x28e: {  	[tilespmem:s2+$0xFFFFFFF0] =	vst v1;
	s2 =	sadd.s32 $0x40, s2;
	p0 =	slt.u32 s29, $0x7C  }
.Ltmp35:
0x28f: {  	[tilespmem:s2+$0xFFFFFFE0] =	vst v1;
	(pc) =	sbr.rel @p0 .LBB2_61-.Ltmp35, $3  }
0x290: {  	_ =	sdelay $0x1  }
0x291: {  	[tilespmem:s2+$0x10] =	vst v1  }
0x292: {  	[tilespmem:s2+$0x0] =	vst v1  }
0x293: {  	[tilespmem:s2+$0xFFFFFFF0] =	vst v1;
	v11 =	vimm.s32 $0x0  }
0x294: {  	s3 =	simm.s32 $0x40;
	[tilespmem:$0x18800] =	vst v11  }
0x295: {  	v7 =	vld [tilespmem:s3+$0xFFFFFFC0]  }
0x296: {  	v8 =	vld [tilespmem:s3+$0x20]  }
0x297: {  	v9 =	vld [tilespmem:s3+$0x30]  }
0x298: {  	v12 =	vld [tilespmem:s3+$0xFFFFFFF0];
	_ =	sdelay $0x1  }
0x299: {  	v13 =	vld [tilespmem:s3+$0xFFFFFFD0];
	v10 =	vshra.s32 v7, $0x1F  }
0x29a: {  	v6 =	vmov s0;
	v16 =	vld [tilespmem:s3+$0x0];
	v10 =	vor.u32 $0x80000000, v10  }
0x29b: {  	v14 =	vshra.s32 v8, $0x1F;
	v15 =	vshra.s32 v9, $0x1F;
	v20 =	vxor.u32 v7, v10  }
0x29c: {  	v7 =	vor.u32 $0x80000000, v14;
	v10 =	vshra.s32 v12, $0x1F;
	vm2 =	vge.u32 v20, v6  }
0x29d: {  	v14 =	vor.u32 $0x80000000, v15;
	v7 =	vxor.u32 v8, v7;
	v8 =	vsel vm2, $0x1, v1  }
0x29e: {  	v19 =	vld [tilespmem:s3+$0xFFFFFFE0];
	v15 =	vshra.s32 v13, $0x1F;
	v18 =	vor.u32 $0x80000000, v10;
	v10 =	vxor.u32 v9, v14;
	(xrf0) =	vadd.scan.msk.s32 $0xffff, v8  }
0x29f: {  	v9 =	vshra.s32 v16, $0x1F;
	vm4 =	vge.u32 v7, v6;
	v8 =	vor.u32 $0x80000000, v15  }
0x2a0: {  	v14 =	vld [tilespmem:s3+$0x10];
	vm7 =	vge.u32 v10, v6;
	v17 =	vsel vm4, $0x1, v1;
	v15 =	vxor.u32 v13, v8  }
0x2a1: {  	v12 =	vxor.u32 v12, v18;
	(xrf0) =	vadd.scan.msk.s32 $0xffff, v17;
	v8 =	vsel vm7, $0x1, v1;
	vm5 =	vge.u32 v15, v6  }
0x2a2: {  	v9 =	vor.u32 $0x80000000, v9;
	vm3 =	vge.u32 v12, v6;
	(xrf0) =	vadd.scan.msk.s32 $0xffff, v8;
	v13 =	vsel vm5, $0x1, v1  }
0x2a3: {  	v9 =	vxor.u32 v16, v9;
	v16 =	vsel vm3, $0x1, v1;
	(xrf0) =	vadd.scan.msk.s32 $0xffff, v13;
	v13 =	vshra.s32 v19, $0x1F  }
0x2a4: {  	vm0 =	vge.u32 v9, v6;
	v17 =	vmpcnt.ones.xlane vm2;
	v13 =	vor.u32 $0x80000000, v13;
	v18, _, _ =	vpop (xrf0);
	(xrf0) =	vadd.scan.msk.s32 $0xffff, v16  }
0x2a5: {  	v21 =	vsel vm0, $0x1, v1;
	v22 =	vshra.s32 v14, $0x1F;
	v16 =	vadd.s32 v18, v11  }
0x2a6: {  	(xrf0) =	vadd.scan.msk.s32 $0xffff, v21;
	v21 =	vmpcnt.ones.xlane vm5;
	v18 =	vadd.s32 $0xFFFFFFFF, v16;
	v16 =	vxor.u32 v19, v13  }
0x2a7: {  	v17 =	vadd.s32 v11, v17;
	v11 =	vor.u32 $0x80000000, v22;
	v13, _, _ =	vpop (xrf0);
	vm6 =	vge.u32 v16, v6  }
0x2a8: {  	v11 =	vxor.u32 v14, v11;
	v19 =	vadd.s32 v17, v21;
	v14, _, _ =	vpop (xrf0);
	v21 =	vmpcnt.ones.xlane vm6  }
0x2a9: {  	v22 =	vsel vm6, $0x1, v1;
	v24, _, _ =	vpop (xrf0)  }
0x2aa: {  	s4 =	simm.s32 $0x0;
	v21 =	vadd.s32 v19, v21;
	v25, _, _ =	vpop (xrf0);
	(xrf0) =	vadd.scan.msk.s32 $0xffff, v22  }
0x2ab: {  	v23 =	vmpcnt.ones.xlane vm3;
	v8 =	vor.u32 s4, v0  }
0x2ac: {  	v63 =	vmpcnt.ones.xlane vm0;
	vm1 =	vge.u32 v11, v6;
	v17 =	vadd.s32 v24, v17  }
0x2ad: {  	s29 =	simm.s32 $0x70;
	v22 =	vadd.s32 $0xFFFFFFFF, v17;
	v17 =	vadd.s32 v25, v21;
	v23 =	vadd.s32 v21, v23;
	v21, _, _ =	vpop (xrf0)  }
0x2ae: {  	s30 =	simm.s32 $0x0;
	s31 =	simm.s32 $0xF0;
	s0 =	simm.s32 $0xC0;
	[tilespmem:v18+s20+$0x0] =	vst.idx.msk vm2, v20;
	v20 =	vadd.s32 v23, v63;
	v21 =	vadd.s32 v21, v23;
	v23 =	vsel vm1, $0x1, v1  }
.LBB2_63:
0x2af: {  	s2 =	sadd.s32 $0xFFFFFF90, s31;
	v24 =	vld [tilespmem:s0+$0xFFFFFFC0];
	s30 =	sadd.s32 $0x8, s30;
	[tilespmem:v18+s21+$0x0] =	vst.idx.msk vm2, v8;
	v18 =	vadd.s32 $0xFFFFFFFF, v17;
	(xrf0) =	vadd.scan.msk.s32 $0xffff, v23;
	v17 =	vmovc v10;
	vm9 =	vmmov vm4  }
0x2b0: {  	vm8 =	vmmov vm7;
	v8 =	vor.u32 s2, v0;
	v10 =	vld [tilespmem:s0+$0x30];
	p0 =	slt.u32 s30, $0x7F8;
	s2 =	sadd.s32 $0xFFFFFFC0, s29;
	v23, _, _ =	vpop (xrf0)  }
0x2b1: {  	s3 =	sadd.s32 $0xFFFFFFA0, s29;
	v25 =	vld [tilespmem:s0+$0x20];
	v19 =	vadd.s32 v23, v19;
	v23 =	vor.u32 s2, v0;
	s2 =	sadd.s32 $0xFFFFFFE0, s29  }
0x2b2: {  	s4 =	sadd.s32 $0xFFFFFFD0, s29;
	v26 =	vld [tilespmem:s0+$0xFFFFFFF0];
	[tilespmem:v22+s20+$0x0] =	vst.idx.msk vm5, v15;
	v15 =	vor.u32 s3, v0;
	s3 =	sadd.s32 $0xFFFFFFB0, s29;
	v19 =	vadd.s32 $0xFFFFFFFF, v19;
	v27 =	vor.u32 s2, v0  }
0x2b3: {  	v28 =	vld [tilespmem:s0+$0xFFFFFFE0];
	[tilespmem:v22+s21+$0x0] =	vst.idx.msk vm5, v15;
	v15 =	vor.u32 s3, v0;
	v22 =	vor.u32 s4, v0  }
0x2b4: {  	v31 =	vmpcnt.ones.xlane vm8;
	v29 =	vshra.s32 v24, $0x1F;
	v30 =	vld [tilespmem:s0+$0x0];
	[tilespmem:v18+s20+$0x0] =	vst.idx.msk vm3, v12;
	v12 =	vmpcnt.ones.xlane vm9  }
0x2b5: {  	v29 =	vor.u32 $0x80000000, v29;
	v32 =	vld [tilespmem:s0+$0x10];
	[tilespmem:v18+s21+$0x0] =	vst.idx.msk vm3, v23;
	v18 =	vadd.s32 $0xFFFFFFFF, v21;
	v21 =	vmpcnt.ones.xlane vm1;
	v23, _, _ =	vpop (xrf0)  }
0x2b6: {  	v34 =	vshra.s32 v10, $0x1F;
	v33 =	vshra.s32 v25, $0x1F;
	v23 =	vadd.s32 v23, v20  }
0x2b7: {  	v24 =	vxor.u32 v24, v29;
	v29 =	vld [tilespmem:s0+$0xFFFFFFD0];
	v35 =	vshra.s32 v26, $0x1F;
	v33 =	vor.u32 $0x80000000, v33;
	[tilespmem:v19+s20+$0x0] =	vst.idx.msk vm6, v16  }
0x2b8: {  	vm2 =	vge.u32 v24, v6;
	v16 =	vadd.s32 v20, v21;
	v25 =	vxor.u32 v25, v33  }
0x2b9: {  	v20 =	vmpcnt.ones.xlane vm2;
	vm4 =	vge.u32 v25, v6;
	[tilespmem:v19+s21+$0x0] =	vst.idx.msk vm6, v15;
	v19 =	vadd.s32 v16, v12  }
0x2ba: {  	v12 =	vsel vm2, $0x1, v1;
	v15 =	vor.u32 $0x80000000, v34;
	v21 =	vshra.s32 v32, $0x1F;
	[tilespmem:v18+s20+$0x0] =	vst.idx.msk vm0, v9  }
0x2bb: {  	v9 =	vsel vm4, $0x1, v1;
	[tilespmem:v18+s21+$0x0] =	vst.idx.msk vm0, v22;
	v22 =	vadd.s32 $0xFFFFFFFF, v23;
	v23 =	vadd.s32 v19, v31  }
0x2bc: {  	v10 =	vxor.u32 v10, v15;
	v31 =	vor.u32 $0x80000000, v35;
	v18 =	vshra.s32 v29, $0x1F;
	(xrf0) =	vadd.scan.msk.s32 $0xffff, v12  }
0x2bd: {  	v13 =	vadd.s32 v13, v16;
	vm7 =	vge.u32 v10, v6;
	v12 =	vxor.u32 v26, v31;
	(xrf0) =	vadd.scan.msk.s32 $0xffff, v9  }
0x2be: {  	v16 =	vshra.s32 v30, $0x1F;
	v9 =	vor.u32 $0x80000000, v18;
	v18 =	vsel vm7, $0x1, v1  }
0x2bf: {  	vm3 =	vge.u32 v12, v6;
	v15 =	vxor.u32 v29, v9;
	v9 =	vor.u32 $0x80000000, v16  }
0x2c0: {  	v29 =	vshra.s32 v28, $0x1F;
	v26 =	vsel vm3, $0x1, v1;
	vm5 =	vge.u32 v15, v6;
	(xrf0) =	vadd.scan.msk.s32 $0xffff, v18  }
0x2c1: {  	v9 =	vxor.u32 v30, v9;
	v18 =	vsel vm5, $0x1, v1;
	[tilespmem:v22+s20+$0x0] =	vst.idx.msk vm1, v11;
	v11 =	vadd.s32 v14, v19  }
0x2c2: {  	vm0 =	vge.u32 v9, v6;
	v14 =	vor.u32 $0x80000000, v29;
	v29 =	vadd.s32 $0xFFFFFFFF, v13;
	v16, _, _ =	vpop (xrf0);
	(xrf0) =	vadd.scan.msk.s32 $0xffff, v18  }
0x2c3: {  	v19 =	vsel vm0, $0x1, v1;
	v16 =	vadd.s32 v16, v23;
	(xrf0) =	vadd.scan.msk.s32 $0xffff, v26;
	v13, _, _ =	vpop (xrf0);
	v26 =	vadd.s32 $0xFFFFFFFF, v11  }
0x2c4: {  	v11 =	vmpcnt.ones.xlane vm5;
	v18 =	vadd.s32 $0xFFFFFFFF, v16;
	v16 =	vxor.u32 v28, v14;
	(xrf0) =	vadd.scan.msk.s32 $0xffff, v19  }
0x2c5: {  	v20 =	vadd.s32 v23, v20;
	v23 =	vor.u32 $0x80000000, v21;
	vm6 =	vge.u32 v16, v6;
	[tilespmem:v22+s21+$0x0] =	vst.idx.msk vm1, v27  }
0x2c6: {  	v19 =	vadd.s32 v20, v11;
	v11 =	vxor.u32 v32, v23;
	v21 =	vsel vm6, $0x1, v1;
	v14, _, _ =	vpop (xrf0)  }
.Ltmp36:
0x2c7: {  	s2 =	sadd.s32 $0xFFFFFFF0, s29;
	v27 =	vor.u32 s29, v0;
	s29 =	smov.u32 s31;
	v22 =	vmpcnt.ones.xlane vm6;
	(xrf0) =	vadd.scan.msk.s32 $0xffff, v21;
	[tilespmem:v29+s20+$0x0] =	vst.idx.msk vm9, v7;
	v7 =	vmovc v25;
	(pc) =	sbr.rel @p0 .LBB2_63-.Ltmp36, $4  }
0x2c8: {  	v30 =	vmpcnt.ones.xlane vm3;
	vm1 =	vge.u32 v11, v6;
	v25 =	vor.u32 s2, v0;
	v23, _, _ =	vpop (xrf0);
	[tilespmem:v26+s20+$0x0] =	vst.idx.msk vm8, v17  }
0x2c9: {  	v17 =	vadd.s32 v23, v20;
	v20 =	vadd.s32 v19, v22;
	v23 =	vmpcnt.ones.xlane vm0;
	v28, _, _ =	vpop (xrf0);
	[tilespmem:v29+s21+$0x0] =	vst.idx.msk vm9, v25  }
0x2ca: {  	[tilespmem:v18+s20+$0x0] =	vst.idx.msk vm2, v24;
	v22 =	vadd.s32 $0xFFFFFFFF, v17;
	v17 =	vadd.s32 v28, v20;
	v20 =	vadd.s32 v20, v30;
	v21, _, _ =	vpop (xrf0)  }
0x2cb: {  	s0 =	sadd.s32 $0x80, s0;
	s31 =	sadd.s32 $0x80, s31;
	v21 =	vadd.s32 v21, v20;
	v20 =	vadd.s32 v20, v23;
	v23 =	vsel vm1, $0x1, v1;
	[tilespmem:v26+s21+$0x0] =	vst.idx.msk vm8, v27  }
0x2cc: {  	vm8 =	vmmov vm4;
	v24 =	vmpcnt.ones.xlane vm1  }
0x2cd: {  	vm15 =	vmmov vm7;
	v25 =	vmpcnt.ones.xlane vm8  }
0x2ce: {  	v26 =	vmpcnt.ones.xlane vm15;
	v24 =	vadd.s32 v20, v24  }
0x2cf: {  	v25 =	vadd.s32 v24, v25  }
0x2d0: {  	v26 =	vadd.s32 v25, v26  }
0x2d1: {  	(xrf0) =	vadd.scan.msk.s32 $0xffff, v23;
	v55 =	vxor.u32 $0x80000000, v26  }
0x2d2: {  	(xrf0) =	vmax.scan.msk.u32 $0xffff, v55;
	_ =	sdelay $0x3  }
0x2d3: {  	v56, _, _ =	vpop (xrf0)  }
0x2d4: {  	v57, _, _ =	vpop (xrf0)  }
0x2d5: {  	v27, _, _ =	vpop (xrf0)  }
0x2d6: {  	(v2sf) =	vpush v27, $0xF;
	_ =	sdelay $0x8  }
0x2d7: {  	v17 =	vadd.s32 $0xFFFFFFFF, v17  }
0x2d8: {  	v59 =	vadd.s32 $0xFFFFFFFF, v21  }
0x2d9: {  	[tilespmem:v18+s21+$0x0] =	vst.idx.msk vm2, v8;
	s0 =	sadd.s32 $0xFFFFFFA0, s29;
	v19 =	vadd.s32 v56, v19  }
0x2da: {  	[tilespmem:v22+s20+$0x0] =	vst.idx.msk vm5, v15;
	v58 =	vor.u32 s0, v0;
	v8 =	vadd.s32 $0xFFFFFFFF, v19  }
0x2db: {  	[tilespmem:v22+s21+$0x0] =	vst.idx.msk vm5, v58  }
0x2dc: {  	s2 =	sadd.s32 $0xFFFFFFC0, s29;
	v13 =	vadd.s32 v13, v24;
	[tilespmem:v17+s20+$0x0] =	vst.idx.msk vm3, v12  }
0x2dd: {  	s3 =	sadd.s32 $0xFFFFFFB0, s29;
	v60 =	vor.u32 s2, v0;
	v13 =	vadd.s32 $0xFFFFFFFF, v13;
	[tilespmem:v59+s20+$0x0] =	vst.idx.msk vm0, v9;
	s2 =	spop (v2sf)  }
0x2de: {  	v62 =	vor.u32 s3, v0;
	[tilespmem:v17+s21+$0x0] =	vst.idx.msk vm3, v60;
	v61 =	vadd.s32 v57, v20;
	s3 =	sadd.s32 $0x8000000F, s2  }
0x2df: {  	s4 =	sadd.s32 $0xFFFFFFD0, s29;
	s30 =	sadd.s32 $0xFFFFFFE0, s29;
	v12 =	vadd.s32 $0xFFFFFFFF, v61;
	[tilespmem:v8+s20+$0x0] =	vst.idx.msk vm6, v16;
	s31 =	sand.u32 $0xF, s3  }
0x2e0: {  	v63 =	vor.u32 s4, v0;
	[tilespmem:v8+s21+$0x0] =	vst.idx.msk vm6, v62;
	v8 =	vadd.s32 v14, v25;
	s4 =	sshra.s32 s3, $0x1F;
	p0 =	slt.s32 s3, $0x1;
	p1 =	sne.s32 s31, $0x0  }
0x2e1: {  	v9 =	vor.u32 s30, v0;
	s30 =	sadd.s32 $0xFFFFFFF0, s29;
	[tilespmem:v59+s21+$0x0] =	vst.idx.msk vm0, v63;
	v8 =	vadd.s32 $0xFFFFFFFF, v8;
	s4 =	sshrl.u32 s4, $0x1C;
	p0 =	por !p0, !p1  }
0x2e2: {  	[tilespmem:v13+s20+$0x0] =	vst.idx.msk vm8, v7;
	v7 =	vor.u32 s30, v0;
	s31 =	sadd.s32 s4, s3;
	s3 =	simm.s32 $0x1;
	p0 =	por !p0, !p0  }
0x2e3: {  	[tilespmem:v13+s21+$0x0] =	vst.idx.msk vm8, v7;
	s0 =	sshra.s32 s31, $0x4;
	s3 =	simm.s32 @!p0 $0x0  }
0x2e4: {  	[tilespmem:v12+s20+$0x0] =	vst.idx.msk vm1, v11;
	s0 =	ssub.s32 s0, s3  }
0x2e5: {  	[tilespmem:v12+s21+$0x0] =	vst.idx.msk vm1, v9;
	p1 =	slt.s32 s0, $0x1  }
.Ltmp37:
0x2e6: {  	v9 =	vor.u32 s29, v0;
	[tilespmem:v8+s20+$0x0] =	vst.idx.msk vm15, v10;
	(pc) =	sbr.rel @p1 .LBB2_71-.Ltmp37, $4  }
0x2e7: {  	[tilespmem:v8+s21+$0x0] =	vst.idx.msk vm15, v9  }
0x2e8: {  	[tilespmem:s1], [sflag:$0x1] =	stream.strided.gather [hbm4b:s7+s16], $0x8000, s17, s16, $0x38;
	[tilespmem:$0x18A80] =	vst v63  }
0x2e9: {  	s2 =	sxor.u32 $0x80000000, s2  }
0x2ea: {  	v8 =	vmov s2;
	p0 =	sne.s32 s0, $0x1  }
.Ltmp38:
0x2eb: {  	(pc) =	sbr.rel @!p0 .LBB2_66-.Ltmp38, $3  }
0x2ec: {  	_ =	sdelay $0x1  }
0x2ed: {  	s2 =	simm.s32 $0x8000  }
0x2ee: {  	s29 =	simm.s32 $0x0;
	p2 =	por $0x0, $0x0;
	v7 =	vld [tilespmem:s2+$0x0];
	s2 =	sadd.s32 $0xFFFFFFFF, s0  }
0x2ef: {  	_ =	sdelay $0x3  }
0x2f0: {  	v7 =	vsub.s32 v7, v6  }
0x2f1: {  	v9 =	vor.u32 s29, v0;
	v7 =	vmin.u32 v7, $0x200000  }
0x2f2: {  	vm0 =	vlt.s32 v9, v8;
	v7 =	vshrl.u32 v7, $0xA  }
0x2f3: {  	v7 =	vmin.u32 v7, $0x7FF  }
0x2f4: {  	p3 =	sne.s32 s2, $0x1  }
.Ltmp39:
0x2f5: {  	_ = 	snop;
	(pc) =	sbr.rel @!p3 .LBB2_68-.Ltmp39, $3  }
0x2f6: {  	_ =	sdelay $0x1  }
0x2f7: {  	s30 =	simm.s32 $0x8010;
	[tilespmem:v7+s19+$0x0] =	vst.idx.add.s32.msk vm0, v2  }
0x2f8: {  	s31 =	sadd.s32 $0xFFFFFFFF, s2;
	p2 =	por $0x1, $0x1;
	s2 =	simm.s32 $0x0;
	v7 =	vld [tilespmem:s30+$0x0]  }
.LBB2_69:
0x2f9: {  	p3 =	sne.s32 s31, $0x1;
	_ =	sdelay $0x3  }
0x2fa: {  	s2 =	sadd.s32 $0x10, s2;
	v7 =	vsub.s32 v7, v6  }
0x2fb: {  	v9 =	vor.u32 s2, v0;
	v7 =	vmin.u32 v7, $0x200000  }
0x2fc: {  	vm0 =	vlt.s32 v9, v8;
	v7 =	vshrl.u32 v7, $0xA  }
0x2fd: {  	v7 =	vmin.u32 v7, $0x7FF;
	_ =	sdelay $0x1  }
.Ltmp40:
0x2fe: {  	(pc) =	sbr.rel @p3 .LBB2_69-.Ltmp40, $3  }
0x2ff: {  	_ =	sdelay $0x1  }
0x300: {  	s30 =	sadd.s32 $0x10, s30;
	[tilespmem:v7+s19+$0x0] =	vst.idx.add.s32.msk vm0, v2  }
0x301: {  	s31 =	sadd.s32 $0xFFFFFFFF, s31;
	v7 =	vld [tilespmem:s30+$0x0]  }
.LBB2_70:
0x302: {  	_ =	sdelay $0x2  }
0x303: {  	s2 =	sadd.s32 @p2 $0x10, s2  }
0x304: {  	s29 =	smov.u32 @p2 s2;
	v7 =	vsub.s32 v7, v6  }
0x305: {  	v9 =	vor.u32 s29, v0;
	v7 =	vmin.u32 v7, $0x200000  }
0x306: {  	vm0 =	vlt.s32 v9, v8;
	v7 =	vshrl.u32 v7, $0xA  }
0x307: {  	v7 =	vmin.u32 v7, $0x7FF;
	_ =	sdelay $0x4  }
0x308: {  	[tilespmem:v7+s19+$0x0] =	vst.idx.add.s32.msk vm0, v2  }
.LBB2_71:
0x309: {  	s29 =	simm.s32 $0x0;
	s2 =	simm.s32 $0xFFBFF811;
	s30 =	simm.s32 $0x187F0  }
.LBB2_72:
0x30a: {  	v7 =	vld [tilespmem:s30+$0x0];
	_ =	sdelay $0x4  }
0x30b: {  	v9 =	vperm.xlane v7, v3;
	_ =	sdelay $0x1  }
0x30c: {  	(xrf0) =	vadd.scan.msk.s32 $0xffff, v9;
	_ =	sdelay $0x5  }
0x30d: {  	v9, _, _ =	vpop (xrf0)  }
0x30e: {  	v9 =	vadd.s32 s29, v9  }
0x30f: {  	vm0 =	vgt.s32 v9, $0x3F  }
0x310: {  	v9 =	vsel vm0, $0x1, v1  }
0x311: {  	(xrf0) =	vadd.scan.msk.s32 $0xffff, v9;
	_ =	sdelay $0x5  }
0x312: {  	v9, _, _ =	vpop (xrf0)  }
0x313: {  	(v2sf) =	vpush v9, $0xF;
	_ =	sdelay $0xe  }
0x314: {  	s31 =	spop (v2sf)  }
0x315: {  	p2 =	slt.s32 s31, $0x1  }
.Ltmp41:
0x316: {  	_ = 	snop;
	(pc) =	sbr.rel @!p2 .LBB2_73-.Ltmp41, $1  }
0x317: {  	_ =	sdelay $0x3  }
0x318: {  	(xrf0) =	vadd.scan.msk.s32 $0xffff, v7;
	_ =	sdelay $0x5  }
0x319: {  	v7, _, _ =	vpop (xrf0)  }
0x31a: {  	(v2sf) =	vpush v7, $0xF;
	_ =	sdelay $0x9  }
0x31b: {  	s2 =	sadd.s32 $0x10, s2  }
0x31c: {  	p2 =	sne.s32 s2, $0xFFC00011  }
.Ltmp42:
0x31d: {  	_ = 	snop;
	(pc) =	sbr.rel @p2 .LBB2_72-.Ltmp42, $3  }
0x31e: {  	_ =	sdelay $0x1  }
0x31f: {  	s3 =	spop (v2sf)  }
0x320: {  	s30 =	sadd.s32 $0xFFFFFFF0, s30;
	s29 =	sadd.s32 s29, s3  }
.Ltmp43:
0x321: {  	(pc) =	sbr.rel .LBB2_76-.Ltmp43, $2  }
0x322: {  	_ =	sdelay $0x2  }
0x323: {  	s2 =	simm.s32 $0x0  }
.LBB2_73:
0x324: {  	s2 =	ssub.s32 s31, s2  }
0x325: {  	s2 =	sshll.u32 s2, $0xA  }
.LBB2_76:
0x326: {  	s29 =	simm.s32 $0x18020  }
0x327: {  	[tilespmem:s29+$0xFFFFFFE0] =	vst v1  }
0x328: {  	[tilespmem:s29+$0x10] =	vst v1  }
0x329: {  	s30 =	simm.s32 $0x0;
	[tilespmem:s29+$0x0] =	vst v1  }
.LBB2_77:
0x32a: {  	s30 =	sadd.s32 $0x4, s30  }
0x32b: {  	[tilespmem:s29+$0xFFFFFFF0] =	vst v1;
	s29 =	sadd.s32 $0x40, s29;
	p2 =	slt.u32 s30, $0x7C  }
.Ltmp44:
0x32c: {  	[tilespmem:s29+$0xFFFFFFE0] =	vst v1;
	(pc) =	sbr.rel @p2 .LBB2_77-.Ltmp44, $3  }
0x32d: {  	_ =	sdelay $0x1  }
0x32e: {  	[tilespmem:s29+$0x10] =	vst v1  }
0x32f: {  	[tilespmem:s29+$0x0] =	vst v1  }
.Ltmp45:
0x330: {  	(pc) =	sbr.rel @p1 .LBB2_79-.Ltmp45, $3  }
0x331: {  	_ =	sdelay $0x1  }
0x332: {  	[tilespmem:s29+$0xFFFFFFF0] =	vst v1  }
0x333: {  	v7 =	vmov s2;
	[tilespmem:$0x18800] =	vst v1  }
0x334: {  	s29 =	simm.s32 $0x8000  }
0x335: {  	v9 =	vld [tilespmem:s29+$0x0];
	_ =	sdelay $0x4  }
0x336: {  	s30 =	simm.s32 $0x0;
	v10 =	vsub.s32 v9, v6  }
0x337: {  	v11 =	vor.u32 s30, v0;
	v10 =	vmin.u32 v10, $0x200000  }
0x338: {  	vm0 =	vlt.s32 v11, v8;
	vm1 =	vge.u32 v10, v7  }
0x339: {  	vm0 =	vmand vm0, vm1  }
0x33a: {  	v10 =	vsel vm0, $0x1, v1  }
0x33b: {  	(xrf0) =	vadd.scan.msk.s32 $0xffff, v10;
	_ =	sdelay $0x5  }
0x33c: {  	v11 =	vimm.s32 $0x0;
	v10, _, _ =	vpop (xrf0)  }
0x33d: {  	v10 =	vadd.s32 v10, v11  }
0x33e: {  	v10 =	vadd.s32 $0xFFFFFFFF, v10;
	_ =	sdelay $0x1  }
.Ltmp46:
0x33f: {  	_ = 	snop;
	(pc) =	sbr.rel @!p0 .LBB2_82-.Ltmp46, $4  }
0x340: {  	_ = 	snop  }
0x341: {  	v12 =	vmpcnt.ones.xlane vm0  }
0x342: {  	s31 =	simm.s32 $0x10000;
	[tilespmem:v10+s20+$0x0] =	vst.idx.msk vm0, v9  }
0x343: {  	s0 =	sadd.s32 $0xFFFFFFFF, s0;
	v9 =	vadd.s32 v11, v12;
	v11 =	vld [tilespmem:s31+$0x0]  }
.LBB2_81:
0x344: {  	_ =	sdelay $0x3  }
0x345: {  	s29 =	sadd.s32 $0x10, s29;
	s31 =	sadd.s32 $0x10, s31;
	s30 =	sadd.s32 $0x10, s30;
	[tilespmem:v10+s21+$0x0] =	vst.idx.msk vm0, v11;
	v10 =	vmov v9  }
0x346: {  	p0 =	sne.s32 s0, $0x1;
	s0 =	sadd.s32 $0xFFFFFFFF, s0;
	v11 =	vld [tilespmem:s29+$0x0];
	_ =	sdelay $0x4  }
0x347: {  	v12 =	vsub.s32 v11, v6  }
0x348: {  	v13 =	vor.u32 s30, v0;
	v12 =	vmin.u32 v12, $0x200000  }
0x349: {  	vm0 =	vlt.s32 v13, v8;
	vm1 =	vge.u32 v12, v7  }
0x34a: {  	vm0 =	vmand vm0, vm1  }
0x34b: {  	v12 =	vsel vm0, $0x1, v1;
	v13 =	vmpcnt.ones.xlane vm0  }
0x34c: {  	(xrf0) =	vadd.scan.msk.s32 $0xffff, v12  }
0x34d: {  	v9 =	vadd.s32 v9, v13;
	_ =	sdelay $0x4  }
0x34e: {  	v12, _, _ =	vpop (xrf0)  }
0x34f: {  	v10 =	vadd.s32 v12, v10  }
0x350: {  	v10 =	vadd.s32 $0xFFFFFFFF, v10;
	_ =	sdelay $0x1  }
.Ltmp47:
0x351: {  	(pc) =	sbr.rel @p0 .LBB2_81-.Ltmp47, $3  }
0x352: {  	_ =	sdelay $0x1  }
0x353: {  	[tilespmem:v10+s20+$0x0] =	vst.idx.msk vm0, v11  }
0x354: {  	v11 =	vld [tilespmem:s31+$0x0]  }
.LBB2_82:
0x355: {  	_ = 	snop  }
.Ltmp48:
0x356: {  	_ = 	snop;
	(pc) =	sbr.rel .LBB2_83-.Ltmp48, $2  }
0x357: {  	_ =	sdelay $0x2  }
0x358: {  	v8 =	vxor.u32 $0x80000000, v9;
	[tilespmem:v10+s21+$0x0] =	vst.idx.msk vm0, v11  }
.LBB2_79:
0x359: {  	v8 =	vimm.s32 $0x80000000  }
.LBB2_83:
0x35a: {  	(xrf0) =	vmax.scan.msk.u32 $0xffff, v8;
	_ =	sdelay $0x5  }
0x35b: {  	v8, _, _ =	vpop (xrf0)  }
0x35c: {  	(v2sf) =	vpush v8, $0xF;
	_ =	sdelay $0xe  }
0x35d: {  	s0 =	spop (v2sf)  }
0x35e: {  	s2 =	sadd.s32 $0x8000000F, s0  }
0x35f: {  	s3 =	sand.u32 $0xF, s2  }
0x360: {  	s31 =	sshra.s32 s2, $0x1F;
	p1 =	slt.s32 s2, $0x1;
	p0 =	sne.s32 s3, $0x0  }
0x361: {  	s3 =	sshrl.u32 s31, $0x1C;
	p0 =	por !p1, !p0  }
0x362: {  	s2 =	sadd.s32 s3, s2;
	s3 =	simm.s32 $0x1;
	p0 =	por !p0, !p0  }
0x363: {  	s2 =	sshra.s32 s2, $0x4;
	s3 =	simm.s32 @!p0 $0x0  }
0x364: {  	s29 =	ssub.s32 s2, s3  }
0x365: {  	p1 =	slt.s32 s29, $0x1  }
.Ltmp49:
0x366: {  	_ = 	snop;
	(pc) =	sbr.rel @p1 .LBB2_90-.Ltmp49, $3  }
0x367: {  	_ =	sdelay $0x1  }
0x368: {  	s0 =	sxor.u32 $0x80000000, s0  }
0x369: {  	v8 =	vmov s0;
	p0 =	sne.s32 s29, $0x1  }
.Ltmp50:
0x36a: {  	(pc) =	sbr.rel @!p0 .LBB2_85-.Ltmp50, $3  }
0x36b: {  	_ =	sdelay $0x1  }
0x36c: {  	s2 =	simm.s32 $0x8000  }
0x36d: {  	s0 =	simm.s32 $0x0;
	p2 =	por $0x0, $0x0;
	v9 =	vld [tilespmem:s2+$0x0];
	s2 =	sadd.s32 $0xFFFFFFFF, s29  }
0x36e: {  	_ =	sdelay $0x3  }
0x36f: {  	v9 =	vsub.s32 v9, v6  }
0x370: {  	v10 =	vor.u32 s0, v0;
	v9 =	vmin.u32 v9, $0x200000  }
0x371: {  	vm0 =	vlt.s32 v10, v8;
	v9 =	vsub.s32 v9, v7  }
0x372: {  	v9 =	vmin.u32 v9, $0x400  }
0x373: {  	p3 =	sne.s32 s2, $0x1  }
.Ltmp51:
0x374: {  	_ = 	snop;
	(pc) =	sbr.rel @!p3 .LBB2_87-.Ltmp51, $3  }
0x375: {  	_ =	sdelay $0x1  }
0x376: {  	s30 =	simm.s32 $0x8010;
	[tilespmem:v9+s19+$0x0] =	vst.idx.add.s32.msk vm0, v2  }
0x377: {  	s31 =	sadd.s32 $0xFFFFFFFF, s2;
	p2 =	por $0x1, $0x1;
	s2 =	simm.s32 $0x0;
	v9 =	vld [tilespmem:s30+$0x0]  }
.LBB2_88:
0x378: {  	p3 =	sne.s32 s31, $0x1;
	_ =	sdelay $0x3  }
0x379: {  	s2 =	sadd.s32 $0x10, s2;
	v9 =	vsub.s32 v9, v6  }
0x37a: {  	v10 =	vor.u32 s2, v0;
	v9 =	vmin.u32 v9, $0x200000  }
0x37b: {  	vm0 =	vlt.s32 v10, v8;
	v9 =	vsub.s32 v9, v7  }
0x37c: {  	v9 =	vmin.u32 v9, $0x400;
	_ =	sdelay $0x1  }
.Ltmp52:
0x37d: {  	(pc) =	sbr.rel @p3 .LBB2_88-.Ltmp52, $3  }
0x37e: {  	_ =	sdelay $0x1  }
0x37f: {  	s30 =	sadd.s32 $0x10, s30;
	[tilespmem:v9+s19+$0x0] =	vst.idx.add.s32.msk vm0, v2  }
0x380: {  	s31 =	sadd.s32 $0xFFFFFFFF, s31;
	v9 =	vld [tilespmem:s30+$0x0]  }
.LBB2_89:
0x381: {  	_ =	sdelay $0x2  }
0x382: {  	s2 =	sadd.s32 @p2 $0x10, s2  }
0x383: {  	s0 =	smov.u32 @p2 s2;
	v9 =	vsub.s32 v9, v6  }
0x384: {  	v10 =	vor.u32 s0, v0;
	v9 =	vmin.u32 v9, $0x200000  }
0x385: {  	vm0 =	vlt.s32 v10, v8;
	v9 =	vsub.s32 v9, v7  }
0x386: {  	v9 =	vmin.u32 v9, $0x400;
	_ =	sdelay $0x4  }
0x387: {  	[tilespmem:v9+s19+$0x0] =	vst.idx.add.s32.msk vm0, v2  }
.LBB2_90:
0x388: {  	s30 =	simm.s32 $0x0;
	s0 =	simm.s32 $0x40F;
	s2 =	simm.s32 $0x18410  }
.LBB2_91:
0x389: {  	v10 =	vld [tilespmem:s2+$0x0];
	_ =	sdelay $0x4  }
0x38a: {  	v9 =	vperm.xlane v10, v3;
	_ =	sdelay $0x1  }
0x38b: {  	(xrf0) =	vadd.scan.msk.s32 $0xffff, v9;
	_ =	sdelay $0x5  }
0x38c: {  	v11, _, _ =	vpop (xrf0)  }
0x38d: {  	v12 =	vadd.s32 s30, v11  }
0x38e: {  	vm0 =	vgt.s32 v12, $0x3F  }
0x38f: {  	v12 =	vsel vm0, $0x1, v1  }
0x390: {  	(xrf0) =	vadd.scan.msk.s32 $0xffff, v12;
	_ =	sdelay $0x5  }
0x391: {  	v12, _, _ =	vpop (xrf0)  }
0x392: {  	(v2sf) =	vpush v12, $0xF;
	_ =	sdelay $0xe  }
0x393: {  	s31 =	spop (v2sf)  }
0x394: {  	p2 =	slt.s32 s31, $0x1  }
.Ltmp53:
0x395: {  	_ = 	snop;
	(pc) =	sbr.rel @!p2 .LBB2_92-.Ltmp53, $1  }
0x396: {  	_ =	sdelay $0x3  }
0x397: {  	(xrf0) =	vadd.scan.msk.s32 $0xffff, v10;
	_ =	sdelay $0x5  }
0x398: {  	v9, _, _ =	vpop (xrf0)  }
0x399: {  	(v2sf) =	vpush v9, $0xF;
	_ =	sdelay $0x9  }
0x39a: {  	s0 =	sadd.s32 $0xFFFFFFF0, s0  }
0x39b: {  	p2 =	sne.s32 s0, $0xFFFFFFEF  }
.Ltmp54:
0x39c: {  	_ = 	snop;
	(pc) =	sbr.rel @p2 .LBB2_91-.Ltmp54, $3  }
0x39d: {  	_ =	sdelay $0x1  }
0x39e: {  	s3 =	spop (v2sf)  }
0x39f: {  	s2 =	sadd.s32 $0xFFFFFFF0, s2;
	s30 =	sadd.s32 s30, s3  }
.Ltmp55:
0x3a0: {  	(pc) =	sbr.rel .LBB2_95-.Ltmp55, $2  }
0x3a1: {  	_ =	sdelay $0x2  }
0x3a2: {  	s2 =	simm.s32 $0x0;
	s31 =	simm.s32 $0x40  }
.LBB2_92:
0x3a3: {  	s2 =	ssub.s32 $0x10, s31  }
0x3a4: {  	v10 =	vmov s2  }
0x3a5: {  	vm0 =	veq.s32 v10, v0  }
0x3a6: {  	v10 =	vnsel vm0, $0x0, v11  }
0x3a7: {  	v9 =	vnsel vm0, $0x0, v9;
	(xrf0) =	vadd.scan.msk.s32 $0xffff, v10  }
0x3a8: {  	(xrf0) =	vadd.scan.msk.s32 $0xffff, v9;
	_ =	sdelay $0x4  }
0x3a9: {  	v9, _, _ =	vpop (xrf0)  }
0x3aa: {  	(v2sf) =	vpush v9, $0xF;
	v9, _, _ =	vpop (xrf0)  }
0x3ab: {  	(v2sf) =	vpush v9, $0xF;
	_ =	sdelay $0xd  }
0x3ac: {  	s4 =	spop (v2sf)  }
0x3ad: {  	s3 =	spop (v2sf);
	s2 =	sadd.s32 s30, s4  }
0x3ae: {  	s3 =	ssub.s32 s3, s2  }
0x3af: {  	s2 =	sadd.s32 s0, s31;
	s31 =	sadd.s32 $0x40, s3  }
.LBB2_95:
0x3b0: {  	s0 =	simm.s32 $0x18020  }
0x3b1: {  	[tilespmem:s0+$0xFFFFFFE0] =	vst v1  }
0x3b2: {  	[tilespmem:s0+$0x10] =	vst v1  }
0x3b3: {  	s30 =	simm.s32 $0x0;
	[tilespmem:s0+$0x0] =	vst v1  }
.LBB2_96:
0x3b4: {  	s30 =	sadd.s32 $0x4, s30  }
0x3b5: {  	[tilespmem:s0+$0xFFFFFFF0] =	vst v1;
	s0 =	sadd.s32 $0x40, s0;
	p2 =	slt.u32 s30, $0x7C  }
.Ltmp56:
0x3b6: {  	[tilespmem:s0+$0xFFFFFFE0] =	vst v1;
	(pc) =	sbr.rel @p2 .LBB2_96-.Ltmp56, $3  }
0x3b7: {  	_ =	sdelay $0x1  }
0x3b8: {  	[tilespmem:s0+$0x10] =	vst v1  }
0x3b9: {  	[tilespmem:s0+$0x0] =	vst v1  }
.Ltmp57:
0x3ba: {  	(pc) =	sbr.rel @p1 .LBB2_101-.Ltmp57, $3  }
0x3bb: {  	_ =	sdelay $0x1  }
0x3bc: {  	[tilespmem:s0+$0xFFFFFFF0] =	vst v1  }
0x3bd: {  	[tilespmem:$0x18800] =	vst v1  }
0x3be: {  	s0 =	simm.s32 $0x8000  }
0x3bf: {  	v11 =	vld [tilespmem:s0+$0x0];
	_ =	sdelay $0x4  }
0x3c0: {  	v9 =	vsub.s32 v11, v6  }
0x3c1: {  	v9 =	vmin.u32 v9, $0x200000  }
0x3c2: {  	s30 =	simm.s32 $0x0;
	v10 =	vsub.s32 v9, v7  }
0x3c3: {  	v12 =	vor.u32 s30, v0;
	v9 =	vmov s2;
	v13 =	vmin.u32 v10, $0x400  }
0x3c4: {  	vm0 =	vlt.s32 v12, v8;
	vm1 =	veq.s32 v13, v9  }
0x3c5: {  	vm1 =	vmand vm0, vm1  }
0x3c6: {  	v10 =	vsel vm1, $0x1, v1  }
0x3c7: {  	(xrf0) =	vadd.scan.msk.s32 $0xffff, v10;
	_ =	sdelay $0x5  }
0x3c8: {  	v12 =	vimm.s32 $0x0;
	v14, _, _ =	vpop (xrf0)  }
0x3c9: {  	v10 =	vmov s31;
	v14 =	vadd.s32 v12, v14  }
0x3ca: {  	vm2 =	vgt.u32 v13, v9;
	vm3 =	vle.s32 v14, v10  }
0x3cb: {  	vm0 =	vmand vm0, vm2;
	vm2 =	vmand vm1, vm3  }
0x3cc: {  	vm0 =	vmor vm0, vm2  }
0x3cd: {  	v13 =	vsel vm0, $0x1, v1  }
0x3ce: {  	(xrf0) =	vadd.scan.msk.s32 $0xffff, v13;
	_ =	sdelay $0x5  }
0x3cf: {  	v13, _, _ =	vpop (xrf0)  }
0x3d0: {  	v13 =	vadd.s32 v13, v12  }
0x3d1: {  	v13 =	vadd.s32 $0xFFFFFFFF, v13;
	_ =	sdelay $0x1  }
.Ltmp58:
0x3d2: {  	_ = 	snop;
	(pc) =	sbr.rel @!p0 .LBB2_100-.Ltmp58, $4  }
0x3d3: {  	_ = 	snop  }
0x3d4: {  	v14 =	vmpcnt.ones.xlane vm1;
	v15 =	vmpcnt.ones.xlane vm0  }
0x3d5: {  	s31 =	simm.s32 $0x10000;
	[tilespmem:v13+s22+$0x0] =	vst.idx.msk vm0, v11  }
0x3d6: {  	s29 =	sadd.s32 $0xFFFFFFFF, s29;
	v11 =	vadd.s32 v12, v14;
	v12 =	vadd.s32 v12, v15;
	v14 =	vld [tilespmem:s31+$0x0]  }
.LBB2_99:
0x3d7: {  	_ =	sdelay $0x3  }
0x3d8: {  	s0 =	sadd.s32 $0x10, s0;
	s31 =	sadd.s32 $0x10, s31;
	s30 =	sadd.s32 $0x10, s30;
	[tilespmem:v13+s23+$0x0] =	vst.idx.msk vm0, v14;
	v13 =	vmov v11;
	v14 =	vmov v12  }
0x3d9: {  	p0 =	sne.s32 s29, $0x1;
	s29 =	sadd.s32 $0xFFFFFFFF, s29;
	v15 =	vld [tilespmem:s0+$0x0];
	_ =	sdelay $0x4  }
0x3da: {  	v16 =	vsub.s32 v15, v6  }
0x3db: {  	v16 =	vmin.u32 v16, $0x200000  }
0x3dc: {  	v16 =	vsub.s32 v16, v7  }
0x3dd: {  	v17 =	vor.u32 s30, v0;
	v16 =	vmin.u32 v16, $0x400  }
0x3de: {  	vm0 =	vlt.s32 v17, v8;
	vm1 =	vgt.u32 v16, v9;
	vm2 =	veq.s32 v16, v9  }
0x3df: {  	vm1 =	vmand vm0, vm1;
	vm0 =	vmand vm0, vm2  }
0x3e0: {  	v16 =	vsel vm0, $0x1, v1;
	v17 =	vmpcnt.ones.xlane vm0  }
0x3e1: {  	(xrf0) =	vadd.scan.msk.s32 $0xffff, v16  }
0x3e2: {  	v11 =	vadd.s32 v11, v17;
	_ =	sdelay $0x4  }
0x3e3: {  	v16, _, _ =	vpop (xrf0)  }
0x3e4: {  	v13 =	vadd.s32 v13, v16  }
0x3e5: {  	vm2 =	vle.s32 v13, v10  }
0x3e6: {  	vm0 =	vmand vm0, vm2  }
0x3e7: {  	vm0 =	vmor vm1, vm0  }
0x3e8: {  	v13 =	vsel vm0, $0x1, v1;
	v16 =	vmpcnt.ones.xlane vm0  }
0x3e9: {  	(xrf0) =	vadd.scan.msk.s32 $0xffff, v13  }
0x3ea: {  	v12 =	vadd.s32 v12, v16;
	_ =	sdelay $0x4  }
0x3eb: {  	v13, _, _ =	vpop (xrf0)  }
0x3ec: {  	v13 =	vadd.s32 v13, v14  }
0x3ed: {  	v13 =	vadd.s32 $0xFFFFFFFF, v13;
	_ =	sdelay $0x1  }
.Ltmp59:
0x3ee: {  	(pc) =	sbr.rel @p0 .LBB2_99-.Ltmp59, $3  }
0x3ef: {  	_ =	sdelay $0x1  }
0x3f0: {  	[tilespmem:v13+s22+$0x0] =	vst.idx.msk vm0, v15  }
0x3f1: {  	v14 =	vld [tilespmem:s31+$0x0]  }
.LBB2_100:
0x3f2: {  	_ =	sdelay $0x4  }
0x3f3: {  	[tilespmem:v13+s23+$0x0] =	vst.idx.msk vm0, v14  }
.LBB2_101:
0x3f4: {  	_ =	swait.ge [sflag:s26], $0x80  }
0x3f5: {  	[sflag:s26] =	ssyncset.done $0x0  }
0x3f6: {  	[sflag:s26] =	ssyncadd.s32 $0xFFFFFF80  }
0x3f7: {  	_ =	swait.ge [sflag:s26], $0x80  }
0x3f8: {  	[sflag:s26] =	ssyncset.done $0x0  }
0x3f9: {  	[sflag:s26] =	ssyncadd.s32 $0xFFFFFF80  }
0x3fa: {  	v8 =	vld [tilespmem:$0x18880]  }
0x3fb: {  	v12 =	vld [tilespmem:$0x18890]  }
0x3fc: {  	v13 =	vld [tilespmem:$0x188A0]  }
0x3fd: {  	v11 =	vld [tilespmem:$0x188B0];
	_ =	sdelay $0x4  }
0x3fe: {  	v6 =	vmax.u32 v8, v12;
	v7 =	vmax.u32 v13, v11  }
0x3ff: {  	v6 =	vmax.u32 v6, v7  }
0x400: {  	(xrf0) =	vmax.scan.msk.u32 $0xffff, v6;
	_ =	sdelay $0x2  }
0x401: {  	v10 =	vld [tilespmem:$0x18930]  }
0x402: {  	v9 =	vld [tilespmem:$0x18920]  }
0x403: {  	v7 =	vld [tilespmem:$0x18910]  }
0x404: {  	v6 =	vld [tilespmem:$0x18900];
	v14, _, _ =	vpop (xrf0)  }
0x405: {  	v14 =	vperm.xlane v14, v4;
	_ =	sdelay $0x1  }
0x406: {  	vm0 =	veq.s32 v12, v14;
	vm1 =	veq.s32 v11, v14  }
0x407: {  	v15 =	vnsel vm0, $0x7FFFFFFF, v7;
	v16 =	vnsel vm1, $0x7FFFFFFF, v10  }
0x408: {  	vm13 =	veq.s32 v13, v14;
	vm14 =	vlt.s32 v6, v15;
	vm2 =	vlt.s32 v9, v16  }
0x409: {  	vm3 =	veq.s32 v8, v14;
	v17 =	vsel vm14, v6, v15;
	v18 =	vsel vm2, v9, v16  }
0x40a: {  	v15 =	vsel vm3, v17, v15;
	v16 =	vsel vm13, v18, v16  }
0x40b: {  	vm0 =	vlt.s32 v15, v16  }
0x40c: {  	v15 =	vsel vm0, v15, v16  }
0x40d: {  	v15 =	vsub.s32 $0x80000000, v15  }
0x40e: {  	(xrf0) =	vmax.scan.msk.u32 $0xffff, v15;
	_ =	sdelay $0x5  }
0x40f: {  	s2 =	simm.s32 $0x0;
	v15, _, _ =	vpop (xrf0)  }
0x410: {  	v17 =	vxor.u32 $0x80000000, v15;
	v15 =	vmov s2  }
0x411: {  	vm15 =	vgt.s32 v14, $0xFFFFFFFF  }
0x412: {  	v16 =	vsel vm15, $0xFFFFFFFF, v5  }
0x413: {  	s29 =	simm.s32 $0x1;
	s0 =	simm.s32 $0x2;
	s30 =	simm.s32 $0x3;
	v14 =	vxor.u32 v14, v16;
	v16 =	vperm.xlane v17, v4  }
.LBB2_102:
0x414: {  	p0 =	sne.s32 s30, $0x3F;
	s31 =	smov.u32 s30;
	s30 =	sadd.s32 $0x1, s30  }
0x415: {  	v16 =	vsub.s32 $0x0, v16;
	[tilespmem:v15+s24+$0x0] =	vst.idx.msk $0x1, v14  }
0x416: {  	vm0 =	veq.s32 v7, v16;
	vm1 =	veq.s32 v9, v16;
	vm2 =	veq.s32 v10, v16  }
0x417: {  	vm3 =	veq.s32 v6, v16;
	[tilespmem:v15+s25+$0x0] =	vst.idx.msk $0x1, v16;
	v12 =	vsel vm0, $0x0, v12;
	v13 =	vsel vm1, $0x0, v13  }
0x418: {  	v8 =	vsel vm3, $0x0, v8;
	v11 =	vsel vm2, $0x0, v11;
	v10 =	vsel vm2, $0x7FFFFFFF, v10  }
0x419: {  	v9 =	vsel vm1, $0x7FFFFFFF, v9;
	v14 =	vmax.u32 v8, v12;
	v15 =	vmax.u32 v13, v11  }
0x41a: {  	v6 =	vsel vm3, $0x7FFFFFFF, v6;
	v7 =	vsel vm0, $0x7FFFFFFF, v7;
	v14 =	vmax.u32 v14, v15  }
0x41b: {  	(xrf0) =	vmax.scan.msk.u32 $0xffff, v14;
	_ =	sdelay $0x5  }
0x41c: {  	v14, _, _ =	vpop (xrf0)  }
0x41d: {  	v14 =	vperm.xlane v14, v4;
	_ =	sdelay $0x1  }
0x41e: {  	vm0 =	veq.s32 v12, v14;
	vm1 =	veq.s32 v11, v14;
	vm2 =	vgt.s32 v14, $0xFFFFFFFF  }
0x41f: {  	v15 =	vnsel vm0, $0x7FFFFFFF, v7;
	v16 =	vnsel vm1, $0x7FFFFFFF, v10;
	v17 =	vsel vm2, $0xFFFFFFFF, v5  }
0x420: {  	vm0 =	veq.s32 v13, v14;
	vm1 =	vlt.s32 v6, v15;
	vm2 =	vlt.s32 v9, v16  }
0x421: {  	vm3 =	veq.s32 v8, v14;
	v18 =	vsel vm1, v6, v15;
	v19 =	vsel vm2, v9, v16  }
0x422: {  	v14 =	vxor.u32 v14, v17;
	v15 =	vsel vm3, v18, v15;
	v16 =	vsel vm0, v19, v16  }
0x423: {  	vm0 =	vlt.s32 v15, v16  }
0x424: {  	v15 =	vsel vm0, v15, v16  }
0x425: {  	v15 =	vsub.s32 $0x80000000, v15  }
0x426: {  	(xrf0) =	vmax.scan.msk.u32 $0xffff, v15;
	_ =	sdelay $0x3  }
.Ltmp60:
0x427: {  	(pc) =	sbr.rel @p0 .LBB2_102-.Ltmp60, $4  }
0x428: {  	v15 =	vmov s29;
	s29 =	smov.u32 s0;
	s0 =	smov.u32 s31  }
0x429: {  	v16, _, _ =	vpop (xrf0)  }
0x42a: {  	v16 =	vxor.u32 $0x80000000, v16  }
0x42b: {  	v16 =	vperm.xlane v16, v4  }
0x42c: {  	_ = 	snop  }
0x42d: {  	v16 =	vsub.s32 $0x0, v16  }
0x42e: {  	vm0 =	veq.s32 v7, v16;
	vm1 =	veq.s32 v9, v16  }
0x42f: {  	vm2 =	veq.s32 v10, v16;
	vm3 =	veq.s32 v6, v16;
	v12 =	vsel vm0, $0x0, v12  }
0x430: {  	v13 =	vsel vm1, $0x0, v13;
	v8 =	vsel vm3, $0x0, v8;
	v11 =	vsel vm2, $0x0, v11  }
0x431: {  	v17 =	vmax.u32 v8, v12;
	v18 =	vmax.u32 v13, v11  }
0x432: {  	v17 =	vmax.u32 v17, v18  }
0x433: {  	(xrf0) =	vmax.scan.msk.u32 $0xffff, v17;
	_ =	sdelay $0x5  }
0x434: {  	v17, _, _ =	vpop (xrf0)  }
0x435: {  	v17 =	vperm.xlane v17, v4  }
0x436: {  	v10 =	vsel vm2, $0x7FFFFFFF, v10;
	v9 =	vsel vm1, $0x7FFFFFFF, v9  }
0x437: {  	v7 =	vsel vm0, $0x7FFFFFFF, v7;
	vm8 =	veq.s32 v12, v17;
	vm9 =	veq.s32 v11, v17  }
0x438: {  	v6 =	vsel vm3, $0x7FFFFFFF, v6;
	v53 =	vnsel vm8, $0x7FFFFFFF, v7;
	v19 =	vnsel vm9, $0x7FFFFFFF, v10  }
0x439: {  	vm10 =	veq.s32 v13, v17;
	vm11 =	vlt.s32 v6, v53;
	vm12 =	vlt.s32 v9, v19  }
0x43a: {  	vm13 =	veq.s32 v8, v17;
	v20 =	vsel vm11, v6, v53;
	v21 =	vsel vm12, v9, v19  }
0x43b: {  	v18 =	vsel vm13, v20, v53;
	v19 =	vsel vm10, v21, v19  }
0x43c: {  	vm0 =	vlt.s32 v18, v19  }
0x43d: {  	v18 =	vsel vm0, v18, v19  }
0x43e: {  	v18 =	vsub.s32 $0x80000000, v18  }
0x43f: {  	(xrf0) =	vmax.scan.msk.u32 $0xffff, v18;
	_ =	sdelay $0x5  }
0x440: {  	v18, _, _ =	vpop (xrf0)  }
0x441: {  	v18 =	vxor.u32 $0x80000000, v18  }
0x442: {  	v18 =	vperm.xlane v18, v4;
	_ =	sdelay $0x1  }
0x443: {  	v18 =	vsub.s32 $0x0, v18  }
0x444: {  	vm14 =	veq.s32 v7, v18;
	vm15 =	veq.s32 v9, v18  }
0x445: {  	vm6 =	veq.s32 v10, v18;
	vm7 =	veq.s32 v6, v18;
	v12 =	vsel vm14, $0x0, v12  }
0x446: {  	v13 =	vsel vm15, $0x0, v13;
	v8 =	vsel vm7, $0x0, v8;
	v11 =	vsel vm6, $0x0, v11  }
0x447: {  	v54 =	vmax.u32 v8, v12;
	v55 =	vmax.u32 v13, v11  }
0x448: {  	v19 =	vmax.u32 v54, v55  }
0x449: {  	(xrf0) =	vmax.scan.msk.u32 $0xffff, v19;
	_ =	sdelay $0x5  }
0x44a: {  	v19, _, _ =	vpop (xrf0)  }
0x44b: {  	v19 =	vperm.xlane v19, v4  }
0x44c: {  	v10 =	vsel vm6, $0x7FFFFFFF, v10;
	v9 =	vsel vm15, $0x7FFFFFFF, v9  }
0x44d: {  	v7 =	vsel vm14, $0x7FFFFFFF, v7;
	vm8 =	veq.s32 v12, v19;
	vm9 =	veq.s32 v11, v19  }
0x44e: {  	v6 =	vsel vm7, $0x7FFFFFFF, v6;
	v7 =	vnsel vm8, $0x7FFFFFFF, v7;
	v10 =	vnsel vm9, $0x7FFFFFFF, v10  }
0x44f: {  	vm10 =	veq.s32 v13, v19;
	vm11 =	vlt.s32 v6, v7;
	vm12 =	vlt.s32 v9, v10  }
0x450: {  	vm13 =	veq.s32 v8, v19;
	v6 =	vsel vm11, v6, v7;
	v8 =	vsel vm12, v9, v10  }
0x451: {  	v6 =	vsel vm13, v6, v7;
	v7 =	vsel vm10, v8, v10  }
0x452: {  	vm0 =	vlt.s32 v6, v7  }
0x453: {  	v6 =	vsel vm0, v6, v7  }
0x454: {  	v6 =	vsub.s32 $0x80000000, v6  }
0x455: {  	(xrf0) =	vmax.scan.msk.u32 $0xffff, v6;
	_ =	sdelay $0x2  }
0x456: {  	v6 =	vmov s29;
	_ =	sdelay $0x1  }
0x457: {  	vm14 =	vgt.s32 v17, $0xFFFFFFFF;
	v7 =	vmov s0  }
0x458: {  	[tilespmem:v15+s24+$0x0] =	vst.idx.msk $0x1, v14;
	v8 =	vsel vm14, $0xFFFFFFFF, v5;
	v9, _, _ =	vpop (xrf0)  }
0x459: {  	[tilespmem:v15+s25+$0x0] =	vst.idx.msk $0x1, v16;
	vm15 =	vgt.s32 v19, $0xFFFFFFFF;
	v8 =	vxor.u32 v17, v8;
	v9 =	vxor.u32 $0x80000000, v9  }
0x45a: {  	[tilespmem:v6+s24+$0x0] =	vst.idx.msk $0x1, v8;
	v8 =	vsel vm15, $0xFFFFFFFF, v5;
	v9 =	vperm.xlane v9, v4  }
0x45b: {  	[tilespmem:v6+s25+$0x0] =	vst.idx.msk $0x1, v18;
	v6 =	vxor.u32 v19, v8  }
0x45c: {  	[tilespmem:v7+s24+$0x0] =	vst.idx.msk $0x1, v6;
	v8 =	vsub.s32 $0x0, v9  }
0x45d: {  	[tilespmem:v7+s25+$0x0] =	vst.idx.msk $0x1, v8  }
0x45e: {  	[hbm4b:s8+s1] =	stream.linear.scatter [tilespmem:s24], [sflag:$0x2], $0x80, $0x38;
	[tilespmem:$0x18A80] =	vst v63  }
0x45f: {  	_ = 	snop  }
0x460: {  	[hbm4b:s9+s1] =	stream.linear.scatter [tilespmem:s25], [sflag:$0x2], $0x80, $0x38;
	[tilespmem:$0x18A80] =	vst v63  }
0x461: {  	_ =	swait.ge [sflag:s18], $0x8000  }
0x462: {  	[sflag:s18] =	ssyncset.done $0x0  }
0x463: {  	s31 =	simm.s32 $0x40;
	[sflag:s18] =	ssyncadd.s32 $0xFFFF8000  }
0x464: {  	v6 =	vld [tilespmem:s31+$0x30]  }
0x465: {  	v7 =	vld [tilespmem:s31+$0xFFFFFFD0]  }
0x466: {  	v8 =	vld [tilespmem:s31+$0xFFFFFFE0]  }
0x467: {  	v9 =	vld [tilespmem:s31+$0xFFFFFFF0]  }
0x468: {  	v10 =	vld [tilespmem:s31+$0x0]  }
0x469: {  	v11 =	vld [tilespmem:s31+$0x10]  }
0x46a: {  	v14 =	vld [tilespmem:s31+$0x20]  }
0x46b: {  	v15 =	vld [tilespmem:s31+$0xFFFFFFC0];
	_ =	sdelay $0x2  }
0x46c: {  	v12 =	vshra.s32 v6, $0x1F;
	v13 =	vshra.s32 v7, $0x1F;
	v56 =	vshra.s32 v8, $0x1F  }
0x46d: {  	v57 =	vshra.s32 v9, $0x1F;
	v58 =	vshra.s32 v10, $0x1F;
	v59 =	vshra.s32 v11, $0x1F  }
0x46e: {  	v60 =	vshra.s32 v14, $0x1F;
	v61 =	vshra.s32 v15, $0x1F;
	v12 =	vor.u32 $0x80000000, v12  }
0x46f: {  	v13 =	vor.u32 $0x80000000, v13;
	v63 =	vor.u32 $0x80000000, v61;
	v6 =	vxor.u32 v6, v12  }
0x470: {  	v12 =	vor.u32 $0x80000000, v56;
	v7 =	vxor.u32 v7, v13;
	v6 =	vshrl.u32 v6, $0x15  }
0x471: {  	v13 =	vor.u32 $0x80000000, v57;
	v8 =	vxor.u32 v8, v12;
	v12 =	vor.u32 $0x80000000, v58  }
0x472: {  	v13 =	vxor.u32 v9, v13;
	v9 =	vor.u32 $0x80000000, v59;
	v62 =	vxor.u32 v10, v12  }
0x473: {  	v10 =	vor.u32 $0x80000000, v60;
	v12 =	vxor.u32 v11, v9;
	v9 =	vshrl.u32 v7, $0x15  }
0x474: {  	v7 =	vshrl.u32 v8, $0x15;
	v11 =	vxor.u32 v14, v10;
	v10 =	vxor.u32 v15, v63  }
0x475: {  	s0 =	simm.s32 $0x0;
	s29 =	simm.s32 $0xC0;
	v8 =	vshrl.u32 v13, $0x15;
	v10 =	vshrl.u32 v10, $0x15;
	[tilespmem:v6+s19+$0x0] =	vst.idx.add.s32.msk $0xffff, v2;
	v6 =	vshrl.u32 v62, $0x15  }
.LBB2_104:
0x476: {  	v13 =	vld [tilespmem:s29+$0x30];
	s0 =	sadd.s32 $0x8, s0;
	v14 =	vshrl.u32 v12, $0x15;
	v15 =	vshrl.u32 v11, $0x15  }
0x477: {  	v11 =	vld [tilespmem:s29+$0xFFFFFFD0];
	p0 =	slt.u32 s0, $0x7F8  }
0x478: {  	v12 =	vld [tilespmem:s29+$0xFFFFFFE0]  }
0x479: {  	v16 =	vld [tilespmem:s29+$0xFFFFFFF0]  }
0x47a: {  	v17 =	vld [tilespmem:s29+$0x0]  }
0x47b: {  	v18 =	vld [tilespmem:s29+$0x10];
	v19 =	vshra.s32 v13, $0x1F  }
0x47c: {  	v20 =	vshra.s32 v11, $0x1F;
	v21 =	vld [tilespmem:s29+$0x20];
	v19 =	vor.u32 $0x80000000, v19  }
0x47d: {  	v22 =	vld [tilespmem:s29+$0xFFFFFFC0];
	v20 =	vor.u32 $0x80000000, v20;
	v23 =	vshra.s32 v12, $0x1F;
	v13 =	vxor.u32 v13, v19  }
0x47e: {  	v19 =	vor.u32 $0x80000000, v23;
	v23 =	vshra.s32 v16, $0x1F;
	v13 =	vshrl.u32 v13, $0x15;
	[tilespmem:v10+s19+$0x0] =	vst.idx.add.s32.msk $0xffff, v2  }
0x47f: {  	v10 =	vxor.u32 v11, v20;
	v11 =	vor.u32 $0x80000000, v23;
	v20 =	vshra.s32 v17, $0x1F;
	[tilespmem:v9+s19+$0x0] =	vst.idx.add.s32.msk $0xffff, v2  }
0x480: {  	v19 =	vxor.u32 v12, v19;
	v9 =	vor.u32 $0x80000000, v20;
	v12 =	vshra.s32 v18, $0x1F;
	[tilespmem:v7+s19+$0x0] =	vst.idx.add.s32.msk $0xffff, v2  }
.Ltmp61:
0x481: {  	v16 =	vxor.u32 v16, v11;
	v7 =	vor.u32 $0x80000000, v12;
	v11 =	vshra.s32 v21, $0x1F;
	[tilespmem:v8+s19+$0x0] =	vst.idx.add.s32.msk $0xffff, v2;
	(pc) =	sbr.rel @p0 .LBB2_104-.Ltmp61, $4  }
0x482: {  	v17 =	vxor.u32 v17, v9;
	v8 =	vshra.s32 v22, $0x1F;
	v9 =	vor.u32 $0x80000000, v11;
	[tilespmem:v6+s19+$0x0] =	vst.idx.add.s32.msk $0xffff, v2  }
0x483: {  	v12 =	vxor.u32 v18, v7;
	v6 =	vor.u32 $0x80000000, v8;
	v11 =	vxor.u32 v21, v9;
	[tilespmem:v13+s19+$0x0] =	vst.idx.add.s32.msk $0xffff, v2  }
0x484: {  	v7 =	vshrl.u32 v19, $0x15;
	v9 =	vshrl.u32 v10, $0x15;
	v6 =	vxor.u32 v22, v6;
	[tilespmem:v14+s19+$0x0] =	vst.idx.add.s32.msk $0xffff, v2  }
0x485: {  	s29 =	sadd.s32 $0x80, s29;
	v8 =	vshrl.u32 v16, $0x15;
	v10 =	vshrl.u32 v6, $0x15;
	v6 =	vshrl.u32 v17, $0x15;
	[tilespmem:v15+s19+$0x0] =	vst.idx.add.s32.msk $0xffff, v2  }
0x486: {  	_ =	sdelay $0x3  }
0x487: {  	v12 =	vshrl.u32 v12, $0x15;
	[tilespmem:v10+s19+$0x0] =	vst.idx.add.s32.msk $0xffff, v2  }
0x488: {  	v63 =	vshrl.u32 v11, $0x15;
	[tilespmem:v9+s19+$0x0] =	vst.idx.add.s32.msk $0xffff, v2  }
0x489: {  	[tilespmem:v7+s19+$0x0] =	vst.idx.add.s32.msk $0xffff, v2  }
0x48a: {  	[tilespmem:v8+s19+$0x0] =	vst.idx.add.s32.msk $0xffff, v2  }
0x48b: {  	[tilespmem:v6+s19+$0x0] =	vst.idx.add.s32.msk $0xffff, v2  }
0x48c: {  	[tilespmem:v12+s19+$0x0] =	vst.idx.add.s32.msk $0xffff, v2  }
0x48d: {  	s2 =	simm.s32 $0x0;
	s0 =	simm.s32 $0xFFFFF011;
	s29 =	simm.s32 $0x187F0;
	[tilespmem:v63+s19+$0x0] =	vst.idx.add.s32.msk $0xffff, v2  }
.LBB2_106:
0x48e: {  	v6 =	vld [tilespmem:s29+$0x0];
	_ =	sdelay $0x4  }
0x48f: {  	v7 =	vperm.xlane v6, v3;
	_ =	sdelay $0x1  }
0x490: {  	(xrf0) =	vadd.scan.msk.s32 $0xffff, v7;
	_ =	sdelay $0x5  }
0x491: {  	v7, _, _ =	vpop (xrf0)  }
0x492: {  	v7 =	vadd.s32 s2, v7  }
0x493: {  	vm0 =	vgt.s32 v7, $0x3F  }
0x494: {  	v7 =	vsel vm0, $0x1, v1  }
0x495: {  	(xrf0) =	vadd.scan.msk.s32 $0xffff, v7;
	_ =	sdelay $0x5  }
0x496: {  	v7, _, _ =	vpop (xrf0)  }
0x497: {  	(v2sf) =	vpush v7, $0xF;
	_ =	sdelay $0xe  }
0x498: {  	s30 =	spop (v2sf)  }
0x499: {  	p0 =	slt.s32 s30, $0x1  }
.Ltmp62:
0x49a: {  	_ = 	snop;
	(pc) =	sbr.rel @!p0 .LBB2_107-.Ltmp62, $1  }
0x49b: {  	_ =	sdelay $0x3  }
0x49c: {  	(xrf0) =	vadd.scan.msk.s32 $0xffff, v6;
	_ =	sdelay $0x5  }
0x49d: {  	v6, _, _ =	vpop (xrf0)  }
0x49e: {  	(v2sf) =	vpush v6, $0xF;
	_ =	sdelay $0x9  }
0x49f: {  	s0 =	sadd.s32 $0x10, s0  }
0x4a0: {  	p0 =	sne.s32 s0, $0xFFFFF811  }
.Ltmp63:
0x4a1: {  	_ = 	snop;
	(pc) =	sbr.rel @p0 .LBB2_106-.Ltmp63, $3  }
0x4a2: {  	_ =	sdelay $0x1  }
0x4a3: {  	s3 =	spop (v2sf)  }
0x4a4: {  	s29 =	sadd.s32 $0xFFFFFFF0, s29;
	s2 =	sadd.s32 s2, s3  }
.Ltmp64:
0x4a5: {  	(pc) =	sbr.rel .LBB2_110-.Ltmp64, $2  }
0x4a6: {  	_ =	sdelay $0x2  }
0x4a7: {  	s0 =	simm.s32 $0x0  }
.LBB2_107:
0x4a8: {  	s0 =	ssub.s32 s30, s0  }
0x4a9: {  	s0 =	sshll.u32 s0, $0x15  }
.LBB2_110:
0x4aa: {  	s2 =	simm.s32 $0x18020  }
0x4ab: {  	[tilespmem:s2+$0xFFFFFFE0] =	vst v1  }
0x4ac: {  	[tilespmem:s2+$0x10] =	vst v1  }
0x4ad: {  	s29 =	simm.s32 $0x0;
	[tilespmem:s2+$0x0] =	vst v1  }
.LBB2_111:
0x4ae: {  	s29 =	sadd.s32 $0x4, s29  }
0x4af: {  	[tilespmem:s2+$0xFFFFFFF0] =	vst v1;
	s2 =	sadd.s32 $0x40, s2;
	p0 =	slt.u32 s29, $0x7C  }
.Ltmp65:
0x4b0: {  	[tilespmem:s2+$0xFFFFFFE0] =	vst v1;
	(pc) =	sbr.rel @p0 .LBB2_111-.Ltmp65, $3  }
0x4b1: {  	_ =	sdelay $0x1  }
0x4b2: {  	[tilespmem:s2+$0x10] =	vst v1  }
0x4b3: {  	[tilespmem:s2+$0x0] =	vst v1  }
0x4b4: {  	[tilespmem:s2+$0xFFFFFFF0] =	vst v1;
	v11 =	vimm.s32 $0x0  }
0x4b5: {  	s3 =	simm.s32 $0x40;
	[tilespmem:$0x18800] =	vst v11  }
0x4b6: {  	v7 =	vld [tilespmem:s3+$0xFFFFFFC0]  }
0x4b7: {  	v8 =	vld [tilespmem:s3+$0x20]  }
0x4b8: {  	v9 =	vld [tilespmem:s3+$0x30]  }
0x4b9: {  	v12 =	vld [tilespmem:s3+$0xFFFFFFF0];
	_ =	sdelay $0x1  }
0x4ba: {  	v13 =	vld [tilespmem:s3+$0xFFFFFFD0];
	v10 =	vshra.s32 v7, $0x1F  }
0x4bb: {  	v6 =	vmov s0;
	v16 =	vld [tilespmem:s3+$0x0];
	v10 =	vor.u32 $0x80000000, v10  }
0x4bc: {  	v14 =	vshra.s32 v8, $0x1F;
	v15 =	vshra.s32 v9, $0x1F;
	v20 =	vxor.u32 v7, v10  }
0x4bd: {  	v7 =	vor.u32 $0x80000000, v14;
	v10 =	vshra.s32 v12, $0x1F;
	vm2 =	vge.u32 v20, v6  }
0x4be: {  	v14 =	vor.u32 $0x80000000, v15;
	v7 =	vxor.u32 v8, v7;
	v8 =	vsel vm2, $0x1, v1  }
0x4bf: {  	v19 =	vld [tilespmem:s3+$0xFFFFFFE0];
	v15 =	vshra.s32 v13, $0x1F;
	v18 =	vor.u32 $0x80000000, v10;
	v10 =	vxor.u32 v9, v14;
	(xrf0) =	vadd.scan.msk.s32 $0xffff, v8  }
0x4c0: {  	v9 =	vshra.s32 v16, $0x1F;
	vm4 =	vge.u32 v7, v6;
	v8 =	vor.u32 $0x80000000, v15  }
0x4c1: {  	v14 =	vld [tilespmem:s3+$0x10];
	vm7 =	vge.u32 v10, v6;
	v17 =	vsel vm4, $0x1, v1;
	v15 =	vxor.u32 v13, v8  }
0x4c2: {  	v12 =	vxor.u32 v12, v18;
	(xrf0) =	vadd.scan.msk.s32 $0xffff, v17;
	v8 =	vsel vm7, $0x1, v1;
	vm5 =	vge.u32 v15, v6  }
0x4c3: {  	v9 =	vor.u32 $0x80000000, v9;
	vm3 =	vge.u32 v12, v6;
	(xrf0) =	vadd.scan.msk.s32 $0xffff, v8;
	v13 =	vsel vm5, $0x1, v1  }
0x4c4: {  	v9 =	vxor.u32 v16, v9;
	v16 =	vsel vm3, $0x1, v1;
	(xrf0) =	vadd.scan.msk.s32 $0xffff, v13;
	v13 =	vshra.s32 v19, $0x1F  }
0x4c5: {  	vm0 =	vge.u32 v9, v6;
	v17 =	vmpcnt.ones.xlane vm2;
	v13 =	vor.u32 $0x80000000, v13;
	v18, _, _ =	vpop (xrf0);
	(xrf0) =	vadd.scan.msk.s32 $0xffff, v16  }
0x4c6: {  	v21 =	vsel vm0, $0x1, v1;
	v22 =	vshra.s32 v14, $0x1F;
	v16 =	vadd.s32 v18, v11  }
0x4c7: {  	(xrf0) =	vadd.scan.msk.s32 $0xffff, v21;
	v21 =	vmpcnt.ones.xlane vm5;
	v18 =	vadd.s32 $0xFFFFFFFF, v16;
	v16 =	vxor.u32 v19, v13  }
0x4c8: {  	v17 =	vadd.s32 v11, v17;
	v11 =	vor.u32 $0x80000000, v22;
	v13, _, _ =	vpop (xrf0);
	vm6 =	vge.u32 v16, v6  }
0x4c9: {  	v11 =	vxor.u32 v14, v11;
	v19 =	vadd.s32 v17, v21;
	v14, _, _ =	vpop (xrf0);
	v21 =	vmpcnt.ones.xlane vm6  }
0x4ca: {  	v22 =	vsel vm6, $0x1, v1;
	v24, _, _ =	vpop (xrf0)  }
0x4cb: {  	s4 =	simm.s32 $0x0;
	v21 =	vadd.s32 v19, v21;
	v25, _, _ =	vpop (xrf0);
	(xrf0) =	vadd.scan.msk.s32 $0xffff, v22  }
0x4cc: {  	v23 =	vmpcnt.ones.xlane vm3;
	v8 =	vor.u32 s4, v0  }
0x4cd: {  	v63 =	vmpcnt.ones.xlane vm0;
	vm1 =	vge.u32 v11, v6;
	v17 =	vadd.s32 v24, v17  }
0x4ce: {  	s29 =	simm.s32 $0x70;
	v22 =	vadd.s32 $0xFFFFFFFF, v17;
	v17 =	vadd.s32 v25, v21;
	v23 =	vadd.s32 v21, v23;
	v21, _, _ =	vpop (xrf0)  }
0x4cf: {  	s30 =	simm.s32 $0x0;
	s31 =	simm.s32 $0xF0;
	s0 =	simm.s32 $0xC0;
	[tilespmem:v18+s20+$0x0] =	vst.idx.msk vm2, v20;
	v20 =	vadd.s32 v23, v63;
	v21 =	vadd.s32 v21, v23;
	v23 =	vsel vm1, $0x1, v1  }
.LBB2_113:
0x4d0: {  	s2 =	sadd.s32 $0xFFFFFF90, s31;
	v24 =	vld [tilespmem:s0+$0xFFFFFFC0];
	s30 =	sadd.s32 $0x8, s30;
	[tilespmem:v18+s21+$0x0] =	vst.idx.msk vm2, v8;
	v18 =	vadd.s32 $0xFFFFFFFF, v17;
	(xrf0) =	vadd.scan.msk.s32 $0xffff, v23;
	v17 =	vmovc v10;
	vm9 =	vmmov vm4  }
0x4d1: {  	vm8 =	vmmov vm7;
	v8 =	vor.u32 s2, v0;
	v10 =	vld [tilespmem:s0+$0x30];
	p0 =	slt.u32 s30, $0x7F8;
	s2 =	sadd.s32 $0xFFFFFFC0, s29;
	v23, _, _ =	vpop (xrf0)  }
0x4d2: {  	s3 =	sadd.s32 $0xFFFFFFA0, s29;
	v25 =	vld [tilespmem:s0+$0x20];
	v19 =	vadd.s32 v23, v19;
	v23 =	vor.u32 s2, v0;
	s2 =	sadd.s32 $0xFFFFFFE0, s29  }
0x4d3: {  	s4 =	sadd.s32 $0xFFFFFFD0, s29;
	v26 =	vld [tilespmem:s0+$0xFFFFFFF0];
	[tilespmem:v22+s20+$0x0] =	vst.idx.msk vm5, v15;
	v15 =	vor.u32 s3, v0;
	s3 =	sadd.s32 $0xFFFFFFB0, s29;
	v19 =	vadd.s32 $0xFFFFFFFF, v19;
	v27 =	vor.u32 s2, v0  }
0x4d4: {  	v28 =	vld [tilespmem:s0+$0xFFFFFFE0];
	[tilespmem:v22+s21+$0x0] =	vst.idx.msk vm5, v15;
	v15 =	vor.u32 s3, v0;
	v22 =	vor.u32 s4, v0  }
0x4d5: {  	v31 =	vmpcnt.ones.xlane vm8;
	v29 =	vshra.s32 v24, $0x1F;
	v30 =	vld [tilespmem:s0+$0x0];
	[tilespmem:v18+s20+$0x0] =	vst.idx.msk vm3, v12;
	v12 =	vmpcnt.ones.xlane vm9  }
0x4d6: {  	v29 =	vor.u32 $0x80000000, v29;
	v32 =	vld [tilespmem:s0+$0x10];
	[tilespmem:v18+s21+$0x0] =	vst.idx.msk vm3, v23;
	v18 =	vadd.s32 $0xFFFFFFFF, v21;
	v21 =	vmpcnt.ones.xlane vm1;
	v23, _, _ =	vpop (xrf0)  }
0x4d7: {  	v34 =	vshra.s32 v10, $0x1F;
	v33 =	vshra.s32 v25, $0x1F;
	v23 =	vadd.s32 v23, v20  }
0x4d8: {  	v24 =	vxor.u32 v24, v29;
	v29 =	vld [tilespmem:s0+$0xFFFFFFD0];
	v35 =	vshra.s32 v26, $0x1F;
	v33 =	vor.u32 $0x80000000, v33;
	[tilespmem:v19+s20+$0x0] =	vst.idx.msk vm6, v16  }
0x4d9: {  	vm2 =	vge.u32 v24, v6;
	v16 =	vadd.s32 v20, v21;
	v25 =	vxor.u32 v25, v33  }
0x4da: {  	v20 =	vmpcnt.ones.xlane vm2;
	vm4 =	vge.u32 v25, v6;
	[tilespmem:v19+s21+$0x0] =	vst.idx.msk vm6, v15;
	v19 =	vadd.s32 v16, v12  }
0x4db: {  	v12 =	vsel vm2, $0x1, v1;
	v15 =	vor.u32 $0x80000000, v34;
	v21 =	vshra.s32 v32, $0x1F;
	[tilespmem:v18+s20+$0x0] =	vst.idx.msk vm0, v9  }
0x4dc: {  	v9 =	vsel vm4, $0x1, v1;
	[tilespmem:v18+s21+$0x0] =	vst.idx.msk vm0, v22;
	v22 =	vadd.s32 $0xFFFFFFFF, v23;
	v23 =	vadd.s32 v19, v31  }
0x4dd: {  	v10 =	vxor.u32 v10, v15;
	v31 =	vor.u32 $0x80000000, v35;
	v18 =	vshra.s32 v29, $0x1F;
	(xrf0) =	vadd.scan.msk.s32 $0xffff, v12  }
0x4de: {  	v13 =	vadd.s32 v13, v16;
	vm7 =	vge.u32 v10, v6;
	v12 =	vxor.u32 v26, v31;
	(xrf0) =	vadd.scan.msk.s32 $0xffff, v9  }
0x4df: {  	v16 =	vshra.s32 v30, $0x1F;
	v9 =	vor.u32 $0x80000000, v18;
	v18 =	vsel vm7, $0x1, v1  }
0x4e0: {  	vm3 =	vge.u32 v12, v6;
	v15 =	vxor.u32 v29, v9;
	v9 =	vor.u32 $0x80000000, v16  }
0x4e1: {  	v29 =	vshra.s32 v28, $0x1F;
	v26 =	vsel vm3, $0x1, v1;
	vm5 =	vge.u32 v15, v6;
	(xrf0) =	vadd.scan.msk.s32 $0xffff, v18  }
0x4e2: {  	v9 =	vxor.u32 v30, v9;
	v18 =	vsel vm5, $0x1, v1;
	[tilespmem:v22+s20+$0x0] =	vst.idx.msk vm1, v11;
	v11 =	vadd.s32 v14, v19  }
0x4e3: {  	vm0 =	vge.u32 v9, v6;
	v14 =	vor.u32 $0x80000000, v29;
	v29 =	vadd.s32 $0xFFFFFFFF, v13;
	v16, _, _ =	vpop (xrf0);
	(xrf0) =	vadd.scan.msk.s32 $0xffff, v18  }
0x4e4: {  	v19 =	vsel vm0, $0x1, v1;
	v16 =	vadd.s32 v16, v23;
	(xrf0) =	vadd.scan.msk.s32 $0xffff, v26;
	v13, _, _ =	vpop (xrf0);
	v26 =	vadd.s32 $0xFFFFFFFF, v11  }
0x4e5: {  	v11 =	vmpcnt.ones.xlane vm5;
	v18 =	vadd.s32 $0xFFFFFFFF, v16;
	v16 =	vxor.u32 v28, v14;
	(xrf0) =	vadd.scan.msk.s32 $0xffff, v19  }
0x4e6: {  	v20 =	vadd.s32 v23, v20;
	v23 =	vor.u32 $0x80000000, v21;
	vm6 =	vge.u32 v16, v6;
	[tilespmem:v22+s21+$0x0] =	vst.idx.msk vm1, v27  }
0x4e7: {  	v19 =	vadd.s32 v20, v11;
	v11 =	vxor.u32 v32, v23;
	v21 =	vsel vm6, $0x1, v1;
	v14, _, _ =	vpop (xrf0)  }
.Ltmp66:
0x4e8: {  	s2 =	sadd.s32 $0xFFFFFFF0, s29;
	v27 =	vor.u32 s29, v0;
	s29 =	smov.u32 s31;
	v22 =	vmpcnt.ones.xlane vm6;
	(xrf0) =	vadd.scan.msk.s32 $0xffff, v21;
	[tilespmem:v29+s20+$0x0] =	vst.idx.msk vm9, v7;
	v7 =	vmovc v25;
	(pc) =	sbr.rel @p0 .LBB2_113-.Ltmp66, $4  }
0x4e9: {  	v30 =	vmpcnt.ones.xlane vm3;
	vm1 =	vge.u32 v11, v6;
	v25 =	vor.u32 s2, v0;
	v23, _, _ =	vpop (xrf0);
	[tilespmem:v26+s20+$0x0] =	vst.idx.msk vm8, v17  }
0x4ea: {  	v17 =	vadd.s32 v23, v20;
	v20 =	vadd.s32 v19, v22;
	v23 =	vmpcnt.ones.xlane vm0;
	v28, _, _ =	vpop (xrf0);
	[tilespmem:v29+s21+$0x0] =	vst.idx.msk vm9, v25  }
0x4eb: {  	[tilespmem:v18+s20+$0x0] =	vst.idx.msk vm2, v24;
	v22 =	vadd.s32 $0xFFFFFFFF, v17;
	v17 =	vadd.s32 v28, v20;
	v20 =	vadd.s32 v20, v30;
	v21, _, _ =	vpop (xrf0)  }
0x4ec: {  	s0 =	sadd.s32 $0x80, s0;
	s31 =	sadd.s32 $0x80, s31;
	v21 =	vadd.s32 v21, v20;
	v20 =	vadd.s32 v20, v23;
	v23 =	vsel vm1, $0x1, v1;
	[tilespmem:v26+s21+$0x0] =	vst.idx.msk vm8, v27  }
0x4ed: {  	vm8 =	vmmov vm4;
	v24 =	vmpcnt.ones.xlane vm1  }
0x4ee: {  	vm15 =	vmmov vm7;
	v25 =	vmpcnt.ones.xlane vm8  }
0x4ef: {  	v26 =	vmpcnt.ones.xlane vm15;
	v24 =	vadd.s32 v20, v24  }
0x4f0: {  	v25 =	vadd.s32 v24, v25  }
0x4f1: {  	v26 =	vadd.s32 v25, v26  }
0x4f2: {  	(xrf0) =	vadd.scan.msk.s32 $0xffff, v23;
	v55 =	vxor.u32 $0x80000000, v26  }
0x4f3: {  	(xrf0) =	vmax.scan.msk.u32 $0xffff, v55;
	_ =	sdelay $0x3  }
0x4f4: {  	v56, _, _ =	vpop (xrf0)  }
0x4f5: {  	v57, _, _ =	vpop (xrf0)  }
0x4f6: {  	v27, _, _ =	vpop (xrf0)  }
0x4f7: {  	(v2sf) =	vpush v27, $0xF;
	_ =	sdelay $0x8  }
0x4f8: {  	v17 =	vadd.s32 $0xFFFFFFFF, v17  }
0x4f9: {  	v59 =	vadd.s32 $0xFFFFFFFF, v21  }
0x4fa: {  	[tilespmem:v18+s21+$0x0] =	vst.idx.msk vm2, v8;
	s0 =	sadd.s32 $0xFFFFFFA0, s29;
	v19 =	vadd.s32 v56, v19  }
0x4fb: {  	[tilespmem:v22+s20+$0x0] =	vst.idx.msk vm5, v15;
	v58 =	vor.u32 s0, v0;
	v8 =	vadd.s32 $0xFFFFFFFF, v19  }
0x4fc: {  	[tilespmem:v22+s21+$0x0] =	vst.idx.msk vm5, v58  }
0x4fd: {  	s2 =	sadd.s32 $0xFFFFFFC0, s29;
	v13 =	vadd.s32 v13, v24;
	[tilespmem:v17+s20+$0x0] =	vst.idx.msk vm3, v12  }
0x4fe: {  	s3 =	sadd.s32 $0xFFFFFFB0, s29;
	v60 =	vor.u32 s2, v0;
	v13 =	vadd.s32 $0xFFFFFFFF, v13;
	[tilespmem:v59+s20+$0x0] =	vst.idx.msk vm0, v9;
	s2 =	spop (v2sf)  }
0x4ff: {  	v62 =	vor.u32 s3, v0;
	[tilespmem:v17+s21+$0x0] =	vst.idx.msk vm3, v60;
	v61 =	vadd.s32 v57, v20;
	s3 =	sadd.s32 $0x8000000F, s2  }
0x500: {  	s4 =	sadd.s32 $0xFFFFFFD0, s29;
	s30 =	sadd.s32 $0xFFFFFFE0, s29;
	v12 =	vadd.s32 $0xFFFFFFFF, v61;
	[tilespmem:v8+s20+$0x0] =	vst.idx.msk vm6, v16;
	s31 =	sand.u32 $0xF, s3  }
0x501: {  	v63 =	vor.u32 s4, v0;
	[tilespmem:v8+s21+$0x0] =	vst.idx.msk vm6, v62;
	v8 =	vadd.s32 v14, v25;
	s4 =	sshra.s32 s3, $0x1F;
	p0 =	slt.s32 s3, $0x1;
	p1 =	sne.s32 s31, $0x0  }
0x502: {  	v9 =	vor.u32 s30, v0;
	s30 =	sadd.s32 $0xFFFFFFF0, s29;
	[tilespmem:v59+s21+$0x0] =	vst.idx.msk vm0, v63;
	v8 =	vadd.s32 $0xFFFFFFFF, v8;
	s4 =	sshrl.u32 s4, $0x1C;
	p0 =	por !p0, !p1  }
0x503: {  	[tilespmem:v13+s20+$0x0] =	vst.idx.msk vm8, v7;
	v7 =	vor.u32 s30, v0;
	s31 =	sadd.s32 s4, s3;
	s3 =	simm.s32 $0x1;
	p0 =	por !p0, !p0  }
0x504: {  	[tilespmem:v13+s21+$0x0] =	vst.idx.msk vm8, v7;
	s0 =	sshra.s32 s31, $0x4;
	s3 =	simm.s32 @!p0 $0x0  }
0x505: {  	[tilespmem:v12+s20+$0x0] =	vst.idx.msk vm1, v11;
	s0 =	ssub.s32 s0, s3  }
0x506: {  	[tilespmem:v12+s21+$0x0] =	vst.idx.msk vm1, v9;
	p1 =	slt.s32 s0, $0x1  }
.Ltmp67:
0x507: {  	v9 =	vor.u32 s29, v0;
	[tilespmem:v8+s20+$0x0] =	vst.idx.msk vm15, v10;
	(pc) =	sbr.rel @p1 .LBB2_121-.Ltmp67, $4  }
0x508: {  	[tilespmem:v8+s21+$0x0] =	vst.idx.msk vm15, v9  }
0x509: {  	[tilespmem:s1], [sflag:$0x1] =	stream.strided.gather [hbm4b:s10+s16], $0x8000, s17, s16, $0x38;
	[tilespmem:$0x18A80] =	vst v63  }
0x50a: {  	s2 =	sxor.u32 $0x80000000, s2  }
0x50b: {  	v8 =	vmov s2;
	p0 =	sne.s32 s0, $0x1  }
.Ltmp68:
0x50c: {  	(pc) =	sbr.rel @!p0 .LBB2_116-.Ltmp68, $3  }
0x50d: {  	_ =	sdelay $0x1  }
0x50e: {  	s2 =	simm.s32 $0x8000  }
0x50f: {  	s29 =	simm.s32 $0x0;
	p2 =	por $0x0, $0x0;
	v7 =	vld [tilespmem:s2+$0x0];
	s2 =	sadd.s32 $0xFFFFFFFF, s0  }
0x510: {  	_ =	sdelay $0x3  }
0x511: {  	v7 =	vsub.s32 v7, v6  }
0x512: {  	v9 =	vor.u32 s29, v0;
	v7 =	vmin.u32 v7, $0x200000  }
0x513: {  	vm0 =	vlt.s32 v9, v8;
	v7 =	vshrl.u32 v7, $0xA  }
0x514: {  	v7 =	vmin.u32 v7, $0x7FF  }
0x515: {  	p3 =	sne.s32 s2, $0x1  }
.Ltmp69:
0x516: {  	_ = 	snop;
	(pc) =	sbr.rel @!p3 .LBB2_118-.Ltmp69, $3  }
0x517: {  	_ =	sdelay $0x1  }
0x518: {  	s30 =	simm.s32 $0x8010;
	[tilespmem:v7+s19+$0x0] =	vst.idx.add.s32.msk vm0, v2  }
0x519: {  	s31 =	sadd.s32 $0xFFFFFFFF, s2;
	p2 =	por $0x1, $0x1;
	s2 =	simm.s32 $0x0;
	v7 =	vld [tilespmem:s30+$0x0]  }
.LBB2_119:
0x51a: {  	p3 =	sne.s32 s31, $0x1;
	_ =	sdelay $0x3  }
0x51b: {  	s2 =	sadd.s32 $0x10, s2;
	v7 =	vsub.s32 v7, v6  }
0x51c: {  	v9 =	vor.u32 s2, v0;
	v7 =	vmin.u32 v7, $0x200000  }
0x51d: {  	vm0 =	vlt.s32 v9, v8;
	v7 =	vshrl.u32 v7, $0xA  }
0x51e: {  	v7 =	vmin.u32 v7, $0x7FF;
	_ =	sdelay $0x1  }
.Ltmp70:
0x51f: {  	(pc) =	sbr.rel @p3 .LBB2_119-.Ltmp70, $3  }
0x520: {  	_ =	sdelay $0x1  }
0x521: {  	s30 =	sadd.s32 $0x10, s30;
	[tilespmem:v7+s19+$0x0] =	vst.idx.add.s32.msk vm0, v2  }
0x522: {  	s31 =	sadd.s32 $0xFFFFFFFF, s31;
	v7 =	vld [tilespmem:s30+$0x0]  }
.LBB2_120:
0x523: {  	_ =	sdelay $0x2  }
0x524: {  	s2 =	sadd.s32 @p2 $0x10, s2  }
0x525: {  	s29 =	smov.u32 @p2 s2;
	v7 =	vsub.s32 v7, v6  }
0x526: {  	v9 =	vor.u32 s29, v0;
	v7 =	vmin.u32 v7, $0x200000  }
0x527: {  	vm0 =	vlt.s32 v9, v8;
	v7 =	vshrl.u32 v7, $0xA  }
0x528: {  	v7 =	vmin.u32 v7, $0x7FF;
	_ =	sdelay $0x4  }
0x529: {  	[tilespmem:v7+s19+$0x0] =	vst.idx.add.s32.msk vm0, v2  }
.LBB2_121:
0x52a: {  	s29 =	simm.s32 $0x0;
	s2 =	simm.s32 $0xFFBFF811;
	s30 =	simm.s32 $0x187F0  }
.LBB2_122:
0x52b: {  	v7 =	vld [tilespmem:s30+$0x0];
	_ =	sdelay $0x4  }
0x52c: {  	v9 =	vperm.xlane v7, v3;
	_ =	sdelay $0x1  }
0x52d: {  	(xrf0) =	vadd.scan.msk.s32 $0xffff, v9;
	_ =	sdelay $0x5  }
0x52e: {  	v9, _, _ =	vpop (xrf0)  }
0x52f: {  	v9 =	vadd.s32 s29, v9  }
0x530: {  	vm0 =	vgt.s32 v9, $0x3F  }
0x531: {  	v9 =	vsel vm0, $0x1, v1  }
0x532: {  	(xrf0) =	vadd.scan.msk.s32 $0xffff, v9;
	_ =	sdelay $0x5  }
0x533: {  	v9, _, _ =	vpop (xrf0)  }
0x534: {  	(v2sf) =	vpush v9, $0xF;
	_ =	sdelay $0xe  }
0x535: {  	s31 =	spop (v2sf)  }
0x536: {  	p2 =	slt.s32 s31, $0x1  }
.Ltmp71:
0x537: {  	_ = 	snop;
	(pc) =	sbr.rel @!p2 .LBB2_123-.Ltmp71, $1  }
0x538: {  	_ =	sdelay $0x3  }
0x539: {  	(xrf0) =	vadd.scan.msk.s32 $0xffff, v7;
	_ =	sdelay $0x5  }
0x53a: {  	v7, _, _ =	vpop (xrf0)  }
0x53b: {  	(v2sf) =	vpush v7, $0xF;
	_ =	sdelay $0x9  }
0x53c: {  	s2 =	sadd.s32 $0x10, s2  }
0x53d: {  	p2 =	sne.s32 s2, $0xFFC00011  }
.Ltmp72:
0x53e: {  	_ = 	snop;
	(pc) =	sbr.rel @p2 .LBB2_122-.Ltmp72, $3  }
0x53f: {  	_ =	sdelay $0x1  }
0x540: {  	s3 =	spop (v2sf)  }
0x541: {  	s30 =	sadd.s32 $0xFFFFFFF0, s30;
	s29 =	sadd.s32 s29, s3  }
.Ltmp73:
0x542: {  	(pc) =	sbr.rel .LBB2_126-.Ltmp73, $2  }
0x543: {  	_ =	sdelay $0x2  }
0x544: {  	s2 =	simm.s32 $0x0  }
.LBB2_123:
0x545: {  	s2 =	ssub.s32 s31, s2  }
0x546: {  	s2 =	sshll.u32 s2, $0xA  }
.LBB2_126:
0x547: {  	s29 =	simm.s32 $0x18020  }
0x548: {  	[tilespmem:s29+$0xFFFFFFE0] =	vst v1  }
0x549: {  	[tilespmem:s29+$0x10] =	vst v1  }
0x54a: {  	s30 =	simm.s32 $0x0;
	[tilespmem:s29+$0x0] =	vst v1  }
.LBB2_127:
0x54b: {  	s30 =	sadd.s32 $0x4, s30  }
0x54c: {  	[tilespmem:s29+$0xFFFFFFF0] =	vst v1;
	s29 =	sadd.s32 $0x40, s29;
	p2 =	slt.u32 s30, $0x7C  }
.Ltmp74:
0x54d: {  	[tilespmem:s29+$0xFFFFFFE0] =	vst v1;
	(pc) =	sbr.rel @p2 .LBB2_127-.Ltmp74, $3  }
0x54e: {  	_ =	sdelay $0x1  }
0x54f: {  	[tilespmem:s29+$0x10] =	vst v1  }
0x550: {  	[tilespmem:s29+$0x0] =	vst v1  }
.Ltmp75:
0x551: {  	(pc) =	sbr.rel @p1 .LBB2_129-.Ltmp75, $3  }
0x552: {  	_ =	sdelay $0x1  }
0x553: {  	[tilespmem:s29+$0xFFFFFFF0] =	vst v1  }
0x554: {  	v7 =	vmov s2;
	[tilespmem:$0x18800] =	vst v1  }
0x555: {  	s29 =	simm.s32 $0x8000  }
0x556: {  	v9 =	vld [tilespmem:s29+$0x0];
	_ =	sdelay $0x4  }
0x557: {  	s30 =	simm.s32 $0x0;
	v10 =	vsub.s32 v9, v6  }
0x558: {  	v11 =	vor.u32 s30, v0;
	v10 =	vmin.u32 v10, $0x200000  }
0x559: {  	vm0 =	vlt.s32 v11, v8;
	vm1 =	vge.u32 v10, v7  }
0x55a: {  	vm0 =	vmand vm0, vm1  }
0x55b: {  	v10 =	vsel vm0, $0x1, v1  }
0x55c: {  	(xrf0) =	vadd.scan.msk.s32 $0xffff, v10;
	_ =	sdelay $0x5  }
0x55d: {  	v11 =	vimm.s32 $0x0;
	v10, _, _ =	vpop (xrf0)  }
0x55e: {  	v10 =	vadd.s32 v10, v11  }
0x55f: {  	v10 =	vadd.s32 $0xFFFFFFFF, v10;
	_ =	sdelay $0x1  }
.Ltmp76:
0x560: {  	_ = 	snop;
	(pc) =	sbr.rel @!p0 .LBB2_132-.Ltmp76, $4  }
0x561: {  	_ = 	snop  }
0x562: {  	v12 =	vmpcnt.ones.xlane vm0  }
0x563: {  	s31 =	simm.s32 $0x10000;
	[tilespmem:v10+s20+$0x0] =	vst.idx.msk vm0, v9  }
0x564: {  	s0 =	sadd.s32 $0xFFFFFFFF, s0;
	v9 =	vadd.s32 v11, v12;
	v11 =	vld [tilespmem:s31+$0x0]  }
.LBB2_131:
0x565: {  	_ =	sdelay $0x3  }
0x566: {  	s29 =	sadd.s32 $0x10, s29;
	s31 =	sadd.s32 $0x10, s31;
	s30 =	sadd.s32 $0x10, s30;
	[tilespmem:v10+s21+$0x0] =	vst.idx.msk vm0, v11;
	v10 =	vmov v9  }
0x567: {  	p0 =	sne.s32 s0, $0x1;
	s0 =	sadd.s32 $0xFFFFFFFF, s0;
	v11 =	vld [tilespmem:s29+$0x0];
	_ =	sdelay $0x4  }
0x568: {  	v12 =	vsub.s32 v11, v6  }
0x569: {  	v13 =	vor.u32 s30, v0;
	v12 =	vmin.u32 v12, $0x200000  }
0x56a: {  	vm0 =	vlt.s32 v13, v8;
	vm1 =	vge.u32 v12, v7  }
0x56b: {  	vm0 =	vmand vm0, vm1  }
0x56c: {  	v12 =	vsel vm0, $0x1, v1;
	v13 =	vmpcnt.ones.xlane vm0  }
0x56d: {  	(xrf0) =	vadd.scan.msk.s32 $0xffff, v12  }
0x56e: {  	v9 =	vadd.s32 v9, v13;
	_ =	sdelay $0x4  }
0x56f: {  	v12, _, _ =	vpop (xrf0)  }
0x570: {  	v10 =	vadd.s32 v12, v10  }
0x571: {  	v10 =	vadd.s32 $0xFFFFFFFF, v10;
	_ =	sdelay $0x1  }
.Ltmp77:
0x572: {  	(pc) =	sbr.rel @p0 .LBB2_131-.Ltmp77, $3  }
0x573: {  	_ =	sdelay $0x1  }
0x574: {  	[tilespmem:v10+s20+$0x0] =	vst.idx.msk vm0, v11  }
0x575: {  	v11 =	vld [tilespmem:s31+$0x0]  }
.LBB2_132:
0x576: {  	_ = 	snop  }
.Ltmp78:
0x577: {  	_ = 	snop;
	(pc) =	sbr.rel .LBB2_133-.Ltmp78, $2  }
0x578: {  	_ =	sdelay $0x2  }
0x579: {  	v8 =	vxor.u32 $0x80000000, v9;
	[tilespmem:v10+s21+$0x0] =	vst.idx.msk vm0, v11  }
.LBB2_129:
0x57a: {  	v8 =	vimm.s32 $0x80000000  }
.LBB2_133:
0x57b: {  	(xrf0) =	vmax.scan.msk.u32 $0xffff, v8;
	_ =	sdelay $0x5  }
0x57c: {  	v8, _, _ =	vpop (xrf0)  }
0x57d: {  	(v2sf) =	vpush v8, $0xF;
	_ =	sdelay $0xe  }
0x57e: {  	s0 =	spop (v2sf)  }
0x57f: {  	s2 =	sadd.s32 $0x8000000F, s0  }
0x580: {  	s3 =	sand.u32 $0xF, s2  }
0x581: {  	s31 =	sshra.s32 s2, $0x1F;
	p1 =	slt.s32 s2, $0x1;
	p0 =	sne.s32 s3, $0x0  }
0x582: {  	s3 =	sshrl.u32 s31, $0x1C;
	p0 =	por !p1, !p0  }
0x583: {  	s2 =	sadd.s32 s3, s2;
	s3 =	simm.s32 $0x1;
	p0 =	por !p0, !p0  }
0x584: {  	s2 =	sshra.s32 s2, $0x4;
	s3 =	simm.s32 @!p0 $0x0  }
0x585: {  	s29 =	ssub.s32 s2, s3  }
0x586: {  	p1 =	slt.s32 s29, $0x1  }
.Ltmp79:
0x587: {  	_ = 	snop;
	(pc) =	sbr.rel @p1 .LBB2_140-.Ltmp79, $3  }
0x588: {  	_ =	sdelay $0x1  }
0x589: {  	s0 =	sxor.u32 $0x80000000, s0  }
0x58a: {  	v8 =	vmov s0;
	p0 =	sne.s32 s29, $0x1  }
.Ltmp80:
0x58b: {  	(pc) =	sbr.rel @!p0 .LBB2_135-.Ltmp80, $3  }
0x58c: {  	_ =	sdelay $0x1  }
0x58d: {  	s2 =	simm.s32 $0x8000  }
0x58e: {  	s0 =	simm.s32 $0x0;
	p2 =	por $0x0, $0x0;
	v9 =	vld [tilespmem:s2+$0x0];
	s2 =	sadd.s32 $0xFFFFFFFF, s29  }
0x58f: {  	_ =	sdelay $0x3  }
0x590: {  	v9 =	vsub.s32 v9, v6  }
0x591: {  	v10 =	vor.u32 s0, v0;
	v9 =	vmin.u32 v9, $0x200000  }
0x592: {  	vm0 =	vlt.s32 v10, v8;
	v9 =	vsub.s32 v9, v7  }
0x593: {  	v9 =	vmin.u32 v9, $0x400  }
0x594: {  	p3 =	sne.s32 s2, $0x1  }
.Ltmp81:
0x595: {  	_ = 	snop;
	(pc) =	sbr.rel @!p3 .LBB2_137-.Ltmp81, $3  }
0x596: {  	_ =	sdelay $0x1  }
0x597: {  	s30 =	simm.s32 $0x8010;
	[tilespmem:v9+s19+$0x0] =	vst.idx.add.s32.msk vm0, v2  }
0x598: {  	s31 =	sadd.s32 $0xFFFFFFFF, s2;
	p2 =	por $0x1, $0x1;
	s2 =	simm.s32 $0x0;
	v9 =	vld [tilespmem:s30+$0x0]  }
.LBB2_138:
0x599: {  	p3 =	sne.s32 s31, $0x1;
	_ =	sdelay $0x3  }
0x59a: {  	s2 =	sadd.s32 $0x10, s2;
	v9 =	vsub.s32 v9, v6  }
0x59b: {  	v10 =	vor.u32 s2, v0;
	v9 =	vmin.u32 v9, $0x200000  }
0x59c: {  	vm0 =	vlt.s32 v10, v8;
	v9 =	vsub.s32 v9, v7  }
0x59d: {  	v9 =	vmin.u32 v9, $0x400;
	_ =	sdelay $0x1  }
.Ltmp82:
0x59e: {  	(pc) =	sbr.rel @p3 .LBB2_138-.Ltmp82, $3  }
0x59f: {  	_ =	sdelay $0x1  }
0x5a0: {  	s30 =	sadd.s32 $0x10, s30;
	[tilespmem:v9+s19+$0x0] =	vst.idx.add.s32.msk vm0, v2  }
0x5a1: {  	s31 =	sadd.s32 $0xFFFFFFFF, s31;
	v9 =	vld [tilespmem:s30+$0x0]  }
.LBB2_139:
0x5a2: {  	_ =	sdelay $0x2  }
0x5a3: {  	s2 =	sadd.s32 @p2 $0x10, s2  }
0x5a4: {  	s0 =	smov.u32 @p2 s2;
	v9 =	vsub.s32 v9, v6  }
0x5a5: {  	v10 =	vor.u32 s0, v0;
	v9 =	vmin.u32 v9, $0x200000  }
0x5a6: {  	vm0 =	vlt.s32 v10, v8;
	v9 =	vsub.s32 v9, v7  }
0x5a7: {  	v9 =	vmin.u32 v9, $0x400;
	_ =	sdelay $0x4  }
0x5a8: {  	[tilespmem:v9+s19+$0x0] =	vst.idx.add.s32.msk vm0, v2  }
.LBB2_140:
0x5a9: {  	s30 =	simm.s32 $0x0;
	s0 =	simm.s32 $0x40F;
	s2 =	simm.s32 $0x18410  }
.LBB2_141:
0x5aa: {  	v10 =	vld [tilespmem:s2+$0x0];
	_ =	sdelay $0x4  }
0x5ab: {  	v9 =	vperm.xlane v10, v3;
	_ =	sdelay $0x1  }
0x5ac: {  	(xrf0) =	vadd.scan.msk.s32 $0xffff, v9;
	_ =	sdelay $0x5  }
0x5ad: {  	v11, _, _ =	vpop (xrf0)  }
0x5ae: {  	v12 =	vadd.s32 s30, v11  }
0x5af: {  	vm0 =	vgt.s32 v12, $0x3F  }
0x5b0: {  	v12 =	vsel vm0, $0x1, v1  }
0x5b1: {  	(xrf0) =	vadd.scan.msk.s32 $0xffff, v12;
	_ =	sdelay $0x5  }
0x5b2: {  	v12, _, _ =	vpop (xrf0)  }
0x5b3: {  	(v2sf) =	vpush v12, $0xF;
	_ =	sdelay $0xe  }
0x5b4: {  	s31 =	spop (v2sf)  }
0x5b5: {  	p2 =	slt.s32 s31, $0x1  }
.Ltmp83:
0x5b6: {  	_ = 	snop;
	(pc) =	sbr.rel @!p2 .LBB2_142-.Ltmp83, $1  }
0x5b7: {  	_ =	sdelay $0x3  }
0x5b8: {  	(xrf0) =	vadd.scan.msk.s32 $0xffff, v10;
	_ =	sdelay $0x5  }
0x5b9: {  	v9, _, _ =	vpop (xrf0)  }
0x5ba: {  	(v2sf) =	vpush v9, $0xF;
	_ =	sdelay $0x9  }
0x5bb: {  	s0 =	sadd.s32 $0xFFFFFFF0, s0  }
0x5bc: {  	p2 =	sne.s32 s0, $0xFFFFFFEF  }
.Ltmp84:
0x5bd: {  	_ = 	snop;
	(pc) =	sbr.rel @p2 .LBB2_141-.Ltmp84, $3  }
0x5be: {  	_ =	sdelay $0x1  }
0x5bf: {  	s3 =	spop (v2sf)  }
0x5c0: {  	s2 =	sadd.s32 $0xFFFFFFF0, s2;
	s30 =	sadd.s32 s30, s3  }
.Ltmp85:
0x5c1: {  	(pc) =	sbr.rel .LBB2_145-.Ltmp85, $2  }
0x5c2: {  	_ =	sdelay $0x2  }
0x5c3: {  	s2 =	simm.s32 $0x0;
	s31 =	simm.s32 $0x40  }
.LBB2_142:
0x5c4: {  	s2 =	ssub.s32 $0x10, s31  }
0x5c5: {  	v10 =	vmov s2  }
0x5c6: {  	vm0 =	veq.s32 v10, v0  }
0x5c7: {  	v10 =	vnsel vm0, $0x0, v11  }
0x5c8: {  	v9 =	vnsel vm0, $0x0, v9;
	(xrf0) =	vadd.scan.msk.s32 $0xffff, v10  }
0x5c9: {  	(xrf0) =	vadd.scan.msk.s32 $0xffff, v9;
	_ =	sdelay $0x4  }
0x5ca: {  	v9, _, _ =	vpop (xrf0)  }
0x5cb: {  	(v2sf) =	vpush v9, $0xF;
	v9, _, _ =	vpop (xrf0)  }
0x5cc: {  	(v2sf) =	vpush v9, $0xF;
	_ =	sdelay $0xd  }
0x5cd: {  	s4 =	spop (v2sf)  }
0x5ce: {  	s3 =	spop (v2sf);
	s2 =	sadd.s32 s30, s4  }
0x5cf: {  	s3 =	ssub.s32 s3, s2  }
0x5d0: {  	s2 =	sadd.s32 s0, s31;
	s31 =	sadd.s32 $0x40, s3  }
.LBB2_145:
0x5d1: {  	s0 =	simm.s32 $0x18020  }
0x5d2: {  	[tilespmem:s0+$0xFFFFFFE0] =	vst v1  }
0x5d3: {  	[tilespmem:s0+$0x10] =	vst v1  }
0x5d4: {  	s30 =	simm.s32 $0x0;
	[tilespmem:s0+$0x0] =	vst v1  }
.LBB2_146:
0x5d5: {  	s30 =	sadd.s32 $0x4, s30  }
0x5d6: {  	[tilespmem:s0+$0xFFFFFFF0] =	vst v1;
	s0 =	sadd.s32 $0x40, s0;
	p2 =	slt.u32 s30, $0x7C  }
.Ltmp86:
0x5d7: {  	[tilespmem:s0+$0xFFFFFFE0] =	vst v1;
	(pc) =	sbr.rel @p2 .LBB2_146-.Ltmp86, $3  }
0x5d8: {  	_ =	sdelay $0x1  }
0x5d9: {  	[tilespmem:s0+$0x10] =	vst v1  }
0x5da: {  	[tilespmem:s0+$0x0] =	vst v1  }
.Ltmp87:
0x5db: {  	(pc) =	sbr.rel @p1 .LBB2_151-.Ltmp87, $3  }
0x5dc: {  	_ =	sdelay $0x1  }
0x5dd: {  	[tilespmem:s0+$0xFFFFFFF0] =	vst v1  }
0x5de: {  	[tilespmem:$0x18800] =	vst v1  }
0x5df: {  	s0 =	simm.s32 $0x8000  }
0x5e0: {  	v11 =	vld [tilespmem:s0+$0x0];
	_ =	sdelay $0x4  }
0x5e1: {  	v9 =	vsub.s32 v11, v6  }
0x5e2: {  	v9 =	vmin.u32 v9, $0x200000  }
0x5e3: {  	s30 =	simm.s32 $0x0;
	v10 =	vsub.s32 v9, v7  }
0x5e4: {  	v12 =	vor.u32 s30, v0;
	v9 =	vmov s2;
	v13 =	vmin.u32 v10, $0x400  }
0x5e5: {  	vm0 =	vlt.s32 v12, v8;
	vm1 =	veq.s32 v13, v9  }
0x5e6: {  	vm1 =	vmand vm0, vm1  }
0x5e7: {  	v10 =	vsel vm1, $0x1, v1  }
0x5e8: {  	(xrf0) =	vadd.scan.msk.s32 $0xffff, v10;
	_ =	sdelay $0x5  }
0x5e9: {  	v12 =	vimm.s32 $0x0;
	v14, _, _ =	vpop (xrf0)  }
0x5ea: {  	v10 =	vmov s31;
	v14 =	vadd.s32 v12, v14  }
0x5eb: {  	vm2 =	vgt.u32 v13, v9;
	vm3 =	vle.s32 v14, v10  }
0x5ec: {  	vm0 =	vmand vm0, vm2;
	vm2 =	vmand vm1, vm3  }
0x5ed: {  	vm0 =	vmor vm0, vm2  }
0x5ee: {  	v13 =	vsel vm0, $0x1, v1  }
0x5ef: {  	(xrf0) =	vadd.scan.msk.s32 $0xffff, v13;
	_ =	sdelay $0x5  }
0x5f0: {  	v13, _, _ =	vpop (xrf0)  }
0x5f1: {  	v13 =	vadd.s32 v13, v12  }
0x5f2: {  	v13 =	vadd.s32 $0xFFFFFFFF, v13;
	_ =	sdelay $0x1  }
.Ltmp88:
0x5f3: {  	_ = 	snop;
	(pc) =	sbr.rel @!p0 .LBB2_150-.Ltmp88, $4  }
0x5f4: {  	_ = 	snop  }
0x5f5: {  	v14 =	vmpcnt.ones.xlane vm1;
	v15 =	vmpcnt.ones.xlane vm0  }
0x5f6: {  	s31 =	simm.s32 $0x10000;
	[tilespmem:v13+s22+$0x0] =	vst.idx.msk vm0, v11  }
0x5f7: {  	s29 =	sadd.s32 $0xFFFFFFFF, s29;
	v11 =	vadd.s32 v12, v14;
	v12 =	vadd.s32 v12, v15;
	v14 =	vld [tilespmem:s31+$0x0]  }
.LBB2_149:
0x5f8: {  	_ =	sdelay $0x3  }
0x5f9: {  	s0 =	sadd.s32 $0x10, s0;
	s31 =	sadd.s32 $0x10, s31;
	s30 =	sadd.s32 $0x10, s30;
	[tilespmem:v13+s23+$0x0] =	vst.idx.msk vm0, v14;
	v13 =	vmov v11;
	v14 =	vmov v12  }
0x5fa: {  	p0 =	sne.s32 s29, $0x1;
	s29 =	sadd.s32 $0xFFFFFFFF, s29;
	v15 =	vld [tilespmem:s0+$0x0];
	_ =	sdelay $0x4  }
0x5fb: {  	v16 =	vsub.s32 v15, v6  }
0x5fc: {  	v16 =	vmin.u32 v16, $0x200000  }
0x5fd: {  	v16 =	vsub.s32 v16, v7  }
0x5fe: {  	v17 =	vor.u32 s30, v0;
	v16 =	vmin.u32 v16, $0x400  }
0x5ff: {  	vm0 =	vlt.s32 v17, v8;
	vm1 =	vgt.u32 v16, v9;
	vm2 =	veq.s32 v16, v9  }
0x600: {  	vm1 =	vmand vm0, vm1;
	vm0 =	vmand vm0, vm2  }
0x601: {  	v16 =	vsel vm0, $0x1, v1;
	v17 =	vmpcnt.ones.xlane vm0  }
0x602: {  	(xrf0) =	vadd.scan.msk.s32 $0xffff, v16  }
0x603: {  	v11 =	vadd.s32 v11, v17;
	_ =	sdelay $0x4  }
0x604: {  	v16, _, _ =	vpop (xrf0)  }
0x605: {  	v13 =	vadd.s32 v13, v16  }
0x606: {  	vm2 =	vle.s32 v13, v10  }
0x607: {  	vm0 =	vmand vm0, vm2  }
0x608: {  	vm0 =	vmor vm1, vm0  }
0x609: {  	v13 =	vsel vm0, $0x1, v1;
	v16 =	vmpcnt.ones.xlane vm0  }
0x60a: {  	(xrf0) =	vadd.scan.msk.s32 $0xffff, v13  }
0x60b: {  	v12 =	vadd.s32 v12, v16;
	_ =	sdelay $0x4  }
0x60c: {  	v13, _, _ =	vpop (xrf0)  }
0x60d: {  	v13 =	vadd.s32 v13, v14  }
0x60e: {  	v13 =	vadd.s32 $0xFFFFFFFF, v13;
	_ =	sdelay $0x1  }
.Ltmp89:
0x60f: {  	(pc) =	sbr.rel @p0 .LBB2_149-.Ltmp89, $3  }
0x610: {  	_ =	sdelay $0x1  }
0x611: {  	[tilespmem:v13+s22+$0x0] =	vst.idx.msk vm0, v15  }
0x612: {  	v14 =	vld [tilespmem:s31+$0x0]  }
.LBB2_150:
0x613: {  	_ =	sdelay $0x4  }
0x614: {  	[tilespmem:v13+s23+$0x0] =	vst.idx.msk vm0, v14  }
.LBB2_151:
0x615: {  	_ =	swait.ge [sflag:s26], $0x80  }
0x616: {  	[sflag:s26] =	ssyncset.done $0x0  }
0x617: {  	[sflag:s26] =	ssyncadd.s32 $0xFFFFFF80  }
0x618: {  	_ =	swait.ge [sflag:s26], $0x80  }
0x619: {  	[sflag:s26] =	ssyncset.done $0x0  }
0x61a: {  	[sflag:s26] =	ssyncadd.s32 $0xFFFFFF80  }
0x61b: {  	v8 =	vld [tilespmem:$0x18880]  }
0x61c: {  	v12 =	vld [tilespmem:$0x18890]  }
0x61d: {  	v13 =	vld [tilespmem:$0x188A0]  }
0x61e: {  	v11 =	vld [tilespmem:$0x188B0];
	_ =	sdelay $0x4  }
0x61f: {  	v6 =	vmax.u32 v8, v12;
	v7 =	vmax.u32 v13, v11  }
0x620: {  	v6 =	vmax.u32 v6, v7  }
0x621: {  	(xrf0) =	vmax.scan.msk.u32 $0xffff, v6;
	_ =	sdelay $0x2  }
0x622: {  	v10 =	vld [tilespmem:$0x18930]  }
0x623: {  	v9 =	vld [tilespmem:$0x18920]  }
0x624: {  	v7 =	vld [tilespmem:$0x18910]  }
0x625: {  	v6 =	vld [tilespmem:$0x18900];
	v14, _, _ =	vpop (xrf0)  }
0x626: {  	v14 =	vperm.xlane v14, v4;
	_ =	sdelay $0x1  }
0x627: {  	vm0 =	veq.s32 v12, v14;
	vm1 =	veq.s32 v11, v14  }
0x628: {  	v15 =	vnsel vm0, $0x7FFFFFFF, v7;
	v16 =	vnsel vm1, $0x7FFFFFFF, v10  }
0x629: {  	vm13 =	veq.s32 v13, v14;
	vm14 =	vlt.s32 v6, v15;
	vm2 =	vlt.s32 v9, v16  }
0x62a: {  	vm3 =	veq.s32 v8, v14;
	v17 =	vsel vm14, v6, v15;
	v18 =	vsel vm2, v9, v16  }
0x62b: {  	v15 =	vsel vm3, v17, v15;
	v16 =	vsel vm13, v18, v16  }
0x62c: {  	vm0 =	vlt.s32 v15, v16  }
0x62d: {  	v15 =	vsel vm0, v15, v16  }
0x62e: {  	v15 =	vsub.s32 $0x80000000, v15  }
0x62f: {  	(xrf0) =	vmax.scan.msk.u32 $0xffff, v15;
	_ =	sdelay $0x5  }
0x630: {  	s2 =	simm.s32 $0x0;
	v15, _, _ =	vpop (xrf0)  }
0x631: {  	v17 =	vxor.u32 $0x80000000, v15;
	v15 =	vmov s2  }
0x632: {  	vm15 =	vgt.s32 v14, $0xFFFFFFFF  }
0x633: {  	v16 =	vsel vm15, $0xFFFFFFFF, v5  }
0x634: {  	s29 =	simm.s32 $0x1;
	s0 =	simm.s32 $0x2;
	s30 =	simm.s32 $0x3;
	v14 =	vxor.u32 v14, v16;
	v16 =	vperm.xlane v17, v4  }
.LBB2_152:
0x635: {  	p0 =	sne.s32 s30, $0x3F;
	s31 =	smov.u32 s30;
	s30 =	sadd.s32 $0x1, s30  }
0x636: {  	v16 =	vsub.s32 $0x0, v16;
	[tilespmem:v15+s24+$0x0] =	vst.idx.msk $0x1, v14  }
0x637: {  	vm0 =	veq.s32 v7, v16;
	vm1 =	veq.s32 v9, v16;
	vm2 =	veq.s32 v10, v16  }
0x638: {  	vm3 =	veq.s32 v6, v16;
	[tilespmem:v15+s25+$0x0] =	vst.idx.msk $0x1, v16;
	v12 =	vsel vm0, $0x0, v12;
	v13 =	vsel vm1, $0x0, v13  }
0x639: {  	v8 =	vsel vm3, $0x0, v8;
	v11 =	vsel vm2, $0x0, v11;
	v10 =	vsel vm2, $0x7FFFFFFF, v10  }
0x63a: {  	v9 =	vsel vm1, $0x7FFFFFFF, v9;
	v14 =	vmax.u32 v8, v12;
	v15 =	vmax.u32 v13, v11  }
0x63b: {  	v6 =	vsel vm3, $0x7FFFFFFF, v6;
	v7 =	vsel vm0, $0x7FFFFFFF, v7;
	v14 =	vmax.u32 v14, v15  }
0x63c: {  	(xrf0) =	vmax.scan.msk.u32 $0xffff, v14;
	_ =	sdelay $0x5  }
0x63d: {  	v14, _, _ =	vpop (xrf0)  }
0x63e: {  	v14 =	vperm.xlane v14, v4;
	_ =	sdelay $0x1  }
0x63f: {  	vm0 =	veq.s32 v12, v14;
	vm1 =	veq.s32 v11, v14;
	vm2 =	vgt.s32 v14, $0xFFFFFFFF  }
0x640: {  	v15 =	vnsel vm0, $0x7FFFFFFF, v7;
	v16 =	vnsel vm1, $0x7FFFFFFF, v10;
	v17 =	vsel vm2, $0xFFFFFFFF, v5  }
0x641: {  	vm0 =	veq.s32 v13, v14;
	vm1 =	vlt.s32 v6, v15;
	vm2 =	vlt.s32 v9, v16  }
0x642: {  	vm3 =	veq.s32 v8, v14;
	v18 =	vsel vm1, v6, v15;
	v19 =	vsel vm2, v9, v16  }
0x643: {  	v14 =	vxor.u32 v14, v17;
	v15 =	vsel vm3, v18, v15;
	v16 =	vsel vm0, v19, v16  }
0x644: {  	vm0 =	vlt.s32 v15, v16  }
0x645: {  	v15 =	vsel vm0, v15, v16  }
0x646: {  	v15 =	vsub.s32 $0x80000000, v15  }
0x647: {  	(xrf0) =	vmax.scan.msk.u32 $0xffff, v15;
	_ =	sdelay $0x3  }
.Ltmp90:
0x648: {  	(pc) =	sbr.rel @p0 .LBB2_152-.Ltmp90, $4  }
0x649: {  	v15 =	vmov s29;
	s29 =	smov.u32 s0;
	s0 =	smov.u32 s31  }
0x64a: {  	v16, _, _ =	vpop (xrf0)  }
0x64b: {  	v16 =	vxor.u32 $0x80000000, v16  }
0x64c: {  	v16 =	vperm.xlane v16, v4  }
0x64d: {  	_ = 	snop  }
0x64e: {  	v16 =	vsub.s32 $0x0, v16  }
0x64f: {  	vm0 =	veq.s32 v7, v16;
	vm1 =	veq.s32 v9, v16  }
0x650: {  	vm2 =	veq.s32 v10, v16;
	vm3 =	veq.s32 v6, v16;
	v12 =	vsel vm0, $0x0, v12  }
0x651: {  	v13 =	vsel vm1, $0x0, v13;
	v8 =	vsel vm3, $0x0, v8;
	v11 =	vsel vm2, $0x0, v11  }
0x652: {  	v17 =	vmax.u32 v8, v12;
	v18 =	vmax.u32 v13, v11  }
0x653: {  	v17 =	vmax.u32 v17, v18  }
0x654: {  	(xrf0) =	vmax.scan.msk.u32 $0xffff, v17;
	_ =	sdelay $0x5  }
0x655: {  	v17, _, _ =	vpop (xrf0)  }
0x656: {  	v17 =	vperm.xlane v17, v4  }
0x657: {  	v10 =	vsel vm2, $0x7FFFFFFF, v10;
	v9 =	vsel vm1, $0x7FFFFFFF, v9  }
0x658: {  	v7 =	vsel vm0, $0x7FFFFFFF, v7;
	vm8 =	veq.s32 v12, v17;
	vm9 =	veq.s32 v11, v17  }
0x659: {  	v6 =	vsel vm3, $0x7FFFFFFF, v6;
	v53 =	vnsel vm8, $0x7FFFFFFF, v7;
	v19 =	vnsel vm9, $0x7FFFFFFF, v10  }
0x65a: {  	vm10 =	veq.s32 v13, v17;
	vm11 =	vlt.s32 v6, v53;
	vm12 =	vlt.s32 v9, v19  }
0x65b: {  	vm13 =	veq.s32 v8, v17;
	v20 =	vsel vm11, v6, v53;
	v21 =	vsel vm12, v9, v19  }
0x65c: {  	v18 =	vsel vm13, v20, v53;
	v19 =	vsel vm10, v21, v19  }
0x65d: {  	vm0 =	vlt.s32 v18, v19  }
0x65e: {  	v18 =	vsel vm0, v18, v19  }
0x65f: {  	v18 =	vsub.s32 $0x80000000, v18  }
0x660: {  	(xrf0) =	vmax.scan.msk.u32 $0xffff, v18;
	_ =	sdelay $0x5  }
0x661: {  	v18, _, _ =	vpop (xrf0)  }
0x662: {  	v18 =	vxor.u32 $0x80000000, v18  }
0x663: {  	v18 =	vperm.xlane v18, v4;
	_ =	sdelay $0x1  }
0x664: {  	v18 =	vsub.s32 $0x0, v18  }
0x665: {  	vm14 =	veq.s32 v7, v18;
	vm15 =	veq.s32 v9, v18  }
0x666: {  	vm6 =	veq.s32 v10, v18;
	vm7 =	veq.s32 v6, v18;
	v12 =	vsel vm14, $0x0, v12  }
0x667: {  	v13 =	vsel vm15, $0x0, v13;
	v8 =	vsel vm7, $0x0, v8;
	v11 =	vsel vm6, $0x0, v11  }
0x668: {  	v54 =	vmax.u32 v8, v12;
	v55 =	vmax.u32 v13, v11  }
0x669: {  	v19 =	vmax.u32 v54, v55  }
0x66a: {  	(xrf0) =	vmax.scan.msk.u32 $0xffff, v19;
	_ =	sdelay $0x5  }
0x66b: {  	v19, _, _ =	vpop (xrf0)  }
0x66c: {  	v19 =	vperm.xlane v19, v4  }
0x66d: {  	v10 =	vsel vm6, $0x7FFFFFFF, v10;
	v9 =	vsel vm15, $0x7FFFFFFF, v9  }
0x66e: {  	v7 =	vsel vm14, $0x7FFFFFFF, v7;
	vm8 =	veq.s32 v12, v19;
	vm9 =	veq.s32 v11, v19  }
0x66f: {  	v6 =	vsel vm7, $0x7FFFFFFF, v6;
	v7 =	vnsel vm8, $0x7FFFFFFF, v7;
	v10 =	vnsel vm9, $0x7FFFFFFF, v10  }
0x670: {  	vm10 =	veq.s32 v13, v19;
	vm11 =	vlt.s32 v6, v7;
	vm12 =	vlt.s32 v9, v10  }
0x671: {  	vm13 =	veq.s32 v8, v19;
	v6 =	vsel vm11, v6, v7;
	v8 =	vsel vm12, v9, v10  }
0x672: {  	v6 =	vsel vm13, v6, v7;
	v7 =	vsel vm10, v8, v10  }
0x673: {  	vm0 =	vlt.s32 v6, v7  }
0x674: {  	v6 =	vsel vm0, v6, v7  }
0x675: {  	v6 =	vsub.s32 $0x80000000, v6  }
0x676: {  	(xrf0) =	vmax.scan.msk.u32 $0xffff, v6;
	_ =	sdelay $0x2  }
0x677: {  	v6 =	vmov s29;
	_ =	sdelay $0x1  }
0x678: {  	vm14 =	vgt.s32 v17, $0xFFFFFFFF;
	v7 =	vmov s0  }
0x679: {  	[tilespmem:v15+s24+$0x0] =	vst.idx.msk $0x1, v14;
	v8 =	vsel vm14, $0xFFFFFFFF, v5;
	v9, _, _ =	vpop (xrf0)  }
0x67a: {  	[tilespmem:v15+s25+$0x0] =	vst.idx.msk $0x1, v16;
	vm15 =	vgt.s32 v19, $0xFFFFFFFF;
	v8 =	vxor.u32 v17, v8;
	v9 =	vxor.u32 $0x80000000, v9  }
0x67b: {  	[tilespmem:v6+s24+$0x0] =	vst.idx.msk $0x1, v8;
	v8 =	vsel vm15, $0xFFFFFFFF, v5;
	v9 =	vperm.xlane v9, v4  }
0x67c: {  	[tilespmem:v6+s25+$0x0] =	vst.idx.msk $0x1, v18;
	v6 =	vxor.u32 v19, v8  }
0x67d: {  	[tilespmem:v7+s24+$0x0] =	vst.idx.msk $0x1, v6;
	v8 =	vsub.s32 $0x0, v9  }
0x67e: {  	[tilespmem:v7+s25+$0x0] =	vst.idx.msk $0x1, v8  }
0x67f: {  	[hbm4b:s11+s1] =	stream.linear.scatter [tilespmem:s24], [sflag:$0x2], $0x80, $0x38;
	[tilespmem:$0x18A80] =	vst v63  }
0x680: {  	_ = 	snop  }
0x681: {  	[hbm4b:s12+s1] =	stream.linear.scatter [tilespmem:s25], [sflag:$0x2], $0x80, $0x38;
	[tilespmem:$0x18A80] =	vst v63  }
0x682: {  	_ =	swait.ge [sflag:s18], $0x8000  }
0x683: {  	[sflag:s18] =	ssyncset.done $0x0  }
0x684: {  	s31 =	simm.s32 $0x40;
	[sflag:s18] =	ssyncadd.s32 $0xFFFF8000  }
0x685: {  	v6 =	vld [tilespmem:s31+$0x30]  }
0x686: {  	v7 =	vld [tilespmem:s31+$0xFFFFFFD0]  }
0x687: {  	v8 =	vld [tilespmem:s31+$0xFFFFFFE0]  }
0x688: {  	v9 =	vld [tilespmem:s31+$0xFFFFFFF0]  }
0x689: {  	v10 =	vld [tilespmem:s31+$0x0]  }
0x68a: {  	v11 =	vld [tilespmem:s31+$0x10]  }
0x68b: {  	v14 =	vld [tilespmem:s31+$0x20]  }
0x68c: {  	v15 =	vld [tilespmem:s31+$0xFFFFFFC0];
	_ =	sdelay $0x2  }
0x68d: {  	v12 =	vshra.s32 v6, $0x1F;
	v13 =	vshra.s32 v7, $0x1F;
	v56 =	vshra.s32 v8, $0x1F  }
0x68e: {  	v57 =	vshra.s32 v9, $0x1F;
	v58 =	vshra.s32 v10, $0x1F;
	v59 =	vshra.s32 v11, $0x1F  }
0x68f: {  	v60 =	vshra.s32 v14, $0x1F;
	v61 =	vshra.s32 v15, $0x1F;
	v12 =	vor.u32 $0x80000000, v12  }
0x690: {  	v13 =	vor.u32 $0x80000000, v13;
	v63 =	vor.u32 $0x80000000, v61;
	v6 =	vxor.u32 v6, v12  }
0x691: {  	v12 =	vor.u32 $0x80000000, v56;
	v7 =	vxor.u32 v7, v13;
	v6 =	vshrl.u32 v6, $0x15  }
0x692: {  	v13 =	vor.u32 $0x80000000, v57;
	v8 =	vxor.u32 v8, v12;
	v12 =	vor.u32 $0x80000000, v58  }
0x693: {  	v13 =	vxor.u32 v9, v13;
	v9 =	vor.u32 $0x80000000, v59;
	v62 =	vxor.u32 v10, v12  }
0x694: {  	v10 =	vor.u32 $0x80000000, v60;
	v12 =	vxor.u32 v11, v9;
	v9 =	vshrl.u32 v7, $0x15  }
0x695: {  	v7 =	vshrl.u32 v8, $0x15;
	v11 =	vxor.u32 v14, v10;
	v10 =	vxor.u32 v15, v63  }
0x696: {  	s0 =	simm.s32 $0x0;
	s29 =	simm.s32 $0xC0;
	v8 =	vshrl.u32 v13, $0x15;
	v10 =	vshrl.u32 v10, $0x15;
	[tilespmem:v6+s19+$0x0] =	vst.idx.add.s32.msk $0xffff, v2;
	v6 =	vshrl.u32 v62, $0x15  }
.LBB2_154:
0x697: {  	v13 =	vld [tilespmem:s29+$0x30];
	s0 =	sadd.s32 $0x8, s0;
	v14 =	vshrl.u32 v12, $0x15;
	v15 =	vshrl.u32 v11, $0x15  }
0x698: {  	v11 =	vld [tilespmem:s29+$0xFFFFFFD0];
	p0 =	slt.u32 s0, $0x7F8  }
0x699: {  	v12 =	vld [tilespmem:s29+$0xFFFFFFE0]  }
0x69a: {  	v16 =	vld [tilespmem:s29+$0xFFFFFFF0]  }
0x69b: {  	v17 =	vld [tilespmem:s29+$0x0]  }
0x69c: {  	v18 =	vld [tilespmem:s29+$0x10];
	v19 =	vshra.s32 v13, $0x1F  }
0x69d: {  	v20 =	vshra.s32 v11, $0x1F;
	v21 =	vld [tilespmem:s29+$0x20];
	v19 =	vor.u32 $0x80000000, v19  }
0x69e: {  	v22 =	vld [tilespmem:s29+$0xFFFFFFC0];
	v20 =	vor.u32 $0x80000000, v20;
	v23 =	vshra.s32 v12, $0x1F;
	v13 =	vxor.u32 v13, v19  }
0x69f: {  	v19 =	vor.u32 $0x80000000, v23;
	v23 =	vshra.s32 v16, $0x1F;
	v13 =	vshrl.u32 v13, $0x15;
	[tilespmem:v10+s19+$0x0] =	vst.idx.add.s32.msk $0xffff, v2  }
0x6a0: {  	v10 =	vxor.u32 v11, v20;
	v11 =	vor.u32 $0x80000000, v23;
	v20 =	vshra.s32 v17, $0x1F;
	[tilespmem:v9+s19+$0x0] =	vst.idx.add.s32.msk $0xffff, v2  }
0x6a1: {  	v19 =	vxor.u32 v12, v19;
	v9 =	vor.u32 $0x80000000, v20;
	v12 =	vshra.s32 v18, $0x1F;
	[tilespmem:v7+s19+$0x0] =	vst.idx.add.s32.msk $0xffff, v2  }
.Ltmp91:
0x6a2: {  	v16 =	vxor.u32 v16, v11;
	v7 =	vor.u32 $0x80000000, v12;
	v11 =	vshra.s32 v21, $0x1F;
	[tilespmem:v8+s19+$0x0] =	vst.idx.add.s32.msk $0xffff, v2;
	(pc) =	sbr.rel @p0 .LBB2_154-.Ltmp91, $4  }
0x6a3: {  	v17 =	vxor.u32 v17, v9;
	v8 =	vshra.s32 v22, $0x1F;
	v9 =	vor.u32 $0x80000000, v11;
	[tilespmem:v6+s19+$0x0] =	vst.idx.add.s32.msk $0xffff, v2  }
0x6a4: {  	v12 =	vxor.u32 v18, v7;
	v6 =	vor.u32 $0x80000000, v8;
	v11 =	vxor.u32 v21, v9;
	[tilespmem:v13+s19+$0x0] =	vst.idx.add.s32.msk $0xffff, v2  }
0x6a5: {  	v7 =	vshrl.u32 v19, $0x15;
	v9 =	vshrl.u32 v10, $0x15;
	v6 =	vxor.u32 v22, v6;
	[tilespmem:v14+s19+$0x0] =	vst.idx.add.s32.msk $0xffff, v2  }
0x6a6: {  	s29 =	sadd.s32 $0x80, s29;
	v8 =	vshrl.u32 v16, $0x15;
	v10 =	vshrl.u32 v6, $0x15;
	v6 =	vshrl.u32 v17, $0x15;
	[tilespmem:v15+s19+$0x0] =	vst.idx.add.s32.msk $0xffff, v2  }
0x6a7: {  	_ =	sdelay $0x3  }
0x6a8: {  	v12 =	vshrl.u32 v12, $0x15;
	[tilespmem:v10+s19+$0x0] =	vst.idx.add.s32.msk $0xffff, v2  }
0x6a9: {  	v63 =	vshrl.u32 v11, $0x15;
	[tilespmem:v9+s19+$0x0] =	vst.idx.add.s32.msk $0xffff, v2  }
0x6aa: {  	[tilespmem:v7+s19+$0x0] =	vst.idx.add.s32.msk $0xffff, v2  }
0x6ab: {  	[tilespmem:v8+s19+$0x0] =	vst.idx.add.s32.msk $0xffff, v2  }
0x6ac: {  	[tilespmem:v6+s19+$0x0] =	vst.idx.add.s32.msk $0xffff, v2  }
0x6ad: {  	[tilespmem:v12+s19+$0x0] =	vst.idx.add.s32.msk $0xffff, v2  }
0x6ae: {  	s2 =	simm.s32 $0x0;
	s0 =	simm.s32 $0xFFFFF011;
	s29 =	simm.s32 $0x187F0;
	[tilespmem:v63+s19+$0x0] =	vst.idx.add.s32.msk $0xffff, v2  }
.LBB2_156:
0x6af: {  	v6 =	vld [tilespmem:s29+$0x0];
	_ =	sdelay $0x4  }
0x6b0: {  	v7 =	vperm.xlane v6, v3;
	_ =	sdelay $0x1  }
0x6b1: {  	(xrf0) =	vadd.scan.msk.s32 $0xffff, v7;
	_ =	sdelay $0x5  }
0x6b2: {  	v7, _, _ =	vpop (xrf0)  }
0x6b3: {  	v7 =	vadd.s32 s2, v7  }
0x6b4: {  	vm0 =	vgt.s32 v7, $0x3F  }
0x6b5: {  	v7 =	vsel vm0, $0x1, v1  }
0x6b6: {  	(xrf0) =	vadd.scan.msk.s32 $0xffff, v7;
	_ =	sdelay $0x5  }
0x6b7: {  	v7, _, _ =	vpop (xrf0)  }
0x6b8: {  	(v2sf) =	vpush v7, $0xF;
	_ =	sdelay $0xe  }
0x6b9: {  	s30 =	spop (v2sf)  }
0x6ba: {  	p0 =	slt.s32 s30, $0x1  }
.Ltmp92:
0x6bb: {  	_ = 	snop;
	(pc) =	sbr.rel @!p0 .LBB2_157-.Ltmp92, $1  }
0x6bc: {  	_ =	sdelay $0x3  }
0x6bd: {  	(xrf0) =	vadd.scan.msk.s32 $0xffff, v6;
	_ =	sdelay $0x5  }
0x6be: {  	v6, _, _ =	vpop (xrf0)  }
0x6bf: {  	(v2sf) =	vpush v6, $0xF;
	_ =	sdelay $0x9  }
0x6c0: {  	s0 =	sadd.s32 $0x10, s0  }
0x6c1: {  	p0 =	sne.s32 s0, $0xFFFFF811  }
.Ltmp93:
0x6c2: {  	_ = 	snop;
	(pc) =	sbr.rel @p0 .LBB2_156-.Ltmp93, $3  }
0x6c3: {  	_ =	sdelay $0x1  }
0x6c4: {  	s3 =	spop (v2sf)  }
0x6c5: {  	s29 =	sadd.s32 $0xFFFFFFF0, s29;
	s2 =	sadd.s32 s2, s3  }
.Ltmp94:
0x6c6: {  	(pc) =	sbr.rel .LBB2_160-.Ltmp94, $2  }
0x6c7: {  	_ =	sdelay $0x2  }
0x6c8: {  	s0 =	simm.s32 $0x0  }
.LBB2_157:
0x6c9: {  	s0 =	ssub.s32 s30, s0  }
0x6ca: {  	s0 =	sshll.u32 s0, $0x15  }
.LBB2_160:
0x6cb: {  	s2 =	simm.s32 $0x18020  }
0x6cc: {  	[tilespmem:s2+$0xFFFFFFE0] =	vst v1  }
0x6cd: {  	[tilespmem:s2+$0x10] =	vst v1  }
0x6ce: {  	s29 =	simm.s32 $0x0;
	[tilespmem:s2+$0x0] =	vst v1  }
.LBB2_161:
0x6cf: {  	s29 =	sadd.s32 $0x4, s29  }
0x6d0: {  	[tilespmem:s2+$0xFFFFFFF0] =	vst v1;
	s2 =	sadd.s32 $0x40, s2;
	p0 =	slt.u32 s29, $0x7C  }
.Ltmp95:
0x6d1: {  	[tilespmem:s2+$0xFFFFFFE0] =	vst v1;
	(pc) =	sbr.rel @p0 .LBB2_161-.Ltmp95, $3  }
0x6d2: {  	_ =	sdelay $0x1  }
0x6d3: {  	[tilespmem:s2+$0x10] =	vst v1  }
0x6d4: {  	[tilespmem:s2+$0x0] =	vst v1  }
0x6d5: {  	[tilespmem:s2+$0xFFFFFFF0] =	vst v1;
	v11 =	vimm.s32 $0x0  }
0x6d6: {  	s3 =	simm.s32 $0x40;
	[tilespmem:$0x18800] =	vst v11  }
0x6d7: {  	v7 =	vld [tilespmem:s3+$0xFFFFFFC0]  }
0x6d8: {  	v8 =	vld [tilespmem:s3+$0x20]  }
0x6d9: {  	v9 =	vld [tilespmem:s3+$0x30]  }
0x6da: {  	v12 =	vld [tilespmem:s3+$0xFFFFFFF0];
	_ =	sdelay $0x1  }
0x6db: {  	v13 =	vld [tilespmem:s3+$0xFFFFFFD0];
	v10 =	vshra.s32 v7, $0x1F  }
0x6dc: {  	v6 =	vmov s0;
	v16 =	vld [tilespmem:s3+$0x0];
	v10 =	vor.u32 $0x80000000, v10  }
0x6dd: {  	v14 =	vshra.s32 v8, $0x1F;
	v15 =	vshra.s32 v9, $0x1F;
	v20 =	vxor.u32 v7, v10  }
0x6de: {  	v7 =	vor.u32 $0x80000000, v14;
	v10 =	vshra.s32 v12, $0x1F;
	vm2 =	vge.u32 v20, v6  }
0x6df: {  	v14 =	vor.u32 $0x80000000, v15;
	v7 =	vxor.u32 v8, v7;
	v8 =	vsel vm2, $0x1, v1  }
0x6e0: {  	v19 =	vld [tilespmem:s3+$0xFFFFFFE0];
	v15 =	vshra.s32 v13, $0x1F;
	v18 =	vor.u32 $0x80000000, v10;
	v10 =	vxor.u32 v9, v14;
	(xrf0) =	vadd.scan.msk.s32 $0xffff, v8  }
0x6e1: {  	v9 =	vshra.s32 v16, $0x1F;
	vm4 =	vge.u32 v7, v6;
	v8 =	vor.u32 $0x80000000, v15  }
0x6e2: {  	v14 =	vld [tilespmem:s3+$0x10];
	vm7 =	vge.u32 v10, v6;
	v17 =	vsel vm4, $0x1, v1;
	v15 =	vxor.u32 v13, v8  }
0x6e3: {  	v12 =	vxor.u32 v12, v18;
	(xrf0) =	vadd.scan.msk.s32 $0xffff, v17;
	v8 =	vsel vm7, $0x1, v1;
	vm5 =	vge.u32 v15, v6  }
0x6e4: {  	v9 =	vor.u32 $0x80000000, v9;
	vm3 =	vge.u32 v12, v6;
	(xrf0) =	vadd.scan.msk.s32 $0xffff, v8;
	v13 =	vsel vm5, $0x1, v1  }
0x6e5: {  	v8 =	vxor.u32 v16, v9;
	v16 =	vsel vm3, $0x1, v1;
	(xrf0) =	vadd.scan.msk.s32 $0xffff, v13;
	v13 =	vshra.s32 v19, $0x1F  }
0x6e6: {  	v17 =	vmpcnt.ones.xlane vm2;
	vm1 =	vge.u32 v8, v6;
	v13 =	vor.u32 $0x80000000, v13;
	v18, _, _ =	vpop (xrf0);
	(xrf0) =	vadd.scan.msk.s32 $0xffff, v16  }
0x6e7: {  	v22 =	vshra.s32 v14, $0x1F;
	v21 =	vsel vm1, $0x1, v1;
	v16 =	vadd.s32 v18, v11  }
0x6e8: {  	(xrf0) =	vadd.scan.msk.s32 $0xffff, v21;
	v21 =	vmpcnt.ones.xlane vm5;
	v18 =	vadd.s32 $0xFFFFFFFF, v16;
	v16 =	vxor.u32 v19, v13  }
0x6e9: {  	v17 =	vadd.s32 v11, v17;
	v11 =	vor.u32 $0x80000000, v22;
	v13, _, _ =	vpop (xrf0);
	vm6 =	vge.u32 v16, v6  }
0x6ea: {  	v11 =	vxor.u32 v14, v11;
	v19 =	vadd.s32 v17, v21;
	v14, _, _ =	vpop (xrf0);
	v21 =	vmpcnt.ones.xlane vm6  }
0x6eb: {  	v22 =	vsel vm6, $0x1, v1;
	v24, _, _ =	vpop (xrf0)  }
0x6ec: {  	s4 =	simm.s32 $0x0;
	v21 =	vadd.s32 v19, v21;
	v25, _, _ =	vpop (xrf0);
	(xrf0) =	vadd.scan.msk.s32 $0xffff, v22  }
0x6ed: {  	v23 =	vmpcnt.ones.xlane vm3;
	v9 =	vor.u32 s4, v0  }
0x6ee: {  	v63 =	vmpcnt.ones.xlane vm1;
	vm0 =	vge.u32 v11, v6;
	v17 =	vadd.s32 v24, v17  }
0x6ef: {  	s29 =	simm.s32 $0x70;
	v22 =	vadd.s32 $0xFFFFFFFF, v17;
	v17 =	vadd.s32 v25, v21;
	v23 =	vadd.s32 v21, v23;
	v21, _, _ =	vpop (xrf0)  }
0x6f0: {  	s30 =	simm.s32 $0x0;
	s31 =	simm.s32 $0xF0;
	s0 =	simm.s32 $0xC0;
	[tilespmem:v18+s20+$0x0] =	vst.idx.msk vm2, v20;
	v20 =	vadd.s32 v23, v63;
	v21 =	vadd.s32 v21, v23;
	v23 =	vsel vm0, $0x1, v1  }
.LBB2_163:
0x6f1: {  	s2 =	sadd.s32 $0xFFFFFF90, s31;
	v24 =	vld [tilespmem:s0+$0xFFFFFFC0];
	s30 =	sadd.s32 $0x8, s30;
	[tilespmem:v18+s21+$0x0] =	vst.idx.msk vm2, v9;
	v18 =	vadd.s32 $0xFFFFFFFF, v17;
	(xrf0) =	vadd.scan.msk.s32 $0xffff, v23;
	v17 =	vmovc v10;
	vm9 =	vmmov vm4  }
0x6f2: {  	vm8 =	vmmov vm7;
	v9 =	vor.u32 s2, v0;
	v10 =	vld [tilespmem:s0+$0x30];
	p0 =	slt.u32 s30, $0x7F8;
	s2 =	sadd.s32 $0xFFFFFFC0, s29;
	v23, _, _ =	vpop (xrf0)  }
0x6f3: {  	s3 =	sadd.s32 $0xFFFFFFA0, s29;
	v25 =	vld [tilespmem:s0+$0x20];
	v19 =	vadd.s32 v23, v19;
	v23 =	vor.u32 s2, v0;
	s2 =	sadd.s32 $0xFFFFFFE0, s29  }
0x6f4: {  	s4 =	sadd.s32 $0xFFFFFFD0, s29;
	v26 =	vld [tilespmem:s0+$0xFFFFFFF0];
	[tilespmem:v22+s20+$0x0] =	vst.idx.msk vm5, v15;
	v15 =	vor.u32 s3, v0;
	s3 =	sadd.s32 $0xFFFFFFB0, s29;
	v19 =	vadd.s32 $0xFFFFFFFF, v19;
	v27 =	vor.u32 s2, v0  }
0x6f5: {  	v28 =	vld [tilespmem:s0+$0xFFFFFFE0];
	[tilespmem:v22+s21+$0x0] =	vst.idx.msk vm5, v15;
	v15 =	vor.u32 s3, v0;
	v22 =	vor.u32 s4, v0  }
0x6f6: {  	v31 =	vmpcnt.ones.xlane vm8;
	v29 =	vshra.s32 v24, $0x1F;
	v30 =	vld [tilespmem:s0+$0x0];
	[tilespmem:v18+s20+$0x0] =	vst.idx.msk vm3, v12;
	v12 =	vmpcnt.ones.xlane vm9  }
0x6f7: {  	v29 =	vor.u32 $0x80000000, v29;
	v32 =	vld [tilespmem:s0+$0x10];
	[tilespmem:v18+s21+$0x0] =	vst.idx.msk vm3, v23;
	v18 =	vadd.s32 $0xFFFFFFFF, v21;
	v21 =	vmpcnt.ones.xlane vm0;
	v23, _, _ =	vpop (xrf0)  }
0x6f8: {  	v34 =	vshra.s32 v10, $0x1F;
	v33 =	vshra.s32 v25, $0x1F;
	v23 =	vadd.s32 v23, v20  }
0x6f9: {  	v24 =	vxor.u32 v24, v29;
	v29 =	vld [tilespmem:s0+$0xFFFFFFD0];
	v35 =	vshra.s32 v26, $0x1F;
	v33 =	vor.u32 $0x80000000, v33;
	[tilespmem:v19+s20+$0x0] =	vst.idx.msk vm6, v16  }
0x6fa: {  	vm2 =	vge.u32 v24, v6;
	v16 =	vadd.s32 v20, v21;
	v25 =	vxor.u32 v25, v33  }
0x6fb: {  	v20 =	vmpcnt.ones.xlane vm2;
	vm4 =	vge.u32 v25, v6;
	[tilespmem:v19+s21+$0x0] =	vst.idx.msk vm6, v15;
	v19 =	vadd.s32 v16, v12  }
0x6fc: {  	v12 =	vsel vm2, $0x1, v1;
	v15 =	vor.u32 $0x80000000, v34;
	v21 =	vshra.s32 v32, $0x1F;
	[tilespmem:v18+s20+$0x0] =	vst.idx.msk vm1, v8  }
0x6fd: {  	v8 =	vsel vm4, $0x1, v1;
	[tilespmem:v18+s21+$0x0] =	vst.idx.msk vm1, v22;
	v22 =	vadd.s32 $0xFFFFFFFF, v23;
	v23 =	vadd.s32 v19, v31  }
0x6fe: {  	v10 =	vxor.u32 v10, v15;
	v31 =	vor.u32 $0x80000000, v35;
	v18 =	vshra.s32 v29, $0x1F;
	(xrf0) =	vadd.scan.msk.s32 $0xffff, v12  }
0x6ff: {  	v13 =	vadd.s32 v13, v16;
	vm7 =	vge.u32 v10, v6;
	v12 =	vxor.u32 v26, v31;
	(xrf0) =	vadd.scan.msk.s32 $0xffff, v8  }
0x700: {  	v16 =	vshra.s32 v30, $0x1F;
	v8 =	vor.u32 $0x80000000, v18;
	v18 =	vsel vm7, $0x1, v1  }
0x701: {  	vm3 =	vge.u32 v12, v6;
	v15 =	vxor.u32 v29, v8;
	v8 =	vor.u32 $0x80000000, v16  }
0x702: {  	v29 =	vshra.s32 v28, $0x1F;
	v26 =	vsel vm3, $0x1, v1;
	vm5 =	vge.u32 v15, v6;
	(xrf0) =	vadd.scan.msk.s32 $0xffff, v18  }
0x703: {  	v8 =	vxor.u32 v30, v8;
	v18 =	vsel vm5, $0x1, v1;
	[tilespmem:v22+s20+$0x0] =	vst.idx.msk vm0, v11;
	v11 =	vadd.s32 v14, v19  }
0x704: {  	vm1 =	vge.u32 v8, v6;
	v14 =	vor.u32 $0x80000000, v29;
	v29 =	vadd.s32 $0xFFFFFFFF, v13;
	v16, _, _ =	vpop (xrf0);
	(xrf0) =	vadd.scan.msk.s32 $0xffff, v18  }
0x705: {  	v19 =	vsel vm1, $0x1, v1;
	v16 =	vadd.s32 v16, v23;
	(xrf0) =	vadd.scan.msk.s32 $0xffff, v26;
	v13, _, _ =	vpop (xrf0);
	v26 =	vadd.s32 $0xFFFFFFFF, v11  }
0x706: {  	v11 =	vmpcnt.ones.xlane vm5;
	v18 =	vadd.s32 $0xFFFFFFFF, v16;
	v16 =	vxor.u32 v28, v14;
	(xrf0) =	vadd.scan.msk.s32 $0xffff, v19  }
0x707: {  	v20 =	vadd.s32 v23, v20;
	v23 =	vor.u32 $0x80000000, v21;
	vm6 =	vge.u32 v16, v6;
	[tilespmem:v22+s21+$0x0] =	vst.idx.msk vm0, v27  }
0x708: {  	v19 =	vadd.s32 v20, v11;
	v11 =	vxor.u32 v32, v23;
	v21 =	vsel vm6, $0x1, v1;
	v14, _, _ =	vpop (xrf0)  }
.Ltmp96:
0x709: {  	s2 =	sadd.s32 $0xFFFFFFF0, s29;
	v27 =	vor.u32 s29, v0;
	s29 =	smov.u32 s31;
	v22 =	vmpcnt.ones.xlane vm6;
	(xrf0) =	vadd.scan.msk.s32 $0xffff, v21;
	[tilespmem:v29+s20+$0x0] =	vst.idx.msk vm9, v7;
	v7 =	vmovc v25;
	(pc) =	sbr.rel @p0 .LBB2_163-.Ltmp96, $4  }
0x70a: {  	v30 =	vmpcnt.ones.xlane vm3;
	vm0 =	vge.u32 v11, v6;
	v25 =	vor.u32 s2, v0;
	v23, _, _ =	vpop (xrf0);
	[tilespmem:v26+s20+$0x0] =	vst.idx.msk vm8, v17  }
0x70b: {  	v17 =	vadd.s32 v23, v20;
	v20 =	vadd.s32 v19, v22;
	v23 =	vmpcnt.ones.xlane vm1;
	v28, _, _ =	vpop (xrf0);
	[tilespmem:v29+s21+$0x0] =	vst.idx.msk vm9, v25  }
0x70c: {  	[tilespmem:v18+s20+$0x0] =	vst.idx.msk vm2, v24;
	v22 =	vadd.s32 $0xFFFFFFFF, v17;
	v17 =	vadd.s32 v28, v20;
	v20 =	vadd.s32 v20, v30;
	v21, _, _ =	vpop (xrf0)  }
0x70d: {  	s0 =	sadd.s32 $0x80, s0;
	s31 =	sadd.s32 $0x80, s31;
	v21 =	vadd.s32 v21, v20;
	v20 =	vadd.s32 v20, v23;
	v23 =	vsel vm0, $0x1, v1;
	[tilespmem:v26+s21+$0x0] =	vst.idx.msk vm8, v27  }
0x70e: {  	vm8 =	vmmov vm4;
	v24 =	vmpcnt.ones.xlane vm0  }
0x70f: {  	vm15 =	vmmov vm7;
	v25 =	vmpcnt.ones.xlane vm8  }
0x710: {  	v26 =	vmpcnt.ones.xlane vm15;
	v24 =	vadd.s32 v20, v24  }
0x711: {  	v25 =	vadd.s32 v24, v25  }
0x712: {  	v26 =	vadd.s32 v25, v26  }
0x713: {  	(xrf0) =	vadd.scan.msk.s32 $0xffff, v23;
	v55 =	vxor.u32 $0x80000000, v26  }
0x714: {  	(xrf0) =	vmax.scan.msk.u32 $0xffff, v55;
	_ =	sdelay $0x3  }
0x715: {  	v56, _, _ =	vpop (xrf0)  }
0x716: {  	v57, _, _ =	vpop (xrf0)  }
0x717: {  	v27, _, _ =	vpop (xrf0)  }
0x718: {  	(v2sf) =	vpush v27, $0xF;
	_ =	sdelay $0xb  }
0x719: {  	v17 =	vadd.s32 $0xFFFFFFFF, v17  }
0x71a: {  	v59 =	vadd.s32 $0xFFFFFFFF, v21;
	v19 =	vadd.s32 v56, v19  }
0x71b: {  	[tilespmem:v18+s21+$0x0] =	vst.idx.msk vm2, v9;
	s0 =	sadd.s32 $0xFFFFFFA0, s29;
	v9 =	vadd.s32 $0xFFFFFFFF, v19  }
0x71c: {  	[tilespmem:v22+s20+$0x0] =	vst.idx.msk vm5, v15;
	s3 =	sadd.s32 $0xFFFFFFC0, s29;
	v58 =	vor.u32 s0, v0;
	s2 =	spop (v2sf)  }
0x71d: {  	v60 =	vor.u32 s3, v0;
	[tilespmem:v22+s21+$0x0] =	vst.idx.msk vm5, v58;
	s3 =	sadd.s32 $0x8000000F, s2  }
0x71e: {  	s4 =	sadd.s32 $0xFFFFFFB0, s29;
	s30 =	sadd.s32 $0xFFFFFFD0, s29;
	v13 =	vadd.s32 v13, v24;
	[tilespmem:v17+s20+$0x0] =	vst.idx.msk vm3, v12;
	s31 =	sand.u32 $0xF, s3  }
0x71f: {  	v63 =	vor.u32 s30, v0;
	v13 =	vadd.s32 $0xFFFFFFFF, v13;
	[tilespmem:v59+s20+$0x0] =	vst.idx.msk vm1, v8;
	v61 =	vadd.s32 v57, v20;
	s30 =	sshra.s32 s3, $0x1F;
	p1 =	slt.s32 s3, $0x1;
	p0 =	sne.s32 s31, $0x0  }
0x720: {  	v62 =	vor.u32 s4, v0;
	v12 =	vadd.s32 $0xFFFFFFFF, v61;
	[tilespmem:v9+s20+$0x0] =	vst.idx.msk vm6, v16;
	s0 =	sshrl.u32 s30, $0x1C;
	p0 =	por !p1, !p0  }
0x721: {  	[tilespmem:v9+s21+$0x0] =	vst.idx.msk vm6, v62;
	v9 =	vadd.s32 v14, v25;
	s0 =	sadd.s32 s0, s3;
	s3 =	simm.s32 $0x1;
	p0 =	por !p0, !p0  }
0x722: {  	[tilespmem:v17+s21+$0x0] =	vst.idx.msk vm3, v60;
	v8 =	vadd.s32 $0xFFFFFFFF, v9;
	s0 =	sshra.s32 s0, $0x4;
	s3 =	simm.s32 @!p0 $0x0  }
0x723: {  	[tilespmem:v59+s21+$0x0] =	vst.idx.msk vm1, v63;
	s0 =	ssub.s32 s0, s3  }
0x724: {  	s4 =	sadd.s32 $0xFFFFFFE0, s29;
	[tilespmem:v13+s20+$0x0] =	vst.idx.msk vm8, v7;
	p1 =	slt.s32 s0, $0x1  }
.Ltmp97:
0x725: {  	v9 =	vor.u32 s4, v0;
	[tilespmem:v12+s20+$0x0] =	vst.idx.msk vm0, v11;
	(pc) =	sbr.rel @p1 .LBB2_171-.Ltmp97, $4  }
0x726: {  	[tilespmem:v12+s21+$0x0] =	vst.idx.msk vm0, v9  }
0x727: {  	v9 =	vor.u32 s29, v0;
	[tilespmem:v8+s20+$0x0] =	vst.idx.msk vm15, v10;
	s31 =	sadd.s32 $0xFFFFFFF0, s29  }
0x728: {  	[tilespmem:v8+s21+$0x0] =	vst.idx.msk vm15, v9;
	s2 =	sxor.u32 $0x80000000, s2;
	v7 =	vor.u32 s31, v0  }
0x729: {  	v8 =	vmov s2;
	[tilespmem:v13+s21+$0x0] =	vst.idx.msk vm8, v7;
	p0 =	sne.s32 s0, $0x1  }
.Ltmp98:
0x72a: {  	(pc) =	sbr.rel @!p0 .LBB2_166-.Ltmp98, $3  }
0x72b: {  	_ =	sdelay $0x1  }
0x72c: {  	s2 =	simm.s32 $0x8000  }
0x72d: {  	s29 =	simm.s32 $0x0;
	p2 =	por $0x0, $0x0;
	v7 =	vld [tilespmem:s2+$0x0];
	s2 =	sadd.s32 $0xFFFFFFFF, s0  }
0x72e: {  	_ =	sdelay $0x3  }
0x72f: {  	v7 =	vsub.s32 v7, v6  }
0x730: {  	v9 =	vor.u32 s29, v0;
	v7 =	vmin.u32 v7, $0x200000  }
0x731: {  	vm0 =	vlt.s32 v9, v8;
	v7 =	vshrl.u32 v7, $0xA  }
0x732: {  	v7 =	vmin.u32 v7, $0x7FF  }
0x733: {  	p3 =	sne.s32 s2, $0x1  }
.Ltmp99:
0x734: {  	_ = 	snop;
	(pc) =	sbr.rel @!p3 .LBB2_168-.Ltmp99, $3  }
0x735: {  	_ =	sdelay $0x1  }
0x736: {  	s30 =	simm.s32 $0x8010;
	[tilespmem:v7+s19+$0x0] =	vst.idx.add.s32.msk vm0, v2  }
0x737: {  	s31 =	sadd.s32 $0xFFFFFFFF, s2;
	p2 =	por $0x1, $0x1;
	s2 =	simm.s32 $0x0;
	v7 =	vld [tilespmem:s30+$0x0]  }
.LBB2_169:
0x738: {  	p3 =	sne.s32 s31, $0x1;
	_ =	sdelay $0x3  }
0x739: {  	s2 =	sadd.s32 $0x10, s2;
	v7 =	vsub.s32 v7, v6  }
0x73a: {  	v9 =	vor.u32 s2, v0;
	v7 =	vmin.u32 v7, $0x200000  }
0x73b: {  	vm0 =	vlt.s32 v9, v8;
	v7 =	vshrl.u32 v7, $0xA  }
0x73c: {  	v7 =	vmin.u32 v7, $0x7FF;
	_ =	sdelay $0x1  }
.Ltmp100:
0x73d: {  	(pc) =	sbr.rel @p3 .LBB2_169-.Ltmp100, $3  }
0x73e: {  	_ =	sdelay $0x1  }
0x73f: {  	s30 =	sadd.s32 $0x10, s30;
	[tilespmem:v7+s19+$0x0] =	vst.idx.add.s32.msk vm0, v2  }
0x740: {  	s31 =	sadd.s32 $0xFFFFFFFF, s31;
	v7 =	vld [tilespmem:s30+$0x0]  }
.LBB2_170:
0x741: {  	_ =	sdelay $0x2  }
0x742: {  	s2 =	sadd.s32 @p2 $0x10, s2  }
0x743: {  	s29 =	smov.u32 @p2 s2;
	v7 =	vsub.s32 v7, v6  }
0x744: {  	v9 =	vor.u32 s29, v0;
	v7 =	vmin.u32 v7, $0x200000  }
0x745: {  	vm0 =	vlt.s32 v9, v8;
	v7 =	vshrl.u32 v7, $0xA  }
0x746: {  	v7 =	vmin.u32 v7, $0x7FF;
	_ =	sdelay $0x4  }
0x747: {  	[tilespmem:v7+s19+$0x0] =	vst.idx.add.s32.msk vm0, v2  }
.LBB2_171:
0x748: {  	s29 =	simm.s32 $0x0;
	s2 =	simm.s32 $0xFFBFF811;
	s30 =	simm.s32 $0x187F0  }
.LBB2_172:
0x749: {  	v7 =	vld [tilespmem:s30+$0x0];
	_ =	sdelay $0x4  }
0x74a: {  	v9 =	vperm.xlane v7, v3;
	_ =	sdelay $0x1  }
0x74b: {  	(xrf0) =	vadd.scan.msk.s32 $0xffff, v9;
	_ =	sdelay $0x5  }
0x74c: {  	v9, _, _ =	vpop (xrf0)  }
0x74d: {  	v9 =	vadd.s32 s29, v9  }
0x74e: {  	vm0 =	vgt.s32 v9, $0x3F  }
0x74f: {  	v9 =	vsel vm0, $0x1, v1  }
0x750: {  	(xrf0) =	vadd.scan.msk.s32 $0xffff, v9;
	_ =	sdelay $0x5  }
0x751: {  	v9, _, _ =	vpop (xrf0)  }
0x752: {  	(v2sf) =	vpush v9, $0xF;
	_ =	sdelay $0xe  }
0x753: {  	s31 =	spop (v2sf)  }
0x754: {  	p2 =	slt.s32 s31, $0x1  }
.Ltmp101:
0x755: {  	_ = 	snop;
	(pc) =	sbr.rel @!p2 .LBB2_173-.Ltmp101, $1  }
0x756: {  	_ =	sdelay $0x3  }
0x757: {  	(xrf0) =	vadd.scan.msk.s32 $0xffff, v7;
	_ =	sdelay $0x5  }
0x758: {  	v7, _, _ =	vpop (xrf0)  }
0x759: {  	(v2sf) =	vpush v7, $0xF;
	_ =	sdelay $0x9  }
0x75a: {  	s2 =	sadd.s32 $0x10, s2  }
0x75b: {  	p2 =	sne.s32 s2, $0xFFC00011  }
.Ltmp102:
0x75c: {  	_ = 	snop;
	(pc) =	sbr.rel @p2 .LBB2_172-.Ltmp102, $3  }
0x75d: {  	_ =	sdelay $0x1  }
0x75e: {  	s3 =	spop (v2sf)  }
0x75f: {  	s30 =	sadd.s32 $0xFFFFFFF0, s30;
	s29 =	sadd.s32 s29, s3  }
.Ltmp103:
0x760: {  	(pc) =	sbr.rel .LBB2_176-.Ltmp103, $2  }
0x761: {  	_ =	sdelay $0x2  }
0x762: {  	s2 =	simm.s32 $0x0  }
.LBB2_173:
0x763: {  	s2 =	ssub.s32 s31, s2  }
0x764: {  	s2 =	sshll.u32 s2, $0xA  }
.LBB2_176:
0x765: {  	s29 =	simm.s32 $0x18020  }
0x766: {  	[tilespmem:s29+$0xFFFFFFE0] =	vst v1  }
0x767: {  	[tilespmem:s29+$0x10] =	vst v1  }
0x768: {  	s30 =	simm.s32 $0x0;
	[tilespmem:s29+$0x0] =	vst v1  }
.LBB2_177:
0x769: {  	s30 =	sadd.s32 $0x4, s30  }
0x76a: {  	[tilespmem:s29+$0xFFFFFFF0] =	vst v1;
	s29 =	sadd.s32 $0x40, s29;
	p2 =	slt.u32 s30, $0x7C  }
.Ltmp104:
0x76b: {  	[tilespmem:s29+$0xFFFFFFE0] =	vst v1;
	(pc) =	sbr.rel @p2 .LBB2_177-.Ltmp104, $3  }
0x76c: {  	_ =	sdelay $0x1  }
0x76d: {  	[tilespmem:s29+$0x10] =	vst v1  }
0x76e: {  	[tilespmem:s29+$0x0] =	vst v1  }
.Ltmp105:
0x76f: {  	(pc) =	sbr.rel @p1 .LBB2_179-.Ltmp105, $3  }
0x770: {  	_ =	sdelay $0x1  }
0x771: {  	[tilespmem:s29+$0xFFFFFFF0] =	vst v1  }
0x772: {  	v7 =	vmov s2;
	[tilespmem:$0x18800] =	vst v1  }
0x773: {  	s29 =	simm.s32 $0x8000  }
0x774: {  	v9 =	vld [tilespmem:s29+$0x0];
	_ =	sdelay $0x4  }
0x775: {  	s30 =	simm.s32 $0x0;
	v10 =	vsub.s32 v9, v6  }
0x776: {  	v11 =	vor.u32 s30, v0;
	v10 =	vmin.u32 v10, $0x200000  }
0x777: {  	vm0 =	vlt.s32 v11, v8;
	vm1 =	vge.u32 v10, v7  }
0x778: {  	vm0 =	vmand vm0, vm1  }
0x779: {  	v10 =	vsel vm0, $0x1, v1  }
0x77a: {  	(xrf0) =	vadd.scan.msk.s32 $0xffff, v10;
	_ =	sdelay $0x5  }
0x77b: {  	v11 =	vimm.s32 $0x0;
	v10, _, _ =	vpop (xrf0)  }
0x77c: {  	v10 =	vadd.s32 v10, v11  }
0x77d: {  	v10 =	vadd.s32 $0xFFFFFFFF, v10;
	_ =	sdelay $0x1  }
.Ltmp106:
0x77e: {  	_ = 	snop;
	(pc) =	sbr.rel @!p0 .LBB2_182-.Ltmp106, $4  }
0x77f: {  	_ = 	snop  }
0x780: {  	v12 =	vmpcnt.ones.xlane vm0  }
0x781: {  	s31 =	simm.s32 $0x10000;
	[tilespmem:v10+s20+$0x0] =	vst.idx.msk vm0, v9  }
0x782: {  	s0 =	sadd.s32 $0xFFFFFFFF, s0;
	v9 =	vadd.s32 v11, v12;
	v11 =	vld [tilespmem:s31+$0x0]  }
.LBB2_181:
0x783: {  	_ =	sdelay $0x3  }
0x784: {  	s29 =	sadd.s32 $0x10, s29;
	s31 =	sadd.s32 $0x10, s31;
	s30 =	sadd.s32 $0x10, s30;
	[tilespmem:v10+s21+$0x0] =	vst.idx.msk vm0, v11;
	v10 =	vmov v9  }
0x785: {  	p0 =	sne.s32 s0, $0x1;
	s0 =	sadd.s32 $0xFFFFFFFF, s0;
	v11 =	vld [tilespmem:s29+$0x0];
	_ =	sdelay $0x4  }
0x786: {  	v12 =	vsub.s32 v11, v6  }
0x787: {  	v13 =	vor.u32 s30, v0;
	v12 =	vmin.u32 v12, $0x200000  }
0x788: {  	vm0 =	vlt.s32 v13, v8;
	vm1 =	vge.u32 v12, v7  }
0x789: {  	vm0 =	vmand vm0, vm1  }
0x78a: {  	v12 =	vsel vm0, $0x1, v1;
	v13 =	vmpcnt.ones.xlane vm0  }
0x78b: {  	(xrf0) =	vadd.scan.msk.s32 $0xffff, v12  }
0x78c: {  	v9 =	vadd.s32 v9, v13;
	_ =	sdelay $0x4  }
0x78d: {  	v12, _, _ =	vpop (xrf0)  }
0x78e: {  	v10 =	vadd.s32 v12, v10  }
0x78f: {  	v10 =	vadd.s32 $0xFFFFFFFF, v10;
	_ =	sdelay $0x1  }
.Ltmp107:
0x790: {  	(pc) =	sbr.rel @p0 .LBB2_181-.Ltmp107, $3  }
0x791: {  	_ =	sdelay $0x1  }
0x792: {  	[tilespmem:v10+s20+$0x0] =	vst.idx.msk vm0, v11  }
0x793: {  	v11 =	vld [tilespmem:s31+$0x0]  }
.LBB2_182:
0x794: {  	_ = 	snop  }
.Ltmp108:
0x795: {  	_ = 	snop;
	(pc) =	sbr.rel .LBB2_183-.Ltmp108, $2  }
0x796: {  	_ =	sdelay $0x2  }
0x797: {  	v8 =	vxor.u32 $0x80000000, v9;
	[tilespmem:v10+s21+$0x0] =	vst.idx.msk vm0, v11  }
.LBB2_179:
0x798: {  	v8 =	vimm.s32 $0x80000000  }
.LBB2_183:
0x799: {  	(xrf0) =	vmax.scan.msk.u32 $0xffff, v8;
	_ =	sdelay $0x5  }
0x79a: {  	v8, _, _ =	vpop (xrf0)  }
0x79b: {  	(v2sf) =	vpush v8, $0xF;
	_ =	sdelay $0xe  }
0x79c: {  	s0 =	spop (v2sf)  }
0x79d: {  	s2 =	sadd.s32 $0x8000000F, s0  }
0x79e: {  	s3 =	sand.u32 $0xF, s2  }
0x79f: {  	s31 =	sshra.s32 s2, $0x1F;
	p1 =	slt.s32 s2, $0x1;
	p0 =	sne.s32 s3, $0x0  }
0x7a0: {  	s3 =	sshrl.u32 s31, $0x1C;
	p0 =	por !p1, !p0  }
0x7a1: {  	s2 =	sadd.s32 s3, s2;
	s3 =	simm.s32 $0x1;
	p0 =	por !p0, !p0  }
0x7a2: {  	s2 =	sshra.s32 s2, $0x4;
	s3 =	simm.s32 @!p0 $0x0  }
0x7a3: {  	s29 =	ssub.s32 s2, s3  }
0x7a4: {  	p1 =	slt.s32 s29, $0x1  }
.Ltmp109:
0x7a5: {  	_ = 	snop;
	(pc) =	sbr.rel @p1 .LBB2_190-.Ltmp109, $3  }
0x7a6: {  	_ =	sdelay $0x1  }
0x7a7: {  	s0 =	sxor.u32 $0x80000000, s0  }
0x7a8: {  	v8 =	vmov s0;
	p0 =	sne.s32 s29, $0x1  }
.Ltmp110:
0x7a9: {  	(pc) =	sbr.rel @!p0 .LBB2_185-.Ltmp110, $3  }
0x7aa: {  	_ =	sdelay $0x1  }
0x7ab: {  	s2 =	simm.s32 $0x8000  }
0x7ac: {  	s0 =	simm.s32 $0x0;
	p2 =	por $0x0, $0x0;
	v9 =	vld [tilespmem:s2+$0x0];
	s2 =	sadd.s32 $0xFFFFFFFF, s29  }
0x7ad: {  	_ =	sdelay $0x3  }
0x7ae: {  	v9 =	vsub.s32 v9, v6  }
0x7af: {  	v10 =	vor.u32 s0, v0;
	v9 =	vmin.u32 v9, $0x200000  }
0x7b0: {  	vm0 =	vlt.s32 v10, v8;
	v9 =	vsub.s32 v9, v7  }
0x7b1: {  	v9 =	vmin.u32 v9, $0x400  }
0x7b2: {  	p3 =	sne.s32 s2, $0x1  }
.Ltmp111:
0x7b3: {  	_ = 	snop;
	(pc) =	sbr.rel @!p3 .LBB2_187-.Ltmp111, $3  }
0x7b4: {  	_ =	sdelay $0x1  }
0x7b5: {  	s30 =	simm.s32 $0x8010;
	[tilespmem:v9+s19+$0x0] =	vst.idx.add.s32.msk vm0, v2  }
0x7b6: {  	s31 =	sadd.s32 $0xFFFFFFFF, s2;
	p2 =	por $0x1, $0x1;
	s2 =	simm.s32 $0x0;
	v9 =	vld [tilespmem:s30+$0x0]  }
.LBB2_188:
0x7b7: {  	p3 =	sne.s32 s31, $0x1;
	_ =	sdelay $0x3  }
0x7b8: {  	s2 =	sadd.s32 $0x10, s2;
	v9 =	vsub.s32 v9, v6  }
0x7b9: {  	v10 =	vor.u32 s2, v0;
	v9 =	vmin.u32 v9, $0x200000  }
0x7ba: {  	vm0 =	vlt.s32 v10, v8;
	v9 =	vsub.s32 v9, v7  }
0x7bb: {  	v9 =	vmin.u32 v9, $0x400;
	_ =	sdelay $0x1  }
.Ltmp112:
0x7bc: {  	(pc) =	sbr.rel @p3 .LBB2_188-.Ltmp112, $3  }
0x7bd: {  	_ =	sdelay $0x1  }
0x7be: {  	s30 =	sadd.s32 $0x10, s30;
	[tilespmem:v9+s19+$0x0] =	vst.idx.add.s32.msk vm0, v2  }
0x7bf: {  	s31 =	sadd.s32 $0xFFFFFFFF, s31;
	v9 =	vld [tilespmem:s30+$0x0]  }
.LBB2_189:
0x7c0: {  	_ =	sdelay $0x2  }
0x7c1: {  	s2 =	sadd.s32 @p2 $0x10, s2  }
0x7c2: {  	s0 =	smov.u32 @p2 s2;
	v9 =	vsub.s32 v9, v6  }
0x7c3: {  	v10 =	vor.u32 s0, v0;
	v9 =	vmin.u32 v9, $0x200000  }
0x7c4: {  	vm0 =	vlt.s32 v10, v8;
	v9 =	vsub.s32 v9, v7  }
0x7c5: {  	v9 =	vmin.u32 v9, $0x400;
	_ =	sdelay $0x4  }
0x7c6: {  	[tilespmem:v9+s19+$0x0] =	vst.idx.add.s32.msk vm0, v2  }
.LBB2_190:
0x7c7: {  	s30 =	simm.s32 $0x0;
	s0 =	simm.s32 $0x40F;
	s2 =	simm.s32 $0x18410  }
.LBB2_191:
0x7c8: {  	v10 =	vld [tilespmem:s2+$0x0];
	_ =	sdelay $0x4  }
0x7c9: {  	v9 =	vperm.xlane v10, v3;
	_ =	sdelay $0x1  }
0x7ca: {  	(xrf0) =	vadd.scan.msk.s32 $0xffff, v9;
	_ =	sdelay $0x5  }
0x7cb: {  	v11, _, _ =	vpop (xrf0)  }
0x7cc: {  	v12 =	vadd.s32 s30, v11  }
0x7cd: {  	vm0 =	vgt.s32 v12, $0x3F  }
0x7ce: {  	v12 =	vsel vm0, $0x1, v1  }
0x7cf: {  	(xrf0) =	vadd.scan.msk.s32 $0xffff, v12;
	_ =	sdelay $0x5  }
0x7d0: {  	v12, _, _ =	vpop (xrf0)  }
0x7d1: {  	(v2sf) =	vpush v12, $0xF;
	_ =	sdelay $0xe  }
0x7d2: {  	s31 =	spop (v2sf)  }
0x7d3: {  	p2 =	slt.s32 s31, $0x1  }
.Ltmp113:
0x7d4: {  	_ = 	snop;
	(pc) =	sbr.rel @!p2 .LBB2_192-.Ltmp113, $1  }
0x7d5: {  	_ =	sdelay $0x3  }
0x7d6: {  	(xrf0) =	vadd.scan.msk.s32 $0xffff, v10;
	_ =	sdelay $0x5  }
0x7d7: {  	v9, _, _ =	vpop (xrf0)  }
0x7d8: {  	(v2sf) =	vpush v9, $0xF;
	_ =	sdelay $0x9  }
0x7d9: {  	s0 =	sadd.s32 $0xFFFFFFF0, s0  }
0x7da: {  	p2 =	sne.s32 s0, $0xFFFFFFEF  }
.Ltmp114:
0x7db: {  	_ = 	snop;
	(pc) =	sbr.rel @p2 .LBB2_191-.Ltmp114, $3  }
0x7dc: {  	_ =	sdelay $0x1  }
0x7dd: {  	s3 =	spop (v2sf)  }
0x7de: {  	s2 =	sadd.s32 $0xFFFFFFF0, s2;
	s30 =	sadd.s32 s30, s3  }
.Ltmp115:
0x7df: {  	(pc) =	sbr.rel .LBB2_195-.Ltmp115, $2  }
0x7e0: {  	_ =	sdelay $0x2  }
0x7e1: {  	s2 =	simm.s32 $0x0;
	s31 =	simm.s32 $0x40  }
.LBB2_192:
0x7e2: {  	s2 =	ssub.s32 $0x10, s31  }
0x7e3: {  	v10 =	vmov s2  }
0x7e4: {  	vm0 =	veq.s32 v10, v0  }
0x7e5: {  	v10 =	vnsel vm0, $0x0, v11  }
0x7e6: {  	v9 =	vnsel vm0, $0x0, v9;
	(xrf0) =	vadd.scan.msk.s32 $0xffff, v10  }
0x7e7: {  	(xrf0) =	vadd.scan.msk.s32 $0xffff, v9;
	_ =	sdelay $0x4  }
0x7e8: {  	v9, _, _ =	vpop (xrf0)  }
0x7e9: {  	(v2sf) =	vpush v9, $0xF;
	v9, _, _ =	vpop (xrf0)  }
0x7ea: {  	(v2sf) =	vpush v9, $0xF;
	_ =	sdelay $0xd  }
0x7eb: {  	s4 =	spop (v2sf)  }
0x7ec: {  	s3 =	spop (v2sf);
	s2 =	sadd.s32 s30, s4  }
0x7ed: {  	s3 =	ssub.s32 s3, s2  }
0x7ee: {  	s2 =	sadd.s32 s0, s31;
	s31 =	sadd.s32 $0x40, s3  }
.LBB2_195:
0x7ef: {  	s0 =	simm.s32 $0x18020  }
0x7f0: {  	[tilespmem:s0+$0xFFFFFFE0] =	vst v1  }
0x7f1: {  	[tilespmem:s0+$0x10] =	vst v1  }
0x7f2: {  	s30 =	simm.s32 $0x0;
	[tilespmem:s0+$0x0] =	vst v1  }
.LBB2_196:
0x7f3: {  	s30 =	sadd.s32 $0x4, s30  }
0x7f4: {  	[tilespmem:s0+$0xFFFFFFF0] =	vst v1;
	s0 =	sadd.s32 $0x40, s0;
	p2 =	slt.u32 s30, $0x7C  }
.Ltmp116:
0x7f5: {  	[tilespmem:s0+$0xFFFFFFE0] =	vst v1;
	(pc) =	sbr.rel @p2 .LBB2_196-.Ltmp116, $3  }
0x7f6: {  	_ =	sdelay $0x1  }
0x7f7: {  	[tilespmem:s0+$0x10] =	vst v1  }
0x7f8: {  	[tilespmem:s0+$0x0] =	vst v1  }
.Ltmp117:
0x7f9: {  	(pc) =	sbr.rel @p1 .LBB2_201-.Ltmp117, $3  }
0x7fa: {  	_ =	sdelay $0x1  }
0x7fb: {  	[tilespmem:s0+$0xFFFFFFF0] =	vst v1  }
0x7fc: {  	[tilespmem:$0x18800] =	vst v1  }
0x7fd: {  	s0 =	simm.s32 $0x8000  }
0x7fe: {  	v11 =	vld [tilespmem:s0+$0x0];
	_ =	sdelay $0x4  }
0x7ff: {  	v9 =	vsub.s32 v11, v6  }
0x800: {  	v9 =	vmin.u32 v9, $0x200000  }
0x801: {  	s30 =	simm.s32 $0x0;
	v10 =	vsub.s32 v9, v7  }
0x802: {  	v12 =	vor.u32 s30, v0;
	v9 =	vmov s2;
	v13 =	vmin.u32 v10, $0x400  }
0x803: {  	vm0 =	vlt.s32 v12, v8;
	vm1 =	veq.s32 v13, v9  }
0x804: {  	vm1 =	vmand vm0, vm1  }
0x805: {  	v10 =	vsel vm1, $0x1, v1  }
0x806: {  	(xrf0) =	vadd.scan.msk.s32 $0xffff, v10;
	_ =	sdelay $0x5  }
0x807: {  	v12 =	vimm.s32 $0x0;
	v14, _, _ =	vpop (xrf0)  }
0x808: {  	v10 =	vmov s31;
	v14 =	vadd.s32 v12, v14  }
0x809: {  	vm2 =	vgt.u32 v13, v9;
	vm3 =	vle.s32 v14, v10  }
0x80a: {  	vm0 =	vmand vm0, vm2;
	vm2 =	vmand vm1, vm3  }
0x80b: {  	vm0 =	vmor vm0, vm2  }
0x80c: {  	v13 =	vsel vm0, $0x1, v1  }
0x80d: {  	(xrf0) =	vadd.scan.msk.s32 $0xffff, v13;
	_ =	sdelay $0x5  }
0x80e: {  	v13, _, _ =	vpop (xrf0)  }
0x80f: {  	v13 =	vadd.s32 v13, v12  }
0x810: {  	v13 =	vadd.s32 $0xFFFFFFFF, v13;
	_ =	sdelay $0x1  }
.Ltmp118:
0x811: {  	_ = 	snop;
	(pc) =	sbr.rel @!p0 .LBB2_200-.Ltmp118, $4  }
0x812: {  	_ = 	snop  }
0x813: {  	v14 =	vmpcnt.ones.xlane vm1;
	v15 =	vmpcnt.ones.xlane vm0  }
0x814: {  	s31 =	simm.s32 $0x10000;
	[tilespmem:v13+s22+$0x0] =	vst.idx.msk vm0, v11  }
0x815: {  	s29 =	sadd.s32 $0xFFFFFFFF, s29;
	v11 =	vadd.s32 v12, v14;
	v12 =	vadd.s32 v12, v15;
	v14 =	vld [tilespmem:s31+$0x0]  }
.LBB2_199:
0x816: {  	_ =	sdelay $0x3  }
0x817: {  	s0 =	sadd.s32 $0x10, s0;
	s31 =	sadd.s32 $0x10, s31;
	s30 =	sadd.s32 $0x10, s30;
	[tilespmem:v13+s23+$0x0] =	vst.idx.msk vm0, v14;
	v13 =	vmov v11;
	v14 =	vmov v12  }
0x818: {  	p0 =	sne.s32 s29, $0x1;
	s29 =	sadd.s32 $0xFFFFFFFF, s29;
	v15 =	vld [tilespmem:s0+$0x0];
	_ =	sdelay $0x4  }
0x819: {  	v16 =	vsub.s32 v15, v6  }
0x81a: {  	v16 =	vmin.u32 v16, $0x200000  }
0x81b: {  	v16 =	vsub.s32 v16, v7  }
0x81c: {  	v17 =	vor.u32 s30, v0;
	v16 =	vmin.u32 v16, $0x400  }
0x81d: {  	vm0 =	vlt.s32 v17, v8;
	vm1 =	vgt.u32 v16, v9;
	vm2 =	veq.s32 v16, v9  }
0x81e: {  	vm1 =	vmand vm0, vm1;
	vm0 =	vmand vm0, vm2  }
0x81f: {  	v16 =	vsel vm0, $0x1, v1;
	v17 =	vmpcnt.ones.xlane vm0  }
0x820: {  	(xrf0) =	vadd.scan.msk.s32 $0xffff, v16  }
0x821: {  	v11 =	vadd.s32 v11, v17;
	_ =	sdelay $0x4  }
0x822: {  	v16, _, _ =	vpop (xrf0)  }
0x823: {  	v13 =	vadd.s32 v13, v16  }
0x824: {  	vm2 =	vle.s32 v13, v10  }
0x825: {  	vm0 =	vmand vm0, vm2  }
0x826: {  	vm0 =	vmor vm1, vm0  }
0x827: {  	v13 =	vsel vm0, $0x1, v1;
	v16 =	vmpcnt.ones.xlane vm0  }
0x828: {  	(xrf0) =	vadd.scan.msk.s32 $0xffff, v13  }
0x829: {  	v12 =	vadd.s32 v12, v16;
	_ =	sdelay $0x4  }
0x82a: {  	v13, _, _ =	vpop (xrf0)  }
0x82b: {  	v13 =	vadd.s32 v13, v14  }
0x82c: {  	v13 =	vadd.s32 $0xFFFFFFFF, v13;
	_ =	sdelay $0x1  }
.Ltmp119:
0x82d: {  	(pc) =	sbr.rel @p0 .LBB2_199-.Ltmp119, $3  }
0x82e: {  	_ =	sdelay $0x1  }
0x82f: {  	[tilespmem:v13+s22+$0x0] =	vst.idx.msk vm0, v15  }
0x830: {  	v14 =	vld [tilespmem:s31+$0x0]  }
.LBB2_200:
0x831: {  	_ =	sdelay $0x4  }
0x832: {  	[tilespmem:v13+s23+$0x0] =	vst.idx.msk vm0, v14  }
.LBB2_201:
0x833: {  	_ =	swait.ge [sflag:s26], $0x80  }
0x834: {  	[sflag:s26] =	ssyncset.done $0x0  }
0x835: {  	[sflag:s26] =	ssyncadd.s32 $0xFFFFFF80  }
0x836: {  	_ =	swait.ge [sflag:s26], $0x80  }
0x837: {  	[sflag:s26] =	ssyncset.done $0x0  }
0x838: {  	[sflag:s26] =	ssyncadd.s32 $0xFFFFFF80  }
0x839: {  	v8 =	vld [tilespmem:$0x18880]  }
0x83a: {  	v12 =	vld [tilespmem:$0x18890]  }
0x83b: {  	v13 =	vld [tilespmem:$0x188A0]  }
0x83c: {  	v11 =	vld [tilespmem:$0x188B0];
	_ =	sdelay $0x4  }
0x83d: {  	v6 =	vmax.u32 v8, v12;
	v7 =	vmax.u32 v13, v11  }
0x83e: {  	v6 =	vmax.u32 v6, v7  }
0x83f: {  	(xrf0) =	vmax.scan.msk.u32 $0xffff, v6;
	_ =	sdelay $0x2  }
0x840: {  	v10 =	vld [tilespmem:$0x18930]  }
0x841: {  	v9 =	vld [tilespmem:$0x18920]  }
0x842: {  	v7 =	vld [tilespmem:$0x18910]  }
0x843: {  	v6 =	vld [tilespmem:$0x18900];
	v14, _, _ =	vpop (xrf0)  }
0x844: {  	v14 =	vperm.xlane v14, v4;
	_ =	sdelay $0x1  }
0x845: {  	vm0 =	veq.s32 v12, v14;
	vm1 =	veq.s32 v11, v14  }
0x846: {  	v15 =	vnsel vm0, $0x7FFFFFFF, v7;
	v16 =	vnsel vm1, $0x7FFFFFFF, v10  }
0x847: {  	vm13 =	veq.s32 v13, v14;
	vm14 =	vlt.s32 v6, v15;
	vm2 =	vlt.s32 v9, v16  }
0x848: {  	vm3 =	veq.s32 v8, v14;
	v17 =	vsel vm14, v6, v15;
	v18 =	vsel vm2, v9, v16  }
0x849: {  	v15 =	vsel vm3, v17, v15;
	v16 =	vsel vm13, v18, v16  }
0x84a: {  	vm0 =	vlt.s32 v15, v16  }
0x84b: {  	v15 =	vsel vm0, v15, v16  }
0x84c: {  	v15 =	vsub.s32 $0x80000000, v15  }
0x84d: {  	(xrf0) =	vmax.scan.msk.u32 $0xffff, v15;
	_ =	sdelay $0x5  }
0x84e: {  	s2 =	simm.s32 $0x0;
	v15, _, _ =	vpop (xrf0)  }
0x84f: {  	v17 =	vxor.u32 $0x80000000, v15;
	v15 =	vmov s2  }
0x850: {  	vm15 =	vgt.s32 v14, $0xFFFFFFFF  }
0x851: {  	v16 =	vsel vm15, $0xFFFFFFFF, v5  }
0x852: {  	s29 =	simm.s32 $0x1;
	s0 =	simm.s32 $0x2;
	s30 =	simm.s32 $0x3;
	v14 =	vxor.u32 v14, v16;
	v16 =	vperm.xlane v17, v4  }
.LBB2_202:
0x853: {  	p0 =	sne.s32 s30, $0x3F;
	s31 =	smov.u32 s30;
	s30 =	sadd.s32 $0x1, s30  }
0x854: {  	v16 =	vsub.s32 $0x0, v16;
	[tilespmem:v15+s24+$0x0] =	vst.idx.msk $0x1, v14  }
0x855: {  	vm0 =	veq.s32 v7, v16;
	vm1 =	veq.s32 v9, v16;
	vm2 =	veq.s32 v10, v16  }
0x856: {  	vm3 =	veq.s32 v6, v16;
	[tilespmem:v15+s25+$0x0] =	vst.idx.msk $0x1, v16;
	v12 =	vsel vm0, $0x0, v12;
	v13 =	vsel vm1, $0x0, v13  }
0x857: {  	v8 =	vsel vm3, $0x0, v8;
	v11 =	vsel vm2, $0x0, v11;
	v10 =	vsel vm2, $0x7FFFFFFF, v10  }
0x858: {  	v9 =	vsel vm1, $0x7FFFFFFF, v9;
	v14 =	vmax.u32 v8, v12;
	v15 =	vmax.u32 v13, v11  }
0x859: {  	v6 =	vsel vm3, $0x7FFFFFFF, v6;
	v7 =	vsel vm0, $0x7FFFFFFF, v7;
	v14 =	vmax.u32 v14, v15  }
0x85a: {  	(xrf0) =	vmax.scan.msk.u32 $0xffff, v14;
	_ =	sdelay $0x5  }
0x85b: {  	v14, _, _ =	vpop (xrf0)  }
0x85c: {  	v14 =	vperm.xlane v14, v4;
	_ =	sdelay $0x1  }
0x85d: {  	vm0 =	veq.s32 v12, v14;
	vm1 =	veq.s32 v11, v14;
	vm2 =	vgt.s32 v14, $0xFFFFFFFF  }
0x85e: {  	v15 =	vnsel vm0, $0x7FFFFFFF, v7;
	v16 =	vnsel vm1, $0x7FFFFFFF, v10;
	v17 =	vsel vm2, $0xFFFFFFFF, v5  }
0x85f: {  	vm0 =	veq.s32 v13, v14;
	vm1 =	vlt.s32 v6, v15;
	vm2 =	vlt.s32 v9, v16  }
0x860: {  	vm3 =	veq.s32 v8, v14;
	v18 =	vsel vm1, v6, v15;
	v19 =	vsel vm2, v9, v16  }
0x861: {  	v14 =	vxor.u32 v14, v17;
	v15 =	vsel vm3, v18, v15;
	v16 =	vsel vm0, v19, v16  }
0x862: {  	vm0 =	vlt.s32 v15, v16  }
0x863: {  	v15 =	vsel vm0, v15, v16  }
0x864: {  	v15 =	vsub.s32 $0x80000000, v15  }
0x865: {  	(xrf0) =	vmax.scan.msk.u32 $0xffff, v15;
	_ =	sdelay $0x3  }
.Ltmp120:
0x866: {  	(pc) =	sbr.rel @p0 .LBB2_202-.Ltmp120, $4  }
0x867: {  	v15 =	vmov s29;
	s29 =	smov.u32 s0;
	s0 =	smov.u32 s31  }
0x868: {  	v16, _, _ =	vpop (xrf0)  }
0x869: {  	v16 =	vxor.u32 $0x80000000, v16  }
0x86a: {  	v16 =	vperm.xlane v16, v4  }
0x86b: {  	_ = 	snop  }
0x86c: {  	v16 =	vsub.s32 $0x0, v16  }
0x86d: {  	vm0 =	veq.s32 v7, v16;
	vm1 =	veq.s32 v9, v16  }
0x86e: {  	vm2 =	veq.s32 v10, v16;
	vm3 =	veq.s32 v6, v16;
	v12 =	vsel vm0, $0x0, v12  }
0x86f: {  	v13 =	vsel vm1, $0x0, v13;
	v8 =	vsel vm3, $0x0, v8;
	v11 =	vsel vm2, $0x0, v11  }
0x870: {  	v17 =	vmax.u32 v8, v12;
	v18 =	vmax.u32 v13, v11  }
0x871: {  	v17 =	vmax.u32 v17, v18  }
0x872: {  	(xrf0) =	vmax.scan.msk.u32 $0xffff, v17;
	_ =	sdelay $0x5  }
0x873: {  	v17, _, _ =	vpop (xrf0)  }
0x874: {  	v17 =	vperm.xlane v17, v4  }
0x875: {  	v10 =	vsel vm2, $0x7FFFFFFF, v10;
	v9 =	vsel vm1, $0x7FFFFFFF, v9  }
0x876: {  	v7 =	vsel vm0, $0x7FFFFFFF, v7;
	vm8 =	veq.s32 v12, v17;
	vm9 =	veq.s32 v11, v17  }
0x877: {  	v6 =	vsel vm3, $0x7FFFFFFF, v6;
	v56 =	vnsel vm8, $0x7FFFFFFF, v7;
	v19 =	vnsel vm9, $0x7FFFFFFF, v10  }
0x878: {  	vm10 =	veq.s32 v13, v17;
	vm11 =	vlt.s32 v6, v56;
	vm12 =	vlt.s32 v9, v19  }
0x879: {  	vm13 =	veq.s32 v8, v17;
	v20 =	vsel vm11, v6, v56;
	v21 =	vsel vm12, v9, v19  }
0x87a: {  	v18 =	vsel vm13, v20, v56;
	v19 =	vsel vm10, v21, v19  }
0x87b: {  	vm0 =	vlt.s32 v18, v19  }
0x87c: {  	v18 =	vsel vm0, v18, v19  }
0x87d: {  	v18 =	vsub.s32 $0x80000000, v18  }
0x87e: {  	(xrf0) =	vmax.scan.msk.u32 $0xffff, v18;
	_ =	sdelay $0x5  }
0x87f: {  	v18, _, _ =	vpop (xrf0)  }
0x880: {  	v18 =	vxor.u32 $0x80000000, v18  }
0x881: {  	v18 =	vperm.xlane v18, v4;
	_ =	sdelay $0x1  }
0x882: {  	v18 =	vsub.s32 $0x0, v18  }
0x883: {  	vm14 =	veq.s32 v7, v18;
	vm15 =	veq.s32 v9, v18  }
0x884: {  	vm6 =	veq.s32 v10, v18;
	vm7 =	veq.s32 v6, v18;
	v12 =	vsel vm14, $0x0, v12  }
0x885: {  	v13 =	vsel vm15, $0x0, v13;
	v8 =	vsel vm7, $0x0, v8;
	v11 =	vsel vm6, $0x0, v11  }
0x886: {  	v57 =	vmax.u32 v8, v12;
	v58 =	vmax.u32 v13, v11  }
0x887: {  	v19 =	vmax.u32 v57, v58  }
0x888: {  	(xrf0) =	vmax.scan.msk.u32 $0xffff, v19;
	_ =	sdelay $0x5  }
0x889: {  	v19, _, _ =	vpop (xrf0)  }
0x88a: {  	v19 =	vperm.xlane v19, v4  }
0x88b: {  	v10 =	vsel vm6, $0x7FFFFFFF, v10;
	v9 =	vsel vm15, $0x7FFFFFFF, v9  }
0x88c: {  	v7 =	vsel vm14, $0x7FFFFFFF, v7;
	vm8 =	veq.s32 v12, v19;
	vm9 =	veq.s32 v11, v19  }
0x88d: {  	v6 =	vsel vm7, $0x7FFFFFFF, v6;
	v7 =	vnsel vm8, $0x7FFFFFFF, v7;
	v10 =	vnsel vm9, $0x7FFFFFFF, v10  }
0x88e: {  	vm10 =	veq.s32 v13, v19;
	vm11 =	vlt.s32 v6, v7;
	vm12 =	vlt.s32 v9, v10  }
0x88f: {  	vm13 =	veq.s32 v8, v19;
	v6 =	vsel vm11, v6, v7;
	v59 =	vsel vm12, v9, v10  }
0x890: {  	v6 =	vsel vm13, v6, v7;
	v7 =	vsel vm10, v59, v10  }
0x891: {  	vm0 =	vlt.s32 v6, v7  }
0x892: {  	v6 =	vsel vm0, v6, v7  }
0x893: {  	v6 =	vsub.s32 $0x80000000, v6  }
0x894: {  	(xrf0) =	vmax.scan.msk.u32 $0xffff, v6;
	_ =	sdelay $0x2  }
0x895: {  	v6 =	vmov s29;
	_ =	sdelay $0x1  }
0x896: {  	vm14 =	vgt.s32 v17, $0xFFFFFFFF;
	v7 =	vmov s0  }
0x897: {  	[tilespmem:v15+s24+$0x0] =	vst.idx.msk $0x1, v14;
	v60 =	vsel vm14, $0xFFFFFFFF, v5;
	v61, _, _ =	vpop (xrf0)  }
0x898: {  	[tilespmem:v15+s25+$0x0] =	vst.idx.msk $0x1, v16;
	v8 =	vxor.u32 v17, v60;
	vm15 =	vgt.s32 v19, $0xFFFFFFFF;
	v9 =	vxor.u32 $0x80000000, v61  }
0x899: {  	v62 =	vsel vm15, $0xFFFFFFFF, v5;
	[tilespmem:v6+s24+$0x0] =	vst.idx.msk $0x1, v8;
	v9 =	vperm.xlane v9, v4  }
0x89a: {  	[tilespmem:v6+s25+$0x0] =	vst.idx.msk $0x1, v18;
	v6 =	vxor.u32 v19, v62  }
0x89b: {  	[tilespmem:v7+s24+$0x0] =	vst.idx.msk $0x1, v6;
	v63 =	vsub.s32 $0x0, v9  }
0x89c: {  	[tilespmem:v7+s25+$0x0] =	vst.idx.msk $0x1, v63  }
0x89d: {  	[hbm4b:s13+s1] =	stream.linear.scatter [tilespmem:s24], [sflag:$0x2], $0x80, $0x38;
	[tilespmem:$0x18A80] =	vst v63  }
0x89e: {  	s28 =	sadd.s32 $0x1, s28  }
0x89f: {  	[hbm4b:s14+s1] =	stream.linear.scatter [tilespmem:s25], [sflag:$0x2], $0x80, $0x38;
	[tilespmem:$0x18A80] =	vst v63  }
0x8a0: {  	p0 =	sne.s32 s28, s15;
	_ =	swait.ge [sflag:s26], $0x80  }
.Ltmp121:
0x8a1: {  	[sflag:s26] =	ssyncset.done $0x0;
	(pc) =	sbr.rel @p0 .LBB2_1-.Ltmp121, $4  }
.Ltmp122:
0x8a2: {  	[sflag:s26] =	ssyncadd.s32 $0xFFFFFF80;
	(pc) =	sbr.rel @!p0 .LBB2_204-.Ltmp122, $4  }
0x8a3: {  	_ =	swait.ge [sflag:s26], $0x80  }
0x8a4: {  	[sflag:s26] =	ssyncset.done $0x0  }
0x8a5: {  	[sflag:s26] =	ssyncadd.s32 $0xFFFFFF80  }
0x8a6: {  	_ = 	snop  }
.LBB2_16:
.Ltmp123:
0x8a7: {  	(pc) =	sbr.rel .LBB2_20-.Ltmp123, $2  }
0x8a8: {  	_ =	sdelay $0x2  }
0x8a9: {  	s2 =	simm.s32 $0x0  }
.LBB2_35:
.Ltmp124:
0x8aa: {  	(pc) =	sbr.rel .LBB2_39-.Ltmp124, $2  }
0x8ab: {  	_ =	sdelay $0x2  }
0x8ac: {  	s2 =	simm.s32 $0x0  }
.LBB2_66:
.Ltmp125:
0x8ad: {  	(pc) =	sbr.rel .LBB2_70-.Ltmp125, $2  }
0x8ae: {  	_ =	sdelay $0x2  }
0x8af: {  	s2 =	simm.s32 $0x0  }
.LBB2_85:
.Ltmp126:
0x8b0: {  	(pc) =	sbr.rel .LBB2_89-.Ltmp126, $2  }
0x8b1: {  	_ =	sdelay $0x2  }
0x8b2: {  	s2 =	simm.s32 $0x0  }
.LBB2_116:
.Ltmp127:
0x8b3: {  	(pc) =	sbr.rel .LBB2_120-.Ltmp127, $2  }
0x8b4: {  	_ =	sdelay $0x2  }
0x8b5: {  	s2 =	simm.s32 $0x0  }
.LBB2_135:
.Ltmp128:
0x8b6: {  	(pc) =	sbr.rel .LBB2_139-.Ltmp128, $2  }
0x8b7: {  	_ =	sdelay $0x2  }
0x8b8: {  	s2 =	simm.s32 $0x0  }
.LBB2_166:
.Ltmp129:
0x8b9: {  	(pc) =	sbr.rel .LBB2_170-.Ltmp129, $2  }
0x8ba: {  	_ =	sdelay $0x2  }
0x8bb: {  	s2 =	simm.s32 $0x0  }
.LBB2_185:
.Ltmp130:
0x8bc: {  	(pc) =	sbr.rel .LBB2_189-.Ltmp130, $2  }
0x8bd: {  	_ =	sdelay $0x2  }
0x8be: {  	s2 =	simm.s32 $0x0  }
.LBB2_18:
.Ltmp131:
0x8bf: {  	(pc) =	sbr.rel .LBB2_20-.Ltmp131, $2  }
0x8c0: {  	_ =	sdelay $0x2  }
0x8c1: {  	s2 =	simm.s32 $0x0  }
.LBB2_37:
.Ltmp132:
0x8c2: {  	(pc) =	sbr.rel .LBB2_39-.Ltmp132, $2  }
0x8c3: {  	_ =	sdelay $0x2  }
0x8c4: {  	s2 =	simm.s32 $0x0  }
.LBB2_68:
.Ltmp133:
0x8c5: {  	(pc) =	sbr.rel .LBB2_70-.Ltmp133, $2  }
0x8c6: {  	_ =	sdelay $0x2  }
0x8c7: {  	s2 =	simm.s32 $0x0  }
.LBB2_87:
.Ltmp134:
0x8c8: {  	(pc) =	sbr.rel .LBB2_89-.Ltmp134, $2  }
0x8c9: {  	_ =	sdelay $0x2  }
0x8ca: {  	s2 =	simm.s32 $0x0  }
.LBB2_118:
.Ltmp135:
0x8cb: {  	(pc) =	sbr.rel .LBB2_120-.Ltmp135, $2  }
0x8cc: {  	_ =	sdelay $0x2  }
0x8cd: {  	s2 =	simm.s32 $0x0  }
.LBB2_137:
.Ltmp136:
0x8ce: {  	(pc) =	sbr.rel .LBB2_139-.Ltmp136, $2  }
0x8cf: {  	_ =	sdelay $0x2  }
0x8d0: {  	s2 =	simm.s32 $0x0  }
.LBB2_168:
.Ltmp137:
0x8d1: {  	(pc) =	sbr.rel .LBB2_170-.Ltmp137, $2  }
0x8d2: {  	_ =	sdelay $0x2  }
0x8d3: {  	s2 =	simm.s32 $0x0  }
.LBB2_187:
.Ltmp138:
0x8d4: {  	(pc) =	sbr.rel .LBB2_189-.Ltmp138, $2  }
0x8d5: {  	_ =	sdelay $0x2  }
0x8d6: {  	s2 =	simm.s32 $0x0  }
.LBB2_204:
0x8d7: {  	_ =	sfence.sel $0x180000  }
0x8d8: {  	[bflag:$0x0] =	sbarrier.arrive $0xFFFF  }
0x8d9: {  	_ =	strace $0x90000047  }
0x8da: {  	s0 =	stileid.u32;
	[bflag:$0x2] =	sbarrier.arrive $0xFFFF  }
0x8db: {  	p0 =	sne.s32 s0, $0x0;
	s0 =	rddreg [dreg:$0x2]  }
0x8dc: {  	s0 =	sadd.s32 @!p0 $0x100000, s0  }
0x8dd: {  	[sflag:s0] =	ssyncadd.tile.s32 @!p0 $0x1;
	_ =	shalt  }
.Lfunc_end2:
_tile_overlayer_lowered:
.L_overlay_start_2:
0x8de: {  	(tag) =	ssettag $0x2  }
0x8df: {  	s0 =	rddreg [dreg:$0x0];
	s2 =	stileid.u32  }
0x8e0: {  	s1 =	rddreg [dreg:$0x1];
	p0 =	sne.s32 s2, $0x0  }
0x8e1: {  	s3 =	rddreg [dreg:$0x2];
	[bflag:$0x3] =	sbarrier.arrive $0xFFFF;
	s2 =	simm.s32 @!p0 $0x1C03  }
0x8e2: {  	[timem:s3], [sflag:s2] =	dma.local @!p0 [hbm:s0], s1  }
0x8e3: {  	s0 =	simm.s32 @!p0 $0x3  }
0x8e4: {  	_ =	swait.ge @!p0 [sflag:s0], s1  }
0x8e5: {  	s1 =	ssub.s32 @!p0 $0x0, s1;
	[sflag:s0] =	ssyncset.done @!p0 $0x0  }
0x8e6: {  	[sflag:s0] =	ssyncadd.s32 @!p0 s1  }
0x8e7: {  	[bflag:$0x3] =	sbarrier.arrive $0xFFFF  }
0x8e8: {  	_ =	shalt  }

</sc_bundles>
